<compile_context>
chip_gen: v7x
topology: tpu7x:2x2x1
jax: 0.10.2.dev20260603
libtpu: 0.0.44.dev20260713+nightly
codegen_flags: <defaults>
</compile_context>

<pallas_src>
import jax
import jax.numpy as jnp
from jax import lax
from jax.experimental import pallas as pl
from jax.experimental.pallas import tpu as pltpu
from jax.experimental.pallas import tpu_sc as plsc

N = 10000
E = 320000
D_IN = 128
H = 256

N_PAD = 10240
E_PAD = 327680
IDX_ROWS = E_PAD // 128
STRIPE = N_PAD // 16
BN = 400
GRID = N // BN

import functools


@functools.lru_cache(maxsize=None)
def _mesh():
    return plsc.VectorSubcoreMesh(core_axis_name="c", subcore_axis_name="s")


_CHUNKS = 16


def _make_agg(plane_split):
    n_groups = (IDX_ROWS // 16 if plane_split else IDX_ROWS // 32) // _CHUNKS

    def body(table, srci, dstb, zrow, out,
             acc, src_i, dst_i, rows0, rows1, semG, semS):
        c = lax.axis_index("c")
        s = lax.axis_index("s")
        rows_ = (rows0, rows1)
        if plane_split:
            base = s * (IDX_ROWS // 16)
            src_off = c * IDX_ROWS
        else:
            base = (c * 16 + s) * (IDX_ROWS // 32)
            src_off = 0

        pltpu.sync_copy(zrow, rows0)
        for k in range(STRIPE // 128):
            pltpu.async_copy(rows0, acc.at[pl.ds(s * STRIPE + k * 128, 128)],
                             semS)
        for k in range(STRIPE // 128):
            pltpu.make_async_copy(table.at[pl.ds(0, 128)], rows0, semS).wait()

        def load_idx(gidx):
            r0 = base + gidx * _CHUNKS
            pltpu.sync_copy(srci.at[pl.ds(src_off + r0, _CHUNKS)], src_i)
            pltpu.sync_copy(dstb.at[pl.ds(r0, _CHUNKS)], dst_i)

        load_idx(0)
        pltpu.async_copy(table.at[src_i.at[0]], rows0, semG)
        plsc.subcore_barrier()

        def grp(g, carry):
            for j in range(_CHUNKS):
                b = rows_[j % 2]
                nb = rows_[(j + 1) % 2]
                pltpu.make_async_copy(table.at[pl.ds(0, 128)], b, semG).wait()
                pltpu.async_copy(b, acc.at[dst_i.at[j]], semS, add=True)
                if j >= 1:
                    pltpu.make_async_copy(table.at[pl.ds(0, 128)], nb,
                                          semS).wait()
                if j < _CHUNKS - 1:
                    pltpu.async_copy(table.at[src_i.at[j + 1]], nb, semG)
            pltpu.make_async_copy(table.at[pl.ds(0, 128)],
                                  rows_[(_CHUNKS - 1) % 2], semS).wait()

            @pl.when(g < n_groups - 1)
            def _():
                load_idx(g + 1)
                pltpu.async_copy(table.at[src_i.at[0]], rows_[0], semG)

            return carry

        lax.fori_loop(0, n_groups, grp, 0)
        plsc.subcore_barrier()
        for k in range(STRIPE // 128):
            b = rows_[k % 2]
            if k >= 2:
                pltpu.make_async_copy(table.at[pl.ds(0, 128)], b, semG).wait()
            off = s * STRIPE + k * 128
            pltpu.sync_copy(acc.at[pl.ds(off, 128)], b)
            pltpu.async_copy(b, out.at[pl.ds(c * N_PAD + off, 128)], semG)
        for k in range(2):
            pltpu.make_async_copy(table.at[pl.ds(0, 128)], rows_[k], semG).wait()

    return pl.kernel(
        body,
        out_type=jax.ShapeDtypeStruct((2 * N_PAD, 128), jnp.float32),
        mesh=_mesh(),
        scratch_types=[
            pltpu.VMEM_SHARED((N_PAD, 128), jnp.float32),
            pltpu.VMEM((_CHUNKS, 128), jnp.int32),
            pltpu.VMEM((_CHUNKS, 128), jnp.int32),
            pltpu.VMEM((128, 128), jnp.float32),
            pltpu.VMEM((128, 128), jnp.float32),
            pltpu.SemaphoreType.DMA,
            pltpu.SemaphoreType.DMA,
        ],
    )


@functools.lru_cache(maxsize=None)
def _agg0():
    return _make_agg(False)


def _deg_body(dstb, zrow, ones128, out, dacc, dst_i, buf, sem):
    c = lax.axis_index("c")
    s = lax.axis_index("s")
    w = c * 16 + s
    pltpu.sync_copy(zrow, buf)
    for k in range(STRIPE // 128):
        pltpu.sync_copy(buf, dacc.at[pl.ds(s * STRIPE + k * 128, 128)])
    pltpu.sync_copy(ones128, buf)
    plsc.subcore_barrier()

    rpw = IDX_ROWS // 32

    def step(g, carry):
        pltpu.sync_copy(dstb.at[pl.ds(w * rpw + g * 8, 8)], dst_i)
        for j in range(8):
            pltpu.sync_copy(buf, dacc.at[dst_i.at[j]], add=True)
        return carry

    lax.fori_loop(0, rpw // 8, step, 0)
    plsc.subcore_barrier()
    for k in range(STRIPE // 128):
        off = s * STRIPE + k * 128
        pltpu.sync_copy(dacc.at[pl.ds(off, 128)], buf)
        pltpu.sync_copy(buf, out.at[pl.ds(c * N_PAD + off, 128)])


@functools.lru_cache(maxsize=None)
def _deg():
    return pl.kernel(
    _deg_body,
    out_type=jax.ShapeDtypeStruct((2 * N_PAD, 128), jnp.float32),
    mesh=_mesh(),
    scratch_types=[
        pltpu.VMEM_SHARED((N_PAD, 128), jnp.float32),
        pltpu.VMEM((8, 128), jnp.int32),
        pltpu.VMEM((128, 128), jnp.float32),
        pltpu.SemaphoreType.DMA,
    ],
    )


@functools.lru_cache(maxsize=None)
def _agg12():
    return _make_agg(True)



def _mm0_body(sums_ref, deg2_ref, x_ref, wl_ref, wr_ref, b_ref,
              h_ref, stats_ref, deg_ref):
    j = pl.program_id(0)
    ssum = sums_ref[0] + sums_ref[1]
    d2 = deg2_ref[0] + deg2_ref[1]
    deg_ref[...] = d2[:, :16]
    inv = 1.0 / jnp.maximum(d2[:, 0:1], 1.0)
    mean = ssum * inv
    h = (jnp.dot(mean, wl_ref[...], preferred_element_type=jnp.float32)
         + jnp.dot(x_ref[...], wr_ref[...], preferred_element_type=jnp.float32)
         + b_ref[...])
    h_ref[...] = h

    @pl.when(j == 0)
    def _():
        stats_ref[...] = jnp.zeros_like(stats_ref)

    stats_ref[0:1, :] = stats_ref[0:1, :] + jnp.sum(h, 0, keepdims=True)
    stats_ref[1:2, :] = stats_ref[1:2, :] + jnp.sum(h * h, 0, keepdims=True)


def _mm12_body(sums_ref, deg_ref, xin_ref, wl_ref, wr_ref, b_ref,
               h_ref, stats_ref):
    j = pl.program_id(0)
    ssum = jnp.concatenate([sums_ref[0], sums_ref[1]], axis=1)
    xcat = jnp.concatenate([xin_ref[0], xin_ref[1]], axis=1)
    inv = 1.0 / jnp.maximum(deg_ref[:, 0:1], 1.0)
    mean = ssum * inv
    h = (jnp.dot(mean, wl_ref[...], preferred_element_type=jnp.float32)
         + jnp.dot(xcat, wr_ref[...], preferred_element_type=jnp.float32)
         + b_ref[...])
    h_ref[...] = h

    @pl.when(j == 0)
    def _():
        stats_ref[...] = jnp.zeros_like(stats_ref)

    stats_ref[0:1, :] = stats_ref[0:1, :] + jnp.sum(h, 0, keepdims=True)
    stats_ref[1:2, :] = stats_ref[1:2, :] + jnp.sum(h * h, 0, keepdims=True)


def _bn_planes_body(h_ref, stats_ref, g_ref, b_ref, out_ref):
    st = stats_ref[...]
    mu = st[0:1, :] * (1.0 / N)
    var = st[1:2, :] * (1.0 / N) - mu * mu
    scale = g_ref[...] * lax.rsqrt(var + 1e-5)
    y = (h_ref[...] - mu) * scale + b_ref[...]
    y = jnp.maximum(y, 0.0)
    out_ref[0] = y[:, :128]
    out_ref[1] = y[:, 128:]


def _bn_res_planes_body(h_ref, stats_ref, g_ref, b_ref, xin_ref, out_ref):
    st = stats_ref[...]
    mu = st[0:1, :] * (1.0 / N)
    var = st[1:2, :] * (1.0 / N) - mu * mu
    scale = g_ref[...] * lax.rsqrt(var + 1e-5)
    y = (h_ref[...] - mu) * scale + b_ref[...]
    y = jnp.maximum(y, 0.0)
    out_ref[0] = xin_ref[0] + 0.3 * y[:, :128]
    out_ref[1] = xin_ref[1] + 0.3 * y[:, 128:]


def _bn_final_body(h_ref, stats_ref, g_ref, b_ref, out_ref):
    st = stats_ref[...]
    mu = st[0:1, :] * (1.0 / N)
    var = st[1:2, :] * (1.0 / N) - mu * mu
    scale = g_ref[...] * lax.rsqrt(var + 1e-5)
    y = (h_ref[...] - mu) * scale + b_ref[...]
    out_ref[...] = jnp.maximum(y, 0.0)


def _spec(shape, imap):
    return pl.BlockSpec(shape, imap)


def _mm0_call(sums, deg2, x, wl, wr, b):
    return pl.pallas_call(
        _mm0_body,
        grid=(GRID,),
        in_specs=[
            _spec((2, BN, 128), lambda j: (0, j, 0)),
            _spec((2, BN, 128), lambda j: (0, j, 0)),
            _spec((BN, D_IN), lambda j: (j, 0)),
            _spec((D_IN, H), lambda j: (0, 0)),
            _spec((D_IN, H), lambda j: (0, 0)),
            _spec((1, H), lambda j: (0, 0)),
        ],
        out_specs=[
            _spec((BN, H), lambda j: (j, 0)),
            _spec((8, H), lambda j: (0, 0)),
            _spec((BN, 16), lambda j: (j, 0)),
        ],
        out_shape=[
            jax.ShapeDtypeStruct((N, H), jnp.float32),
            jax.ShapeDtypeStruct((8, H), jnp.float32),
            jax.ShapeDtypeStruct((N_PAD, 16), jnp.float32),
        ],
    )(sums, deg2, x, wl, wr, b)


def _mm12_call(sums, deg, xin, wl, wr, b):
    return pl.pallas_call(
        _mm12_body,
        grid=(GRID,),
        in_specs=[
            _spec((2, BN, 128), lambda j: (0, j, 0)),
            _spec((BN, 16), lambda j: (j, 0)),
            _spec((2, BN, 128), lambda j: (0, j, 0)),
            _spec((H, H), lambda j: (0, 0)),
            _spec((H, H), lambda j: (0, 0)),
            _spec((1, H), lambda j: (0, 0)),
        ],
        out_specs=[
            _spec((BN, H), lambda j: (j, 0)),
            _spec((8, H), lambda j: (0, 0)),
        ],
        out_shape=[
            jax.ShapeDtypeStruct((N, H), jnp.float32),
            jax.ShapeDtypeStruct((8, H), jnp.float32),
        ],
    )(sums, deg, xin, wl, wr, b)


def _bn_planes_call(h, stats, g, b, xin=None):
    if xin is None:
        return pl.pallas_call(
            _bn_planes_body,
            grid=(GRID,),
            in_specs=[
                _spec((BN, H), lambda j: (j, 0)),
                _spec((8, H), lambda j: (0, 0)),
                _spec((1, H), lambda j: (0, 0)),
                _spec((1, H), lambda j: (0, 0)),
            ],
            out_specs=_spec((2, BN, 128), lambda j: (0, j, 0)),
            out_shape=jax.ShapeDtypeStruct((2, N_PAD, 128), jnp.float32),
        )(h, stats, g, b)
    return pl.pallas_call(
        _bn_res_planes_body,
        grid=(GRID,),
        in_specs=[
            _spec((BN, H), lambda j: (j, 0)),
            _spec((8, H), lambda j: (0, 0)),
            _spec((1, H), lambda j: (0, 0)),
            _spec((1, H), lambda j: (0, 0)),
            _spec((2, BN, 128), lambda j: (0, j, 0)),
        ],
        out_specs=_spec((2, BN, 128), lambda j: (0, j, 0)),
        out_shape=jax.ShapeDtypeStruct((2, N_PAD, 128), jnp.float32),
    )(h, stats, g, b, xin)


def _bn_final_call(h, stats, g, b):
    return pl.pallas_call(
        _bn_final_body,
        grid=(GRID,),
        in_specs=[
            _spec((BN, H), lambda j: (j, 0)),
            _spec((8, H), lambda j: (0, 0)),
            _spec((1, H), lambda j: (0, 0)),
            _spec((1, H), lambda j: (0, 0)),
        ],
        out_specs=_spec((BN, H), lambda j: (j, 0)),
        out_shape=jax.ShapeDtypeStruct((N, H), jnp.float32),
    )(h, stats, g, b)


def kernel(x, edge_index, W_l0, b_l0, W_r0, b_r0, gamma0, beta0,
           W_l1, b_l1, W_r1, b_r1, gamma1, beta1,
           W_l2, b_l2, W_r2, b_r2, gamma2, beta2):
    src = edge_index[0]
    dst = edge_index[1]
    pad = E_PAD - E
    srcb = jnp.concatenate([src, jnp.zeros((pad,), jnp.int32)]).reshape(IDX_ROWS, 128)
    dstb = jnp.concatenate([dst, jnp.full((pad,), N, jnp.int32)]).reshape(IDX_ROWS, 128)
    src2 = jnp.concatenate([srcb, srcb + N_PAD], axis=0)

    zrow128 = jnp.zeros((128, 128), jnp.float32)
    ones128 = jnp.ones((128, 128), jnp.float32)

    b0 = (b_l0 + b_r0).reshape(1, H)
    b1 = (b_l1 + b_r1).reshape(1, H)
    b2 = (b_l2 + b_r2).reshape(1, H)
    g0 = gamma0.reshape(1, H)
    g1 = gamma1.reshape(1, H)
    g2 = gamma2.reshape(1, H)
    t0 = beta0.reshape(1, H)
    t1 = beta1.reshape(1, H)
    t2 = beta2.reshape(1, H)

    sums0 = _agg0()(x, srcb, dstb, zrow128)
    deg2 = _deg()(dstb, zrow128, ones128)
    h0, st0, deg16 = _mm0_call(sums0.reshape(2, N_PAD, 128),
                               deg2.reshape(2, N_PAD, 128), x, W_l0, W_r0, b0)
    planes0 = _bn_planes_call(h0, st0, g0, t0)

    sums1 = _agg12()(planes0.reshape(2 * N_PAD, 128), src2, dstb, zrow128)
    h1, st1 = _mm12_call(sums1.reshape(2, N_PAD, 128), deg16, planes0,
                         W_l1, W_r1, b1)
    planes1 = _bn_planes_call(h1, st1, g1, t1, xin=planes0)

    sums2 = _agg12()(planes1.reshape(2 * N_PAD, 128), src2, dstb, zrow128)
    h2, st2 = _mm12_call(sums2.reshape(2, N_PAD, 128), deg16, planes1,
                         W_l2, W_r2, b2)
    return _bn_final_call(h2, st2, g2, t2)

# --- scband reference (transcript-rebuilt; emitter-appended) ---
"""Pipeline reference for scband-gnnbackbone-84301618086283 (READ-ONLY COPY).

The authoritative reference and input builder live on the scoring server;
editing this copy changes nothing except your own understanding.
"""

import jax, jax.numpy as jnp
import numpy as np

N = 10000
E = 320000
D_IN = 128
H = 256
LAYERS = 3


def setup_inputs(seed: int = 0) -> dict:
    key = jax.random.key(seed)
    ks = jax.random.split(key, 32)
    inp = {}
    inp["x"] = jax.random.normal(ks[0], (N, D_IN), dtype=jnp.float32)
    inp["edge_index"] = jax.random.randint(ks[1], (2, E), 0, N, dtype=jnp.int32)
    k = 2
    for i in range(LAYERS):
        in_dim = D_IN if i == 0 else H
        s = 1.0 / np.sqrt(in_dim)
        inp[f"W_l{i}"] = jax.random.uniform(ks[k], (in_dim, H), jnp.float32, -s, s); k += 1
        inp[f"b_l{i}"] = jax.random.uniform(ks[k], (H,), jnp.float32, -s, s); k += 1
        inp[f"W_r{i}"] = jax.random.uniform(ks[k], (in_dim, H), jnp.float32, -s, s); k += 1
        inp[f"b_r{i}"] = jax.random.uniform(ks[k], (H,), jnp.float32, -s, s); k += 1
        inp[f"gamma{i}"] = jnp.ones((H,), jnp.float32)
        inp[f"beta{i}"] = jnp.zeros((H,), jnp.float32)
    return inp


def _sage(x, edge_index, Wl, bl, Wr, br):
    # PyG SAGEConv with aggr='mean': lin_l(mean_aggr(x_src -> dst)) + lin_r(x)
    src = edge_index[0]
    dst = edge_index[1]
    msgs = jnp.take(x, src, axis=0)
    summed = jax.ops.segment_sum(msgs, dst, num_segments=x.shape[0])
    deg = jax.ops.segment_sum(jnp.ones((edge_index.shape[1],), x.dtype), dst, num_segments=x.shape[0])
    mean = summed / jnp.clip(deg, 1.0)[:, None]
    return mean @ Wl + bl + x @ Wr + br


def _bn(h, gamma, beta):
    # BatchNorm1d in training mode: normalize with biased batch statistics
    mu = jnp.mean(h, axis=0)
    var = jnp.var(h, axis=0)
    return (h - mu) / jnp.sqrt(var + 1e-5) * gamma + beta


def reference(x, edge_index, W_l0, b_l0, W_r0, b_r0, gamma0, beta0, W_l1, b_l1, W_r1, b_r1, gamma1, beta1, W_l2, b_l2, W_r2, b_r2, gamma2, beta2):
    params = [
        (W_l0, b_l0, W_r0, b_r0, gamma0, beta0),
        (W_l1, b_l1, W_r1, b_r1, gamma1, beta1),
        (W_l2, b_l2, W_r2, b_r2, gamma2, beta2),
    ]
    for i, (Wl, bl, Wr, br, g, bt) in enumerate(params):
        h = _sage(x, edge_index, Wl, bl, Wr, br)
        h = jax.nn.relu(_bn(h, g, bt))
        # dropout p=0.0 -> identity
        if 0 < i < LAYERS - 1 and h.shape == x.shape:
            x = x + 0.3 * h
        else:
            x = h
    return x

if __name__ == "__main__":
    import jax
    _d = setup_inputs()
    print(jax.jit(kernel)(*tuple(_d.values())))

</pallas_src>

<mosaic_0001>
#map = affine_map<(d0, d1) -> (0, 0)>
module attributes {stable_mosaic.version = 14 : i64} {
  func.func @body(%arg0: i32, %arg1: i32, %arg2: memref<10000x128xf32, #tpu.memory_space<hbm>>, %arg3: memref<2560x128xi32, #tpu.memory_space<hbm>>, %arg4: memref<2560x128xi32, #tpu.memory_space<hbm>>, %arg5: memref<128x128xf32, #tpu.memory_space<hbm>>, %arg6: memref<20480x128xf32, #tpu.memory_space<hbm>>, %arg7: memref<10240x128xf32, #tpu.memory_space<vmem_shared>>, %arg8: memref<16x128xi32, #tpu.memory_space<vmem>>, %arg9: memref<16x128xi32, #tpu.memory_space<vmem>>, %arg10: memref<128x128xf32, #tpu.memory_space<vmem>>, %arg11: memref<128x128xf32, #tpu.memory_space<vmem>>, %arg12: memref<!tpu.dma_semaphore, #tpu.memory_space<semaphore_mem>>, %arg13: memref<!tpu.dma_semaphore, #tpu.memory_space<semaphore_mem>>) attributes {dimension_semantics = [#tpu.dimension_semantics<core_parallel>, #tpu.dimension_semantics<subcore_parallel>], iteration_bounds = array<i64: 2, 16>, scalar_prefetch = 0 : i64, scratch_operands = 7 : i64, tpu.core_type = #tpu.core_type<sc_vector_subcore>, window_params = [{transform_indices = #map}, {transform_indices = #map}, {transform_indices = #map}, {transform_indices = #map}, {transform_indices = #map}]} {
    %mul3A = arith.constant 16 : i32
    %mul3A_0 = arith.muli %arg0, %mul3A : i32
    %add3A = arith.addi %mul3A_0, %arg1 : i32
    %mul3A_1 = arith.constant 80 : i32
    %mul3A_2 = arith.muli %add3A, %mul3A_1 : i32
    "tpu.region"() ({
      %run_scoped3A = tpu.sem_alloc : memref<!tpu.dma_semaphore, #tpu.memory_space<semaphore_mem>>
      tpu.enqueue_dma source(%arg5 : memref<128x128xf32, #tpu.memory_space<hbm>>) target(%arg10 : memref<128x128xf32, #tpu.memory_space<vmem>>) target_semaphore(%run_scoped3A : memref<!tpu.dma_semaphore, #tpu.memory_space<semaphore_mem>>)
      tpu.wait_dma2 semaphore(%run_scoped3A : memref<!tpu.dma_semaphore, #tpu.memory_space<semaphore_mem>>) src(%arg5 : memref<128x128xf32, #tpu.memory_space<hbm>>) dst(%arg10 : memref<128x128xf32, #tpu.memory_space<vmem>>)
      tpu.yield
    }) : () -> ()
    %mul3A_3 = arith.constant 640 : i32
    %mul3A_4 = arith.muli %arg1, %mul3A_3 : i32
    %add3A_5 = arith.constant 0 : i32
    %add3A_6 = arith.addi %mul3A_4, %add3A_5 : i32
    %dma_start3A = arith.constant 0 : i32
    %dma_start3A_7 = tpu.memref_slice %arg7[%add3A_6, %dma_start3A] : memref<10240x128xf32, #tpu.memory_space<vmem_shared>> -> memref<128x128xf32, #tpu.memory_space<vmem_shared>>
    %dma_start3A_8 = arith.constant 0 : i32
    %dma_start3A_9 = tpu.memref_slice %arg7[%add3A_6, %dma_start3A_8] : memref<10240x128xf32, #tpu.memory_space<vmem_shared>> -> memref<128x128xf32, #tpu.memory_space<vmem_shared>>
    tpu.enqueue_dma source(%arg10 : memref<128x128xf32, #tpu.memory_space<vmem>>) target(%dma_start3A_9 : memref<128x128xf32, #tpu.memory_space<vmem_shared>>) target_semaphore(%arg13 : memref<!tpu.dma_semaphore, #tpu.memory_space<semaphore_mem>>)
    %mul3A_10 = arith.constant 640 : i32
    %mul3A_11 = arith.muli %arg1, %mul3A_10 : i32
    %add3A_12 = arith.constant 128 : i32
    %add3A_13 = arith.addi %mul3A_11, %add3A_12 : i32
    %dma_start3A_14 = arith.constant 0 : i32
    %dma_start3A_15 = tpu.memref_slice %arg7[%add3A_13, %dma_start3A_14] : memref<10240x128xf32, #tpu.memory_space<vmem_shared>> -> memref<128x128xf32, #tpu.memory_space<vmem_shared>>
    %dma_start3A_16 = arith.constant 0 : i32
    %dma_start3A_17 = tpu.memref_slice %arg7[%add3A_13, %dma_start3A_16] : memref<10240x128xf32, #tpu.memory_space<vmem_shared>> -> memref<128x128xf32, #tpu.memory_space<vmem_shared>>
    tpu.enqueue_dma source(%arg10 : memref<128x128xf32, #tpu.memory_space<vmem>>) target(%dma_start3A_17 : memref<128x128xf32, #tpu.memory_space<vmem_shared>>) target_semaphore(%arg13 : memref<!tpu.dma_semaphore, #tpu.memory_space<semaphore_mem>>)
    %mul3A_18 = arith.constant 640 : i32
    %mul3A_19 = arith.muli %arg1, %mul3A_18 : i32
    %add3A_20 = arith.constant 256 : i32
    %add3A_21 = arith.addi %mul3A_19, %add3A_20 : i32
    %dma_start3A_22 = arith.constant 0 : i32
    %dma_start3A_23 = tpu.memref_slice %arg7[%add3A_21, %dma_start3A_22] : memref<10240x128xf32, #tpu.memory_space<vmem_shared>> -> memref<128x128xf32, #tpu.memory_space<vmem_shared>>
    %dma_start3A_24 = arith.constant 0 : i32
    %dma_start3A_25 = tpu.memref_slice %arg7[%add3A_21, %dma_start3A_24] : memref<10240x128xf32, #tpu.memory_space<vmem_shared>> -> memref<128x128xf32, #tpu.memory_space<vmem_shared>>
    tpu.enqueue_dma source(%arg10 : memref<128x128xf32, #tpu.memory_space<vmem>>) target(%dma_start3A_25 : memref<128x128xf32, #tpu.memory_space<vmem_shared>>) target_semaphore(%arg13 : memref<!tpu.dma_semaphore, #tpu.memory_space<semaphore_mem>>)
    %mul3A_26 = arith.constant 640 : i32
    %mul3A_27 = arith.muli %arg1, %mul3A_26 : i32
    %add3A_28 = arith.constant 384 : i32
    %add3A_29 = arith.addi %mul3A_27, %add3A_28 : i32
    %dma_start3A_30 = arith.constant 0 : i32
    %dma_start3A_31 = tpu.memref_slice %arg7[%add3A_29, %dma_start3A_30] : memref<10240x128xf32, #tpu.memory_space<vmem_shared>> -> memref<128x128xf32, #tpu.memory_space<vmem_shared>>
    %dma_start3A_32 = arith.constant 0 : i32
    %dma_start3A_33 = tpu.memref_slice %arg7[%add3A_29, %dma_start3A_32] : memref<10240x128xf32, #tpu.memory_space<vmem_shared>> -> memref<128x128xf32, #tpu.memory_space<vmem_shared>>
    tpu.enqueue_dma source(%arg10 : memref<128x128xf32, #tpu.memory_space<vmem>>) target(%dma_start3A_33 : memref<128x128xf32, #tpu.memory_space<vmem_shared>>) target_semaphore(%arg13 : memref<!tpu.dma_semaphore, #tpu.memory_space<semaphore_mem>>)
    %mul3A_34 = arith.constant 640 : i32
    %mul3A_35 = arith.muli %arg1, %mul3A_34 : i32
    %add3A_36 = arith.constant 512 : i32
    %add3A_37 = arith.addi %mul3A_35, %add3A_36 : i32
    %dma_start3A_38 = arith.constant 0 : i32
    %dma_start3A_39 = tpu.memref_slice %arg7[%add3A_37, %dma_start3A_38] : memref<10240x128xf32, #tpu.memory_space<vmem_shared>> -> memref<128x128xf32, #tpu.memory_space<vmem_shared>>
    %dma_start3A_40 = arith.constant 0 : i32
    %dma_start3A_41 = tpu.memref_slice %arg7[%add3A_37, %dma_start3A_40] : memref<10240x128xf32, #tpu.memory_space<vmem_shared>> -> memref<128x128xf32, #tpu.memory_space<vmem_shared>>
    tpu.enqueue_dma source(%arg10 : memref<128x128xf32, #tpu.memory_space<vmem>>) target(%dma_start3A_41 : memref<128x128xf32, #tpu.memory_space<vmem_shared>>) target_semaphore(%arg13 : memref<!tpu.dma_semaphore, #tpu.memory_space<semaphore_mem>>)
    %dma_wait3A = arith.constant 0 : i32
    %dma_wait3A_42 = arith.constant 0 : i32
    %dma_wait3A_43 = tpu.memref_slice %arg2[%dma_wait3A, %dma_wait3A_42] : memref<10000x128xf32, #tpu.memory_space<hbm>> -> memref<128x128xf32, #tpu.memory_space<hbm>>
    %dma_wait3A_44 = arith.constant 0 : i32
    %dma_wait3A_45 = arith.constant 0 : i32
    %dma_wait3A_46 = tpu.memref_slice %arg2[%dma_wait3A_44, %dma_wait3A_45] : memref<10000x128xf32, #tpu.memory_space<hbm>> -> memref<128x128xf32, #tpu.memory_space<hbm>>
    tpu.wait_dma2 semaphore(%arg13 : memref<!tpu.dma_semaphore, #tpu.memory_space<semaphore_mem>>) src(%dma_wait3A_46 : memref<128x128xf32, #tpu.memory_space<hbm>>) dst(%arg10 : memref<128x128xf32, #tpu.memory_space<vmem>>)
    %dma_wait3A_47 = arith.constant 0 : i32
    %dma_wait3A_48 = arith.constant 0 : i32
    %dma_wait3A_49 = tpu.memref_slice %arg2[%dma_wait3A_47, %dma_wait3A_48] : memref<10000x128xf32, #tpu.memory_space<hbm>> -> memref<128x128xf32, #tpu.memory_space<hbm>>
    %dma_wait3A_50 = arith.constant 0 : i32
    %dma_wait3A_51 = arith.constant 0 : i32
    %dma_wait3A_52 = tpu.memref_slice %arg2[%dma_wait3A_50, %dma_wait3A_51] : memref<10000x128xf32, #tpu.memory_space<hbm>> -> memref<128x128xf32, #tpu.memory_space<hbm>>
    tpu.wait_dma2 semaphore(%arg13 : memref<!tpu.dma_semaphore, #tpu.memory_space<semaphore_mem>>) src(%dma_wait3A_52 : memref<128x128xf32, #tpu.memory_space<hbm>>) dst(%arg10 : memref<128x128xf32, #tpu.memory_space<vmem>>)
    %dma_wait3A_53 = arith.constant 0 : i32
    %dma_wait3A_54 = arith.constant 0 : i32
    %dma_wait3A_55 = tpu.memref_slice %arg2[%dma_wait3A_53, %dma_wait3A_54] : memref<10000x128xf32, #tpu.memory_space<hbm>> -> memref<128x128xf32, #tpu.memory_space<hbm>>
    %dma_wait3A_56 = arith.constant 0 : i32
    %dma_wait3A_57 = arith.constant 0 : i32
    %dma_wait3A_58 = tpu.memref_slice %arg2[%dma_wait3A_56, %dma_wait3A_57] : memref<10000x128xf32, #tpu.memory_space<hbm>> -> memref<128x128xf32, #tpu.memory_space<hbm>>
    tpu.wait_dma2 semaphore(%arg13 : memref<!tpu.dma_semaphore, #tpu.memory_space<semaphore_mem>>) src(%dma_wait3A_58 : memref<128x128xf32, #tpu.memory_space<hbm>>) dst(%arg10 : memref<128x128xf32, #tpu.memory_space<vmem>>)
    %dma_wait3A_59 = arith.constant 0 : i32
    %dma_wait3A_60 = arith.constant 0 : i32
    %dma_wait3A_61 = tpu.memref_slice %arg2[%dma_wait3A_59, %dma_wait3A_60] : memref<10000x128xf32, #tpu.memory_space<hbm>> -> memref<128x128xf32, #tpu.memory_space<hbm>>
    %dma_wait3A_62 = arith.constant 0 : i32
    %dma_wait3A_63 = arith.constant 0 : i32
    %dma_wait3A_64 = tpu.memref_slice %arg2[%dma_wait3A_62, %dma_wait3A_63] : memref<10000x128xf32, #tpu.memory_space<hbm>> -> memref<128x128xf32, #tpu.memory_space<hbm>>
    tpu.wait_dma2 semaphore(%arg13 : memref<!tpu.dma_semaphore, #tpu.memory_space<semaphore_mem>>) src(%dma_wait3A_64 : memref<128x128xf32, #tpu.memory_space<hbm>>) dst(%arg10 : memref<128x128xf32, #tpu.memory_space<vmem>>)
    %dma_wait3A_65 = arith.constant 0 : i32
    %dma_wait3A_66 = arith.constant 0 : i32
    %dma_wait3A_67 = tpu.memref_slice %arg2[%dma_wait3A_65, %dma_wait3A_66] : memref<10000x128xf32, #tpu.memory_space<hbm>> -> memref<128x128xf32, #tpu.memory_space<hbm>>
    %dma_wait3A_68 = arith.constant 0 : i32
    %dma_wait3A_69 = arith.constant 0 : i32
    %dma_wait3A_70 = tpu.memref_slice %arg2[%dma_wait3A_68, %dma_wait3A_69] : memref<10000x128xf32, #tpu.memory_space<hbm>> -> memref<128x128xf32, #tpu.memory_space<hbm>>
    tpu.wait_dma2 semaphore(%arg13 : memref<!tpu.dma_semaphore, #tpu.memory_space<semaphore_mem>>) src(%dma_wait3A_70 : memref<128x128xf32, #tpu.memory_space<hbm>>) dst(%arg10 : memref<128x128xf32, #tpu.memory_space<vmem>>)
    %add3A_71 = arith.constant 0 : i32
    %add3A_72 = arith.addi %mul3A_2, %add3A_71 : i32
    %add3A_73 = arith.constant 0 : i32
    %add3A_74 = arith.addi %add3A_73, %add3A_72 : i32
    "tpu.region"() ({
      %run_scoped3A = tpu.sem_alloc : memref<!tpu.dma_semaphore, #tpu.memory_space<semaphore_mem>>
      %dma_start3A_173 = arith.constant 0 : i32
      %dma_start3A_174 = tpu.memref_slice %arg3[%add3A_74, %dma_start3A_173] : memref<2560x128xi32, #tpu.memory_space<hbm>> -> memref<16x128xi32, #tpu.memory_space<hbm>>
      %dma_start3A_175 = arith.constant 0 : i32
      %dma_start3A_176 = tpu.memref_slice %arg3[%add3A_74, %dma_start3A_175] : memref<2560x128xi32, #tpu.memory_space<hbm>> -> memref<16x128xi32, #tpu.memory_space<hbm>>
      tpu.enqueue_dma source(%dma_start3A_176 : memref<16x128xi32, #tpu.memory_space<hbm>>) target(%arg8 : memref<16x128xi32, #tpu.memory_space<vmem>>) target_semaphore(%run_scoped3A : memref<!tpu.dma_semaphore, #tpu.memory_space<semaphore_mem>>)
      %dma_wait3A_177 = arith.constant 0 : i32
      %dma_wait3A_178 = tpu.memref_slice %arg3[%add3A_74, %dma_wait3A_177] : memref<2560x128xi32, #tpu.memory_space<hbm>> -> memref<16x128xi32, #tpu.memory_space<hbm>>
      %dma_wait3A_179 = arith.constant 0 : i32
      %dma_wait3A_180 = tpu.memref_slice %arg3[%add3A_74, %dma_wait3A_179] : memref<2560x128xi32, #tpu.memory_space<hbm>> -> memref<16x128xi32, #tpu.memory_space<hbm>>
      tpu.wait_dma2 semaphore(%run_scoped3A : memref<!tpu.dma_semaphore, #tpu.memory_space<semaphore_mem>>) src(%dma_wait3A_180 : memref<16x128xi32, #tpu.memory_space<hbm>>) dst(%arg8 : memref<16x128xi32, #tpu.memory_space<vmem>>)
      tpu.yield
    }) : () -> ()
    "tpu.region"() ({
      %run_scoped3A = tpu.sem_alloc : memref<!tpu.dma_semaphore, #tpu.memory_space<semaphore_mem>>
      %dma_start3A_173 = arith.constant 0 : i32
      %dma_start3A_174 = tpu.memref_slice %arg4[%add3A_72, %dma_start3A_173] : memref<2560x128xi32, #tpu.memory_space<hbm>> -> memref<16x128xi32, #tpu.memory_space<hbm>>
      %dma_start3A_175 = arith.constant 0 : i32
      %dma_start3A_176 = tpu.memref_slice %arg4[%add3A_72, %dma_start3A_175] : memref<2560x128xi32, #tpu.memory_space<hbm>> -> memref<16x128xi32, #tpu.memory_space<hbm>>
      tpu.enqueue_dma source(%dma_start3A_176 : memref<16x128xi32, #tpu.memory_space<hbm>>) target(%arg9 : memref<16x128xi32, #tpu.memory_space<vmem>>) target_semaphore(%run_scoped3A : memref<!tpu.dma_semaphore, #tpu.memory_space<semaphore_mem>>)
      %dma_wait3A_177 = arith.constant 0 : i32
      %dma_wait3A_178 = tpu.memref_slice %arg4[%add3A_72, %dma_wait3A_177] : memref<2560x128xi32, #tpu.memory_space<hbm>> -> memref<16x128xi32, #tpu.memory_space<hbm>>
      %dma_wait3A_179 = arith.constant 0 : i32
      %dma_wait3A_180 = tpu.memref_slice %arg4[%add3A_72, %dma_wait3A_179] : memref<2560x128xi32, #tpu.memory_space<hbm>> -> memref<16x128xi32, #tpu.memory_space<hbm>>
      tpu.wait_dma2 semaphore(%run_scoped3A : memref<!tpu.dma_semaphore, #tpu.memory_space<semaphore_mem>>) src(%dma_wait3A_180 : memref<16x128xi32, #tpu.memory_space<hbm>>) dst(%arg9 : memref<16x128xi32, #tpu.memory_space<vmem>>)
      tpu.yield
    }) : () -> ()
    %dma_start3A_75 = arith.constant 0 : i32
    %dma_start3A_76 = arith.constant 0 : i32
    %dma_start3A_77 = tpu.memref_slice %arg8[%dma_start3A_75, %dma_start3A_76] : memref<16x128xi32, #tpu.memory_space<vmem>> -> memref<1x128xi32, #tpu.memory_space<vmem>>
    %dma_start3A_78 = tpu.memref_squeeze %dma_start3A_77 : memref<1x128xi32, #tpu.memory_space<vmem>> -> memref<128xi32, #tpu.memory_space<vmem>>
    %dma_start3A_79 = arith.constant 0 : i32
    %dma_start3A_80 = arith.constant 0 : i32
    %dma_start3A_81 = tpu.memref_slice %arg2[%dma_start3A_79, %dma_start3A_80] : memref<10000x128xf32, #tpu.memory_space<hbm>> -> memref<10000x128xf32, #tpu.memory_space<hbm>>
    tpu.enqueue_indirect_dma source(%dma_start3A_81 : memref<10000x128xf32, #tpu.memory_space<hbm>>) target(%arg10 : memref<128x128xf32, #tpu.memory_space<vmem>>) offsets(%dma_start3A_78 : memref<128xi32, #tpu.memory_space<vmem>>) semaphore(%arg12 : memref<!tpu.dma_semaphore, #tpu.memory_space<semaphore_mem>>)
    %barrier3A = arith.constant 0 : index
    tpu.barrier barrier_id(%barrier3A)
    %scan3A = arith.constant 0 : i32
    %scan3A_82 = arith.constant 0 : i32
    %scan3A_83 = arith.constant 5 : i32
    %scan3A_84 = arith.addi %scan3A_82, %scan3A_83 : i32
    %scan3A_85 = arith.constant 1 : i32
    scf.for %scan3A_173 = %scan3A_82 to %scan3A_84 step %scan3A_85  : i32 {
      %dma_wait3A_174 = arith.constant 0 : i32
      %dma_wait3A_175 = arith.constant 0 : i32
      %dma_wait3A_176 = tpu.memref_slice %arg2[%dma_wait3A_174, %dma_wait3A_175] : memref<10000x128xf32, #tpu.memory_space<hbm>> -> memref<128x128xf32, #tpu.memory_space<hbm>>
      %dma_wait3A_177 = arith.constant 0 : i32
      %dma_wait3A_178 = arith.constant 0 : i32
      %dma_wait3A_179 = tpu.memref_slice %arg2[%dma_wait3A_177, %dma_wait3A_178] : memref<10000x128xf32, #tpu.memory_space<hbm>> -> memref<128x128xf32, #tpu.memory_space<hbm>>
      tpu.wait_dma2 semaphore(%arg12 : memref<!tpu.dma_semaphore, #tpu.memory_space<semaphore_mem>>) src(%dma_wait3A_179 : memref<128x128xf32, #tpu.memory_space<hbm>>) dst(%arg10 : memref<128x128xf32, #tpu.memory_space<vmem>>)
      %dma_start3A_180 = arith.constant 0 : i32
      %dma_start3A_181 = arith.constant 0 : i32
      %dma_start3A_182 = tpu.memref_slice %arg9[%dma_start3A_180, %dma_start3A_181] : memref<16x128xi32, #tpu.memory_space<vmem>> -> memref<1x128xi32, #tpu.memory_space<vmem>>
      %dma_start3A_183 = tpu.memref_squeeze %dma_start3A_182 : memref<1x128xi32, #tpu.memory_space<vmem>> -> memref<128xi32, #tpu.memory_space<vmem>>
      %dma_start3A_184 = arith.constant 0 : i32
      %dma_start3A_185 = arith.constant 0 : i32
      %dma_start3A_186 = tpu.memref_slice %arg7[%dma_start3A_184, %dma_start3A_185] : memref<10240x128xf32, #tpu.memory_space<vmem_shared>> -> memref<10240x128xf32, #tpu.memory_space<vmem_shared>>
      tpu.enqueue_indirect_dma source(%arg10 : memref<128x128xf32, #tpu.memory_space<vmem>>) target(%dma_start3A_186 : memref<10240x128xf32, #tpu.memory_space<vmem_shared>>) offsets(%dma_start3A_183 : memref<128xi32, #tpu.memory_space<vmem>>) semaphore(%arg13 : memref<!tpu.dma_semaphore, #tpu.memory_space<semaphore_mem>>) {add = true}
      %dma_start3A_187 = arith.constant 1 : i32
      %dma_start3A_188 = arith.constant 0 : i32
      %dma_start3A_189 = tpu.memref_slice %arg8[%dma_start3A_187, %dma_start3A_188] : memref<16x128xi32, #tpu.memory_space<vmem>> -> memref<1x128xi32, #tpu.memory_space<vmem>>
      %dma_start3A_190 = tpu.memref_squeeze %dma_start3A_189 : memref<1x128xi32, #tpu.memory_space<vmem>> -> memref<128xi32, #tpu.memory_space<vmem>>
      %dma_start3A_191 = arith.constant 0 : i32
      %dma_start3A_192 = arith.constant 0 : i32
      %dma_start3A_193 = tpu.memref_slice %arg2[%dma_start3A_191, %dma_start3A_192] : memref<10000x128xf32, #tpu.memory_space<hbm>> -> memref<10000x128xf32, #tpu.memory_space<hbm>>
      tpu.enqueue_indirect_dma source(%dma_start3A_193 : memref<10000x128xf32, #tpu.memory_space<hbm>>) target(%arg11 : memref<128x128xf32, #tpu.memory_space<vmem>>) offsets(%dma_start3A_190 : memref<128xi32, #tpu.memory_space<vmem>>) semaphore(%arg12 : memref<!tpu.dma_semaphore, #tpu.memory_space<semaphore_mem>>)
      %dma_wait3A_194 = arith.constant 0 : i32
      %dma_wait3A_195 = arith.constant 0 : i32
      %dma_wait3A_196 = tpu.memref_slice %arg2[%dma_wait3A_194, %dma_wait3A_195] : memref<10000x128xf32, #tpu.memory_space<hbm>> -> memref<128x128xf32, #tpu.memory_space<hbm>>
      %dma_wait3A_197 = arith.constant 0 : i32
      %dma_wait3A_198 = arith.constant 0 : i32
      %dma_wait3A_199 = tpu.memref_slice %arg2[%dma_wait3A_197, %dma_wait3A_198] : memref<10000x128xf32, #tpu.memory_space<hbm>> -> memref<128x128xf32, #tpu.memory_space<hbm>>
      tpu.wait_dma2 semaphore(%arg12 : memref<!tpu.dma_semaphore, #tpu.memory_space<semaphore_mem>>) src(%dma_wait3A_199 : memref<128x128xf32, #tpu.memory_space<hbm>>) dst(%arg11 : memref<128x128xf32, #tpu.memory_space<vmem>>)
      %dma_start3A_200 = arith.constant 1 : i32
      %dma_start3A_201 = arith.constant 0 : i32
      %dma_start3A_202 = tpu.memref_slice %arg9[%dma_start3A_200, %dma_start3A_201] : memref<16x128xi32, #tpu.memory_space<vmem>> -> memref<1x128xi32, #tpu.memory_space<vmem>>
      %dma_start3A_203 = tpu.memref_squeeze %dma_start3A_202 : memref<1x128xi32, #tpu.memory_space<vmem>> -> memref<128xi32, #tpu.memory_space<vmem>>
      %dma_start3A_204 = arith.constant 0 : i32
      %dma_start3A_205 = arith.constant 0 : i32
      %dma_start3A_206 = tpu.memref_slice %arg7[%dma_start3A_204, %dma_start3A_205] : memref<10240x128xf32, #tpu.memory_space<vmem_shared>> -> memref<10240x128xf32, #tpu.memory_space<vmem_shared>>
      tpu.enqueue_indirect_dma source(%arg11 : memref<128x128xf32, #tpu.memory_space<vmem>>) target(%dma_start3A_206 : memref<10240x128xf32, #tpu.memory_space<vmem_shared>>) offsets(%dma_start3A_203 : memref<128xi32, #tpu.memory_space<vmem>>) semaphore(%arg13 : memref<!tpu.dma_semaphore, #tpu.memory_space<semaphore_mem>>) {add = true}
      %dma_wait3A_207 = arith.constant 0 : i32
      %dma_wait3A_208 = arith.constant 0 : i32
      %dma_wait3A_209 = tpu.memref_slice %arg2[%dma_wait3A_207, %dma_wait3A_208] : memref<10000x128xf32, #tpu.memory_space<hbm>> -> memref<128x128xf32, #tpu.memory_space<hbm>>
      %dma_wait3A_210 = arith.constant 0 : i32
      %dma_wait3A_211 = arith.constant 0 : i32
      %dma_wait3A_212 = tpu.memref_slice %arg2[%dma_wait3A_210, %dma_wait3A_211] : memref<10000x128xf32, #tpu.memory_space<hbm>> -> memref<128x128xf32, #tpu.memory_space<hbm>>
      tpu.wait_dma2 semaphore(%arg13 : memref<!tpu.dma_semaphore, #tpu.memory_space<semaphore_mem>>) src(%dma_wait3A_212 : memref<128x128xf32, #tpu.memory_space<hbm>>) dst(%arg10 : memref<128x128xf32, #tpu.memory_space<vmem>>)
      %dma_start3A_213 = arith.constant 2 : i32
      %dma_start3A_214 = arith.constant 0 : i32
      %dma_start3A_215 = tpu.memref_slice %arg8[%dma_start3A_213, %dma_start3A_214] : memref<16x128xi32, #tpu.memory_space<vmem>> -> memref<1x128xi32, #tpu.memory_space<vmem>>
      %dma_start3A_216 = tpu.memref_squeeze %dma_start3A_215 : memref<1x128xi32, #tpu.memory_space<vmem>> -> memref<128xi32, #tpu.memory_space<vmem>>
      %dma_start3A_217 = arith.constant 0 : i32
      %dma_start3A_218 = arith.constant 0 : i32
      %dma_start3A_219 = tpu.memref_slice %arg2[%dma_start3A_217, %dma_start3A_218] : memref<10000x128xf32, #tpu.memory_space<hbm>> -> memref<10000x128xf32, #tpu.memory_space<hbm>>
      tpu.enqueue_indirect_dma source(%dma_start3A_219 : memref<10000x128xf32, #tpu.memory_space<hbm>>) target(%arg10 : memref<128x128xf32, #tpu.memory_space<vmem>>) offsets(%dma_start3A_216 : memref<128xi32, #tpu.memory_space<vmem>>) semaphore(%arg12 : memref<!tpu.dma_semaphore, #tpu.memory_space<semaphore_mem>>)
      %dma_wait3A_220 = arith.constant 0 : i32
      %dma_wait3A_221 = arith.constant 0 : i32
      %dma_wait3A_222 = tpu.memref_slice %arg2[%dma_wait3A_220, %dma_wait3A_221] : memref<10000x128xf32, #tpu.memory_space<hbm>> -> memref<128x128xf32, #tpu.memory_space<hbm>>
      %dma_wait3A_223 = arith.constant 0 : i32
      %dma_wait3A_224 = arith.constant 0 : i32
      %dma_wait3A_225 = tpu.memref_slice %arg2[%dma_wait3A_223, %dma_wait3A_224] : memref<10000x128xf32, #tpu.memory_space<hbm>> -> memref<128x128xf32, #tpu.memory_space<hbm>>
      tpu.wait_dma2 semaphore(%arg12 : memref<!tpu.dma_semaphore, #tpu.memory_space<semaphore_mem>>) src(%dma_wait3A_225 : memref<128x128xf32, #tpu.memory_space<hbm>>) dst(%arg10 : memref<128x128xf32, #tpu.memory_space<vmem>>)
      %dma_start3A_226 = arith.constant 2 : i32
      %dma_start3A_227 = arith.constant 0 : i32
      %dma_start3A_228 = tpu.memref_slice %arg9[%dma_start3A_226, %dma_start3A_227] : memref<16x128xi32, #tpu.memory_space<vmem>> -> memref<1x128xi32, #tpu.memory_space<vmem>>
      %dma_start3A_229 = tpu.memref_squeeze %dma_start3A_228 : memref<1x128xi32, #tpu.memory_space<vmem>> -> memref<128xi32, #tpu.memory_space<vmem>>
      %dma_start3A_230 = arith.constant 0 : i32
      %dma_start3A_231 = arith.constant 0 : i32
      %dma_start3A_232 = tpu.memref_slice %arg7[%dma_start3A_230, %dma_start3A_231] : memref<10240x128xf32, #tpu.memory_space<vmem_shared>> -> memref<10240x128xf32, #tpu.memory_space<vmem_shared>>
      tpu.enqueue_indirect_dma source(%arg10 : memref<128x128xf32, #tpu.memory_space<vmem>>) target(%dma_start3A_232 : memref<10240x128xf32, #tpu.memory_space<vmem_shared>>) offsets(%dma_start3A_229 : memref<128xi32, #tpu.memory_space<vmem>>) semaphore(%arg13 : memref<!tpu.dma_semaphore, #tpu.memory_space<semaphore_mem>>) {add = true}
      %dma_wait3A_233 = arith.constant 0 : i32
      %dma_wait3A_234 = arith.constant 0 : i32
      %dma_wait3A_235 = tpu.memref_slice %arg2[%dma_wait3A_233, %dma_wait3A_234] : memref<10000x128xf32, #tpu.memory_space<hbm>> -> memref<128x128xf32, #tpu.memory_space<hbm>>
      %dma_wait3A_236 = arith.constant 0 : i32
      %dma_wait3A_237 = arith.constant 0 : i32
      %dma_wait3A_238 = tpu.memref_slice %arg2[%dma_wait3A_236, %dma_wait3A_237] : memref<10000x128xf32, #tpu.memory_space<hbm>> -> memref<128x128xf32, #tpu.memory_space<hbm>>
      tpu.wait_dma2 semaphore(%arg13 : memref<!tpu.dma_semaphore, #tpu.memory_space<semaphore_mem>>) src(%dma_wait3A_238 : memref<128x128xf32, #tpu.memory_space<hbm>>) dst(%arg11 : memref<128x128xf32, #tpu.memory_space<vmem>>)
      %dma_start3A_239 = arith.constant 3 : i32
      %dma_start3A_240 = arith.constant 0 : i32
      %dma_start3A_241 = tpu.memref_slice %arg8[%dma_start3A_239, %dma_start3A_240] : memref<16x128xi32, #tpu.memory_space<vmem>> -> memref<1x128xi32, #tpu.memory_space<vmem>>
      %dma_start3A_242 = tpu.memref_squeeze %dma_start3A_241 : memref<1x128xi32, #tpu.memory_space<vmem>> -> memref<128xi32, #tpu.memory_space<vmem>>
      %dma_start3A_243 = arith.constant 0 : i32
      %dma_start3A_244 = arith.constant 0 : i32
      %dma_start3A_245 = tpu.memref_slice %arg2[%dma_start3A_243, %dma_start3A_244] : memref<10000x128xf32, #tpu.memory_space<hbm>> -> memref<10000x128xf32, #tpu.memory_space<hbm>>
      tpu.enqueue_indirect_dma source(%dma_start3A_245 : memref<10000x128xf32, #tpu.memory_space<hbm>>) target(%arg11 : memref<128x128xf32, #tpu.memory_space<vmem>>) offsets(%dma_start3A_242 : memref<128xi32, #tpu.memory_space<vmem>>) semaphore(%arg12 : memref<!tpu.dma_semaphore, #tpu.memory_space<semaphore_mem>>)
      %dma_wait3A_246 = arith.constant 0 : i32
      %dma_wait3A_247 = arith.constant 0 : i32
      %dma_wait3A_248 = tpu.memref_slice %arg2[%dma_wait3A_246, %dma_wait3A_247] : memref<10000x128xf32, #tpu.memory_space<hbm>> -> memref<128x128xf32, #tpu.memory_space<hbm>>
      %dma_wait3A_249 = arith.constant 0 : i32
      %dma_wait3A_250 = arith.constant 0 : i32
      %dma_wait3A_251 = tpu.memref_slice %arg2[%dma_wait3A_249, %dma_wait3A_250] : memref<10000x128xf32, #tpu.memory_space<hbm>> -> memref<128x128xf32, #tpu.memory_space<hbm>>
      tpu.wait_dma2 semaphore(%arg12 : memref<!tpu.dma_semaphore, #tpu.memory_space<semaphore_mem>>) src(%dma_wait3A_251 : memref<128x128xf32, #tpu.memory_space<hbm>>) dst(%arg11 : memref<128x128xf32, #tpu.memory_space<vmem>>)
      %dma_start3A_252 = arith.constant 3 : i32
      %dma_start3A_253 = arith.constant 0 : i32
      %dma_start3A_254 = tpu.memref_slice %arg9[%dma_start3A_252, %dma_start3A_253] : memref<16x128xi32, #tpu.memory_space<vmem>> -> memref<1x128xi32, #tpu.memory_space<vmem>>
      %dma_start3A_255 = tpu.memref_squeeze %dma_start3A_254 : memref<1x128xi32, #tpu.memory_space<vmem>> -> memref<128xi32, #tpu.memory_space<vmem>>
      %dma_start3A_256 = arith.constant 0 : i32
      %dma_start3A_257 = arith.constant 0 : i32
      %dma_start3A_258 = tpu.memref_slice %arg7[%dma_start3A_256, %dma_start3A_257] : memref<10240x128xf32, #tpu.memory_space<vmem_shared>> -> memref<10240x128xf32, #tpu.memory_space<vmem_shared>>
      tpu.enqueue_indirect_dma source(%arg11 : memref<128x128xf32, #tpu.memory_space<vmem>>) target(%dma_start3A_258 : memref<10240x128xf32, #tpu.memory_space<vmem_shared>>) offsets(%dma_start3A_255 : memref<128xi32, #tpu.memory_space<vmem>>) semaphore(%arg13 : memref<!tpu.dma_semaphore, #tpu.memory_space<semaphore_mem>>) {add = true}
      %dma_wait3A_259 = arith.constant 0 : i32
      %dma_wait3A_260 = arith.constant 0 : i32
      %dma_wait3A_261 = tpu.memref_slice %arg2[%dma_wait3A_259, %dma_wait3A_260] : memref<10000x128xf32, #tpu.memory_space<hbm>> -> memref<128x128xf32, #tpu.memory_space<hbm>>
      %dma_wait3A_262 = arith.constant 0 : i32
      %dma_wait3A_263 = arith.constant 0 : i32
      %dma_wait3A_264 = tpu.memref_slice %arg2[%dma_wait3A_262, %dma_wait3A_263] : memref<10000x128xf32, #tpu.memory_space<hbm>> -> memref<128x128xf32, #tpu.memory_space<hbm>>
      tpu.wait_dma2 semaphore(%arg13 : memref<!tpu.dma_semaphore, #tpu.memory_space<semaphore_mem>>) src(%dma_wait3A_264 : memref<128x128xf32, #tpu.memory_space<hbm>>) dst(%arg10 : memref<128x128xf32, #tpu.memory_space<vmem>>)
      %dma_start3A_265 = arith.constant 4 : i32
      %dma_start3A_266 = arith.constant 0 : i32
      %dma_start3A_267 = tpu.memref_slice %arg8[%dma_start3A_265, %dma_start3A_266] : memref<16x128xi32, #tpu.memory_space<vmem>> -> memref<1x128xi32, #tpu.memory_space<vmem>>
      %dma_start3A_268 = tpu.memref_squeeze %dma_start3A_267 : memref<1x128xi32, #tpu.memory_space<vmem>> -> memref<128xi32, #tpu.memory_space<vmem>>
      %dma_start3A_269 = arith.constant 0 : i32
      %dma_start3A_270 = arith.constant 0 : i32
      %dma_start3A_271 = tpu.memref_slice %arg2[%dma_start3A_269, %dma_start3A_270] : memref<10000x128xf32, #tpu.memory_space<hbm>> -> memref<10000x128xf32, #tpu.memory_space<hbm>>
      tpu.enqueue_indirect_dma source(%dma_start3A_271 : memref<10000x128xf32, #tpu.memory_space<hbm>>) target(%arg10 : memref<128x128xf32, #tpu.memory_space<vmem>>) offsets(%dma_start3A_268 : memref<128xi32, #tpu.memory_space<vmem>>) semaphore(%arg12 : memref<!tpu.dma_semaphore, #tpu.memory_space<semaphore_mem>>)
      %dma_wait3A_272 = arith.constant 0 : i32
      %dma_wait3A_273 = arith.constant 0 : i32
      %dma_wait3A_274 = tpu.memref_slice %arg2[%dma_wait3A_272, %dma_wait3A_273] : memref<10000x128xf32, #tpu.memory_space<hbm>> -> memref<128x128xf32, #tpu.memory_space<hbm>>
      %dma_wait3A_275 = arith.constant 0 : i32
      %dma_wait3A_276 = arith.constant 0 : i32
      %dma_wait3A_277 = tpu.memref_slice %arg2[%dma_wait3A_275, %dma_wait3A_276] : memref<10000x128xf32, #tpu.memory_space<hbm>> -> memref<128x128xf32, #tpu.memory_space<hbm>>
      tpu.wait_dma2 semaphore(%arg12 : memref<!tpu.dma_semaphore, #tpu.memory_space<semaphore_mem>>) src(%dma_wait3A_277 : memref<128x128xf32, #tpu.memory_space<hbm>>) dst(%arg10 : memref<128x128xf32, #tpu.memory_space<vmem>>)
      %dma_start3A_278 = arith.constant 4 : i32
      %dma_start3A_279 = arith.constant 0 : i32
      %dma_start3A_280 = tpu.memref_slice %arg9[%dma_start3A_278, %dma_start3A_279] : memref<16x128xi32, #tpu.memory_space<vmem>> -> memref<1x128xi32, #tpu.memory_space<vmem>>
      %dma_start3A_281 = tpu.memref_squeeze %dma_start3A_280 : memref<1x128xi32, #tpu.memory_space<vmem>> -> memref<128xi32, #tpu.memory_space<vmem>>
      %dma_start3A_282 = arith.constant 0 : i32
      %dma_start3A_283 = arith.constant 0 : i32
      %dma_start3A_284 = tpu.memref_slice %arg7[%dma_start3A_282, %dma_start3A_283] : memref<10240x128xf32, #tpu.memory_space<vmem_shared>> -> memref<10240x128xf32, #tpu.memory_space<vmem_shared>>
      tpu.enqueue_indirect_dma source(%arg10 : memref<128x128xf32, #tpu.memory_space<vmem>>) target(%dma_start3A_284 : memref<10240x128xf32, #tpu.memory_space<vmem_shared>>) offsets(%dma_start3A_281 : memref<128xi32, #tpu.memory_space<vmem>>) semaphore(%arg13 : memref<!tpu.dma_semaphore, #tpu.memory_space<semaphore_mem>>) {add = true}
      %dma_wait3A_285 = arith.constant 0 : i32
      %dma_wait3A_286 = arith.constant 0 : i32
      %dma_wait3A_287 = tpu.memref_slice %arg2[%dma_wait3A_285, %dma_wait3A_286] : memref<10000x128xf32, #tpu.memory_space<hbm>> -> memref<128x128xf32, #tpu.memory_space<hbm>>
      %dma_wait3A_288 = arith.constant 0 : i32
      %dma_wait3A_289 = arith.constant 0 : i32
      %dma_wait3A_290 = tpu.memref_slice %arg2[%dma_wait3A_288, %dma_wait3A_289] : memref<10000x128xf32, #tpu.memory_space<hbm>> -> memref<128x128xf32, #tpu.memory_space<hbm>>
      tpu.wait_dma2 semaphore(%arg13 : memref<!tpu.dma_semaphore, #tpu.memory_space<semaphore_mem>>) src(%dma_wait3A_290 : memref<128x128xf32, #tpu.memory_space<hbm>>) dst(%arg11 : memref<128x128xf32, #tpu.memory_space<vmem>>)
      %dma_start3A_291 = arith.constant 5 : i32
      %dma_start3A_292 = arith.constant 0 : i32
      %dma_start3A_293 = tpu.memref_slice %arg8[%dma_start3A_291, %dma_start3A_292] : memref<16x128xi32, #tpu.memory_space<vmem>> -> memref<1x128xi32, #tpu.memory_space<vmem>>
      %dma_start3A_294 = tpu.memref_squeeze %dma_start3A_293 : memref<1x128xi32, #tpu.memory_space<vmem>> -> memref<128xi32, #tpu.memory_space<vmem>>
      %dma_start3A_295 = arith.constant 0 : i32
      %dma_start3A_296 = arith.constant 0 : i32
      %dma_start3A_297 = tpu.memref_slice %arg2[%dma_start3A_295, %dma_start3A_296] : memref<10000x128xf32, #tpu.memory_space<hbm>> -> memref<10000x128xf32, #tpu.memory_space<hbm>>
      tpu.enqueue_indirect_dma source(%dma_start3A_297 : memref<10000x128xf32, #tpu.memory_space<hbm>>) target(%arg11 : memref<128x128xf32, #tpu.memory_space<vmem>>) offsets(%dma_start3A_294 : memref<128xi32, #tpu.memory_space<vmem>>) semaphore(%arg12 : memref<!tpu.dma_semaphore, #tpu.memory_space<semaphore_mem>>)
      %dma_wait3A_298 = arith.constant 0 : i32
      %dma_wait3A_299 = arith.constant 0 : i32
      %dma_wait3A_300 = tpu.memref_slice %arg2[%dma_wait3A_298, %dma_wait3A_299] : memref<10000x128xf32, #tpu.memory_space<hbm>> -> memref<128x128xf32, #tpu.memory_space<hbm>>
      %dma_wait3A_301 = arith.constant 0 : i32
      %dma_wait3A_302 = arith.constant 0 : i32
      %dma_wait3A_303 = tpu.memref_slice %arg2[%dma_wait3A_301, %dma_wait3A_302] : memref<10000x128xf32, #tpu.memory_space<hbm>> -> memref<128x128xf32, #tpu.memory_space<hbm>>
      tpu.wait_dma2 semaphore(%arg12 : memref<!tpu.dma_semaphore, #tpu.memory_space<semaphore_mem>>) src(%dma_wait3A_303 : memref<128x128xf32, #tpu.memory_space<hbm>>) dst(%arg11 : memref<128x128xf32, #tpu.memory_space<vmem>>)
      %dma_start3A_304 = arith.constant 5 : i32
      %dma_start3A_305 = arith.constant 0 : i32
      %dma_start3A_306 = tpu.memref_slice %arg9[%dma_start3A_304, %dma_start3A_305] : memref<16x128xi32, #tpu.memory_space<vmem>> -> memref<1x128xi32, #tpu.memory_space<vmem>>
      %dma_start3A_307 = tpu.memref_squeeze %dma_start3A_306 : memref<1x128xi32, #tpu.memory_space<vmem>> -> memref<128xi32, #tpu.memory_space<vmem>>
      %dma_start3A_308 = arith.constant 0 : i32
      %dma_start3A_309 = arith.constant 0 : i32
      %dma_start3A_310 = tpu.memref_slice %arg7[%dma_start3A_308, %dma_start3A_309] : memref<10240x128xf32, #tpu.memory_space<vmem_shared>> -> memref<10240x128xf32, #tpu.memory_space<vmem_shared>>
      tpu.enqueue_indirect_dma source(%arg11 : memref<128x128xf32, #tpu.memory_space<vmem>>) target(%dma_start3A_310 : memref<10240x128xf32, #tpu.memory_space<vmem_shared>>) offsets(%dma_start3A_307 : memref<128xi32, #tpu.memory_space<vmem>>) semaphore(%arg13 : memref<!tpu.dma_semaphore, #tpu.memory_space<semaphore_mem>>) {add = true}
      %dma_wait3A_311 = arith.constant 0 : i32
      %dma_wait3A_312 = arith.constant 0 : i32
      %dma_wait3A_313 = tpu.memref_slice %arg2[%dma_wait3A_311, %dma_wait3A_312] : memref<10000x128xf32, #tpu.memory_space<hbm>> -> memref<128x128xf32, #tpu.memory_space<hbm>>
      %dma_wait3A_314 = arith.constant 0 : i32
      %dma_wait3A_315 = arith.constant 0 : i32
      %dma_wait3A_316 = tpu.memref_slice %arg2[%dma_wait3A_314, %dma_wait3A_315] : memref<10000x128xf32, #tpu.memory_space<hbm>> -> memref<128x128xf32, #tpu.memory_space<hbm>>
      tpu.wait_dma2 semaphore(%arg13 : memref<!tpu.dma_semaphore, #tpu.memory_space<semaphore_mem>>) src(%dma_wait3A_316 : memref<128x128xf32, #tpu.memory_space<hbm>>) dst(%arg10 : memref<128x128xf32, #tpu.memory_space<vmem>>)
      %dma_start3A_317 = arith.constant 6 : i32
      %dma_start3A_318 = arith.constant 0 : i32
      %dma_start3A_319 = tpu.memref_slice %arg8[%dma_start3A_317, %dma_start3A_318] : memref<16x128xi32, #tpu.memory_space<vmem>> -> memref<1x128xi32, #tpu.memory_space<vmem>>
      %dma_start3A_320 = tpu.memref_squeeze %dma_start3A_319 : memref<1x128xi32, #tpu.memory_space<vmem>> -> memref<128xi32, #tpu.memory_space<vmem>>
      %dma_start3A_321 = arith.constant 0 : i32
      %dma_start3A_322 = arith.constant 0 : i32
      %dma_start3A_323 = tpu.memref_slice %arg2[%dma_start3A_321, %dma_start3A_322] : memref<10000x128xf32, #tpu.memory_space<hbm>> -> memref<10000x128xf32, #tpu.memory_space<hbm>>
      tpu.enqueue_indirect_dma source(%dma_start3A_323 : memref<10000x128xf32, #tpu.memory_space<hbm>>) target(%arg10 : memref<128x128xf32, #tpu.memory_space<vmem>>) offsets(%dma_start3A_320 : memref<128xi32, #tpu.memory_space<vmem>>) semaphore(%arg12 : memref<!tpu.dma_semaphore, #tpu.memory_space<semaphore_mem>>)
      %dma_wait3A_324 = arith.constant 0 : i32
      %dma_wait3A_325 = arith.constant 0 : i32
      %dma_wait3A_326 = tpu.memref_slice %arg2[%dma_wait3A_324, %dma_wait3A_325] : memref<10000x128xf32, #tpu.memory_space<hbm>> -> memref<128x128xf32, #tpu.memory_space<hbm>>
      %dma_wait3A_327 = arith.constant 0 : i32
      %dma_wait3A_328 = arith.constant 0 : i32
      %dma_wait3A_329 = tpu.memref_slice %arg2[%dma_wait3A_327, %dma_wait3A_328] : memref<10000x128xf32, #tpu.memory_space<hbm>> -> memref<128x128xf32, #tpu.memory_space<hbm>>
      tpu.wait_dma2 semaphore(%arg12 : memref<!tpu.dma_semaphore, #tpu.memory_space<semaphore_mem>>) src(%dma_wait3A_329 : memref<128x128xf32, #tpu.memory_space<hbm>>) dst(%arg10 : memref<128x128xf32, #tpu.memory_space<vmem>>)
      %dma_start3A_330 = arith.constant 6 : i32
      %dma_start3A_331 = arith.constant 0 : i32
      %dma_start3A_332 = tpu.memref_slice %arg9[%dma_start3A_330, %dma_start3A_331] : memref<16x128xi32, #tpu.memory_space<vmem>> -> memref<1x128xi32, #tpu.memory_space<vmem>>
      %dma_start3A_333 = tpu.memref_squeeze %dma_start3A_332 : memref<1x128xi32, #tpu.memory_space<vmem>> -> memref<128xi32, #tpu.memory_space<vmem>>
      %dma_start3A_334 = arith.constant 0 : i32
      %dma_start3A_335 = arith.constant 0 : i32
      %dma_start3A_336 = tpu.memref_slice %arg7[%dma_start3A_334, %dma_start3A_335] : memref<10240x128xf32, #tpu.memory_space<vmem_shared>> -> memref<10240x128xf32, #tpu.memory_space<vmem_shared>>
      tpu.enqueue_indirect_dma source(%arg10 : memref<128x128xf32, #tpu.memory_space<vmem>>) target(%dma_start3A_336 : memref<10240x128xf32, #tpu.memory_space<vmem_shared>>) offsets(%dma_start3A_333 : memref<128xi32, #tpu.memory_space<vmem>>) semaphore(%arg13 : memref<!tpu.dma_semaphore, #tpu.memory_space<semaphore_mem>>) {add = true}
      %dma_wait3A_337 = arith.constant 0 : i32
      %dma_wait3A_338 = arith.constant 0 : i32
      %dma_wait3A_339 = tpu.memref_slice %arg2[%dma_wait3A_337, %dma_wait3A_338] : memref<10000x128xf32, #tpu.memory_space<hbm>> -> memref<128x128xf32, #tpu.memory_space<hbm>>
      %dma_wait3A_340 = arith.constant 0 : i32
      %dma_wait3A_341 = arith.constant 0 : i32
      %dma_wait3A_342 = tpu.memref_slice %arg2[%dma_wait3A_340, %dma_wait3A_341] : memref<10000x128xf32, #tpu.memory_space<hbm>> -> memref<128x128xf32, #tpu.memory_space<hbm>>
      tpu.wait_dma2 semaphore(%arg13 : memref<!tpu.dma_semaphore, #tpu.memory_space<semaphore_mem>>) src(%dma_wait3A_342 : memref<128x128xf32, #tpu.memory_space<hbm>>) dst(%arg11 : memref<128x128xf32, #tpu.memory_space<vmem>>)
      %dma_start3A_343 = arith.constant 7 : i32
      %dma_start3A_344 = arith.constant 0 : i32
      %dma_start3A_345 = tpu.memref_slice %arg8[%dma_start3A_343, %dma_start3A_344] : memref<16x128xi32, #tpu.memory_space<vmem>> -> memref<1x128xi32, #tpu.memory_space<vmem>>
      %dma_start3A_346 = tpu.memref_squeeze %dma_start3A_345 : memref<1x128xi32, #tpu.memory_space<vmem>> -> memref<128xi32, #tpu.memory_space<vmem>>
      %dma_start3A_347 = arith.constant 0 : i32
      %dma_start3A_348 = arith.constant 0 : i32
      %dma_start3A_349 = tpu.memref_slice %arg2[%dma_start3A_347, %dma_start3A_348] : memref<10000x128xf32, #tpu.memory_space<hbm>> -> memref<10000x128xf32, #tpu.memory_space<hbm>>
      tpu.enqueue_indirect_dma source(%dma_start3A_349 : memref<10000x128xf32, #tpu.memory_space<hbm>>) target(%arg11 : memref<128x128xf32, #tpu.memory_space<vmem>>) offsets(%dma_start3A_346 : memref<128xi32, #tpu.memory_space<vmem>>) semaphore(%arg12 : memref<!tpu.dma_semaphore, #tpu.memory_space<semaphore_mem>>)
      %dma_wait3A_350 = arith.constant 0 : i32
      %dma_wait3A_351 = arith.constant 0 : i32
      %dma_wait3A_352 = tpu.memref_slice %arg2[%dma_wait3A_350, %dma_wait3A_351] : memref<10000x128xf32, #tpu.memory_space<hbm>> -> memref<128x128xf32, #tpu.memory_space<hbm>>
      %dma_wait3A_353 = arith.constant 0 : i32
      %dma_wait3A_354 = arith.constant 0 : i32
      %dma_wait3A_355 = tpu.memref_slice %arg2[%dma_wait3A_353, %dma_wait3A_354] : memref<10000x128xf32, #tpu.memory_space<hbm>> -> memref<128x128xf32, #tpu.memory_space<hbm>>
      tpu.wait_dma2 semaphore(%arg12 : memref<!tpu.dma_semaphore, #tpu.memory_space<semaphore_mem>>) src(%dma_wait3A_355 : memref<128x128xf32, #tpu.memory_space<hbm>>) dst(%arg11 : memref<128x128xf32, #tpu.memory_space<vmem>>)
      %dma_start3A_356 = arith.constant 7 : i32
      %dma_start3A_357 = arith.constant 0 : i32
      %dma_start3A_358 = tpu.memref_slice %arg9[%dma_start3A_356, %dma_start3A_357] : memref<16x128xi32, #tpu.memory_space<vmem>> -> memref<1x128xi32, #tpu.memory_space<vmem>>
      %dma_start3A_359 = tpu.memref_squeeze %dma_start3A_358 : memref<1x128xi32, #tpu.memory_space<vmem>> -> memref<128xi32, #tpu.memory_space<vmem>>
      %dma_start3A_360 = arith.constant 0 : i32
      %dma_start3A_361 = arith.constant 0 : i32
      %dma_start3A_362 = tpu.memref_slice %arg7[%dma_start3A_360, %dma_start3A_361] : memref<10240x128xf32, #tpu.memory_space<vmem_shared>> -> memref<10240x128xf32, #tpu.memory_space<vmem_shared>>
      tpu.enqueue_indirect_dma source(%arg11 : memref<128x128xf32, #tpu.memory_space<vmem>>) target(%dma_start3A_362 : memref<10240x128xf32, #tpu.memory_space<vmem_shared>>) offsets(%dma_start3A_359 : memref<128xi32, #tpu.memory_space<vmem>>) semaphore(%arg13 : memref<!tpu.dma_semaphore, #tpu.memory_space<semaphore_mem>>) {add = true}
      %dma_wait3A_363 = arith.constant 0 : i32
      %dma_wait3A_364 = arith.constant 0 : i32
      %dma_wait3A_365 = tpu.memref_slice %arg2[%dma_wait3A_363, %dma_wait3A_364] : memref<10000x128xf32, #tpu.memory_space<hbm>> -> memref<128x128xf32, #tpu.memory_space<hbm>>
      %dma_wait3A_366 = arith.constant 0 : i32
      %dma_wait3A_367 = arith.constant 0 : i32
      %dma_wait3A_368 = tpu.memref_slice %arg2[%dma_wait3A_366, %dma_wait3A_367] : memref<10000x128xf32, #tpu.memory_space<hbm>> -> memref<128x128xf32, #tpu.memory_space<hbm>>
      tpu.wait_dma2 semaphore(%arg13 : memref<!tpu.dma_semaphore, #tpu.memory_space<semaphore_mem>>) src(%dma_wait3A_368 : memref<128x128xf32, #tpu.memory_space<hbm>>) dst(%arg10 : memref<128x128xf32, #tpu.memory_space<vmem>>)
      %dma_start3A_369 = arith.constant 8 : i32
      %dma_start3A_370 = arith.constant 0 : i32
      %dma_start3A_371 = tpu.memref_slice %arg8[%dma_start3A_369, %dma_start3A_370] : memref<16x128xi32, #tpu.memory_space<vmem>> -> memref<1x128xi32, #tpu.memory_space<vmem>>
      %dma_start3A_372 = tpu.memref_squeeze %dma_start3A_371 : memref<1x128xi32, #tpu.memory_space<vmem>> -> memref<128xi32, #tpu.memory_space<vmem>>
      %dma_start3A_373 = arith.constant 0 : i32
      %dma_start3A_374 = arith.constant 0 : i32
      %dma_start3A_375 = tpu.memref_slice %arg2[%dma_start3A_373, %dma_start3A_374] : memref<10000x128xf32, #tpu.memory_space<hbm>> -> memref<10000x128xf32, #tpu.memory_space<hbm>>
      tpu.enqueue_indirect_dma source(%dma_start3A_375 : memref<10000x128xf32, #tpu.memory_space<hbm>>) target(%arg10 : memref<128x128xf32, #tpu.memory_space<vmem>>) offsets(%dma_start3A_372 : memref<128xi32, #tpu.memory_space<vmem>>) semaphore(%arg12 : memref<!tpu.dma_semaphore, #tpu.memory_space<semaphore_mem>>)
      %dma_wait3A_376 = arith.constant 0 : i32
      %dma_wait3A_377 = arith.constant 0 : i32
      %dma_wait3A_378 = tpu.memref_slice %arg2[%dma_wait3A_376, %dma_wait3A_377] : memref<10000x128xf32, #tpu.memory_space<hbm>> -> memref<128x128xf32, #tpu.memory_space<hbm>>
      %dma_wait3A_379 = arith.constant 0 : i32
      %dma_wait3A_380 = arith.constant 0 : i32
      %dma_wait3A_381 = tpu.memref_slice %arg2[%dma_wait3A_379, %dma_wait3A_380] : memref<10000x128xf32, #tpu.memory_space<hbm>> -> memref<128x128xf32, #tpu.memory_space<hbm>>
      tpu.wait_dma2 semaphore(%arg12 : memref<!tpu.dma_semaphore, #tpu.memory_space<semaphore_mem>>) src(%dma_wait3A_381 : memref<128x128xf32, #tpu.memory_space<hbm>>) dst(%arg10 : memref<128x128xf32, #tpu.memory_space<vmem>>)
      %dma_start3A_382 = arith.constant 8 : i32
      %dma_start3A_383 = arith.constant 0 : i32
      %dma_start3A_384 = tpu.memref_slice %arg9[%dma_start3A_382, %dma_start3A_383] : memref<16x128xi32, #tpu.memory_space<vmem>> -> memref<1x128xi32, #tpu.memory_space<vmem>>
      %dma_start3A_385 = tpu.memref_squeeze %dma_start3A_384 : memref<1x128xi32, #tpu.memory_space<vmem>> -> memref<128xi32, #tpu.memory_space<vmem>>
      %dma_start3A_386 = arith.constant 0 : i32
      %dma_start3A_387 = arith.constant 0 : i32
      %dma_start3A_388 = tpu.memref_slice %arg7[%dma_start3A_386, %dma_start3A_387] : memref<10240x128xf32, #tpu.memory_space<vmem_shared>> -> memref<10240x128xf32, #tpu.memory_space<vmem_shared>>
      tpu.enqueue_indirect_dma source(%arg10 : memref<128x128xf32, #tpu.memory_space<vmem>>) target(%dma_start3A_388 : memref<10240x128xf32, #tpu.memory_space<vmem_shared>>) offsets(%dma_start3A_385 : memref<128xi32, #tpu.memory_space<vmem>>) semaphore(%arg13 : memref<!tpu.dma_semaphore, #tpu.memory_space<semaphore_mem>>) {add = true}
      %dma_wait3A_389 = arith.constant 0 : i32
      %dma_wait3A_390 = arith.constant 0 : i32
      %dma_wait3A_391 = tpu.memref_slice %arg2[%dma_wait3A_389, %dma_wait3A_390] : memref<10000x128xf32, #tpu.memory_space<hbm>> -> memref<128x128xf32, #tpu.memory_space<hbm>>
      %dma_wait3A_392 = arith.constant 0 : i32
      %dma_wait3A_393 = arith.constant 0 : i32
      %dma_wait3A_394 = tpu.memref_slice %arg2[%dma_wait3A_392, %dma_wait3A_393] : memref<10000x128xf32, #tpu.memory_space<hbm>> -> memref<128x128xf32, #tpu.memory_space<hbm>>
      tpu.wait_dma2 semaphore(%arg13 : memref<!tpu.dma_semaphore, #tpu.memory_space<semaphore_mem>>) src(%dma_wait3A_394 : memref<128x128xf32, #tpu.memory_space<hbm>>) dst(%arg11 : memref<128x128xf32, #tpu.memory_space<vmem>>)
      %dma_start3A_395 = arith.constant 9 : i32
      %dma_start3A_396 = arith.constant 0 : i32
      %dma_start3A_397 = tpu.memref_slice %arg8[%dma_start3A_395, %dma_start3A_396] : memref<16x128xi32, #tpu.memory_space<vmem>> -> memref<1x128xi32, #tpu.memory_space<vmem>>
      %dma_start3A_398 = tpu.memref_squeeze %dma_start3A_397 : memref<1x128xi32, #tpu.memory_space<vmem>> -> memref<128xi32, #tpu.memory_space<vmem>>
      %dma_start3A_399 = arith.constant 0 : i32
      %dma_start3A_400 = arith.constant 0 : i32
      %dma_start3A_401 = tpu.memref_slice %arg2[%dma_start3A_399, %dma_start3A_400] : memref<10000x128xf32, #tpu.memory_space<hbm>> -> memref<10000x128xf32, #tpu.memory_space<hbm>>
      tpu.enqueue_indirect_dma source(%dma_start3A_401 : memref<10000x128xf32, #tpu.memory_space<hbm>>) target(%arg11 : memref<128x128xf32, #tpu.memory_space<vmem>>) offsets(%dma_start3A_398 : memref<128xi32, #tpu.memory_space<vmem>>) semaphore(%arg12 : memref<!tpu.dma_semaphore, #tpu.memory_space<semaphore_mem>>)
      %dma_wait3A_402 = arith.constant 0 : i32
      %dma_wait3A_403 = arith.constant 0 : i32
      %dma_wait3A_404 = tpu.memref_slice %arg2[%dma_wait3A_402, %dma_wait3A_403] : memref<10000x128xf32, #tpu.memory_space<hbm>> -> memref<128x128xf32, #tpu.memory_space<hbm>>
      %dma_wait3A_405 = arith.constant 0 : i32
      %dma_wait3A_406 = arith.constant 0 : i32
      %dma_wait3A_407 = tpu.memref_slice %arg2[%dma_wait3A_405, %dma_wait3A_406] : memref<10000x128xf32, #tpu.memory_space<hbm>> -> memref<128x128xf32, #tpu.memory_space<hbm>>
      tpu.wait_dma2 semaphore(%arg12 : memref<!tpu.dma_semaphore, #tpu.memory_space<semaphore_mem>>) src(%dma_wait3A_407 : memref<128x128xf32, #tpu.memory_space<hbm>>) dst(%arg11 : memref<128x128xf32, #tpu.memory_space<vmem>>)
      %dma_start3A_408 = arith.constant 9 : i32
      %dma_start3A_409 = arith.constant 0 : i32
      %dma_start3A_410 = tpu.memref_slice %arg9[%dma_start3A_408, %dma_start3A_409] : memref<16x128xi32, #tpu.memory_space<vmem>> -> memref<1x128xi32, #tpu.memory_space<vmem>>
      %dma_start3A_411 = tpu.memref_squeeze %dma_start3A_410 : memref<1x128xi32, #tpu.memory_space<vmem>> -> memref<128xi32, #tpu.memory_space<vmem>>
      %dma_start3A_412 = arith.constant 0 : i32
      %dma_start3A_413 = arith.constant 0 : i32
      %dma_start3A_414 = tpu.memref_slice %arg7[%dma_start3A_412, %dma_start3A_413] : memref<10240x128xf32, #tpu.memory_space<vmem_shared>> -> memref<10240x128xf32, #tpu.memory_space<vmem_shared>>
      tpu.enqueue_indirect_dma source(%arg11 : memref<128x128xf32, #tpu.memory_space<vmem>>) target(%dma_start3A_414 : memref<10240x128xf32, #tpu.memory_space<vmem_shared>>) offsets(%dma_start3A_411 : memref<128xi32, #tpu.memory_space<vmem>>) semaphore(%arg13 : memref<!tpu.dma_semaphore, #tpu.memory_space<semaphore_mem>>) {add = true}
      %dma_wait3A_415 = arith.constant 0 : i32
      %dma_wait3A_416 = arith.constant 0 : i32
      %dma_wait3A_417 = tpu.memref_slice %arg2[%dma_wait3A_415, %dma_wait3A_416] : memref<10000x128xf32, #tpu.memory_space<hbm>> -> memref<128x128xf32, #tpu.memory_space<hbm>>
      %dma_wait3A_418 = arith.constant 0 : i32
      %dma_wait3A_419 = arith.constant 0 : i32
      %dma_wait3A_420 = tpu.memref_slice %arg2[%dma_wait3A_418, %dma_wait3A_419] : memref<10000x128xf32, #tpu.memory_space<hbm>> -> memref<128x128xf32, #tpu.memory_space<hbm>>
      tpu.wait_dma2 semaphore(%arg13 : memref<!tpu.dma_semaphore, #tpu.memory_space<semaphore_mem>>) src(%dma_wait3A_420 : memref<128x128xf32, #tpu.memory_space<hbm>>) dst(%arg10 : memref<128x128xf32, #tpu.memory_space<vmem>>)
      %dma_start3A_421 = arith.constant 10 : i32
      %dma_start3A_422 = arith.constant 0 : i32
      %dma_start3A_423 = tpu.memref_slice %arg8[%dma_start3A_421, %dma_start3A_422] : memref<16x128xi32, #tpu.memory_space<vmem>> -> memref<1x128xi32, #tpu.memory_space<vmem>>
      %dma_start3A_424 = tpu.memref_squeeze %dma_start3A_423 : memref<1x128xi32, #tpu.memory_space<vmem>> -> memref<128xi32, #tpu.memory_space<vmem>>
      %dma_start3A_425 = arith.constant 0 : i32
      %dma_start3A_426 = arith.constant 0 : i32
      %dma_start3A_427 = tpu.memref_slice %arg2[%dma_start3A_425, %dma_start3A_426] : memref<10000x128xf32, #tpu.memory_space<hbm>> -> memref<10000x128xf32, #tpu.memory_space<hbm>>
      tpu.enqueue_indirect_dma source(%dma_start3A_427 : memref<10000x128xf32, #tpu.memory_space<hbm>>) target(%arg10 : memref<128x128xf32, #tpu.memory_space<vmem>>) offsets(%dma_start3A_424 : memref<128xi32, #tpu.memory_space<vmem>>) semaphore(%arg12 : memref<!tpu.dma_semaphore, #tpu.memory_space<semaphore_mem>>)
      %dma_wait3A_428 = arith.constant 0 : i32
      %dma_wait3A_429 = arith.constant 0 : i32
      %dma_wait3A_430 = tpu.memref_slice %arg2[%dma_wait3A_428, %dma_wait3A_429] : memref<10000x128xf32, #tpu.memory_space<hbm>> -> memref<128x128xf32, #tpu.memory_space<hbm>>
      %dma_wait3A_431 = arith.constant 0 : i32
      %dma_wait3A_432 = arith.constant 0 : i32
      %dma_wait3A_433 = tpu.memref_slice %arg2[%dma_wait3A_431, %dma_wait3A_432] : memref<10000x128xf32, #tpu.memory_space<hbm>> -> memref<128x128xf32, #tpu.memory_space<hbm>>
      tpu.wait_dma2 semaphore(%arg12 : memref<!tpu.dma_semaphore, #tpu.memory_space<semaphore_mem>>) src(%dma_wait3A_433 : memref<128x128xf32, #tpu.memory_space<hbm>>) dst(%arg10 : memref<128x128xf32, #tpu.memory_space<vmem>>)
      %dma_start3A_434 = arith.constant 10 : i32
      %dma_start3A_435 = arith.constant 0 : i32
      %dma_start3A_436 = tpu.memref_slice %arg9[%dma_start3A_434, %dma_start3A_435] : memref<16x128xi32, #tpu.memory_space<vmem>> -> memref<1x128xi32, #tpu.memory_space<vmem>>
      %dma_start3A_437 = tpu.memref_squeeze %dma_start3A_436 : memref<1x128xi32, #tpu.memory_space<vmem>> -> memref<128xi32, #tpu.memory_space<vmem>>
      %dma_start3A_438 = arith.constant 0 : i32
      %dma_start3A_439 = arith.constant 0 : i32
      %dma_start3A_440 = tpu.memref_slice %arg7[%dma_start3A_438, %dma_start3A_439] : memref<10240x128xf32, #tpu.memory_space<vmem_shared>> -> memref<10240x128xf32, #tpu.memory_space<vmem_shared>>
      tpu.enqueue_indirect_dma source(%arg10 : memref<128x128xf32, #tpu.memory_space<vmem>>) target(%dma_start3A_440 : memref<10240x128xf32, #tpu.memory_space<vmem_shared>>) offsets(%dma_start3A_437 : memref<128xi32, #tpu.memory_space<vmem>>) semaphore(%arg13 : memref<!tpu.dma_semaphore, #tpu.memory_space<semaphore_mem>>) {add = true}
      %dma_wait3A_441 = arith.constant 0 : i32
      %dma_wait3A_442 = arith.constant 0 : i32
      %dma_wait3A_443 = tpu.memref_slice %arg2[%dma_wait3A_441, %dma_wait3A_442] : memref<10000x128xf32, #tpu.memory_space<hbm>> -> memref<128x128xf32, #tpu.memory_space<hbm>>
      %dma_wait3A_444 = arith.constant 0 : i32
      %dma_wait3A_445 = arith.constant 0 : i32
      %dma_wait3A_446 = tpu.memref_slice %arg2[%dma_wait3A_444, %dma_wait3A_445] : memref<10000x128xf32, #tpu.memory_space<hbm>> -> memref<128x128xf32, #tpu.memory_space<hbm>>
      tpu.wait_dma2 semaphore(%arg13 : memref<!tpu.dma_semaphore, #tpu.memory_space<semaphore_mem>>) src(%dma_wait3A_446 : memref<128x128xf32, #tpu.memory_space<hbm>>) dst(%arg11 : memref<128x128xf32, #tpu.memory_space<vmem>>)
      %dma_start3A_447 = arith.constant 11 : i32
      %dma_start3A_448 = arith.constant 0 : i32
      %dma_start3A_449 = tpu.memref_slice %arg8[%dma_start3A_447, %dma_start3A_448] : memref<16x128xi32, #tpu.memory_space<vmem>> -> memref<1x128xi32, #tpu.memory_space<vmem>>
      %dma_start3A_450 = tpu.memref_squeeze %dma_start3A_449 : memref<1x128xi32, #tpu.memory_space<vmem>> -> memref<128xi32, #tpu.memory_space<vmem>>
      %dma_start3A_451 = arith.constant 0 : i32
      %dma_start3A_452 = arith.constant 0 : i32
      %dma_start3A_453 = tpu.memref_slice %arg2[%dma_start3A_451, %dma_start3A_452] : memref<10000x128xf32, #tpu.memory_space<hbm>> -> memref<10000x128xf32, #tpu.memory_space<hbm>>
      tpu.enqueue_indirect_dma source(%dma_start3A_453 : memref<10000x128xf32, #tpu.memory_space<hbm>>) target(%arg11 : memref<128x128xf32, #tpu.memory_space<vmem>>) offsets(%dma_start3A_450 : memref<128xi32, #tpu.memory_space<vmem>>) semaphore(%arg12 : memref<!tpu.dma_semaphore, #tpu.memory_space<semaphore_mem>>)
      %dma_wait3A_454 = arith.constant 0 : i32
      %dma_wait3A_455 = arith.constant 0 : i32
      %dma_wait3A_456 = tpu.memref_slice %arg2[%dma_wait3A_454, %dma_wait3A_455] : memref<10000x128xf32, #tpu.memory_space<hbm>> -> memref<128x128xf32, #tpu.memory_space<hbm>>
      %dma_wait3A_457 = arith.constant 0 : i32
      %dma_wait3A_458 = arith.constant 0 : i32
      %dma_wait3A_459 = tpu.memref_slice %arg2[%dma_wait3A_457, %dma_wait3A_458] : memref<10000x128xf32, #tpu.memory_space<hbm>> -> memref<128x128xf32, #tpu.memory_space<hbm>>
      tpu.wait_dma2 semaphore(%arg12 : memref<!tpu.dma_semaphore, #tpu.memory_space<semaphore_mem>>) src(%dma_wait3A_459 : memref<128x128xf32, #tpu.memory_space<hbm>>) dst(%arg11 : memref<128x128xf32, #tpu.memory_space<vmem>>)
      %dma_start3A_460 = arith.constant 11 : i32
      %dma_start3A_461 = arith.constant 0 : i32
      %dma_start3A_462 = tpu.memref_slice %arg9[%dma_start3A_460, %dma_start3A_461] : memref<16x128xi32, #tpu.memory_space<vmem>> -> memref<1x128xi32, #tpu.memory_space<vmem>>
      %dma_start3A_463 = tpu.memref_squeeze %dma_start3A_462 : memref<1x128xi32, #tpu.memory_space<vmem>> -> memref<128xi32, #tpu.memory_space<vmem>>
      %dma_start3A_464 = arith.constant 0 : i32
      %dma_start3A_465 = arith.constant 0 : i32
      %dma_start3A_466 = tpu.memref_slice %arg7[%dma_start3A_464, %dma_start3A_465] : memref<10240x128xf32, #tpu.memory_space<vmem_shared>> -> memref<10240x128xf32, #tpu.memory_space<vmem_shared>>
      tpu.enqueue_indirect_dma source(%arg11 : memref<128x128xf32, #tpu.memory_space<vmem>>) target(%dma_start3A_466 : memref<10240x128xf32, #tpu.memory_space<vmem_shared>>) offsets(%dma_start3A_463 : memref<128xi32, #tpu.memory_space<vmem>>) semaphore(%arg13 : memref<!tpu.dma_semaphore, #tpu.memory_space<semaphore_mem>>) {add = true}
      %dma_wait3A_467 = arith.constant 0 : i32
      %dma_wait3A_468 = arith.constant 0 : i32
      %dma_wait3A_469 = tpu.memref_slice %arg2[%dma_wait3A_467, %dma_wait3A_468] : memref<10000x128xf32, #tpu.memory_space<hbm>> -> memref<128x128xf32, #tpu.memory_space<hbm>>
      %dma_wait3A_470 = arith.constant 0 : i32
      %dma_wait3A_471 = arith.constant 0 : i32
      %dma_wait3A_472 = tpu.memref_slice %arg2[%dma_wait3A_470, %dma_wait3A_471] : memref<10000x128xf32, #tpu.memory_space<hbm>> -> memref<128x128xf32, #tpu.memory_space<hbm>>
      tpu.wait_dma2 semaphore(%arg13 : memref<!tpu.dma_semaphore, #tpu.memory_space<semaphore_mem>>) src(%dma_wait3A_472 : memref<128x128xf32, #tpu.memory_space<hbm>>) dst(%arg10 : memref<128x128xf32, #tpu.memory_space<vmem>>)
      %dma_start3A_473 = arith.constant 12 : i32
      %dma_start3A_474 = arith.constant 0 : i32
      %dma_start3A_475 = tpu.memref_slice %arg8[%dma_start3A_473, %dma_start3A_474] : memref<16x128xi32, #tpu.memory_space<vmem>> -> memref<1x128xi32, #tpu.memory_space<vmem>>
      %dma_start3A_476 = tpu.memref_squeeze %dma_start3A_475 : memref<1x128xi32, #tpu.memory_space<vmem>> -> memref<128xi32, #tpu.memory_space<vmem>>
      %dma_start3A_477 = arith.constant 0 : i32
      %dma_start3A_478 = arith.constant 0 : i32
      %dma_start3A_479 = tpu.memref_slice %arg2[%dma_start3A_477, %dma_start3A_478] : memref<10000x128xf32, #tpu.memory_space<hbm>> -> memref<10000x128xf32, #tpu.memory_space<hbm>>
      tpu.enqueue_indirect_dma source(%dma_start3A_479 : memref<10000x128xf32, #tpu.memory_space<hbm>>) target(%arg10 : memref<128x128xf32, #tpu.memory_space<vmem>>) offsets(%dma_start3A_476 : memref<128xi32, #tpu.memory_space<vmem>>) semaphore(%arg12 : memref<!tpu.dma_semaphore, #tpu.memory_space<semaphore_mem>>)
      %dma_wait3A_480 = arith.constant 0 : i32
      %dma_wait3A_481 = arith.constant 0 : i32
      %dma_wait3A_482 = tpu.memref_slice %arg2[%dma_wait3A_480, %dma_wait3A_481] : memref<10000x128xf32, #tpu.memory_space<hbm>> -> memref<128x128xf32, #tpu.memory_space<hbm>>
      %dma_wait3A_483 = arith.constant 0 : i32
      %dma_wait3A_484 = arith.constant 0 : i32
      %dma_wait3A_485 = tpu.memref_slice %arg2[%dma_wait3A_483, %dma_wait3A_484] : memref<10000x128xf32, #tpu.memory_space<hbm>> -> memref<128x128xf32, #tpu.memory_space<hbm>>
      tpu.wait_dma2 semaphore(%arg12 : memref<!tpu.dma_semaphore, #tpu.memory_space<semaphore_mem>>) src(%dma_wait3A_485 : memref<128x128xf32, #tpu.memory_space<hbm>>) dst(%arg10 : memref<128x128xf32, #tpu.memory_space<vmem>>)
      %dma_start3A_486 = arith.constant 12 : i32
      %dma_start3A_487 = arith.constant 0 : i32
      %dma_start3A_488 = tpu.memref_slice %arg9[%dma_start3A_486, %dma_start3A_487] : memref<16x128xi32, #tpu.memory_space<vmem>> -> memref<1x128xi32, #tpu.memory_space<vmem>>
      %dma_start3A_489 = tpu.memref_squeeze %dma_start3A_488 : memref<1x128xi32, #tpu.memory_space<vmem>> -> memref<128xi32, #tpu.memory_space<vmem>>
      %dma_start3A_490 = arith.constant 0 : i32
      %dma_start3A_491 = arith.constant 0 : i32
      %dma_start3A_492 = tpu.memref_slice %arg7[%dma_start3A_490, %dma_start3A_491] : memref<10240x128xf32, #tpu.memory_space<vmem_shared>> -> memref<10240x128xf32, #tpu.memory_space<vmem_shared>>
      tpu.enqueue_indirect_dma source(%arg10 : memref<128x128xf32, #tpu.memory_space<vmem>>) target(%dma_start3A_492 : memref<10240x128xf32, #tpu.memory_space<vmem_shared>>) offsets(%dma_start3A_489 : memref<128xi32, #tpu.memory_space<vmem>>) semaphore(%arg13 : memref<!tpu.dma_semaphore, #tpu.memory_space<semaphore_mem>>) {add = true}
      %dma_wait3A_493 = arith.constant 0 : i32
      %dma_wait3A_494 = arith.constant 0 : i32
      %dma_wait3A_495 = tpu.memref_slice %arg2[%dma_wait3A_493, %dma_wait3A_494] : memref<10000x128xf32, #tpu.memory_space<hbm>> -> memref<128x128xf32, #tpu.memory_space<hbm>>
      %dma_wait3A_496 = arith.constant 0 : i32
      %dma_wait3A_497 = arith.constant 0 : i32
      %dma_wait3A_498 = tpu.memref_slice %arg2[%dma_wait3A_496, %dma_wait3A_497] : memref<10000x128xf32, #tpu.memory_space<hbm>> -> memref<128x128xf32, #tpu.memory_space<hbm>>
      tpu.wait_dma2 semaphore(%arg13 : memref<!tpu.dma_semaphore, #tpu.memory_space<semaphore_mem>>) src(%dma_wait3A_498 : memref<128x128xf32, #tpu.memory_space<hbm>>) dst(%arg11 : memref<128x128xf32, #tpu.memory_space<vmem>>)
      %dma_start3A_499 = arith.constant 13 : i32
      %dma_start3A_500 = arith.constant 0 : i32
      %dma_start3A_501 = tpu.memref_slice %arg8[%dma_start3A_499, %dma_start3A_500] : memref<16x128xi32, #tpu.memory_space<vmem>> -> memref<1x128xi32, #tpu.memory_space<vmem>>
      %dma_start3A_502 = tpu.memref_squeeze %dma_start3A_501 : memref<1x128xi32, #tpu.memory_space<vmem>> -> memref<128xi32, #tpu.memory_space<vmem>>
      %dma_start3A_503 = arith.constant 0 : i32
      %dma_start3A_504 = arith.constant 0 : i32
      %dma_start3A_505 = tpu.memref_slice %arg2[%dma_start3A_503, %dma_start3A_504] : memref<10000x128xf32, #tpu.memory_space<hbm>> -> memref<10000x128xf32, #tpu.memory_space<hbm>>
      tpu.enqueue_indirect_dma source(%dma_start3A_505 : memref<10000x128xf32, #tpu.memory_space<hbm>>) target(%arg11 : memref<128x128xf32, #tpu.memory_space<vmem>>) offsets(%dma_start3A_502 : memref<128xi32, #tpu.memory_space<vmem>>) semaphore(%arg12 : memref<!tpu.dma_semaphore, #tpu.memory_space<semaphore_mem>>)
      %dma_wait3A_506 = arith.constant 0 : i32
      %dma_wait3A_507 = arith.constant 0 : i32
      %dma_wait3A_508 = tpu.memref_slice %arg2[%dma_wait3A_506, %dma_wait3A_507] : memref<10000x128xf32, #tpu.memory_space<hbm>> -> memref<128x128xf32, #tpu.memory_space<hbm>>
      %dma_wait3A_509 = arith.constant 0 : i32
      %dma_wait3A_510 = arith.constant 0 : i32
      %dma_wait3A_511 = tpu.memref_slice %arg2[%dma_wait3A_509, %dma_wait3A_510] : memref<10000x128xf32, #tpu.memory_space<hbm>> -> memref<128x128xf32, #tpu.memory_space<hbm>>
      tpu.wait_dma2 semaphore(%arg12 : memref<!tpu.dma_semaphore, #tpu.memory_space<semaphore_mem>>) src(%dma_wait3A_511 : memref<128x128xf32, #tpu.memory_space<hbm>>) dst(%arg11 : memref<128x128xf32, #tpu.memory_space<vmem>>)
      %dma_start3A_512 = arith.constant 13 : i32
      %dma_start3A_513 = arith.constant 0 : i32
      %dma_start3A_514 = tpu.memref_slice %arg9[%dma_start3A_512, %dma_start3A_513] : memref<16x128xi32, #tpu.memory_space<vmem>> -> memref<1x128xi32, #tpu.memory_space<vmem>>
      %dma_start3A_515 = tpu.memref_squeeze %dma_start3A_514 : memref<1x128xi32, #tpu.memory_space<vmem>> -> memref<128xi32, #tpu.memory_space<vmem>>
      %dma_start3A_516 = arith.constant 0 : i32
      %dma_start3A_517 = arith.constant 0 : i32
      %dma_start3A_518 = tpu.memref_slice %arg7[%dma_start3A_516, %dma_start3A_517] : memref<10240x128xf32, #tpu.memory_space<vmem_shared>> -> memref<10240x128xf32, #tpu.memory_space<vmem_shared>>
      tpu.enqueue_indirect_dma source(%arg11 : memref<128x128xf32, #tpu.memory_space<vmem>>) target(%dma_start3A_518 : memref<10240x128xf32, #tpu.memory_space<vmem_shared>>) offsets(%dma_start3A_515 : memref<128xi32, #tpu.memory_space<vmem>>) semaphore(%arg13 : memref<!tpu.dma_semaphore, #tpu.memory_space<semaphore_mem>>) {add = true}
      %dma_wait3A_519 = arith.constant 0 : i32
      %dma_wait3A_520 = arith.constant 0 : i32
      %dma_wait3A_521 = tpu.memref_slice %arg2[%dma_wait3A_519, %dma_wait3A_520] : memref<10000x128xf32, #tpu.memory_space<hbm>> -> memref<128x128xf32, #tpu.memory_space<hbm>>
      %dma_wait3A_522 = arith.constant 0 : i32
      %dma_wait3A_523 = arith.constant 0 : i32
      %dma_wait3A_524 = tpu.memref_slice %arg2[%dma_wait3A_522, %dma_wait3A_523] : memref<10000x128xf32, #tpu.memory_space<hbm>> -> memref<128x128xf32, #tpu.memory_space<hbm>>
      tpu.wait_dma2 semaphore(%arg13 : memref<!tpu.dma_semaphore, #tpu.memory_space<semaphore_mem>>) src(%dma_wait3A_524 : memref<128x128xf32, #tpu.memory_space<hbm>>) dst(%arg10 : memref<128x128xf32, #tpu.memory_space<vmem>>)
      %dma_start3A_525 = arith.constant 14 : i32
      %dma_start3A_526 = arith.constant 0 : i32
      %dma_start3A_527 = tpu.memref_slice %arg8[%dma_start3A_525, %dma_start3A_526] : memref<16x128xi32, #tpu.memory_space<vmem>> -> memref<1x128xi32, #tpu.memory_space<vmem>>
      %dma_start3A_528 = tpu.memref_squeeze %dma_start3A_527 : memref<1x128xi32, #tpu.memory_space<vmem>> -> memref<128xi32, #tpu.memory_space<vmem>>
      %dma_start3A_529 = arith.constant 0 : i32
      %dma_start3A_530 = arith.constant 0 : i32
      %dma_start3A_531 = tpu.memref_slice %arg2[%dma_start3A_529, %dma_start3A_530] : memref<10000x128xf32, #tpu.memory_space<hbm>> -> memref<10000x128xf32, #tpu.memory_space<hbm>>
      tpu.enqueue_indirect_dma source(%dma_start3A_531 : memref<10000x128xf32, #tpu.memory_space<hbm>>) target(%arg10 : memref<128x128xf32, #tpu.memory_space<vmem>>) offsets(%dma_start3A_528 : memref<128xi32, #tpu.memory_space<vmem>>) semaphore(%arg12 : memref<!tpu.dma_semaphore, #tpu.memory_space<semaphore_mem>>)
      %dma_wait3A_532 = arith.constant 0 : i32
      %dma_wait3A_533 = arith.constant 0 : i32
      %dma_wait3A_534 = tpu.memref_slice %arg2[%dma_wait3A_532, %dma_wait3A_533] : memref<10000x128xf32, #tpu.memory_space<hbm>> -> memref<128x128xf32, #tpu.memory_space<hbm>>
      %dma_wait3A_535 = arith.constant 0 : i32
      %dma_wait3A_536 = arith.constant 0 : i32
      %dma_wait3A_537 = tpu.memref_slice %arg2[%dma_wait3A_535, %dma_wait3A_536] : memref<10000x128xf32, #tpu.memory_space<hbm>> -> memref<128x128xf32, #tpu.memory_space<hbm>>
      tpu.wait_dma2 semaphore(%arg12 : memref<!tpu.dma_semaphore, #tpu.memory_space<semaphore_mem>>) src(%dma_wait3A_537 : memref<128x128xf32, #tpu.memory_space<hbm>>) dst(%arg10 : memref<128x128xf32, #tpu.memory_space<vmem>>)
      %dma_start3A_538 = arith.constant 14 : i32
      %dma_start3A_539 = arith.constant 0 : i32
      %dma_start3A_540 = tpu.memref_slice %arg9[%dma_start3A_538, %dma_start3A_539] : memref<16x128xi32, #tpu.memory_space<vmem>> -> memref<1x128xi32, #tpu.memory_space<vmem>>
      %dma_start3A_541 = tpu.memref_squeeze %dma_start3A_540 : memref<1x128xi32, #tpu.memory_space<vmem>> -> memref<128xi32, #tpu.memory_space<vmem>>
      %dma_start3A_542 = arith.constant 0 : i32
      %dma_start3A_543 = arith.constant 0 : i32
      %dma_start3A_544 = tpu.memref_slice %arg7[%dma_start3A_542, %dma_start3A_543] : memref<10240x128xf32, #tpu.memory_space<vmem_shared>> -> memref<10240x128xf32, #tpu.memory_space<vmem_shared>>
      tpu.enqueue_indirect_dma source(%arg10 : memref<128x128xf32, #tpu.memory_space<vmem>>) target(%dma_start3A_544 : memref<10240x128xf32, #tpu.memory_space<vmem_shared>>) offsets(%dma_start3A_541 : memref<128xi32, #tpu.memory_space<vmem>>) semaphore(%arg13 : memref<!tpu.dma_semaphore, #tpu.memory_space<semaphore_mem>>) {add = true}
      %dma_wait3A_545 = arith.constant 0 : i32
      %dma_wait3A_546 = arith.constant 0 : i32
      %dma_wait3A_547 = tpu.memref_slice %arg2[%dma_wait3A_545, %dma_wait3A_546] : memref<10000x128xf32, #tpu.memory_space<hbm>> -> memref<128x128xf32, #tpu.memory_space<hbm>>
      %dma_wait3A_548 = arith.constant 0 : i32
      %dma_wait3A_549 = arith.constant 0 : i32
      %dma_wait3A_550 = tpu.memref_slice %arg2[%dma_wait3A_548, %dma_wait3A_549] : memref<10000x128xf32, #tpu.memory_space<hbm>> -> memref<128x128xf32, #tpu.memory_space<hbm>>
      tpu.wait_dma2 semaphore(%arg13 : memref<!tpu.dma_semaphore, #tpu.memory_space<semaphore_mem>>) src(%dma_wait3A_550 : memref<128x128xf32, #tpu.memory_space<hbm>>) dst(%arg11 : memref<128x128xf32, #tpu.memory_space<vmem>>)
      %dma_start3A_551 = arith.constant 15 : i32
      %dma_start3A_552 = arith.constant 0 : i32
      %dma_start3A_553 = tpu.memref_slice %arg8[%dma_start3A_551, %dma_start3A_552] : memref<16x128xi32, #tpu.memory_space<vmem>> -> memref<1x128xi32, #tpu.memory_space<vmem>>
      %dma_start3A_554 = tpu.memref_squeeze %dma_start3A_553 : memref<1x128xi32, #tpu.memory_space<vmem>> -> memref<128xi32, #tpu.memory_space<vmem>>
      %dma_start3A_555 = arith.constant 0 : i32
      %dma_start3A_556 = arith.constant 0 : i32
      %dma_start3A_557 = tpu.memref_slice %arg2[%dma_start3A_555, %dma_start3A_556] : memref<10000x128xf32, #tpu.memory_space<hbm>> -> memref<10000x128xf32, #tpu.memory_space<hbm>>
      tpu.enqueue_indirect_dma source(%dma_start3A_557 : memref<10000x128xf32, #tpu.memory_space<hbm>>) target(%arg11 : memref<128x128xf32, #tpu.memory_space<vmem>>) offsets(%dma_start3A_554 : memref<128xi32, #tpu.memory_space<vmem>>) semaphore(%arg12 : memref<!tpu.dma_semaphore, #tpu.memory_space<semaphore_mem>>)
      %dma_wait3A_558 = arith.constant 0 : i32
      %dma_wait3A_559 = arith.constant 0 : i32
      %dma_wait3A_560 = tpu.memref_slice %arg2[%dma_wait3A_558, %dma_wait3A_559] : memref<10000x128xf32, #tpu.memory_space<hbm>> -> memref<128x128xf32, #tpu.memory_space<hbm>>
      %dma_wait3A_561 = arith.constant 0 : i32
      %dma_wait3A_562 = arith.constant 0 : i32
      %dma_wait3A_563 = tpu.memref_slice %arg2[%dma_wait3A_561, %dma_wait3A_562] : memref<10000x128xf32, #tpu.memory_space<hbm>> -> memref<128x128xf32, #tpu.memory_space<hbm>>
      tpu.wait_dma2 semaphore(%arg12 : memref<!tpu.dma_semaphore, #tpu.memory_space<semaphore_mem>>) src(%dma_wait3A_563 : memref<128x128xf32, #tpu.memory_space<hbm>>) dst(%arg11 : memref<128x128xf32, #tpu.memory_space<vmem>>)
      %dma_start3A_564 = arith.constant 15 : i32
      %dma_start3A_565 = arith.constant 0 : i32
      %dma_start3A_566 = tpu.memref_slice %arg9[%dma_start3A_564, %dma_start3A_565] : memref<16x128xi32, #tpu.memory_space<vmem>> -> memref<1x128xi32, #tpu.memory_space<vmem>>
      %dma_start3A_567 = tpu.memref_squeeze %dma_start3A_566 : memref<1x128xi32, #tpu.memory_space<vmem>> -> memref<128xi32, #tpu.memory_space<vmem>>
      %dma_start3A_568 = arith.constant 0 : i32
      %dma_start3A_569 = arith.constant 0 : i32
      %dma_start3A_570 = tpu.memref_slice %arg7[%dma_start3A_568, %dma_start3A_569] : memref<10240x128xf32, #tpu.memory_space<vmem_shared>> -> memref<10240x128xf32, #tpu.memory_space<vmem_shared>>
      tpu.enqueue_indirect_dma source(%arg11 : memref<128x128xf32, #tpu.memory_space<vmem>>) target(%dma_start3A_570 : memref<10240x128xf32, #tpu.memory_space<vmem_shared>>) offsets(%dma_start3A_567 : memref<128xi32, #tpu.memory_space<vmem>>) semaphore(%arg13 : memref<!tpu.dma_semaphore, #tpu.memory_space<semaphore_mem>>) {add = true}
      %dma_wait3A_571 = arith.constant 0 : i32
      %dma_wait3A_572 = arith.constant 0 : i32
      %dma_wait3A_573 = tpu.memref_slice %arg2[%dma_wait3A_571, %dma_wait3A_572] : memref<10000x128xf32, #tpu.memory_space<hbm>> -> memref<128x128xf32, #tpu.memory_space<hbm>>
      %dma_wait3A_574 = arith.constant 0 : i32
      %dma_wait3A_575 = arith.constant 0 : i32
      %dma_wait3A_576 = tpu.memref_slice %arg2[%dma_wait3A_574, %dma_wait3A_575] : memref<10000x128xf32, #tpu.memory_space<hbm>> -> memref<128x128xf32, #tpu.memory_space<hbm>>
      tpu.wait_dma2 semaphore(%arg13 : memref<!tpu.dma_semaphore, #tpu.memory_space<semaphore_mem>>) src(%dma_wait3A_576 : memref<128x128xf32, #tpu.memory_space<hbm>>) dst(%arg10 : memref<128x128xf32, #tpu.memory_space<vmem>>)
      %dma_wait3A_577 = arith.constant 0 : i32
      %dma_wait3A_578 = arith.constant 0 : i32
      %dma_wait3A_579 = tpu.memref_slice %arg2[%dma_wait3A_577, %dma_wait3A_578] : memref<10000x128xf32, #tpu.memory_space<hbm>> -> memref<128x128xf32, #tpu.memory_space<hbm>>
      %dma_wait3A_580 = arith.constant 0 : i32
      %dma_wait3A_581 = arith.constant 0 : i32
      %dma_wait3A_582 = tpu.memref_slice %arg2[%dma_wait3A_580, %dma_wait3A_581] : memref<10000x128xf32, #tpu.memory_space<hbm>> -> memref<128x128xf32, #tpu.memory_space<hbm>>
      tpu.wait_dma2 semaphore(%arg13 : memref<!tpu.dma_semaphore, #tpu.memory_space<semaphore_mem>>) src(%dma_wait3A_582 : memref<128x128xf32, #tpu.memory_space<hbm>>) dst(%arg11 : memref<128x128xf32, #tpu.memory_space<vmem>>)
      %lt3A = arith.constant 4 : i32
      %lt3A_583 = arith.cmpi slt, %scan3A_173, %lt3A : i32
      %convert_element_type3A = arith.extui %lt3A_583 : i1 to i32
      %cond3A = arith.constant 0 : i32
      %cond3A_584 = arith.cmpi ne, %convert_element_type3A, %cond3A : i32
      scf.if %cond3A_584 {
        %add3A_585 = arith.constant 1 : i32
        %add3A_586 = arith.addi %scan3A_173, %add3A_585 : i32
        %mul3A_587 = arith.constant 16 : i32
        %mul3A_588 = arith.muli %add3A_586, %mul3A_587 : i32
        %add3A_589 = arith.addi %mul3A_2, %mul3A_588 : i32
        %add3A_590 = arith.constant 0 : i32
        %add3A_591 = arith.addi %add3A_590, %add3A_589 : i32
        "tpu.region"() ({
          %run_scoped3A = tpu.sem_alloc : memref<!tpu.dma_semaphore, #tpu.memory_space<semaphore_mem>>
          %dma_start3A_599 = arith.constant 0 : i32
          %dma_start3A_600 = tpu.memref_slice %arg3[%add3A_591, %dma_start3A_599] : memref<2560x128xi32, #tpu.memory_space<hbm>> -> memref<16x128xi32, #tpu.memory_space<hbm>>
          %dma_start3A_601 = arith.constant 0 : i32
          %dma_start3A_602 = tpu.memref_slice %arg3[%add3A_591, %dma_start3A_601] : memref<2560x128xi32, #tpu.memory_space<hbm>> -> memref<16x128xi32, #tpu.memory_space<hbm>>
          tpu.enqueue_dma source(%dma_start3A_602 : memref<16x128xi32, #tpu.memory_space<hbm>>) target(%arg8 : memref<16x128xi32, #tpu.memory_space<vmem>>) target_semaphore(%run_scoped3A : memref<!tpu.dma_semaphore, #tpu.memory_space<semaphore_mem>>)
          %dma_wait3A_603 = arith.constant 0 : i32
          %dma_wait3A_604 = tpu.memref_slice %arg3[%add3A_591, %dma_wait3A_603] : memref<2560x128xi32, #tpu.memory_space<hbm>> -> memref<16x128xi32, #tpu.memory_space<hbm>>
          %dma_wait3A_605 = arith.constant 0 : i32
          %dma_wait3A_606 = tpu.memref_slice %arg3[%add3A_591, %dma_wait3A_605] : memref<2560x128xi32, #tpu.memory_space<hbm>> -> memref<16x128xi32, #tpu.memory_space<hbm>>
          tpu.wait_dma2 semaphore(%run_scoped3A : memref<!tpu.dma_semaphore, #tpu.memory_space<semaphore_mem>>) src(%dma_wait3A_606 : memref<16x128xi32, #tpu.memory_space<hbm>>) dst(%arg8 : memref<16x128xi32, #tpu.memory_space<vmem>>)
          tpu.yield
        }) : () -> ()
        "tpu.region"() ({
          %run_scoped3A = tpu.sem_alloc : memref<!tpu.dma_semaphore, #tpu.memory_space<semaphore_mem>>
          %dma_start3A_599 = arith.constant 0 : i32
          %dma_start3A_600 = tpu.memref_slice %arg4[%add3A_589, %dma_start3A_599] : memref<2560x128xi32, #tpu.memory_space<hbm>> -> memref<16x128xi32, #tpu.memory_space<hbm>>
          %dma_start3A_601 = arith.constant 0 : i32
          %dma_start3A_602 = tpu.memref_slice %arg4[%add3A_589, %dma_start3A_601] : memref<2560x128xi32, #tpu.memory_space<hbm>> -> memref<16x128xi32, #tpu.memory_space<hbm>>
          tpu.enqueue_dma source(%dma_start3A_602 : memref<16x128xi32, #tpu.memory_space<hbm>>) target(%arg9 : memref<16x128xi32, #tpu.memory_space<vmem>>) target_semaphore(%run_scoped3A : memref<!tpu.dma_semaphore, #tpu.memory_space<semaphore_mem>>)
          %dma_wait3A_603 = arith.constant 0 : i32
          %dma_wait3A_604 = tpu.memref_slice %arg4[%add3A_589, %dma_wait3A_603] : memref<2560x128xi32, #tpu.memory_space<hbm>> -> memref<16x128xi32, #tpu.memory_space<hbm>>
          %dma_wait3A_605 = arith.constant 0 : i32
          %dma_wait3A_606 = tpu.memref_slice %arg4[%add3A_589, %dma_wait3A_605] : memref<2560x128xi32, #tpu.memory_space<hbm>> -> memref<16x128xi32, #tpu.memory_space<hbm>>
          tpu.wait_dma2 semaphore(%run_scoped3A : memref<!tpu.dma_semaphore, #tpu.memory_space<semaphore_mem>>) src(%dma_wait3A_606 : memref<16x128xi32, #tpu.memory_space<hbm>>) dst(%arg9 : memref<16x128xi32, #tpu.memory_space<vmem>>)
          tpu.yield
        }) : () -> ()
        %dma_start3A_592 = arith.constant 0 : i32
        %dma_start3A_593 = arith.constant 0 : i32
        %dma_start3A_594 = tpu.memref_slice %arg8[%dma_start3A_592, %dma_start3A_593] : memref<16x128xi32, #tpu.memory_space<vmem>> -> memref<1x128xi32, #tpu.memory_space<vmem>>
        %dma_start3A_595 = tpu.memref_squeeze %dma_start3A_594 : memref<1x128xi32, #tpu.memory_space<vmem>> -> memref<128xi32, #tpu.memory_space<vmem>>
        %dma_start3A_596 = arith.constant 0 : i32
        %dma_start3A_597 = arith.constant 0 : i32
        %dma_start3A_598 = tpu.memref_slice %arg2[%dma_start3A_596, %dma_start3A_597] : memref<10000x128xf32, #tpu.memory_space<hbm>> -> memref<10000x128xf32, #tpu.memory_space<hbm>>
        tpu.enqueue_indirect_dma source(%dma_start3A_598 : memref<10000x128xf32, #tpu.memory_space<hbm>>) target(%arg10 : memref<128x128xf32, #tpu.memory_space<vmem>>) offsets(%dma_start3A_595 : memref<128xi32, #tpu.memory_space<vmem>>) semaphore(%arg12 : memref<!tpu.dma_semaphore, #tpu.memory_space<semaphore_mem>>)
      } else {
      }
    }
    %scan3A_86 = arith.constant 5 : i32
    %barrier3A_87 = arith.constant 0 : index
    tpu.barrier barrier_id(%barrier3A_87)
    %mul3A_88 = arith.constant 640 : i32
    %mul3A_89 = arith.muli %arg1, %mul3A_88 : i32
    %add3A_90 = arith.constant 0 : i32
    %add3A_91 = arith.addi %mul3A_89, %add3A_90 : i32
    "tpu.region"() ({
      %run_scoped3A = tpu.sem_alloc : memref<!tpu.dma_semaphore, #tpu.memory_space<semaphore_mem>>
      %dma_start3A_173 = arith.constant 0 : i32
      %dma_start3A_174 = tpu.memref_slice %arg7[%add3A_91, %dma_start3A_173] : memref<10240x128xf32, #tpu.memory_space<vmem_shared>> -> memref<128x128xf32, #tpu.memory_space<vmem_shared>>
      %dma_start3A_175 = arith.constant 0 : i32
      %dma_start3A_176 = tpu.memref_slice %arg7[%add3A_91, %dma_start3A_175] : memref<10240x128xf32, #tpu.memory_space<vmem_shared>> -> memref<128x128xf32, #tpu.memory_space<vmem_shared>>
      tpu.enqueue_dma source(%dma_start3A_176 : memref<128x128xf32, #tpu.memory_space<vmem_shared>>) target(%arg10 : memref<128x128xf32, #tpu.memory_space<vmem>>) target_semaphore(%run_scoped3A : memref<!tpu.dma_semaphore, #tpu.memory_space<semaphore_mem>>)
      %dma_wait3A_177 = arith.constant 0 : i32
      %dma_wait3A_178 = tpu.memref_slice %arg7[%add3A_91, %dma_wait3A_177] : memref<10240x128xf32, #tpu.memory_space<vmem_shared>> -> memref<128x128xf32, #tpu.memory_space<vmem_shared>>
      %dma_wait3A_179 = arith.constant 0 : i32
      %dma_wait3A_180 = tpu.memref_slice %arg7[%add3A_91, %dma_wait3A_179] : memref<10240x128xf32, #tpu.memory_space<vmem_shared>> -> memref<128x128xf32, #tpu.memory_space<vmem_shared>>
      tpu.wait_dma2 semaphore(%run_scoped3A : memref<!tpu.dma_semaphore, #tpu.memory_space<semaphore_mem>>) src(%dma_wait3A_180 : memref<128x128xf32, #tpu.memory_space<vmem_shared>>) dst(%arg10 : memref<128x128xf32, #tpu.memory_space<vmem>>)
      tpu.yield
    }) : () -> ()
    %mul3A_92 = arith.constant 10240 : i32
    %mul3A_93 = arith.muli %arg0, %mul3A_92 : i32
    %add3A_94 = arith.addi %mul3A_93, %add3A_91 : i32
    %dma_start3A_95 = arith.constant 0 : i32
    %dma_start3A_96 = tpu.memref_slice %arg6[%add3A_94, %dma_start3A_95] : memref<20480x128xf32, #tpu.memory_space<hbm>> -> memref<128x128xf32, #tpu.memory_space<hbm>>
    %dma_start3A_97 = arith.constant 0 : i32
    %dma_start3A_98 = tpu.memref_slice %arg6[%add3A_94, %dma_start3A_97] : memref<20480x128xf32, #tpu.memory_space<hbm>> -> memref<128x128xf32, #tpu.memory_space<hbm>>
    tpu.enqueue_dma source(%arg10 : memref<128x128xf32, #tpu.memory_space<vmem>>) target(%dma_start3A_98 : memref<128x128xf32, #tpu.memory_space<hbm>>) target_semaphore(%arg12 : memref<!tpu.dma_semaphore, #tpu.memory_space<semaphore_mem>>)
    %mul3A_99 = arith.constant 640 : i32
    %mul3A_100 = arith.muli %arg1, %mul3A_99 : i32
    %add3A_101 = arith.constant 128 : i32
    %add3A_102 = arith.addi %mul3A_100, %add3A_101 : i32
    "tpu.region"() ({
      %run_scoped3A = tpu.sem_alloc : memref<!tpu.dma_semaphore, #tpu.memory_space<semaphore_mem>>
      %dma_start3A_173 = arith.constant 0 : i32
      %dma_start3A_174 = tpu.memref_slice %arg7[%add3A_102, %dma_start3A_173] : memref<10240x128xf32, #tpu.memory_space<vmem_shared>> -> memref<128x128xf32, #tpu.memory_space<vmem_shared>>
      %dma_start3A_175 = arith.constant 0 : i32
      %dma_start3A_176 = tpu.memref_slice %arg7[%add3A_102, %dma_start3A_175] : memref<10240x128xf32, #tpu.memory_space<vmem_shared>> -> memref<128x128xf32, #tpu.memory_space<vmem_shared>>
      tpu.enqueue_dma source(%dma_start3A_176 : memref<128x128xf32, #tpu.memory_space<vmem_shared>>) target(%arg11 : memref<128x128xf32, #tpu.memory_space<vmem>>) target_semaphore(%run_scoped3A : memref<!tpu.dma_semaphore, #tpu.memory_space<semaphore_mem>>)
      %dma_wait3A_177 = arith.constant 0 : i32
      %dma_wait3A_178 = tpu.memref_slice %arg7[%add3A_102, %dma_wait3A_177] : memref<10240x128xf32, #tpu.memory_space<vmem_shared>> -> memref<128x128xf32, #tpu.memory_space<vmem_shared>>
      %dma_wait3A_179 = arith.constant 0 : i32
      %dma_wait3A_180 = tpu.memref_slice %arg7[%add3A_102, %dma_wait3A_179] : memref<10240x128xf32, #tpu.memory_space<vmem_shared>> -> memref<128x128xf32, #tpu.memory_space<vmem_shared>>
      tpu.wait_dma2 semaphore(%run_scoped3A : memref<!tpu.dma_semaphore, #tpu.memory_space<semaphore_mem>>) src(%dma_wait3A_180 : memref<128x128xf32, #tpu.memory_space<vmem_shared>>) dst(%arg11 : memref<128x128xf32, #tpu.memory_space<vmem>>)
      tpu.yield
    }) : () -> ()
    %mul3A_103 = arith.constant 10240 : i32
    %mul3A_104 = arith.muli %arg0, %mul3A_103 : i32
    %add3A_105 = arith.addi %mul3A_104, %add3A_102 : i32
    %dma_start3A_106 = arith.constant 0 : i32
    %dma_start3A_107 = tpu.memref_slice %arg6[%add3A_105, %dma_start3A_106] : memref<20480x128xf32, #tpu.memory_space<hbm>> -> memref<128x128xf32, #tpu.memory_space<hbm>>
    %dma_start3A_108 = arith.constant 0 : i32
    %dma_start3A_109 = tpu.memref_slice %arg6[%add3A_105, %dma_start3A_108] : memref<20480x128xf32, #tpu.memory_space<hbm>> -> memref<128x128xf32, #tpu.memory_space<hbm>>
    tpu.enqueue_dma source(%arg11 : memref<128x128xf32, #tpu.memory_space<vmem>>) target(%dma_start3A_109 : memref<128x128xf32, #tpu.memory_space<hbm>>) target_semaphore(%arg12 : memref<!tpu.dma_semaphore, #tpu.memory_space<semaphore_mem>>)
    %dma_wait3A_110 = arith.constant 0 : i32
    %dma_wait3A_111 = arith.constant 0 : i32
    %dma_wait3A_112 = tpu.memref_slice %arg2[%dma_wait3A_110, %dma_wait3A_111] : memref<10000x128xf32, #tpu.memory_space<hbm>> -> memref<128x128xf32, #tpu.memory_space<hbm>>
    %dma_wait3A_113 = arith.constant 0 : i32
    %dma_wait3A_114 = arith.constant 0 : i32
    %dma_wait3A_115 = tpu.memref_slice %arg2[%dma_wait3A_113, %dma_wait3A_114] : memref<10000x128xf32, #tpu.memory_space<hbm>> -> memref<128x128xf32, #tpu.memory_space<hbm>>
    tpu.wait_dma2 semaphore(%arg12 : memref<!tpu.dma_semaphore, #tpu.memory_space<semaphore_mem>>) src(%dma_wait3A_115 : memref<128x128xf32, #tpu.memory_space<hbm>>) dst(%arg10 : memref<128x128xf32, #tpu.memory_space<vmem>>)
    %mul3A_116 = arith.constant 640 : i32
    %mul3A_117 = arith.muli %arg1, %mul3A_116 : i32
    %add3A_118 = arith.constant 256 : i32
    %add3A_119 = arith.addi %mul3A_117, %add3A_118 : i32
    "tpu.region"() ({
      %run_scoped3A = tpu.sem_alloc : memref<!tpu.dma_semaphore, #tpu.memory_space<semaphore_mem>>
      %dma_start3A_173 = arith.constant 0 : i32
      %dma_start3A_174 = tpu.memref_slice %arg7[%add3A_119, %dma_start3A_173] : memref<10240x128xf32, #tpu.memory_space<vmem_shared>> -> memref<128x128xf32, #tpu.memory_space<vmem_shared>>
      %dma_start3A_175 = arith.constant 0 : i32
      %dma_start3A_176 = tpu.memref_slice %arg7[%add3A_119, %dma_start3A_175] : memref<10240x128xf32, #tpu.memory_space<vmem_shared>> -> memref<128x128xf32, #tpu.memory_space<vmem_shared>>
      tpu.enqueue_dma source(%dma_start3A_176 : memref<128x128xf32, #tpu.memory_space<vmem_shared>>) target(%arg10 : memref<128x128xf32, #tpu.memory_space<vmem>>) target_semaphore(%run_scoped3A : memref<!tpu.dma_semaphore, #tpu.memory_space<semaphore_mem>>)
      %dma_wait3A_177 = arith.constant 0 : i32
      %dma_wait3A_178 = tpu.memref_slice %arg7[%add3A_119, %dma_wait3A_177] : memref<10240x128xf32, #tpu.memory_space<vmem_shared>> -> memref<128x128xf32, #tpu.memory_space<vmem_shared>>
      %dma_wait3A_179 = arith.constant 0 : i32
      %dma_wait3A_180 = tpu.memref_slice %arg7[%add3A_119, %dma_wait3A_179] : memref<10240x128xf32, #tpu.memory_space<vmem_shared>> -> memref<128x128xf32, #tpu.memory_space<vmem_shared>>
      tpu.wait_dma2 semaphore(%run_scoped3A : memref<!tpu.dma_semaphore, #tpu.memory_space<semaphore_mem>>) src(%dma_wait3A_180 : memref<128x128xf32, #tpu.memory_space<vmem_shared>>) dst(%arg10 : memref<128x128xf32, #tpu.memory_space<vmem>>)
      tpu.yield
    }) : () -> ()
    %mul3A_120 = arith.constant 10240 : i32
    %mul3A_121 = arith.muli %arg0, %mul3A_120 : i32
    %add3A_122 = arith.addi %mul3A_121, %add3A_119 : i32
    %dma_start3A_123 = arith.constant 0 : i32
    %dma_start3A_124 = tpu.memref_slice %arg6[%add3A_122, %dma_start3A_123] : memref<20480x128xf32, #tpu.memory_space<hbm>> -> memref<128x128xf32, #tpu.memory_space<hbm>>
    %dma_start3A_125 = arith.constant 0 : i32
    %dma_start3A_126 = tpu.memref_slice %arg6[%add3A_122, %dma_start3A_125] : memref<20480x128xf32, #tpu.memory_space<hbm>> -> memref<128x128xf32, #tpu.memory_space<hbm>>
    tpu.enqueue_dma source(%arg10 : memref<128x128xf32, #tpu.memory_space<vmem>>) target(%dma_start3A_126 : memref<128x128xf32, #tpu.memory_space<hbm>>) target_semaphore(%arg12 : memref<!tpu.dma_semaphore, #tpu.memory_space<semaphore_mem>>)
    %dma_wait3A_127 = arith.constant 0 : i32
    %dma_wait3A_128 = arith.constant 0 : i32
    %dma_wait3A_129 = tpu.memref_slice %arg2[%dma_wait3A_127, %dma_wait3A_128] : memref<10000x128xf32, #tpu.memory_space<hbm>> -> memref<128x128xf32, #tpu.memory_space<hbm>>
    %dma_wait3A_130 = arith.constant 0 : i32
    %dma_wait3A_131 = arith.constant 0 : i32
    %dma_wait3A_132 = tpu.memref_slice %arg2[%dma_wait3A_130, %dma_wait3A_131] : memref<10000x128xf32, #tpu.memory_space<hbm>> -> memref<128x128xf32, #tpu.memory_space<hbm>>
    tpu.wait_dma2 semaphore(%arg12 : memref<!tpu.dma_semaphore, #tpu.memory_space<semaphore_mem>>) src(%dma_wait3A_132 : memref<128x128xf32, #tpu.memory_space<hbm>>) dst(%arg11 : memref<128x128xf32, #tpu.memory_space<vmem>>)
    %mul3A_133 = arith.constant 640 : i32
    %mul3A_134 = arith.muli %arg1, %mul3A_133 : i32
    %add3A_135 = arith.constant 384 : i32
    %add3A_136 = arith.addi %mul3A_134, %add3A_135 : i32
    "tpu.region"() ({
      %run_scoped3A = tpu.sem_alloc : memref<!tpu.dma_semaphore, #tpu.memory_space<semaphore_mem>>
      %dma_start3A_173 = arith.constant 0 : i32
      %dma_start3A_174 = tpu.memref_slice %arg7[%add3A_136, %dma_start3A_173] : memref<10240x128xf32, #tpu.memory_space<vmem_shared>> -> memref<128x128xf32, #tpu.memory_space<vmem_shared>>
      %dma_start3A_175 = arith.constant 0 : i32
      %dma_start3A_176 = tpu.memref_slice %arg7[%add3A_136, %dma_start3A_175] : memref<10240x128xf32, #tpu.memory_space<vmem_shared>> -> memref<128x128xf32, #tpu.memory_space<vmem_shared>>
      tpu.enqueue_dma source(%dma_start3A_176 : memref<128x128xf32, #tpu.memory_space<vmem_shared>>) target(%arg11 : memref<128x128xf32, #tpu.memory_space<vmem>>) target_semaphore(%run_scoped3A : memref<!tpu.dma_semaphore, #tpu.memory_space<semaphore_mem>>)
      %dma_wait3A_177 = arith.constant 0 : i32
      %dma_wait3A_178 = tpu.memref_slice %arg7[%add3A_136, %dma_wait3A_177] : memref<10240x128xf32, #tpu.memory_space<vmem_shared>> -> memref<128x128xf32, #tpu.memory_space<vmem_shared>>
      %dma_wait3A_179 = arith.constant 0 : i32
      %dma_wait3A_180 = tpu.memref_slice %arg7[%add3A_136, %dma_wait3A_179] : memref<10240x128xf32, #tpu.memory_space<vmem_shared>> -> memref<128x128xf32, #tpu.memory_space<vmem_shared>>
      tpu.wait_dma2 semaphore(%run_scoped3A : memref<!tpu.dma_semaphore, #tpu.memory_space<semaphore_mem>>) src(%dma_wait3A_180 : memref<128x128xf32, #tpu.memory_space<vmem_shared>>) dst(%arg11 : memref<128x128xf32, #tpu.memory_space<vmem>>)
      tpu.yield
    }) : () -> ()
    %mul3A_137 = arith.constant 10240 : i32
    %mul3A_138 = arith.muli %arg0, %mul3A_137 : i32
    %add3A_139 = arith.addi %mul3A_138, %add3A_136 : i32
    %dma_start3A_140 = arith.constant 0 : i32
    %dma_start3A_141 = tpu.memref_slice %arg6[%add3A_139, %dma_start3A_140] : memref<20480x128xf32, #tpu.memory_space<hbm>> -> memref<128x128xf32, #tpu.memory_space<hbm>>
    %dma_start3A_142 = arith.constant 0 : i32
    %dma_start3A_143 = tpu.memref_slice %arg6[%add3A_139, %dma_start3A_142] : memref<20480x128xf32, #tpu.memory_space<hbm>> -> memref<128x128xf32, #tpu.memory_space<hbm>>
    tpu.enqueue_dma source(%arg11 : memref<128x128xf32, #tpu.memory_space<vmem>>) target(%dma_start3A_143 : memref<128x128xf32, #tpu.memory_space<hbm>>) target_semaphore(%arg12 : memref<!tpu.dma_semaphore, #tpu.memory_space<semaphore_mem>>)
    %dma_wait3A_144 = arith.constant 0 : i32
    %dma_wait3A_145 = arith.constant 0 : i32
    %dma_wait3A_146 = tpu.memref_slice %arg2[%dma_wait3A_144, %dma_wait3A_145] : memref<10000x128xf32, #tpu.memory_space<hbm>> -> memref<128x128xf32, #tpu.memory_space<hbm>>
    %dma_wait3A_147 = arith.constant 0 : i32
    %dma_wait3A_148 = arith.constant 0 : i32
    %dma_wait3A_149 = tpu.memref_slice %arg2[%dma_wait3A_147, %dma_wait3A_148] : memref<10000x128xf32, #tpu.memory_space<hbm>> -> memref<128x128xf32, #tpu.memory_space<hbm>>
    tpu.wait_dma2 semaphore(%arg12 : memref<!tpu.dma_semaphore, #tpu.memory_space<semaphore_mem>>) src(%dma_wait3A_149 : memref<128x128xf32, #tpu.memory_space<hbm>>) dst(%arg10 : memref<128x128xf32, #tpu.memory_space<vmem>>)
    %mul3A_150 = arith.constant 640 : i32
    %mul3A_151 = arith.muli %arg1, %mul3A_150 : i32
    %add3A_152 = arith.constant 512 : i32
    %add3A_153 = arith.addi %mul3A_151, %add3A_152 : i32
    "tpu.region"() ({
      %run_scoped3A = tpu.sem_alloc : memref<!tpu.dma_semaphore, #tpu.memory_space<semaphore_mem>>
      %dma_start3A_173 = arith.constant 0 : i32
      %dma_start3A_174 = tpu.memref_slice %arg7[%add3A_153, %dma_start3A_173] : memref<10240x128xf32, #tpu.memory_space<vmem_shared>> -> memref<128x128xf32, #tpu.memory_space<vmem_shared>>
      %dma_start3A_175 = arith.constant 0 : i32
      %dma_start3A_176 = tpu.memref_slice %arg7[%add3A_153, %dma_start3A_175] : memref<10240x128xf32, #tpu.memory_space<vmem_shared>> -> memref<128x128xf32, #tpu.memory_space<vmem_shared>>
      tpu.enqueue_dma source(%dma_start3A_176 : memref<128x128xf32, #tpu.memory_space<vmem_shared>>) target(%arg10 : memref<128x128xf32, #tpu.memory_space<vmem>>) target_semaphore(%run_scoped3A : memref<!tpu.dma_semaphore, #tpu.memory_space<semaphore_mem>>)
      %dma_wait3A_177 = arith.constant 0 : i32
      %dma_wait3A_178 = tpu.memref_slice %arg7[%add3A_153, %dma_wait3A_177] : memref<10240x128xf32, #tpu.memory_space<vmem_shared>> -> memref<128x128xf32, #tpu.memory_space<vmem_shared>>
      %dma_wait3A_179 = arith.constant 0 : i32
      %dma_wait3A_180 = tpu.memref_slice %arg7[%add3A_153, %dma_wait3A_179] : memref<10240x128xf32, #tpu.memory_space<vmem_shared>> -> memref<128x128xf32, #tpu.memory_space<vmem_shared>>
      tpu.wait_dma2 semaphore(%run_scoped3A : memref<!tpu.dma_semaphore, #tpu.memory_space<semaphore_mem>>) src(%dma_wait3A_180 : memref<128x128xf32, #tpu.memory_space<vmem_shared>>) dst(%arg10 : memref<128x128xf32, #tpu.memory_space<vmem>>)
      tpu.yield
    }) : () -> ()
    %mul3A_154 = arith.constant 10240 : i32
    %mul3A_155 = arith.muli %arg0, %mul3A_154 : i32
    %add3A_156 = arith.addi %mul3A_155, %add3A_153 : i32
    %dma_start3A_157 = arith.constant 0 : i32
    %dma_start3A_158 = tpu.memref_slice %arg6[%add3A_156, %dma_start3A_157] : memref<20480x128xf32, #tpu.memory_space<hbm>> -> memref<128x128xf32, #tpu.memory_space<hbm>>
    %dma_start3A_159 = arith.constant 0 : i32
    %dma_start3A_160 = tpu.memref_slice %arg6[%add3A_156, %dma_start3A_159] : memref<20480x128xf32, #tpu.memory_space<hbm>> -> memref<128x128xf32, #tpu.memory_space<hbm>>
    tpu.enqueue_dma source(%arg10 : memref<128x128xf32, #tpu.memory_space<vmem>>) target(%dma_start3A_160 : memref<128x128xf32, #tpu.memory_space<hbm>>) target_semaphore(%arg12 : memref<!tpu.dma_semaphore, #tpu.memory_space<semaphore_mem>>)
    %dma_wait3A_161 = arith.constant 0 : i32
    %dma_wait3A_162 = arith.constant 0 : i32
    %dma_wait3A_163 = tpu.memref_slice %arg2[%dma_wait3A_161, %dma_wait3A_162] : memref<10000x128xf32, #tpu.memory_space<hbm>> -> memref<128x128xf32, #tpu.memory_space<hbm>>
    %dma_wait3A_164 = arith.constant 0 : i32
    %dma_wait3A_165 = arith.constant 0 : i32
    %dma_wait3A_166 = tpu.memref_slice %arg2[%dma_wait3A_164, %dma_wait3A_165] : memref<10000x128xf32, #tpu.memory_space<hbm>> -> memref<128x128xf32, #tpu.memory_space<hbm>>
    tpu.wait_dma2 semaphore(%arg12 : memref<!tpu.dma_semaphore, #tpu.memory_space<semaphore_mem>>) src(%dma_wait3A_166 : memref<128x128xf32, #tpu.memory_space<hbm>>) dst(%arg10 : memref<128x128xf32, #tpu.memory_space<vmem>>)
    %dma_wait3A_167 = arith.constant 0 : i32
    %dma_wait3A_168 = arith.constant 0 : i32
    %dma_wait3A_169 = tpu.memref_slice %arg2[%dma_wait3A_167, %dma_wait3A_168] : memref<10000x128xf32, #tpu.memory_space<hbm>> -> memref<128x128xf32, #tpu.memory_space<hbm>>
    %dma_wait3A_170 = arith.constant 0 : i32
    %dma_wait3A_171 = arith.constant 0 : i32
    %dma_wait3A_172 = tpu.memref_slice %arg2[%dma_wait3A_170, %dma_wait3A_171] : memref<10000x128xf32, #tpu.memory_space<hbm>> -> memref<128x128xf32, #tpu.memory_space<hbm>>
    tpu.wait_dma2 semaphore(%arg12 : memref<!tpu.dma_semaphore, #tpu.memory_space<semaphore_mem>>) src(%dma_wait3A_172 : memref<128x128xf32, #tpu.memory_space<hbm>>) dst(%arg11 : memref<128x128xf32, #tpu.memory_space<vmem>>)
    return
  }
}

#map = affine_map<(d0, d1) -> (0, 0)>
module attributes {stable_mosaic.version = 14 : i64} {
  func.func @body(%arg0: i32, %arg1: i32, %arg2: memref<20480x128xf32, #tpu.memory_space<hbm>>, %arg3: memref<5120x128xi32, #tpu.memory_space<hbm>>, %arg4: memref<2560x128xi32, #tpu.memory_space<hbm>>, %arg5: memref<128x128xf32, #tpu.memory_space<hbm>>, %arg6: memref<20480x128xf32, #tpu.memory_space<hbm>>, %arg7: memref<10240x128xf32, #tpu.memory_space<vmem_shared>>, %arg8: memref<16x128xi32, #tpu.memory_space<vmem>>, %arg9: memref<16x128xi32, #tpu.memory_space<vmem>>, %arg10: memref<128x128xf32, #tpu.memory_space<vmem>>, %arg11: memref<128x128xf32, #tpu.memory_space<vmem>>, %arg12: memref<!tpu.dma_semaphore, #tpu.memory_space<semaphore_mem>>, %arg13: memref<!tpu.dma_semaphore, #tpu.memory_space<semaphore_mem>>) attributes {dimension_semantics = [#tpu.dimension_semantics<core_parallel>, #tpu.dimension_semantics<subcore_parallel>], iteration_bounds = array<i64: 2, 16>, scalar_prefetch = 0 : i64, scratch_operands = 7 : i64, tpu.core_type = #tpu.core_type<sc_vector_subcore>, window_params = [{transform_indices = #map}, {transform_indices = #map}, {transform_indices = #map}, {transform_indices = #map}, {transform_indices = #map}]} {
    %mul3A = arith.constant 160 : i32
    %mul3A_0 = arith.muli %arg1, %mul3A : i32
    %mul3A_1 = arith.constant 2560 : i32
    %mul3A_2 = arith.muli %arg0, %mul3A_1 : i32
    "tpu.region"() ({
      %run_scoped3A = tpu.sem_alloc : memref<!tpu.dma_semaphore, #tpu.memory_space<semaphore_mem>>
      tpu.enqueue_dma source(%arg5 : memref<128x128xf32, #tpu.memory_space<hbm>>) target(%arg10 : memref<128x128xf32, #tpu.memory_space<vmem>>) target_semaphore(%run_scoped3A : memref<!tpu.dma_semaphore, #tpu.memory_space<semaphore_mem>>)
      tpu.wait_dma2 semaphore(%run_scoped3A : memref<!tpu.dma_semaphore, #tpu.memory_space<semaphore_mem>>) src(%arg5 : memref<128x128xf32, #tpu.memory_space<hbm>>) dst(%arg10 : memref<128x128xf32, #tpu.memory_space<vmem>>)
      tpu.yield
    }) : () -> ()
    %mul3A_3 = arith.constant 640 : i32
    %mul3A_4 = arith.muli %arg1, %mul3A_3 : i32
    %add3A = arith.constant 0 : i32
    %add3A_5 = arith.addi %mul3A_4, %add3A : i32
    %dma_start3A = arith.constant 0 : i32
    %dma_start3A_6 = tpu.memref_slice %arg7[%add3A_5, %dma_start3A] : memref<10240x128xf32, #tpu.memory_space<vmem_shared>> -> memref<128x128xf32, #tpu.memory_space<vmem_shared>>
    %dma_start3A_7 = arith.constant 0 : i32
    %dma_start3A_8 = tpu.memref_slice %arg7[%add3A_5, %dma_start3A_7] : memref<10240x128xf32, #tpu.memory_space<vmem_shared>> -> memref<128x128xf32, #tpu.memory_space<vmem_shared>>
    tpu.enqueue_dma source(%arg10 : memref<128x128xf32, #tpu.memory_space<vmem>>) target(%dma_start3A_8 : memref<128x128xf32, #tpu.memory_space<vmem_shared>>) target_semaphore(%arg13 : memref<!tpu.dma_semaphore, #tpu.memory_space<semaphore_mem>>)
    %mul3A_9 = arith.constant 640 : i32
    %mul3A_10 = arith.muli %arg1, %mul3A_9 : i32
    %add3A_11 = arith.constant 128 : i32
    %add3A_12 = arith.addi %mul3A_10, %add3A_11 : i32
    %dma_start3A_13 = arith.constant 0 : i32
    %dma_start3A_14 = tpu.memref_slice %arg7[%add3A_12, %dma_start3A_13] : memref<10240x128xf32, #tpu.memory_space<vmem_shared>> -> memref<128x128xf32, #tpu.memory_space<vmem_shared>>
    %dma_start3A_15 = arith.constant 0 : i32
    %dma_start3A_16 = tpu.memref_slice %arg7[%add3A_12, %dma_start3A_15] : memref<10240x128xf32, #tpu.memory_space<vmem_shared>> -> memref<128x128xf32, #tpu.memory_space<vmem_shared>>
    tpu.enqueue_dma source(%arg10 : memref<128x128xf32, #tpu.memory_space<vmem>>) target(%dma_start3A_16 : memref<128x128xf32, #tpu.memory_space<vmem_shared>>) target_semaphore(%arg13 : memref<!tpu.dma_semaphore, #tpu.memory_space<semaphore_mem>>)
    %mul3A_17 = arith.constant 640 : i32
    %mul3A_18 = arith.muli %arg1, %mul3A_17 : i32
    %add3A_19 = arith.constant 256 : i32
    %add3A_20 = arith.addi %mul3A_18, %add3A_19 : i32
    %dma_start3A_21 = arith.constant 0 : i32
    %dma_start3A_22 = tpu.memref_slice %arg7[%add3A_20, %dma_start3A_21] : memref<10240x128xf32, #tpu.memory_space<vmem_shared>> -> memref<128x128xf32, #tpu.memory_space<vmem_shared>>
    %dma_start3A_23 = arith.constant 0 : i32
    %dma_start3A_24 = tpu.memref_slice %arg7[%add3A_20, %dma_start3A_23] : memref<10240x128xf32, #tpu.memory_space<vmem_shared>> -> memref<128x128xf32, #tpu.memory_space<vmem_shared>>
    tpu.enqueue_dma source(%arg10 : memref<128x128xf32, #tpu.memory_space<vmem>>) target(%dma_start3A_24 : memref<128x128xf32, #tpu.memory_space<vmem_shared>>) target_semaphore(%arg13 : memref<!tpu.dma_semaphore, #tpu.memory_space<semaphore_mem>>)
    %mul3A_25 = arith.constant 640 : i32
    %mul3A_26 = arith.muli %arg1, %mul3A_25 : i32
    %add3A_27 = arith.constant 384 : i32
    %add3A_28 = arith.addi %mul3A_26, %add3A_27 : i32
    %dma_start3A_29 = arith.constant 0 : i32
    %dma_start3A_30 = tpu.memref_slice %arg7[%add3A_28, %dma_start3A_29] : memref<10240x128xf32, #tpu.memory_space<vmem_shared>> -> memref<128x128xf32, #tpu.memory_space<vmem_shared>>
    %dma_start3A_31 = arith.constant 0 : i32
    %dma_start3A_32 = tpu.memref_slice %arg7[%add3A_28, %dma_start3A_31] : memref<10240x128xf32, #tpu.memory_space<vmem_shared>> -> memref<128x128xf32, #tpu.memory_space<vmem_shared>>
    tpu.enqueue_dma source(%arg10 : memref<128x128xf32, #tpu.memory_space<vmem>>) target(%dma_start3A_32 : memref<128x128xf32, #tpu.memory_space<vmem_shared>>) target_semaphore(%arg13 : memref<!tpu.dma_semaphore, #tpu.memory_space<semaphore_mem>>)
    %mul3A_33 = arith.constant 640 : i32
    %mul3A_34 = arith.muli %arg1, %mul3A_33 : i32
    %add3A_35 = arith.constant 512 : i32
    %add3A_36 = arith.addi %mul3A_34, %add3A_35 : i32
    %dma_start3A_37 = arith.constant 0 : i32
    %dma_start3A_38 = tpu.memref_slice %arg7[%add3A_36, %dma_start3A_37] : memref<10240x128xf32, #tpu.memory_space<vmem_shared>> -> memref<128x128xf32, #tpu.memory_space<vmem_shared>>
    %dma_start3A_39 = arith.constant 0 : i32
    %dma_start3A_40 = tpu.memref_slice %arg7[%add3A_36, %dma_start3A_39] : memref<10240x128xf32, #tpu.memory_space<vmem_shared>> -> memref<128x128xf32, #tpu.memory_space<vmem_shared>>
    tpu.enqueue_dma source(%arg10 : memref<128x128xf32, #tpu.memory_space<vmem>>) target(%dma_start3A_40 : memref<128x128xf32, #tpu.memory_space<vmem_shared>>) target_semaphore(%arg13 : memref<!tpu.dma_semaphore, #tpu.memory_space<semaphore_mem>>)
    %dma_wait3A = arith.constant 0 : i32
    %dma_wait3A_41 = arith.constant 0 : i32
    %dma_wait3A_42 = tpu.memref_slice %arg2[%dma_wait3A, %dma_wait3A_41] : memref<20480x128xf32, #tpu.memory_space<hbm>> -> memref<128x128xf32, #tpu.memory_space<hbm>>
    %dma_wait3A_43 = arith.constant 0 : i32
    %dma_wait3A_44 = arith.constant 0 : i32
    %dma_wait3A_45 = tpu.memref_slice %arg2[%dma_wait3A_43, %dma_wait3A_44] : memref<20480x128xf32, #tpu.memory_space<hbm>> -> memref<128x128xf32, #tpu.memory_space<hbm>>
    tpu.wait_dma2 semaphore(%arg13 : memref<!tpu.dma_semaphore, #tpu.memory_space<semaphore_mem>>) src(%dma_wait3A_45 : memref<128x128xf32, #tpu.memory_space<hbm>>) dst(%arg10 : memref<128x128xf32, #tpu.memory_space<vmem>>)
    %dma_wait3A_46 = arith.constant 0 : i32
    %dma_wait3A_47 = arith.constant 0 : i32
    %dma_wait3A_48 = tpu.memref_slice %arg2[%dma_wait3A_46, %dma_wait3A_47] : memref<20480x128xf32, #tpu.memory_space<hbm>> -> memref<128x128xf32, #tpu.memory_space<hbm>>
    %dma_wait3A_49 = arith.constant 0 : i32
    %dma_wait3A_50 = arith.constant 0 : i32
    %dma_wait3A_51 = tpu.memref_slice %arg2[%dma_wait3A_49, %dma_wait3A_50] : memref<20480x128xf32, #tpu.memory_space<hbm>> -> memref<128x128xf32, #tpu.memory_space<hbm>>
    tpu.wait_dma2 semaphore(%arg13 : memref<!tpu.dma_semaphore, #tpu.memory_space<semaphore_mem>>) src(%dma_wait3A_51 : memref<128x128xf32, #tpu.memory_space<hbm>>) dst(%arg10 : memref<128x128xf32, #tpu.memory_space<vmem>>)
    %dma_wait3A_52 = arith.constant 0 : i32
    %dma_wait3A_53 = arith.constant 0 : i32
    %dma_wait3A_54 = tpu.memref_slice %arg2[%dma_wait3A_52, %dma_wait3A_53] : memref<20480x128xf32, #tpu.memory_space<hbm>> -> memref<128x128xf32, #tpu.memory_space<hbm>>
    %dma_wait3A_55 = arith.constant 0 : i32
    %dma_wait3A_56 = arith.constant 0 : i32
    %dma_wait3A_57 = tpu.memref_slice %arg2[%dma_wait3A_55, %dma_wait3A_56] : memref<20480x128xf32, #tpu.memory_space<hbm>> -> memref<128x128xf32, #tpu.memory_space<hbm>>
    tpu.wait_dma2 semaphore(%arg13 : memref<!tpu.dma_semaphore, #tpu.memory_space<semaphore_mem>>) src(%dma_wait3A_57 : memref<128x128xf32, #tpu.memory_space<hbm>>) dst(%arg10 : memref<128x128xf32, #tpu.memory_space<vmem>>)
    %dma_wait3A_58 = arith.constant 0 : i32
    %dma_wait3A_59 = arith.constant 0 : i32
    %dma_wait3A_60 = tpu.memref_slice %arg2[%dma_wait3A_58, %dma_wait3A_59] : memref<20480x128xf32, #tpu.memory_space<hbm>> -> memref<128x128xf32, #tpu.memory_space<hbm>>
    %dma_wait3A_61 = arith.constant 0 : i32
    %dma_wait3A_62 = arith.constant 0 : i32
    %dma_wait3A_63 = tpu.memref_slice %arg2[%dma_wait3A_61, %dma_wait3A_62] : memref<20480x128xf32, #tpu.memory_space<hbm>> -> memref<128x128xf32, #tpu.memory_space<hbm>>
    tpu.wait_dma2 semaphore(%arg13 : memref<!tpu.dma_semaphore, #tpu.memory_space<semaphore_mem>>) src(%dma_wait3A_63 : memref<128x128xf32, #tpu.memory_space<hbm>>) dst(%arg10 : memref<128x128xf32, #tpu.memory_space<vmem>>)
    %dma_wait3A_64 = arith.constant 0 : i32
    %dma_wait3A_65 = arith.constant 0 : i32
    %dma_wait3A_66 = tpu.memref_slice %arg2[%dma_wait3A_64, %dma_wait3A_65] : memref<20480x128xf32, #tpu.memory_space<hbm>> -> memref<128x128xf32, #tpu.memory_space<hbm>>
    %dma_wait3A_67 = arith.constant 0 : i32
    %dma_wait3A_68 = arith.constant 0 : i32
    %dma_wait3A_69 = tpu.memref_slice %arg2[%dma_wait3A_67, %dma_wait3A_68] : memref<20480x128xf32, #tpu.memory_space<hbm>> -> memref<128x128xf32, #tpu.memory_space<hbm>>
    tpu.wait_dma2 semaphore(%arg13 : memref<!tpu.dma_semaphore, #tpu.memory_space<semaphore_mem>>) src(%dma_wait3A_69 : memref<128x128xf32, #tpu.memory_space<hbm>>) dst(%arg10 : memref<128x128xf32, #tpu.memory_space<vmem>>)
    %add3A_70 = arith.constant 0 : i32
    %add3A_71 = arith.addi %mul3A_0, %add3A_70 : i32
    %add3A_72 = arith.addi %mul3A_2, %add3A_71 : i32
    "tpu.region"() ({
      %run_scoped3A = tpu.sem_alloc : memref<!tpu.dma_semaphore, #tpu.memory_space<semaphore_mem>>
      %dma_start3A_171 = arith.constant 0 : i32
      %dma_start3A_172 = tpu.memref_slice %arg3[%add3A_72, %dma_start3A_171] : memref<5120x128xi32, #tpu.memory_space<hbm>> -> memref<16x128xi32, #tpu.memory_space<hbm>>
      %dma_start3A_173 = arith.constant 0 : i32
      %dma_start3A_174 = tpu.memref_slice %arg3[%add3A_72, %dma_start3A_173] : memref<5120x128xi32, #tpu.memory_space<hbm>> -> memref<16x128xi32, #tpu.memory_space<hbm>>
      tpu.enqueue_dma source(%dma_start3A_174 : memref<16x128xi32, #tpu.memory_space<hbm>>) target(%arg8 : memref<16x128xi32, #tpu.memory_space<vmem>>) target_semaphore(%run_scoped3A : memref<!tpu.dma_semaphore, #tpu.memory_space<semaphore_mem>>)
      %dma_wait3A_175 = arith.constant 0 : i32
      %dma_wait3A_176 = tpu.memref_slice %arg3[%add3A_72, %dma_wait3A_175] : memref<5120x128xi32, #tpu.memory_space<hbm>> -> memref<16x128xi32, #tpu.memory_space<hbm>>
      %dma_wait3A_177 = arith.constant 0 : i32
      %dma_wait3A_178 = tpu.memref_slice %arg3[%add3A_72, %dma_wait3A_177] : memref<5120x128xi32, #tpu.memory_space<hbm>> -> memref<16x128xi32, #tpu.memory_space<hbm>>
      tpu.wait_dma2 semaphore(%run_scoped3A : memref<!tpu.dma_semaphore, #tpu.memory_space<semaphore_mem>>) src(%dma_wait3A_178 : memref<16x128xi32, #tpu.memory_space<hbm>>) dst(%arg8 : memref<16x128xi32, #tpu.memory_space<vmem>>)
      tpu.yield
    }) : () -> ()
    "tpu.region"() ({
      %run_scoped3A = tpu.sem_alloc : memref<!tpu.dma_semaphore, #tpu.memory_space<semaphore_mem>>
      %dma_start3A_171 = arith.constant 0 : i32
      %dma_start3A_172 = tpu.memref_slice %arg4[%add3A_71, %dma_start3A_171] : memref<2560x128xi32, #tpu.memory_space<hbm>> -> memref<16x128xi32, #tpu.memory_space<hbm>>
      %dma_start3A_173 = arith.constant 0 : i32
      %dma_start3A_174 = tpu.memref_slice %arg4[%add3A_71, %dma_start3A_173] : memref<2560x128xi32, #tpu.memory_space<hbm>> -> memref<16x128xi32, #tpu.memory_space<hbm>>
      tpu.enqueue_dma source(%dma_start3A_174 : memref<16x128xi32, #tpu.memory_space<hbm>>) target(%arg9 : memref<16x128xi32, #tpu.memory_space<vmem>>) target_semaphore(%run_scoped3A : memref<!tpu.dma_semaphore, #tpu.memory_space<semaphore_mem>>)
      %dma_wait3A_175 = arith.constant 0 : i32
      %dma_wait3A_176 = tpu.memref_slice %arg4[%add3A_71, %dma_wait3A_175] : memref<2560x128xi32, #tpu.memory_space<hbm>> -> memref<16x128xi32, #tpu.memory_space<hbm>>
      %dma_wait3A_177 = arith.constant 0 : i32
      %dma_wait3A_178 = tpu.memref_slice %arg4[%add3A_71, %dma_wait3A_177] : memref<2560x128xi32, #tpu.memory_space<hbm>> -> memref<16x128xi32, #tpu.memory_space<hbm>>
      tpu.wait_dma2 semaphore(%run_scoped3A : memref<!tpu.dma_semaphore, #tpu.memory_space<semaphore_mem>>) src(%dma_wait3A_178 : memref<16x128xi32, #tpu.memory_space<hbm>>) dst(%arg9 : memref<16x128xi32, #tpu.memory_space<vmem>>)
      tpu.yield
    }) : () -> ()
    %dma_start3A_73 = arith.constant 0 : i32
    %dma_start3A_74 = arith.constant 0 : i32
    %dma_start3A_75 = tpu.memref_slice %arg8[%dma_start3A_73, %dma_start3A_74] : memref<16x128xi32, #tpu.memory_space<vmem>> -> memref<1x128xi32, #tpu.memory_space<vmem>>
    %dma_start3A_76 = tpu.memref_squeeze %dma_start3A_75 : memref<1x128xi32, #tpu.memory_space<vmem>> -> memref<128xi32, #tpu.memory_space<vmem>>
    %dma_start3A_77 = arith.constant 0 : i32
    %dma_start3A_78 = arith.constant 0 : i32
    %dma_start3A_79 = tpu.memref_slice %arg2[%dma_start3A_77, %dma_start3A_78] : memref<20480x128xf32, #tpu.memory_space<hbm>> -> memref<20480x128xf32, #tpu.memory_space<hbm>>
    tpu.enqueue_indirect_dma source(%dma_start3A_79 : memref<20480x128xf32, #tpu.memory_space<hbm>>) target(%arg10 : memref<128x128xf32, #tpu.memory_space<vmem>>) offsets(%dma_start3A_76 : memref<128xi32, #tpu.memory_space<vmem>>) semaphore(%arg12 : memref<!tpu.dma_semaphore, #tpu.memory_space<semaphore_mem>>)
    %barrier3A = arith.constant 0 : index
    tpu.barrier barrier_id(%barrier3A)
    %scan3A = arith.constant 0 : i32
    %scan3A_80 = arith.constant 0 : i32
    %scan3A_81 = arith.constant 10 : i32
    %scan3A_82 = arith.addi %scan3A_80, %scan3A_81 : i32
    %scan3A_83 = arith.constant 1 : i32
    scf.for %scan3A_171 = %scan3A_80 to %scan3A_82 step %scan3A_83  : i32 {
      %dma_wait3A_172 = arith.constant 0 : i32
      %dma_wait3A_173 = arith.constant 0 : i32
      %dma_wait3A_174 = tpu.memref_slice %arg2[%dma_wait3A_172, %dma_wait3A_173] : memref<20480x128xf32, #tpu.memory_space<hbm>> -> memref<128x128xf32, #tpu.memory_space<hbm>>
      %dma_wait3A_175 = arith.constant 0 : i32
      %dma_wait3A_176 = arith.constant 0 : i32
      %dma_wait3A_177 = tpu.memref_slice %arg2[%dma_wait3A_175, %dma_wait3A_176] : memref<20480x128xf32, #tpu.memory_space<hbm>> -> memref<128x128xf32, #tpu.memory_space<hbm>>
      tpu.wait_dma2 semaphore(%arg12 : memref<!tpu.dma_semaphore, #tpu.memory_space<semaphore_mem>>) src(%dma_wait3A_177 : memref<128x128xf32, #tpu.memory_space<hbm>>) dst(%arg10 : memref<128x128xf32, #tpu.memory_space<vmem>>)
      %dma_start3A_178 = arith.constant 0 : i32
      %dma_start3A_179 = arith.constant 0 : i32
      %dma_start3A_180 = tpu.memref_slice %arg9[%dma_start3A_178, %dma_start3A_179] : memref<16x128xi32, #tpu.memory_space<vmem>> -> memref<1x128xi32, #tpu.memory_space<vmem>>
      %dma_start3A_181 = tpu.memref_squeeze %dma_start3A_180 : memref<1x128xi32, #tpu.memory_space<vmem>> -> memref<128xi32, #tpu.memory_space<vmem>>
      %dma_start3A_182 = arith.constant 0 : i32
      %dma_start3A_183 = arith.constant 0 : i32
      %dma_start3A_184 = tpu.memref_slice %arg7[%dma_start3A_182, %dma_start3A_183] : memref<10240x128xf32, #tpu.memory_space<vmem_shared>> -> memref<10240x128xf32, #tpu.memory_space<vmem_shared>>
      tpu.enqueue_indirect_dma source(%arg10 : memref<128x128xf32, #tpu.memory_space<vmem>>) target(%dma_start3A_184 : memref<10240x128xf32, #tpu.memory_space<vmem_shared>>) offsets(%dma_start3A_181 : memref<128xi32, #tpu.memory_space<vmem>>) semaphore(%arg13 : memref<!tpu.dma_semaphore, #tpu.memory_space<semaphore_mem>>) {add = true}
      %dma_start3A_185 = arith.constant 1 : i32
      %dma_start3A_186 = arith.constant 0 : i32
      %dma_start3A_187 = tpu.memref_slice %arg8[%dma_start3A_185, %dma_start3A_186] : memref<16x128xi32, #tpu.memory_space<vmem>> -> memref<1x128xi32, #tpu.memory_space<vmem>>
      %dma_start3A_188 = tpu.memref_squeeze %dma_start3A_187 : memref<1x128xi32, #tpu.memory_space<vmem>> -> memref<128xi32, #tpu.memory_space<vmem>>
      %dma_start3A_189 = arith.constant 0 : i32
      %dma_start3A_190 = arith.constant 0 : i32
      %dma_start3A_191 = tpu.memref_slice %arg2[%dma_start3A_189, %dma_start3A_190] : memref<20480x128xf32, #tpu.memory_space<hbm>> -> memref<20480x128xf32, #tpu.memory_space<hbm>>
      tpu.enqueue_indirect_dma source(%dma_start3A_191 : memref<20480x128xf32, #tpu.memory_space<hbm>>) target(%arg11 : memref<128x128xf32, #tpu.memory_space<vmem>>) offsets(%dma_start3A_188 : memref<128xi32, #tpu.memory_space<vmem>>) semaphore(%arg12 : memref<!tpu.dma_semaphore, #tpu.memory_space<semaphore_mem>>)
      %dma_wait3A_192 = arith.constant 0 : i32
      %dma_wait3A_193 = arith.constant 0 : i32
      %dma_wait3A_194 = tpu.memref_slice %arg2[%dma_wait3A_192, %dma_wait3A_193] : memref<20480x128xf32, #tpu.memory_space<hbm>> -> memref<128x128xf32, #tpu.memory_space<hbm>>
      %dma_wait3A_195 = arith.constant 0 : i32
      %dma_wait3A_196 = arith.constant 0 : i32
      %dma_wait3A_197 = tpu.memref_slice %arg2[%dma_wait3A_195, %dma_wait3A_196] : memref<20480x128xf32, #tpu.memory_space<hbm>> -> memref<128x128xf32, #tpu.memory_space<hbm>>
      tpu.wait_dma2 semaphore(%arg12 : memref<!tpu.dma_semaphore, #tpu.memory_space<semaphore_mem>>) src(%dma_wait3A_197 : memref<128x128xf32, #tpu.memory_space<hbm>>) dst(%arg11 : memref<128x128xf32, #tpu.memory_space<vmem>>)
      %dma_start3A_198 = arith.constant 1 : i32
      %dma_start3A_199 = arith.constant 0 : i32
      %dma_start3A_200 = tpu.memref_slice %arg9[%dma_start3A_198, %dma_start3A_199] : memref<16x128xi32, #tpu.memory_space<vmem>> -> memref<1x128xi32, #tpu.memory_space<vmem>>
      %dma_start3A_201 = tpu.memref_squeeze %dma_start3A_200 : memref<1x128xi32, #tpu.memory_space<vmem>> -> memref<128xi32, #tpu.memory_space<vmem>>
      %dma_start3A_202 = arith.constant 0 : i32
      %dma_start3A_203 = arith.constant 0 : i32
      %dma_start3A_204 = tpu.memref_slice %arg7[%dma_start3A_202, %dma_start3A_203] : memref<10240x128xf32, #tpu.memory_space<vmem_shared>> -> memref<10240x128xf32, #tpu.memory_space<vmem_shared>>
      tpu.enqueue_indirect_dma source(%arg11 : memref<128x128xf32, #tpu.memory_space<vmem>>) target(%dma_start3A_204 : memref<10240x128xf32, #tpu.memory_space<vmem_shared>>) offsets(%dma_start3A_201 : memref<128xi32, #tpu.memory_space<vmem>>) semaphore(%arg13 : memref<!tpu.dma_semaphore, #tpu.memory_space<semaphore_mem>>) {add = true}
      %dma_wait3A_205 = arith.constant 0 : i32
      %dma_wait3A_206 = arith.constant 0 : i32
      %dma_wait3A_207 = tpu.memref_slice %arg2[%dma_wait3A_205, %dma_wait3A_206] : memref<20480x128xf32, #tpu.memory_space<hbm>> -> memref<128x128xf32, #tpu.memory_space<hbm>>
      %dma_wait3A_208 = arith.constant 0 : i32
      %dma_wait3A_209 = arith.constant 0 : i32
      %dma_wait3A_210 = tpu.memref_slice %arg2[%dma_wait3A_208, %dma_wait3A_209] : memref<20480x128xf32, #tpu.memory_space<hbm>> -> memref<128x128xf32, #tpu.memory_space<hbm>>
      tpu.wait_dma2 semaphore(%arg13 : memref<!tpu.dma_semaphore, #tpu.memory_space<semaphore_mem>>) src(%dma_wait3A_210 : memref<128x128xf32, #tpu.memory_space<hbm>>) dst(%arg10 : memref<128x128xf32, #tpu.memory_space<vmem>>)
      %dma_start3A_211 = arith.constant 2 : i32
      %dma_start3A_212 = arith.constant 0 : i32
      %dma_start3A_213 = tpu.memref_slice %arg8[%dma_start3A_211, %dma_start3A_212] : memref<16x128xi32, #tpu.memory_space<vmem>> -> memref<1x128xi32, #tpu.memory_space<vmem>>
      %dma_start3A_214 = tpu.memref_squeeze %dma_start3A_213 : memref<1x128xi32, #tpu.memory_space<vmem>> -> memref<128xi32, #tpu.memory_space<vmem>>
      %dma_start3A_215 = arith.constant 0 : i32
      %dma_start3A_216 = arith.constant 0 : i32
      %dma_start3A_217 = tpu.memref_slice %arg2[%dma_start3A_215, %dma_start3A_216] : memref<20480x128xf32, #tpu.memory_space<hbm>> -> memref<20480x128xf32, #tpu.memory_space<hbm>>
      tpu.enqueue_indirect_dma source(%dma_start3A_217 : memref<20480x128xf32, #tpu.memory_space<hbm>>) target(%arg10 : memref<128x128xf32, #tpu.memory_space<vmem>>) offsets(%dma_start3A_214 : memref<128xi32, #tpu.memory_space<vmem>>) semaphore(%arg12 : memref<!tpu.dma_semaphore, #tpu.memory_space<semaphore_mem>>)
      %dma_wait3A_218 = arith.constant 0 : i32
      %dma_wait3A_219 = arith.constant 0 : i32
      %dma_wait3A_220 = tpu.memref_slice %arg2[%dma_wait3A_218, %dma_wait3A_219] : memref<20480x128xf32, #tpu.memory_space<hbm>> -> memref<128x128xf32, #tpu.memory_space<hbm>>
      %dma_wait3A_221 = arith.constant 0 : i32
      %dma_wait3A_222 = arith.constant 0 : i32
      %dma_wait3A_223 = tpu.memref_slice %arg2[%dma_wait3A_221, %dma_wait3A_222] : memref<20480x128xf32, #tpu.memory_space<hbm>> -> memref<128x128xf32, #tpu.memory_space<hbm>>
      tpu.wait_dma2 semaphore(%arg12 : memref<!tpu.dma_semaphore, #tpu.memory_space<semaphore_mem>>) src(%dma_wait3A_223 : memref<128x128xf32, #tpu.memory_space<hbm>>) dst(%arg10 : memref<128x128xf32, #tpu.memory_space<vmem>>)
      %dma_start3A_224 = arith.constant 2 : i32
      %dma_start3A_225 = arith.constant 0 : i32
      %dma_start3A_226 = tpu.memref_slice %arg9[%dma_start3A_224, %dma_start3A_225] : memref<16x128xi32, #tpu.memory_space<vmem>> -> memref<1x128xi32, #tpu.memory_space<vmem>>
      %dma_start3A_227 = tpu.memref_squeeze %dma_start3A_226 : memref<1x128xi32, #tpu.memory_space<vmem>> -> memref<128xi32, #tpu.memory_space<vmem>>
      %dma_start3A_228 = arith.constant 0 : i32
      %dma_start3A_229 = arith.constant 0 : i32
      %dma_start3A_230 = tpu.memref_slice %arg7[%dma_start3A_228, %dma_start3A_229] : memref<10240x128xf32, #tpu.memory_space<vmem_shared>> -> memref<10240x128xf32, #tpu.memory_space<vmem_shared>>
      tpu.enqueue_indirect_dma source(%arg10 : memref<128x128xf32, #tpu.memory_space<vmem>>) target(%dma_start3A_230 : memref<10240x128xf32, #tpu.memory_space<vmem_shared>>) offsets(%dma_start3A_227 : memref<128xi32, #tpu.memory_space<vmem>>) semaphore(%arg13 : memref<!tpu.dma_semaphore, #tpu.memory_space<semaphore_mem>>) {add = true}
      %dma_wait3A_231 = arith.constant 0 : i32
      %dma_wait3A_232 = arith.constant 0 : i32
      %dma_wait3A_233 = tpu.memref_slice %arg2[%dma_wait3A_231, %dma_wait3A_232] : memref<20480x128xf32, #tpu.memory_space<hbm>> -> memref<128x128xf32, #tpu.memory_space<hbm>>
      %dma_wait3A_234 = arith.constant 0 : i32
      %dma_wait3A_235 = arith.constant 0 : i32
      %dma_wait3A_236 = tpu.memref_slice %arg2[%dma_wait3A_234, %dma_wait3A_235] : memref<20480x128xf32, #tpu.memory_space<hbm>> -> memref<128x128xf32, #tpu.memory_space<hbm>>
      tpu.wait_dma2 semaphore(%arg13 : memref<!tpu.dma_semaphore, #tpu.memory_space<semaphore_mem>>) src(%dma_wait3A_236 : memref<128x128xf32, #tpu.memory_space<hbm>>) dst(%arg11 : memref<128x128xf32, #tpu.memory_space<vmem>>)
      %dma_start3A_237 = arith.constant 3 : i32
      %dma_start3A_238 = arith.constant 0 : i32
      %dma_start3A_239 = tpu.memref_slice %arg8[%dma_start3A_237, %dma_start3A_238] : memref<16x128xi32, #tpu.memory_space<vmem>> -> memref<1x128xi32, #tpu.memory_space<vmem>>
      %dma_start3A_240 = tpu.memref_squeeze %dma_start3A_239 : memref<1x128xi32, #tpu.memory_space<vmem>> -> memref<128xi32, #tpu.memory_space<vmem>>
      %dma_start3A_241 = arith.constant 0 : i32
      %dma_start3A_242 = arith.constant 0 : i32
      %dma_start3A_243 = tpu.memref_slice %arg2[%dma_start3A_241, %dma_start3A_242] : memref<20480x128xf32, #tpu.memory_space<hbm>> -> memref<20480x128xf32, #tpu.memory_space<hbm>>
      tpu.enqueue_indirect_dma source(%dma_start3A_243 : memref<20480x128xf32, #tpu.memory_space<hbm>>) target(%arg11 : memref<128x128xf32, #tpu.memory_space<vmem>>) offsets(%dma_start3A_240 : memref<128xi32, #tpu.memory_space<vmem>>) semaphore(%arg12 : memref<!tpu.dma_semaphore, #tpu.memory_space<semaphore_mem>>)
      %dma_wait3A_244 = arith.constant 0 : i32
      %dma_wait3A_245 = arith.constant 0 : i32
      %dma_wait3A_246 = tpu.memref_slice %arg2[%dma_wait3A_244, %dma_wait3A_245] : memref<20480x128xf32, #tpu.memory_space<hbm>> -> memref<128x128xf32, #tpu.memory_space<hbm>>
      %dma_wait3A_247 = arith.constant 0 : i32
      %dma_wait3A_248 = arith.constant 0 : i32
      %dma_wait3A_249 = tpu.memref_slice %arg2[%dma_wait3A_247, %dma_wait3A_248] : memref<20480x128xf32, #tpu.memory_space<hbm>> -> memref<128x128xf32, #tpu.memory_space<hbm>>
      tpu.wait_dma2 semaphore(%arg12 : memref<!tpu.dma_semaphore, #tpu.memory_space<semaphore_mem>>) src(%dma_wait3A_249 : memref<128x128xf32, #tpu.memory_space<hbm>>) dst(%arg11 : memref<128x128xf32, #tpu.memory_space<vmem>>)
      %dma_start3A_250 = arith.constant 3 : i32
      %dma_start3A_251 = arith.constant 0 : i32
      %dma_start3A_252 = tpu.memref_slice %arg9[%dma_start3A_250, %dma_start3A_251] : memref<16x128xi32, #tpu.memory_space<vmem>> -> memref<1x128xi32, #tpu.memory_space<vmem>>
      %dma_start3A_253 = tpu.memref_squeeze %dma_start3A_252 : memref<1x128xi32, #tpu.memory_space<vmem>> -> memref<128xi32, #tpu.memory_space<vmem>>
      %dma_start3A_254 = arith.constant 0 : i32
      %dma_start3A_255 = arith.constant 0 : i32
      %dma_start3A_256 = tpu.memref_slice %arg7[%dma_start3A_254, %dma_start3A_255] : memref<10240x128xf32, #tpu.memory_space<vmem_shared>> -> memref<10240x128xf32, #tpu.memory_space<vmem_shared>>
      tpu.enqueue_indirect_dma source(%arg11 : memref<128x128xf32, #tpu.memory_space<vmem>>) target(%dma_start3A_256 : memref<10240x128xf32, #tpu.memory_space<vmem_shared>>) offsets(%dma_start3A_253 : memref<128xi32, #tpu.memory_space<vmem>>) semaphore(%arg13 : memref<!tpu.dma_semaphore, #tpu.memory_space<semaphore_mem>>) {add = true}
      %dma_wait3A_257 = arith.constant 0 : i32
      %dma_wait3A_258 = arith.constant 0 : i32
      %dma_wait3A_259 = tpu.memref_slice %arg2[%dma_wait3A_257, %dma_wait3A_258] : memref<20480x128xf32, #tpu.memory_space<hbm>> -> memref<128x128xf32, #tpu.memory_space<hbm>>
      %dma_wait3A_260 = arith.constant 0 : i32
      %dma_wait3A_261 = arith.constant 0 : i32
      %dma_wait3A_262 = tpu.memref_slice %arg2[%dma_wait3A_260, %dma_wait3A_261] : memref<20480x128xf32, #tpu.memory_space<hbm>> -> memref<128x128xf32, #tpu.memory_space<hbm>>
      tpu.wait_dma2 semaphore(%arg13 : memref<!tpu.dma_semaphore, #tpu.memory_space<semaphore_mem>>) src(%dma_wait3A_262 : memref<128x128xf32, #tpu.memory_space<hbm>>) dst(%arg10 : memref<128x128xf32, #tpu.memory_space<vmem>>)
      %dma_start3A_263 = arith.constant 4 : i32
      %dma_start3A_264 = arith.constant 0 : i32
      %dma_start3A_265 = tpu.memref_slice %arg8[%dma_start3A_263, %dma_start3A_264] : memref<16x128xi32, #tpu.memory_space<vmem>> -> memref<1x128xi32, #tpu.memory_space<vmem>>
      %dma_start3A_266 = tpu.memref_squeeze %dma_start3A_265 : memref<1x128xi32, #tpu.memory_space<vmem>> -> memref<128xi32, #tpu.memory_space<vmem>>
      %dma_start3A_267 = arith.constant 0 : i32
      %dma_start3A_268 = arith.constant 0 : i32
      %dma_start3A_269 = tpu.memref_slice %arg2[%dma_start3A_267, %dma_start3A_268] : memref<20480x128xf32, #tpu.memory_space<hbm>> -> memref<20480x128xf32, #tpu.memory_space<hbm>>
      tpu.enqueue_indirect_dma source(%dma_start3A_269 : memref<20480x128xf32, #tpu.memory_space<hbm>>) target(%arg10 : memref<128x128xf32, #tpu.memory_space<vmem>>) offsets(%dma_start3A_266 : memref<128xi32, #tpu.memory_space<vmem>>) semaphore(%arg12 : memref<!tpu.dma_semaphore, #tpu.memory_space<semaphore_mem>>)
      %dma_wait3A_270 = arith.constant 0 : i32
      %dma_wait3A_271 = arith.constant 0 : i32
      %dma_wait3A_272 = tpu.memref_slice %arg2[%dma_wait3A_270, %dma_wait3A_271] : memref<20480x128xf32, #tpu.memory_space<hbm>> -> memref<128x128xf32, #tpu.memory_space<hbm>>
      %dma_wait3A_273 = arith.constant 0 : i32
      %dma_wait3A_274 = arith.constant 0 : i32
      %dma_wait3A_275 = tpu.memref_slice %arg2[%dma_wait3A_273, %dma_wait3A_274] : memref<20480x128xf32, #tpu.memory_space<hbm>> -> memref<128x128xf32, #tpu.memory_space<hbm>>
      tpu.wait_dma2 semaphore(%arg12 : memref<!tpu.dma_semaphore, #tpu.memory_space<semaphore_mem>>) src(%dma_wait3A_275 : memref<128x128xf32, #tpu.memory_space<hbm>>) dst(%arg10 : memref<128x128xf32, #tpu.memory_space<vmem>>)
      %dma_start3A_276 = arith.constant 4 : i32
      %dma_start3A_277 = arith.constant 0 : i32
      %dma_start3A_278 = tpu.memref_slice %arg9[%dma_start3A_276, %dma_start3A_277] : memref<16x128xi32, #tpu.memory_space<vmem>> -> memref<1x128xi32, #tpu.memory_space<vmem>>
      %dma_start3A_279 = tpu.memref_squeeze %dma_start3A_278 : memref<1x128xi32, #tpu.memory_space<vmem>> -> memref<128xi32, #tpu.memory_space<vmem>>
      %dma_start3A_280 = arith.constant 0 : i32
      %dma_start3A_281 = arith.constant 0 : i32
      %dma_start3A_282 = tpu.memref_slice %arg7[%dma_start3A_280, %dma_start3A_281] : memref<10240x128xf32, #tpu.memory_space<vmem_shared>> -> memref<10240x128xf32, #tpu.memory_space<vmem_shared>>
      tpu.enqueue_indirect_dma source(%arg10 : memref<128x128xf32, #tpu.memory_space<vmem>>) target(%dma_start3A_282 : memref<10240x128xf32, #tpu.memory_space<vmem_shared>>) offsets(%dma_start3A_279 : memref<128xi32, #tpu.memory_space<vmem>>) semaphore(%arg13 : memref<!tpu.dma_semaphore, #tpu.memory_space<semaphore_mem>>) {add = true}
      %dma_wait3A_283 = arith.constant 0 : i32
      %dma_wait3A_284 = arith.constant 0 : i32
      %dma_wait3A_285 = tpu.memref_slice %arg2[%dma_wait3A_283, %dma_wait3A_284] : memref<20480x128xf32, #tpu.memory_space<hbm>> -> memref<128x128xf32, #tpu.memory_space<hbm>>
      %dma_wait3A_286 = arith.constant 0 : i32
      %dma_wait3A_287 = arith.constant 0 : i32
      %dma_wait3A_288 = tpu.memref_slice %arg2[%dma_wait3A_286, %dma_wait3A_287] : memref<20480x128xf32, #tpu.memory_space<hbm>> -> memref<128x128xf32, #tpu.memory_space<hbm>>
      tpu.wait_dma2 semaphore(%arg13 : memref<!tpu.dma_semaphore, #tpu.memory_space<semaphore_mem>>) src(%dma_wait3A_288 : memref<128x128xf32, #tpu.memory_space<hbm>>) dst(%arg11 : memref<128x128xf32, #tpu.memory_space<vmem>>)
      %dma_start3A_289 = arith.constant 5 : i32
      %dma_start3A_290 = arith.constant 0 : i32
      %dma_start3A_291 = tpu.memref_slice %arg8[%dma_start3A_289, %dma_start3A_290] : memref<16x128xi32, #tpu.memory_space<vmem>> -> memref<1x128xi32, #tpu.memory_space<vmem>>
      %dma_start3A_292 = tpu.memref_squeeze %dma_start3A_291 : memref<1x128xi32, #tpu.memory_space<vmem>> -> memref<128xi32, #tpu.memory_space<vmem>>
      %dma_start3A_293 = arith.constant 0 : i32
      %dma_start3A_294 = arith.constant 0 : i32
      %dma_start3A_295 = tpu.memref_slice %arg2[%dma_start3A_293, %dma_start3A_294] : memref<20480x128xf32, #tpu.memory_space<hbm>> -> memref<20480x128xf32, #tpu.memory_space<hbm>>
      tpu.enqueue_indirect_dma source(%dma_start3A_295 : memref<20480x128xf32, #tpu.memory_space<hbm>>) target(%arg11 : memref<128x128xf32, #tpu.memory_space<vmem>>) offsets(%dma_start3A_292 : memref<128xi32, #tpu.memory_space<vmem>>) semaphore(%arg12 : memref<!tpu.dma_semaphore, #tpu.memory_space<semaphore_mem>>)
      %dma_wait3A_296 = arith.constant 0 : i32
      %dma_wait3A_297 = arith.constant 0 : i32
      %dma_wait3A_298 = tpu.memref_slice %arg2[%dma_wait3A_296, %dma_wait3A_297] : memref<20480x128xf32, #tpu.memory_space<hbm>> -> memref<128x128xf32, #tpu.memory_space<hbm>>
      %dma_wait3A_299 = arith.constant 0 : i32
      %dma_wait3A_300 = arith.constant 0 : i32
      %dma_wait3A_301 = tpu.memref_slice %arg2[%dma_wait3A_299, %dma_wait3A_300] : memref<20480x128xf32, #tpu.memory_space<hbm>> -> memref<128x128xf32, #tpu.memory_space<hbm>>
      tpu.wait_dma2 semaphore(%arg12 : memref<!tpu.dma_semaphore, #tpu.memory_space<semaphore_mem>>) src(%dma_wait3A_301 : memref<128x128xf32, #tpu.memory_space<hbm>>) dst(%arg11 : memref<128x128xf32, #tpu.memory_space<vmem>>)
      %dma_start3A_302 = arith.constant 5 : i32
      %dma_start3A_303 = arith.constant 0 : i32
      %dma_start3A_304 = tpu.memref_slice %arg9[%dma_start3A_302, %dma_start3A_303] : memref<16x128xi32, #tpu.memory_space<vmem>> -> memref<1x128xi32, #tpu.memory_space<vmem>>
      %dma_start3A_305 = tpu.memref_squeeze %dma_start3A_304 : memref<1x128xi32, #tpu.memory_space<vmem>> -> memref<128xi32, #tpu.memory_space<vmem>>
      %dma_start3A_306 = arith.constant 0 : i32
      %dma_start3A_307 = arith.constant 0 : i32
      %dma_start3A_308 = tpu.memref_slice %arg7[%dma_start3A_306, %dma_start3A_307] : memref<10240x128xf32, #tpu.memory_space<vmem_shared>> -> memref<10240x128xf32, #tpu.memory_space<vmem_shared>>
      tpu.enqueue_indirect_dma source(%arg11 : memref<128x128xf32, #tpu.memory_space<vmem>>) target(%dma_start3A_308 : memref<10240x128xf32, #tpu.memory_space<vmem_shared>>) offsets(%dma_start3A_305 : memref<128xi32, #tpu.memory_space<vmem>>) semaphore(%arg13 : memref<!tpu.dma_semaphore, #tpu.memory_space<semaphore_mem>>) {add = true}
      %dma_wait3A_309 = arith.constant 0 : i32
      %dma_wait3A_310 = arith.constant 0 : i32
      %dma_wait3A_311 = tpu.memref_slice %arg2[%dma_wait3A_309, %dma_wait3A_310] : memref<20480x128xf32, #tpu.memory_space<hbm>> -> memref<128x128xf32, #tpu.memory_space<hbm>>
      %dma_wait3A_312 = arith.constant 0 : i32
      %dma_wait3A_313 = arith.constant 0 : i32
      %dma_wait3A_314 = tpu.memref_slice %arg2[%dma_wait3A_312, %dma_wait3A_313] : memref<20480x128xf32, #tpu.memory_space<hbm>> -> memref<128x128xf32, #tpu.memory_space<hbm>>
      tpu.wait_dma2 semaphore(%arg13 : memref<!tpu.dma_semaphore, #tpu.memory_space<semaphore_mem>>) src(%dma_wait3A_314 : memref<128x128xf32, #tpu.memory_space<hbm>>) dst(%arg10 : memref<128x128xf32, #tpu.memory_space<vmem>>)
      %dma_start3A_315 = arith.constant 6 : i32
      %dma_start3A_316 = arith.constant 0 : i32
      %dma_start3A_317 = tpu.memref_slice %arg8[%dma_start3A_315, %dma_start3A_316] : memref<16x128xi32, #tpu.memory_space<vmem>> -> memref<1x128xi32, #tpu.memory_space<vmem>>
      %dma_start3A_318 = tpu.memref_squeeze %dma_start3A_317 : memref<1x128xi32, #tpu.memory_space<vmem>> -> memref<128xi32, #tpu.memory_space<vmem>>
      %dma_start3A_319 = arith.constant 0 : i32
      %dma_start3A_320 = arith.constant 0 : i32
      %dma_start3A_321 = tpu.memref_slice %arg2[%dma_start3A_319, %dma_start3A_320] : memref<20480x128xf32, #tpu.memory_space<hbm>> -> memref<20480x128xf32, #tpu.memory_space<hbm>>
      tpu.enqueue_indirect_dma source(%dma_start3A_321 : memref<20480x128xf32, #tpu.memory_space<hbm>>) target(%arg10 : memref<128x128xf32, #tpu.memory_space<vmem>>) offsets(%dma_start3A_318 : memref<128xi32, #tpu.memory_space<vmem>>) semaphore(%arg12 : memref<!tpu.dma_semaphore, #tpu.memory_space<semaphore_mem>>)
      %dma_wait3A_322 = arith.constant 0 : i32
      %dma_wait3A_323 = arith.constant 0 : i32
      %dma_wait3A_324 = tpu.memref_slice %arg2[%dma_wait3A_322, %dma_wait3A_323] : memref<20480x128xf32, #tpu.memory_space<hbm>> -> memref<128x128xf32, #tpu.memory_space<hbm>>
      %dma_wait3A_325 = arith.constant 0 : i32
      %dma_wait3A_326 = arith.constant 0 : i32
      %dma_wait3A_327 = tpu.memref_slice %arg2[%dma_wait3A_325, %dma_wait3A_326] : memref<20480x128xf32, #tpu.memory_space<hbm>> -> memref<128x128xf32, #tpu.memory_space<hbm>>
      tpu.wait_dma2 semaphore(%arg12 : memref<!tpu.dma_semaphore, #tpu.memory_space<semaphore_mem>>) src(%dma_wait3A_327 : memref<128x128xf32, #tpu.memory_space<hbm>>) dst(%arg10 : memref<128x128xf32, #tpu.memory_space<vmem>>)
      %dma_start3A_328 = arith.constant 6 : i32
      %dma_start3A_329 = arith.constant 0 : i32
      %dma_start3A_330 = tpu.memref_slice %arg9[%dma_start3A_328, %dma_start3A_329] : memref<16x128xi32, #tpu.memory_space<vmem>> -> memref<1x128xi32, #tpu.memory_space<vmem>>
      %dma_start3A_331 = tpu.memref_squeeze %dma_start3A_330 : memref<1x128xi32, #tpu.memory_space<vmem>> -> memref<128xi32, #tpu.memory_space<vmem>>
      %dma_start3A_332 = arith.constant 0 : i32
      %dma_start3A_333 = arith.constant 0 : i32
      %dma_start3A_334 = tpu.memref_slice %arg7[%dma_start3A_332, %dma_start3A_333] : memref<10240x128xf32, #tpu.memory_space<vmem_shared>> -> memref<10240x128xf32, #tpu.memory_space<vmem_shared>>
      tpu.enqueue_indirect_dma source(%arg10 : memref<128x128xf32, #tpu.memory_space<vmem>>) target(%dma_start3A_334 : memref<10240x128xf32, #tpu.memory_space<vmem_shared>>) offsets(%dma_start3A_331 : memref<128xi32, #tpu.memory_space<vmem>>) semaphore(%arg13 : memref<!tpu.dma_semaphore, #tpu.memory_space<semaphore_mem>>) {add = true}
      %dma_wait3A_335 = arith.constant 0 : i32
      %dma_wait3A_336 = arith.constant 0 : i32
      %dma_wait3A_337 = tpu.memref_slice %arg2[%dma_wait3A_335, %dma_wait3A_336] : memref<20480x128xf32, #tpu.memory_space<hbm>> -> memref<128x128xf32, #tpu.memory_space<hbm>>
      %dma_wait3A_338 = arith.constant 0 : i32
      %dma_wait3A_339 = arith.constant 0 : i32
      %dma_wait3A_340 = tpu.memref_slice %arg2[%dma_wait3A_338, %dma_wait3A_339] : memref<20480x128xf32, #tpu.memory_space<hbm>> -> memref<128x128xf32, #tpu.memory_space<hbm>>
      tpu.wait_dma2 semaphore(%arg13 : memref<!tpu.dma_semaphore, #tpu.memory_space<semaphore_mem>>) src(%dma_wait3A_340 : memref<128x128xf32, #tpu.memory_space<hbm>>) dst(%arg11 : memref<128x128xf32, #tpu.memory_space<vmem>>)
      %dma_start3A_341 = arith.constant 7 : i32
      %dma_start3A_342 = arith.constant 0 : i32
      %dma_start3A_343 = tpu.memref_slice %arg8[%dma_start3A_341, %dma_start3A_342] : memref<16x128xi32, #tpu.memory_space<vmem>> -> memref<1x128xi32, #tpu.memory_space<vmem>>
      %dma_start3A_344 = tpu.memref_squeeze %dma_start3A_343 : memref<1x128xi32, #tpu.memory_space<vmem>> -> memref<128xi32, #tpu.memory_space<vmem>>
      %dma_start3A_345 = arith.constant 0 : i32
      %dma_start3A_346 = arith.constant 0 : i32
      %dma_start3A_347 = tpu.memref_slice %arg2[%dma_start3A_345, %dma_start3A_346] : memref<20480x128xf32, #tpu.memory_space<hbm>> -> memref<20480x128xf32, #tpu.memory_space<hbm>>
      tpu.enqueue_indirect_dma source(%dma_start3A_347 : memref<20480x128xf32, #tpu.memory_space<hbm>>) target(%arg11 : memref<128x128xf32, #tpu.memory_space<vmem>>) offsets(%dma_start3A_344 : memref<128xi32, #tpu.memory_space<vmem>>) semaphore(%arg12 : memref<!tpu.dma_semaphore, #tpu.memory_space<semaphore_mem>>)
      %dma_wait3A_348 = arith.constant 0 : i32
      %dma_wait3A_349 = arith.constant 0 : i32
      %dma_wait3A_350 = tpu.memref_slice %arg2[%dma_wait3A_348, %dma_wait3A_349] : memref<20480x128xf32, #tpu.memory_space<hbm>> -> memref<128x128xf32, #tpu.memory_space<hbm>>
      %dma_wait3A_351 = arith.constant 0 : i32
      %dma_wait3A_352 = arith.constant 0 : i32
      %dma_wait3A_353 = tpu.memref_slice %arg2[%dma_wait3A_351, %dma_wait3A_352] : memref<20480x128xf32, #tpu.memory_space<hbm>> -> memref<128x128xf32, #tpu.memory_space<hbm>>
      tpu.wait_dma2 semaphore(%arg12 : memref<!tpu.dma_semaphore, #tpu.memory_space<semaphore_mem>>) src(%dma_wait3A_353 : memref<128x128xf32, #tpu.memory_space<hbm>>) dst(%arg11 : memref<128x128xf32, #tpu.memory_space<vmem>>)
      %dma_start3A_354 = arith.constant 7 : i32
      %dma_start3A_355 = arith.constant 0 : i32
      %dma_start3A_356 = tpu.memref_slice %arg9[%dma_start3A_354, %dma_start3A_355] : memref<16x128xi32, #tpu.memory_space<vmem>> -> memref<1x128xi32, #tpu.memory_space<vmem>>
      %dma_start3A_357 = tpu.memref_squeeze %dma_start3A_356 : memref<1x128xi32, #tpu.memory_space<vmem>> -> memref<128xi32, #tpu.memory_space<vmem>>
      %dma_start3A_358 = arith.constant 0 : i32
      %dma_start3A_359 = arith.constant 0 : i32
      %dma_start3A_360 = tpu.memref_slice %arg7[%dma_start3A_358, %dma_start3A_359] : memref<10240x128xf32, #tpu.memory_space<vmem_shared>> -> memref<10240x128xf32, #tpu.memory_space<vmem_shared>>
      tpu.enqueue_indirect_dma source(%arg11 : memref<128x128xf32, #tpu.memory_space<vmem>>) target(%dma_start3A_360 : memref<10240x128xf32, #tpu.memory_space<vmem_shared>>) offsets(%dma_start3A_357 : memref<128xi32, #tpu.memory_space<vmem>>) semaphore(%arg13 : memref<!tpu.dma_semaphore, #tpu.memory_space<semaphore_mem>>) {add = true}
      %dma_wait3A_361 = arith.constant 0 : i32
      %dma_wait3A_362 = arith.constant 0 : i32
      %dma_wait3A_363 = tpu.memref_slice %arg2[%dma_wait3A_361, %dma_wait3A_362] : memref<20480x128xf32, #tpu.memory_space<hbm>> -> memref<128x128xf32, #tpu.memory_space<hbm>>
      %dma_wait3A_364 = arith.constant 0 : i32
      %dma_wait3A_365 = arith.constant 0 : i32
      %dma_wait3A_366 = tpu.memref_slice %arg2[%dma_wait3A_364, %dma_wait3A_365] : memref<20480x128xf32, #tpu.memory_space<hbm>> -> memref<128x128xf32, #tpu.memory_space<hbm>>
      tpu.wait_dma2 semaphore(%arg13 : memref<!tpu.dma_semaphore, #tpu.memory_space<semaphore_mem>>) src(%dma_wait3A_366 : memref<128x128xf32, #tpu.memory_space<hbm>>) dst(%arg10 : memref<128x128xf32, #tpu.memory_space<vmem>>)
      %dma_start3A_367 = arith.constant 8 : i32
      %dma_start3A_368 = arith.constant 0 : i32
      %dma_start3A_369 = tpu.memref_slice %arg8[%dma_start3A_367, %dma_start3A_368] : memref<16x128xi32, #tpu.memory_space<vmem>> -> memref<1x128xi32, #tpu.memory_space<vmem>>
      %dma_start3A_370 = tpu.memref_squeeze %dma_start3A_369 : memref<1x128xi32, #tpu.memory_space<vmem>> -> memref<128xi32, #tpu.memory_space<vmem>>
      %dma_start3A_371 = arith.constant 0 : i32
      %dma_start3A_372 = arith.constant 0 : i32
      %dma_start3A_373 = tpu.memref_slice %arg2[%dma_start3A_371, %dma_start3A_372] : memref<20480x128xf32, #tpu.memory_space<hbm>> -> memref<20480x128xf32, #tpu.memory_space<hbm>>
      tpu.enqueue_indirect_dma source(%dma_start3A_373 : memref<20480x128xf32, #tpu.memory_space<hbm>>) target(%arg10 : memref<128x128xf32, #tpu.memory_space<vmem>>) offsets(%dma_start3A_370 : memref<128xi32, #tpu.memory_space<vmem>>) semaphore(%arg12 : memref<!tpu.dma_semaphore, #tpu.memory_space<semaphore_mem>>)
      %dma_wait3A_374 = arith.constant 0 : i32
      %dma_wait3A_375 = arith.constant 0 : i32
      %dma_wait3A_376 = tpu.memref_slice %arg2[%dma_wait3A_374, %dma_wait3A_375] : memref<20480x128xf32, #tpu.memory_space<hbm>> -> memref<128x128xf32, #tpu.memory_space<hbm>>
      %dma_wait3A_377 = arith.constant 0 : i32
      %dma_wait3A_378 = arith.constant 0 : i32
      %dma_wait3A_379 = tpu.memref_slice %arg2[%dma_wait3A_377, %dma_wait3A_378] : memref<20480x128xf32, #tpu.memory_space<hbm>> -> memref<128x128xf32, #tpu.memory_space<hbm>>
      tpu.wait_dma2 semaphore(%arg12 : memref<!tpu.dma_semaphore, #tpu.memory_space<semaphore_mem>>) src(%dma_wait3A_379 : memref<128x128xf32, #tpu.memory_space<hbm>>) dst(%arg10 : memref<128x128xf32, #tpu.memory_space<vmem>>)
      %dma_start3A_380 = arith.constant 8 : i32
      %dma_start3A_381 = arith.constant 0 : i32
      %dma_start3A_382 = tpu.memref_slice %arg9[%dma_start3A_380, %dma_start3A_381] : memref<16x128xi32, #tpu.memory_space<vmem>> -> memref<1x128xi32, #tpu.memory_space<vmem>>
      %dma_start3A_383 = tpu.memref_squeeze %dma_start3A_382 : memref<1x128xi32, #tpu.memory_space<vmem>> -> memref<128xi32, #tpu.memory_space<vmem>>
      %dma_start3A_384 = arith.constant 0 : i32
      %dma_start3A_385 = arith.constant 0 : i32
      %dma_start3A_386 = tpu.memref_slice %arg7[%dma_start3A_384, %dma_start3A_385] : memref<10240x128xf32, #tpu.memory_space<vmem_shared>> -> memref<10240x128xf32, #tpu.memory_space<vmem_shared>>
      tpu.enqueue_indirect_dma source(%arg10 : memref<128x128xf32, #tpu.memory_space<vmem>>) target(%dma_start3A_386 : memref<10240x128xf32, #tpu.memory_space<vmem_shared>>) offsets(%dma_start3A_383 : memref<128xi32, #tpu.memory_space<vmem>>) semaphore(%arg13 : memref<!tpu.dma_semaphore, #tpu.memory_space<semaphore_mem>>) {add = true}
      %dma_wait3A_387 = arith.constant 0 : i32
      %dma_wait3A_388 = arith.constant 0 : i32
      %dma_wait3A_389 = tpu.memref_slice %arg2[%dma_wait3A_387, %dma_wait3A_388] : memref<20480x128xf32, #tpu.memory_space<hbm>> -> memref<128x128xf32, #tpu.memory_space<hbm>>
      %dma_wait3A_390 = arith.constant 0 : i32
      %dma_wait3A_391 = arith.constant 0 : i32
      %dma_wait3A_392 = tpu.memref_slice %arg2[%dma_wait3A_390, %dma_wait3A_391] : memref<20480x128xf32, #tpu.memory_space<hbm>> -> memref<128x128xf32, #tpu.memory_space<hbm>>
      tpu.wait_dma2 semaphore(%arg13 : memref<!tpu.dma_semaphore, #tpu.memory_space<semaphore_mem>>) src(%dma_wait3A_392 : memref<128x128xf32, #tpu.memory_space<hbm>>) dst(%arg11 : memref<128x128xf32, #tpu.memory_space<vmem>>)
      %dma_start3A_393 = arith.constant 9 : i32
      %dma_start3A_394 = arith.constant 0 : i32
      %dma_start3A_395 = tpu.memref_slice %arg8[%dma_start3A_393, %dma_start3A_394] : memref<16x128xi32, #tpu.memory_space<vmem>> -> memref<1x128xi32, #tpu.memory_space<vmem>>
      %dma_start3A_396 = tpu.memref_squeeze %dma_start3A_395 : memref<1x128xi32, #tpu.memory_space<vmem>> -> memref<128xi32, #tpu.memory_space<vmem>>
      %dma_start3A_397 = arith.constant 0 : i32
      %dma_start3A_398 = arith.constant 0 : i32
      %dma_start3A_399 = tpu.memref_slice %arg2[%dma_start3A_397, %dma_start3A_398] : memref<20480x128xf32, #tpu.memory_space<hbm>> -> memref<20480x128xf32, #tpu.memory_space<hbm>>
      tpu.enqueue_indirect_dma source(%dma_start3A_399 : memref<20480x128xf32, #tpu.memory_space<hbm>>) target(%arg11 : memref<128x128xf32, #tpu.memory_space<vmem>>) offsets(%dma_start3A_396 : memref<128xi32, #tpu.memory_space<vmem>>) semaphore(%arg12 : memref<!tpu.dma_semaphore, #tpu.memory_space<semaphore_mem>>)
      %dma_wait3A_400 = arith.constant 0 : i32
      %dma_wait3A_401 = arith.constant 0 : i32
      %dma_wait3A_402 = tpu.memref_slice %arg2[%dma_wait3A_400, %dma_wait3A_401] : memref<20480x128xf32, #tpu.memory_space<hbm>> -> memref<128x128xf32, #tpu.memory_space<hbm>>
      %dma_wait3A_403 = arith.constant 0 : i32
      %dma_wait3A_404 = arith.constant 0 : i32
      %dma_wait3A_405 = tpu.memref_slice %arg2[%dma_wait3A_403, %dma_wait3A_404] : memref<20480x128xf32, #tpu.memory_space<hbm>> -> memref<128x128xf32, #tpu.memory_space<hbm>>
      tpu.wait_dma2 semaphore(%arg12 : memref<!tpu.dma_semaphore, #tpu.memory_space<semaphore_mem>>) src(%dma_wait3A_405 : memref<128x128xf32, #tpu.memory_space<hbm>>) dst(%arg11 : memref<128x128xf32, #tpu.memory_space<vmem>>)
      %dma_start3A_406 = arith.constant 9 : i32
      %dma_start3A_407 = arith.constant 0 : i32
      %dma_start3A_408 = tpu.memref_slice %arg9[%dma_start3A_406, %dma_start3A_407] : memref<16x128xi32, #tpu.memory_space<vmem>> -> memref<1x128xi32, #tpu.memory_space<vmem>>
      %dma_start3A_409 = tpu.memref_squeeze %dma_start3A_408 : memref<1x128xi32, #tpu.memory_space<vmem>> -> memref<128xi32, #tpu.memory_space<vmem>>
      %dma_start3A_410 = arith.constant 0 : i32
      %dma_start3A_411 = arith.constant 0 : i32
      %dma_start3A_412 = tpu.memref_slice %arg7[%dma_start3A_410, %dma_start3A_411] : memref<10240x128xf32, #tpu.memory_space<vmem_shared>> -> memref<10240x128xf32, #tpu.memory_space<vmem_shared>>
      tpu.enqueue_indirect_dma source(%arg11 : memref<128x128xf32, #tpu.memory_space<vmem>>) target(%dma_start3A_412 : memref<10240x128xf32, #tpu.memory_space<vmem_shared>>) offsets(%dma_start3A_409 : memref<128xi32, #tpu.memory_space<vmem>>) semaphore(%arg13 : memref<!tpu.dma_semaphore, #tpu.memory_space<semaphore_mem>>) {add = true}
      %dma_wait3A_413 = arith.constant 0 : i32
      %dma_wait3A_414 = arith.constant 0 : i32
      %dma_wait3A_415 = tpu.memref_slice %arg2[%dma_wait3A_413, %dma_wait3A_414] : memref<20480x128xf32, #tpu.memory_space<hbm>> -> memref<128x128xf32, #tpu.memory_space<hbm>>
      %dma_wait3A_416 = arith.constant 0 : i32
      %dma_wait3A_417 = arith.constant 0 : i32
      %dma_wait3A_418 = tpu.memref_slice %arg2[%dma_wait3A_416, %dma_wait3A_417] : memref<20480x128xf32, #tpu.memory_space<hbm>> -> memref<128x128xf32, #tpu.memory_space<hbm>>
      tpu.wait_dma2 semaphore(%arg13 : memref<!tpu.dma_semaphore, #tpu.memory_space<semaphore_mem>>) src(%dma_wait3A_418 : memref<128x128xf32, #tpu.memory_space<hbm>>) dst(%arg10 : memref<128x128xf32, #tpu.memory_space<vmem>>)
      %dma_start3A_419 = arith.constant 10 : i32
      %dma_start3A_420 = arith.constant 0 : i32
      %dma_start3A_421 = tpu.memref_slice %arg8[%dma_start3A_419, %dma_start3A_420] : memref<16x128xi32, #tpu.memory_space<vmem>> -> memref<1x128xi32, #tpu.memory_space<vmem>>
      %dma_start3A_422 = tpu.memref_squeeze %dma_start3A_421 : memref<1x128xi32, #tpu.memory_space<vmem>> -> memref<128xi32, #tpu.memory_space<vmem>>
      %dma_start3A_423 = arith.constant 0 : i32
      %dma_start3A_424 = arith.constant 0 : i32
      %dma_start3A_425 = tpu.memref_slice %arg2[%dma_start3A_423, %dma_start3A_424] : memref<20480x128xf32, #tpu.memory_space<hbm>> -> memref<20480x128xf32, #tpu.memory_space<hbm>>
      tpu.enqueue_indirect_dma source(%dma_start3A_425 : memref<20480x128xf32, #tpu.memory_space<hbm>>) target(%arg10 : memref<128x128xf32, #tpu.memory_space<vmem>>) offsets(%dma_start3A_422 : memref<128xi32, #tpu.memory_space<vmem>>) semaphore(%arg12 : memref<!tpu.dma_semaphore, #tpu.memory_space<semaphore_mem>>)
      %dma_wait3A_426 = arith.constant 0 : i32
      %dma_wait3A_427 = arith.constant 0 : i32
      %dma_wait3A_428 = tpu.memref_slice %arg2[%dma_wait3A_426, %dma_wait3A_427] : memref<20480x128xf32, #tpu.memory_space<hbm>> -> memref<128x128xf32, #tpu.memory_space<hbm>>
      %dma_wait3A_429 = arith.constant 0 : i32
      %dma_wait3A_430 = arith.constant 0 : i32
      %dma_wait3A_431 = tpu.memref_slice %arg2[%dma_wait3A_429, %dma_wait3A_430] : memref<20480x128xf32, #tpu.memory_space<hbm>> -> memref<128x128xf32, #tpu.memory_space<hbm>>
      tpu.wait_dma2 semaphore(%arg12 : memref<!tpu.dma_semaphore, #tpu.memory_space<semaphore_mem>>) src(%dma_wait3A_431 : memref<128x128xf32, #tpu.memory_space<hbm>>) dst(%arg10 : memref<128x128xf32, #tpu.memory_space<vmem>>)
      %dma_start3A_432 = arith.constant 10 : i32
      %dma_start3A_433 = arith.constant 0 : i32
      %dma_start3A_434 = tpu.memref_slice %arg9[%dma_start3A_432, %dma_start3A_433] : memref<16x128xi32, #tpu.memory_space<vmem>> -> memref<1x128xi32, #tpu.memory_space<vmem>>
      %dma_start3A_435 = tpu.memref_squeeze %dma_start3A_434 : memref<1x128xi32, #tpu.memory_space<vmem>> -> memref<128xi32, #tpu.memory_space<vmem>>
      %dma_start3A_436 = arith.constant 0 : i32
      %dma_start3A_437 = arith.constant 0 : i32
      %dma_start3A_438 = tpu.memref_slice %arg7[%dma_start3A_436, %dma_start3A_437] : memref<10240x128xf32, #tpu.memory_space<vmem_shared>> -> memref<10240x128xf32, #tpu.memory_space<vmem_shared>>
      tpu.enqueue_indirect_dma source(%arg10 : memref<128x128xf32, #tpu.memory_space<vmem>>) target(%dma_start3A_438 : memref<10240x128xf32, #tpu.memory_space<vmem_shared>>) offsets(%dma_start3A_435 : memref<128xi32, #tpu.memory_space<vmem>>) semaphore(%arg13 : memref<!tpu.dma_semaphore, #tpu.memory_space<semaphore_mem>>) {add = true}
      %dma_wait3A_439 = arith.constant 0 : i32
      %dma_wait3A_440 = arith.constant 0 : i32
      %dma_wait3A_441 = tpu.memref_slice %arg2[%dma_wait3A_439, %dma_wait3A_440] : memref<20480x128xf32, #tpu.memory_space<hbm>> -> memref<128x128xf32, #tpu.memory_space<hbm>>
      %dma_wait3A_442 = arith.constant 0 : i32
      %dma_wait3A_443 = arith.constant 0 : i32
      %dma_wait3A_444 = tpu.memref_slice %arg2[%dma_wait3A_442, %dma_wait3A_443] : memref<20480x128xf32, #tpu.memory_space<hbm>> -> memref<128x128xf32, #tpu.memory_space<hbm>>
      tpu.wait_dma2 semaphore(%arg13 : memref<!tpu.dma_semaphore, #tpu.memory_space<semaphore_mem>>) src(%dma_wait3A_444 : memref<128x128xf32, #tpu.memory_space<hbm>>) dst(%arg11 : memref<128x128xf32, #tpu.memory_space<vmem>>)
      %dma_start3A_445 = arith.constant 11 : i32
      %dma_start3A_446 = arith.constant 0 : i32
      %dma_start3A_447 = tpu.memref_slice %arg8[%dma_start3A_445, %dma_start3A_446] : memref<16x128xi32, #tpu.memory_space<vmem>> -> memref<1x128xi32, #tpu.memory_space<vmem>>
      %dma_start3A_448 = tpu.memref_squeeze %dma_start3A_447 : memref<1x128xi32, #tpu.memory_space<vmem>> -> memref<128xi32, #tpu.memory_space<vmem>>
      %dma_start3A_449 = arith.constant 0 : i32
      %dma_start3A_450 = arith.constant 0 : i32
      %dma_start3A_451 = tpu.memref_slice %arg2[%dma_start3A_449, %dma_start3A_450] : memref<20480x128xf32, #tpu.memory_space<hbm>> -> memref<20480x128xf32, #tpu.memory_space<hbm>>
      tpu.enqueue_indirect_dma source(%dma_start3A_451 : memref<20480x128xf32, #tpu.memory_space<hbm>>) target(%arg11 : memref<128x128xf32, #tpu.memory_space<vmem>>) offsets(%dma_start3A_448 : memref<128xi32, #tpu.memory_space<vmem>>) semaphore(%arg12 : memref<!tpu.dma_semaphore, #tpu.memory_space<semaphore_mem>>)
      %dma_wait3A_452 = arith.constant 0 : i32
      %dma_wait3A_453 = arith.constant 0 : i32
      %dma_wait3A_454 = tpu.memref_slice %arg2[%dma_wait3A_452, %dma_wait3A_453] : memref<20480x128xf32, #tpu.memory_space<hbm>> -> memref<128x128xf32, #tpu.memory_space<hbm>>
      %dma_wait3A_455 = arith.constant 0 : i32
      %dma_wait3A_456 = arith.constant 0 : i32
      %dma_wait3A_457 = tpu.memref_slice %arg2[%dma_wait3A_455, %dma_wait3A_456] : memref<20480x128xf32, #tpu.memory_space<hbm>> -> memref<128x128xf32, #tpu.memory_space<hbm>>
      tpu.wait_dma2 semaphore(%arg12 : memref<!tpu.dma_semaphore, #tpu.memory_space<semaphore_mem>>) src(%dma_wait3A_457 : memref<128x128xf32, #tpu.memory_space<hbm>>) dst(%arg11 : memref<128x128xf32, #tpu.memory_space<vmem>>)
      %dma_start3A_458 = arith.constant 11 : i32
      %dma_start3A_459 = arith.constant 0 : i32
      %dma_start3A_460 = tpu.memref_slice %arg9[%dma_start3A_458, %dma_start3A_459] : memref<16x128xi32, #tpu.memory_space<vmem>> -> memref<1x128xi32, #tpu.memory_space<vmem>>
      %dma_start3A_461 = tpu.memref_squeeze %dma_start3A_460 : memref<1x128xi32, #tpu.memory_space<vmem>> -> memref<128xi32, #tpu.memory_space<vmem>>
      %dma_start3A_462 = arith.constant 0 : i32
      %dma_start3A_463 = arith.constant 0 : i32
      %dma_start3A_464 = tpu.memref_slice %arg7[%dma_start3A_462, %dma_start3A_463] : memref<10240x128xf32, #tpu.memory_space<vmem_shared>> -> memref<10240x128xf32, #tpu.memory_space<vmem_shared>>
      tpu.enqueue_indirect_dma source(%arg11 : memref<128x128xf32, #tpu.memory_space<vmem>>) target(%dma_start3A_464 : memref<10240x128xf32, #tpu.memory_space<vmem_shared>>) offsets(%dma_start3A_461 : memref<128xi32, #tpu.memory_space<vmem>>) semaphore(%arg13 : memref<!tpu.dma_semaphore, #tpu.memory_space<semaphore_mem>>) {add = true}
      %dma_wait3A_465 = arith.constant 0 : i32
      %dma_wait3A_466 = arith.constant 0 : i32
      %dma_wait3A_467 = tpu.memref_slice %arg2[%dma_wait3A_465, %dma_wait3A_466] : memref<20480x128xf32, #tpu.memory_space<hbm>> -> memref<128x128xf32, #tpu.memory_space<hbm>>
      %dma_wait3A_468 = arith.constant 0 : i32
      %dma_wait3A_469 = arith.constant 0 : i32
      %dma_wait3A_470 = tpu.memref_slice %arg2[%dma_wait3A_468, %dma_wait3A_469] : memref<20480x128xf32, #tpu.memory_space<hbm>> -> memref<128x128xf32, #tpu.memory_space<hbm>>
      tpu.wait_dma2 semaphore(%arg13 : memref<!tpu.dma_semaphore, #tpu.memory_space<semaphore_mem>>) src(%dma_wait3A_470 : memref<128x128xf32, #tpu.memory_space<hbm>>) dst(%arg10 : memref<128x128xf32, #tpu.memory_space<vmem>>)
      %dma_start3A_471 = arith.constant 12 : i32
      %dma_start3A_472 = arith.constant 0 : i32
      %dma_start3A_473 = tpu.memref_slice %arg8[%dma_start3A_471, %dma_start3A_472] : memref<16x128xi32, #tpu.memory_space<vmem>> -> memref<1x128xi32, #tpu.memory_space<vmem>>
      %dma_start3A_474 = tpu.memref_squeeze %dma_start3A_473 : memref<1x128xi32, #tpu.memory_space<vmem>> -> memref<128xi32, #tpu.memory_space<vmem>>
      %dma_start3A_475 = arith.constant 0 : i32
      %dma_start3A_476 = arith.constant 0 : i32
      %dma_start3A_477 = tpu.memref_slice %arg2[%dma_start3A_475, %dma_start3A_476] : memref<20480x128xf32, #tpu.memory_space<hbm>> -> memref<20480x128xf32, #tpu.memory_space<hbm>>
      tpu.enqueue_indirect_dma source(%dma_start3A_477 : memref<20480x128xf32, #tpu.memory_space<hbm>>) target(%arg10 : memref<128x128xf32, #tpu.memory_space<vmem>>) offsets(%dma_start3A_474 : memref<128xi32, #tpu.memory_space<vmem>>) semaphore(%arg12 : memref<!tpu.dma_semaphore, #tpu.memory_space<semaphore_mem>>)
      %dma_wait3A_478 = arith.constant 0 : i32
      %dma_wait3A_479 = arith.constant 0 : i32
      %dma_wait3A_480 = tpu.memref_slice %arg2[%dma_wait3A_478, %dma_wait3A_479] : memref<20480x128xf32, #tpu.memory_space<hbm>> -> memref<128x128xf32, #tpu.memory_space<hbm>>
      %dma_wait3A_481 = arith.constant 0 : i32
      %dma_wait3A_482 = arith.constant 0 : i32
      %dma_wait3A_483 = tpu.memref_slice %arg2[%dma_wait3A_481, %dma_wait3A_482] : memref<20480x128xf32, #tpu.memory_space<hbm>> -> memref<128x128xf32, #tpu.memory_space<hbm>>
      tpu.wait_dma2 semaphore(%arg12 : memref<!tpu.dma_semaphore, #tpu.memory_space<semaphore_mem>>) src(%dma_wait3A_483 : memref<128x128xf32, #tpu.memory_space<hbm>>) dst(%arg10 : memref<128x128xf32, #tpu.memory_space<vmem>>)
      %dma_start3A_484 = arith.constant 12 : i32
      %dma_start3A_485 = arith.constant 0 : i32
      %dma_start3A_486 = tpu.memref_slice %arg9[%dma_start3A_484, %dma_start3A_485] : memref<16x128xi32, #tpu.memory_space<vmem>> -> memref<1x128xi32, #tpu.memory_space<vmem>>
      %dma_start3A_487 = tpu.memref_squeeze %dma_start3A_486 : memref<1x128xi32, #tpu.memory_space<vmem>> -> memref<128xi32, #tpu.memory_space<vmem>>
      %dma_start3A_488 = arith.constant 0 : i32
      %dma_start3A_489 = arith.constant 0 : i32
      %dma_start3A_490 = tpu.memref_slice %arg7[%dma_start3A_488, %dma_start3A_489] : memref<10240x128xf32, #tpu.memory_space<vmem_shared>> -> memref<10240x128xf32, #tpu.memory_space<vmem_shared>>
      tpu.enqueue_indirect_dma source(%arg10 : memref<128x128xf32, #tpu.memory_space<vmem>>) target(%dma_start3A_490 : memref<10240x128xf32, #tpu.memory_space<vmem_shared>>) offsets(%dma_start3A_487 : memref<128xi32, #tpu.memory_space<vmem>>) semaphore(%arg13 : memref<!tpu.dma_semaphore, #tpu.memory_space<semaphore_mem>>) {add = true}
      %dma_wait3A_491 = arith.constant 0 : i32
      %dma_wait3A_492 = arith.constant 0 : i32
      %dma_wait3A_493 = tpu.memref_slice %arg2[%dma_wait3A_491, %dma_wait3A_492] : memref<20480x128xf32, #tpu.memory_space<hbm>> -> memref<128x128xf32, #tpu.memory_space<hbm>>
      %dma_wait3A_494 = arith.constant 0 : i32
      %dma_wait3A_495 = arith.constant 0 : i32
      %dma_wait3A_496 = tpu.memref_slice %arg2[%dma_wait3A_494, %dma_wait3A_495] : memref<20480x128xf32, #tpu.memory_space<hbm>> -> memref<128x128xf32, #tpu.memory_space<hbm>>
      tpu.wait_dma2 semaphore(%arg13 : memref<!tpu.dma_semaphore, #tpu.memory_space<semaphore_mem>>) src(%dma_wait3A_496 : memref<128x128xf32, #tpu.memory_space<hbm>>) dst(%arg11 : memref<128x128xf32, #tpu.memory_space<vmem>>)
      %dma_start3A_497 = arith.constant 13 : i32
      %dma_start3A_498 = arith.constant 0 : i32
      %dma_start3A_499 = tpu.memref_slice %arg8[%dma_start3A_497, %dma_start3A_498] : memref<16x128xi32, #tpu.memory_space<vmem>> -> memref<1x128xi32, #tpu.memory_space<vmem>>
      %dma_start3A_500 = tpu.memref_squeeze %dma_start3A_499 : memref<1x128xi32, #tpu.memory_space<vmem>> -> memref<128xi32, #tpu.memory_space<vmem>>
      %dma_start3A_501 = arith.constant 0 : i32
      %dma_start3A_502 = arith.constant 0 : i32
      %dma_start3A_503 = tpu.memref_slice %arg2[%dma_start3A_501, %dma_start3A_502] : memref<20480x128xf32, #tpu.memory_space<hbm>> -> memref<20480x128xf32, #tpu.memory_space<hbm>>
      tpu.enqueue_indirect_dma source(%dma_start3A_503 : memref<20480x128xf32, #tpu.memory_space<hbm>>) target(%arg11 : memref<128x128xf32, #tpu.memory_space<vmem>>) offsets(%dma_start3A_500 : memref<128xi32, #tpu.memory_space<vmem>>) semaphore(%arg12 : memref<!tpu.dma_semaphore, #tpu.memory_space<semaphore_mem>>)
      %dma_wait3A_504 = arith.constant 0 : i32
      %dma_wait3A_505 = arith.constant 0 : i32
      %dma_wait3A_506 = tpu.memref_slice %arg2[%dma_wait3A_504, %dma_wait3A_505] : memref<20480x128xf32, #tpu.memory_space<hbm>> -> memref<128x128xf32, #tpu.memory_space<hbm>>
      %dma_wait3A_507 = arith.constant 0 : i32
      %dma_wait3A_508 = arith.constant 0 : i32
      %dma_wait3A_509 = tpu.memref_slice %arg2[%dma_wait3A_507, %dma_wait3A_508] : memref<20480x128xf32, #tpu.memory_space<hbm>> -> memref<128x128xf32, #tpu.memory_space<hbm>>
      tpu.wait_dma2 semaphore(%arg12 : memref<!tpu.dma_semaphore, #tpu.memory_space<semaphore_mem>>) src(%dma_wait3A_509 : memref<128x128xf32, #tpu.memory_space<hbm>>) dst(%arg11 : memref<128x128xf32, #tpu.memory_space<vmem>>)
      %dma_start3A_510 = arith.constant 13 : i32
      %dma_start3A_511 = arith.constant 0 : i32
      %dma_start3A_512 = tpu.memref_slice %arg9[%dma_start3A_510, %dma_start3A_511] : memref<16x128xi32, #tpu.memory_space<vmem>> -> memref<1x128xi32, #tpu.memory_space<vmem>>
      %dma_start3A_513 = tpu.memref_squeeze %dma_start3A_512 : memref<1x128xi32, #tpu.memory_space<vmem>> -> memref<128xi32, #tpu.memory_space<vmem>>
      %dma_start3A_514 = arith.constant 0 : i32
      %dma_start3A_515 = arith.constant 0 : i32
      %dma_start3A_516 = tpu.memref_slice %arg7[%dma_start3A_514, %dma_start3A_515] : memref<10240x128xf32, #tpu.memory_space<vmem_shared>> -> memref<10240x128xf32, #tpu.memory_space<vmem_shared>>
      tpu.enqueue_indirect_dma source(%arg11 : memref<128x128xf32, #tpu.memory_space<vmem>>) target(%dma_start3A_516 : memref<10240x128xf32, #tpu.memory_space<vmem_shared>>) offsets(%dma_start3A_513 : memref<128xi32, #tpu.memory_space<vmem>>) semaphore(%arg13 : memref<!tpu.dma_semaphore, #tpu.memory_space<semaphore_mem>>) {add = true}
      %dma_wait3A_517 = arith.constant 0 : i32
      %dma_wait3A_518 = arith.constant 0 : i32
      %dma_wait3A_519 = tpu.memref_slice %arg2[%dma_wait3A_517, %dma_wait3A_518] : memref<20480x128xf32, #tpu.memory_space<hbm>> -> memref<128x128xf32, #tpu.memory_space<hbm>>
      %dma_wait3A_520 = arith.constant 0 : i32
      %dma_wait3A_521 = arith.constant 0 : i32
      %dma_wait3A_522 = tpu.memref_slice %arg2[%dma_wait3A_520, %dma_wait3A_521] : memref<20480x128xf32, #tpu.memory_space<hbm>> -> memref<128x128xf32, #tpu.memory_space<hbm>>
      tpu.wait_dma2 semaphore(%arg13 : memref<!tpu.dma_semaphore, #tpu.memory_space<semaphore_mem>>) src(%dma_wait3A_522 : memref<128x128xf32, #tpu.memory_space<hbm>>) dst(%arg10 : memref<128x128xf32, #tpu.memory_space<vmem>>)
      %dma_start3A_523 = arith.constant 14 : i32
      %dma_start3A_524 = arith.constant 0 : i32
      %dma_start3A_525 = tpu.memref_slice %arg8[%dma_start3A_523, %dma_start3A_524] : memref<16x128xi32, #tpu.memory_space<vmem>> -> memref<1x128xi32, #tpu.memory_space<vmem>>
      %dma_start3A_526 = tpu.memref_squeeze %dma_start3A_525 : memref<1x128xi32, #tpu.memory_space<vmem>> -> memref<128xi32, #tpu.memory_space<vmem>>
      %dma_start3A_527 = arith.constant 0 : i32
      %dma_start3A_528 = arith.constant 0 : i32
      %dma_start3A_529 = tpu.memref_slice %arg2[%dma_start3A_527, %dma_start3A_528] : memref<20480x128xf32, #tpu.memory_space<hbm>> -> memref<20480x128xf32, #tpu.memory_space<hbm>>
      tpu.enqueue_indirect_dma source(%dma_start3A_529 : memref<20480x128xf32, #tpu.memory_space<hbm>>) target(%arg10 : memref<128x128xf32, #tpu.memory_space<vmem>>) offsets(%dma_start3A_526 : memref<128xi32, #tpu.memory_space<vmem>>) semaphore(%arg12 : memref<!tpu.dma_semaphore, #tpu.memory_space<semaphore_mem>>)
      %dma_wait3A_530 = arith.constant 0 : i32
      %dma_wait3A_531 = arith.constant 0 : i32
      %dma_wait3A_532 = tpu.memref_slice %arg2[%dma_wait3A_530, %dma_wait3A_531] : memref<20480x128xf32, #tpu.memory_space<hbm>> -> memref<128x128xf32, #tpu.memory_space<hbm>>
      %dma_wait3A_533 = arith.constant 0 : i32
      %dma_wait3A_534 = arith.constant 0 : i32
      %dma_wait3A_535 = tpu.memref_slice %arg2[%dma_wait3A_533, %dma_wait3A_534] : memref<20480x128xf32, #tpu.memory_space<hbm>> -> memref<128x128xf32, #tpu.memory_space<hbm>>
      tpu.wait_dma2 semaphore(%arg12 : memref<!tpu.dma_semaphore, #tpu.memory_space<semaphore_mem>>) src(%dma_wait3A_535 : memref<128x128xf32, #tpu.memory_space<hbm>>) dst(%arg10 : memref<128x128xf32, #tpu.memory_space<vmem>>)
      %dma_start3A_536 = arith.constant 14 : i32
      %dma_start3A_537 = arith.constant 0 : i32
      %dma_start3A_538 = tpu.memref_slice %arg9[%dma_start3A_536, %dma_start3A_537] : memref<16x128xi32, #tpu.memory_space<vmem>> -> memref<1x128xi32, #tpu.memory_space<vmem>>
      %dma_start3A_539 = tpu.memref_squeeze %dma_start3A_538 : memref<1x128xi32, #tpu.memory_space<vmem>> -> memref<128xi32, #tpu.memory_space<vmem>>
      %dma_start3A_540 = arith.constant 0 : i32
      %dma_start3A_541 = arith.constant 0 : i32
      %dma_start3A_542 = tpu.memref_slice %arg7[%dma_start3A_540, %dma_start3A_541] : memref<10240x128xf32, #tpu.memory_space<vmem_shared>> -> memref<10240x128xf32, #tpu.memory_space<vmem_shared>>
      tpu.enqueue_indirect_dma source(%arg10 : memref<128x128xf32, #tpu.memory_space<vmem>>) target(%dma_start3A_542 : memref<10240x128xf32, #tpu.memory_space<vmem_shared>>) offsets(%dma_start3A_539 : memref<128xi32, #tpu.memory_space<vmem>>) semaphore(%arg13 : memref<!tpu.dma_semaphore, #tpu.memory_space<semaphore_mem>>) {add = true}
      %dma_wait3A_543 = arith.constant 0 : i32
      %dma_wait3A_544 = arith.constant 0 : i32
      %dma_wait3A_545 = tpu.memref_slice %arg2[%dma_wait3A_543, %dma_wait3A_544] : memref<20480x128xf32, #tpu.memory_space<hbm>> -> memref<128x128xf32, #tpu.memory_space<hbm>>
      %dma_wait3A_546 = arith.constant 0 : i32
      %dma_wait3A_547 = arith.constant 0 : i32
      %dma_wait3A_548 = tpu.memref_slice %arg2[%dma_wait3A_546, %dma_wait3A_547] : memref<20480x128xf32, #tpu.memory_space<hbm>> -> memref<128x128xf32, #tpu.memory_space<hbm>>
      tpu.wait_dma2 semaphore(%arg13 : memref<!tpu.dma_semaphore, #tpu.memory_space<semaphore_mem>>) src(%dma_wait3A_548 : memref<128x128xf32, #tpu.memory_space<hbm>>) dst(%arg11 : memref<128x128xf32, #tpu.memory_space<vmem>>)
      %dma_start3A_549 = arith.constant 15 : i32
      %dma_start3A_550 = arith.constant 0 : i32
      %dma_start3A_551 = tpu.memref_slice %arg8[%dma_start3A_549, %dma_start3A_550] : memref<16x128xi32, #tpu.memory_space<vmem>> -> memref<1x128xi32, #tpu.memory_space<vmem>>
      %dma_start3A_552 = tpu.memref_squeeze %dma_start3A_551 : memref<1x128xi32, #tpu.memory_space<vmem>> -> memref<128xi32, #tpu.memory_space<vmem>>
      %dma_start3A_553 = arith.constant 0 : i32
      %dma_start3A_554 = arith.constant 0 : i32
      %dma_start3A_555 = tpu.memref_slice %arg2[%dma_start3A_553, %dma_start3A_554] : memref<20480x128xf32, #tpu.memory_space<hbm>> -> memref<20480x128xf32, #tpu.memory_space<hbm>>
      tpu.enqueue_indirect_dma source(%dma_start3A_555 : memref<20480x128xf32, #tpu.memory_space<hbm>>) target(%arg11 : memref<128x128xf32, #tpu.memory_space<vmem>>) offsets(%dma_start3A_552 : memref<128xi32, #tpu.memory_space<vmem>>) semaphore(%arg12 : memref<!tpu.dma_semaphore, #tpu.memory_space<semaphore_mem>>)
      %dma_wait3A_556 = arith.constant 0 : i32
      %dma_wait3A_557 = arith.constant 0 : i32
      %dma_wait3A_558 = tpu.memref_slice %arg2[%dma_wait3A_556, %dma_wait3A_557] : memref<20480x128xf32, #tpu.memory_space<hbm>> -> memref<128x128xf32, #tpu.memory_space<hbm>>
      %dma_wait3A_559 = arith.constant 0 : i32
      %dma_wait3A_560 = arith.constant 0 : i32
      %dma_wait3A_561 = tpu.memref_slice %arg2[%dma_wait3A_559, %dma_wait3A_560] : memref<20480x128xf32, #tpu.memory_space<hbm>> -> memref<128x128xf32, #tpu.memory_space<hbm>>
      tpu.wait_dma2 semaphore(%arg12 : memref<!tpu.dma_semaphore, #tpu.memory_space<semaphore_mem>>) src(%dma_wait3A_561 : memref<128x128xf32, #tpu.memory_space<hbm>>) dst(%arg11 : memref<128x128xf32, #tpu.memory_space<vmem>>)
      %dma_start3A_562 = arith.constant 15 : i32
      %dma_start3A_563 = arith.constant 0 : i32
      %dma_start3A_564 = tpu.memref_slice %arg9[%dma_start3A_562, %dma_start3A_563] : memref<16x128xi32, #tpu.memory_space<vmem>> -> memref<1x128xi32, #tpu.memory_space<vmem>>
      %dma_start3A_565 = tpu.memref_squeeze %dma_start3A_564 : memref<1x128xi32, #tpu.memory_space<vmem>> -> memref<128xi32, #tpu.memory_space<vmem>>
      %dma_start3A_566 = arith.constant 0 : i32
      %dma_start3A_567 = arith.constant 0 : i32
      %dma_start3A_568 = tpu.memref_slice %arg7[%dma_start3A_566, %dma_start3A_567] : memref<10240x128xf32, #tpu.memory_space<vmem_shared>> -> memref<10240x128xf32, #tpu.memory_space<vmem_shared>>
      tpu.enqueue_indirect_dma source(%arg11 : memref<128x128xf32, #tpu.memory_space<vmem>>) target(%dma_start3A_568 : memref<10240x128xf32, #tpu.memory_space<vmem_shared>>) offsets(%dma_start3A_565 : memref<128xi32, #tpu.memory_space<vmem>>) semaphore(%arg13 : memref<!tpu.dma_semaphore, #tpu.memory_space<semaphore_mem>>) {add = true}
      %dma_wait3A_569 = arith.constant 0 : i32
      %dma_wait3A_570 = arith.constant 0 : i32
      %dma_wait3A_571 = tpu.memref_slice %arg2[%dma_wait3A_569, %dma_wait3A_570] : memref<20480x128xf32, #tpu.memory_space<hbm>> -> memref<128x128xf32, #tpu.memory_space<hbm>>
      %dma_wait3A_572 = arith.constant 0 : i32
      %dma_wait3A_573 = arith.constant 0 : i32
      %dma_wait3A_574 = tpu.memref_slice %arg2[%dma_wait3A_572, %dma_wait3A_573] : memref<20480x128xf32, #tpu.memory_space<hbm>> -> memref<128x128xf32, #tpu.memory_space<hbm>>
      tpu.wait_dma2 semaphore(%arg13 : memref<!tpu.dma_semaphore, #tpu.memory_space<semaphore_mem>>) src(%dma_wait3A_574 : memref<128x128xf32, #tpu.memory_space<hbm>>) dst(%arg10 : memref<128x128xf32, #tpu.memory_space<vmem>>)
      %dma_wait3A_575 = arith.constant 0 : i32
      %dma_wait3A_576 = arith.constant 0 : i32
      %dma_wait3A_577 = tpu.memref_slice %arg2[%dma_wait3A_575, %dma_wait3A_576] : memref<20480x128xf32, #tpu.memory_space<hbm>> -> memref<128x128xf32, #tpu.memory_space<hbm>>
      %dma_wait3A_578 = arith.constant 0 : i32
      %dma_wait3A_579 = arith.constant 0 : i32
      %dma_wait3A_580 = tpu.memref_slice %arg2[%dma_wait3A_578, %dma_wait3A_579] : memref<20480x128xf32, #tpu.memory_space<hbm>> -> memref<128x128xf32, #tpu.memory_space<hbm>>
      tpu.wait_dma2 semaphore(%arg13 : memref<!tpu.dma_semaphore, #tpu.memory_space<semaphore_mem>>) src(%dma_wait3A_580 : memref<128x128xf32, #tpu.memory_space<hbm>>) dst(%arg11 : memref<128x128xf32, #tpu.memory_space<vmem>>)
      %lt3A = arith.constant 9 : i32
      %lt3A_581 = arith.cmpi slt, %scan3A_171, %lt3A : i32
      %convert_element_type3A = arith.extui %lt3A_581 : i1 to i32
      %cond3A = arith.constant 0 : i32
      %cond3A_582 = arith.cmpi ne, %convert_element_type3A, %cond3A : i32
      scf.if %cond3A_582 {
        %add3A_583 = arith.constant 1 : i32
        %add3A_584 = arith.addi %scan3A_171, %add3A_583 : i32
        %mul3A_585 = arith.constant 16 : i32
        %mul3A_586 = arith.muli %add3A_584, %mul3A_585 : i32
        %add3A_587 = arith.addi %mul3A_0, %mul3A_586 : i32
        %add3A_588 = arith.addi %mul3A_2, %add3A_587 : i32
        "tpu.region"() ({
          %run_scoped3A = tpu.sem_alloc : memref<!tpu.dma_semaphore, #tpu.memory_space<semaphore_mem>>
          %dma_start3A_596 = arith.constant 0 : i32
          %dma_start3A_597 = tpu.memref_slice %arg3[%add3A_588, %dma_start3A_596] : memref<5120x128xi32, #tpu.memory_space<hbm>> -> memref<16x128xi32, #tpu.memory_space<hbm>>
          %dma_start3A_598 = arith.constant 0 : i32
          %dma_start3A_599 = tpu.memref_slice %arg3[%add3A_588, %dma_start3A_598] : memref<5120x128xi32, #tpu.memory_space<hbm>> -> memref<16x128xi32, #tpu.memory_space<hbm>>
          tpu.enqueue_dma source(%dma_start3A_599 : memref<16x128xi32, #tpu.memory_space<hbm>>) target(%arg8 : memref<16x128xi32, #tpu.memory_space<vmem>>) target_semaphore(%run_scoped3A : memref<!tpu.dma_semaphore, #tpu.memory_space<semaphore_mem>>)
          %dma_wait3A_600 = arith.constant 0 : i32
          %dma_wait3A_601 = tpu.memref_slice %arg3[%add3A_588, %dma_wait3A_600] : memref<5120x128xi32, #tpu.memory_space<hbm>> -> memref<16x128xi32, #tpu.memory_space<hbm>>
          %dma_wait3A_602 = arith.constant 0 : i32
          %dma_wait3A_603 = tpu.memref_slice %arg3[%add3A_588, %dma_wait3A_602] : memref<5120x128xi32, #tpu.memory_space<hbm>> -> memref<16x128xi32, #tpu.memory_space<hbm>>
          tpu.wait_dma2 semaphore(%run_scoped3A : memref<!tpu.dma_semaphore, #tpu.memory_space<semaphore_mem>>) src(%dma_wait3A_603 : memref<16x128xi32, #tpu.memory_space<hbm>>) dst(%arg8 : memref<16x128xi32, #tpu.memory_space<vmem>>)
          tpu.yield
        }) : () -> ()
        "tpu.region"() ({
          %run_scoped3A = tpu.sem_alloc : memref<!tpu.dma_semaphore, #tpu.memory_space<semaphore_mem>>
          %dma_start3A_596 = arith.constant 0 : i32
          %dma_start3A_597 = tpu.memref_slice %arg4[%add3A_587, %dma_start3A_596] : memref<2560x128xi32, #tpu.memory_space<hbm>> -> memref<16x128xi32, #tpu.memory_space<hbm>>
          %dma_start3A_598 = arith.constant 0 : i32
          %dma_start3A_599 = tpu.memref_slice %arg4[%add3A_587, %dma_start3A_598] : memref<2560x128xi32, #tpu.memory_space<hbm>> -> memref<16x128xi32, #tpu.memory_space<hbm>>
          tpu.enqueue_dma source(%dma_start3A_599 : memref<16x128xi32, #tpu.memory_space<hbm>>) target(%arg9 : memref<16x128xi32, #tpu.memory_space<vmem>>) target_semaphore(%run_scoped3A : memref<!tpu.dma_semaphore, #tpu.memory_space<semaphore_mem>>)
          %dma_wait3A_600 = arith.constant 0 : i32
          %dma_wait3A_601 = tpu.memref_slice %arg4[%add3A_587, %dma_wait3A_600] : memref<2560x128xi32, #tpu.memory_space<hbm>> -> memref<16x128xi32, #tpu.memory_space<hbm>>
          %dma_wait3A_602 = arith.constant 0 : i32
          %dma_wait3A_603 = tpu.memref_slice %arg4[%add3A_587, %dma_wait3A_602] : memref<2560x128xi32, #tpu.memory_space<hbm>> -> memref<16x128xi32, #tpu.memory_space<hbm>>
          tpu.wait_dma2 semaphore(%run_scoped3A : memref<!tpu.dma_semaphore, #tpu.memory_space<semaphore_mem>>) src(%dma_wait3A_603 : memref<16x128xi32, #tpu.memory_space<hbm>>) dst(%arg9 : memref<16x128xi32, #tpu.memory_space<vmem>>)
          tpu.yield
        }) : () -> ()
        %dma_start3A_589 = arith.constant 0 : i32
        %dma_start3A_590 = arith.constant 0 : i32
        %dma_start3A_591 = tpu.memref_slice %arg8[%dma_start3A_589, %dma_start3A_590] : memref<16x128xi32, #tpu.memory_space<vmem>> -> memref<1x128xi32, #tpu.memory_space<vmem>>
        %dma_start3A_592 = tpu.memref_squeeze %dma_start3A_591 : memref<1x128xi32, #tpu.memory_space<vmem>> -> memref<128xi32, #tpu.memory_space<vmem>>
        %dma_start3A_593 = arith.constant 0 : i32
        %dma_start3A_594 = arith.constant 0 : i32
        %dma_start3A_595 = tpu.memref_slice %arg2[%dma_start3A_593, %dma_start3A_594] : memref<20480x128xf32, #tpu.memory_space<hbm>> -> memref<20480x128xf32, #tpu.memory_space<hbm>>
        tpu.enqueue_indirect_dma source(%dma_start3A_595 : memref<20480x128xf32, #tpu.memory_space<hbm>>) target(%arg10 : memref<128x128xf32, #tpu.memory_space<vmem>>) offsets(%dma_start3A_592 : memref<128xi32, #tpu.memory_space<vmem>>) semaphore(%arg12 : memref<!tpu.dma_semaphore, #tpu.memory_space<semaphore_mem>>)
      } else {
      }
    }
    %scan3A_84 = arith.constant 10 : i32
    %barrier3A_85 = arith.constant 0 : index
    tpu.barrier barrier_id(%barrier3A_85)
    %mul3A_86 = arith.constant 640 : i32
    %mul3A_87 = arith.muli %arg1, %mul3A_86 : i32
    %add3A_88 = arith.constant 0 : i32
    %add3A_89 = arith.addi %mul3A_87, %add3A_88 : i32
    "tpu.region"() ({
      %run_scoped3A = tpu.sem_alloc : memref<!tpu.dma_semaphore, #tpu.memory_space<semaphore_mem>>
      %dma_start3A_171 = arith.constant 0 : i32
      %dma_start3A_172 = tpu.memref_slice %arg7[%add3A_89, %dma_start3A_171] : memref<10240x128xf32, #tpu.memory_space<vmem_shared>> -> memref<128x128xf32, #tpu.memory_space<vmem_shared>>
      %dma_start3A_173 = arith.constant 0 : i32
      %dma_start3A_174 = tpu.memref_slice %arg7[%add3A_89, %dma_start3A_173] : memref<10240x128xf32, #tpu.memory_space<vmem_shared>> -> memref<128x128xf32, #tpu.memory_space<vmem_shared>>
      tpu.enqueue_dma source(%dma_start3A_174 : memref<128x128xf32, #tpu.memory_space<vmem_shared>>) target(%arg10 : memref<128x128xf32, #tpu.memory_space<vmem>>) target_semaphore(%run_scoped3A : memref<!tpu.dma_semaphore, #tpu.memory_space<semaphore_mem>>)
      %dma_wait3A_175 = arith.constant 0 : i32
      %dma_wait3A_176 = tpu.memref_slice %arg7[%add3A_89, %dma_wait3A_175] : memref<10240x128xf32, #tpu.memory_space<vmem_shared>> -> memref<128x128xf32, #tpu.memory_space<vmem_shared>>
      %dma_wait3A_177 = arith.constant 0 : i32
      %dma_wait3A_178 = tpu.memref_slice %arg7[%add3A_89, %dma_wait3A_177] : memref<10240x128xf32, #tpu.memory_space<vmem_shared>> -> memref<128x128xf32, #tpu.memory_space<vmem_shared>>
      tpu.wait_dma2 semaphore(%run_scoped3A : memref<!tpu.dma_semaphore, #tpu.memory_space<semaphore_mem>>) src(%dma_wait3A_178 : memref<128x128xf32, #tpu.memory_space<vmem_shared>>) dst(%arg10 : memref<128x128xf32, #tpu.memory_space<vmem>>)
      tpu.yield
    }) : () -> ()
    %mul3A_90 = arith.constant 10240 : i32
    %mul3A_91 = arith.muli %arg0, %mul3A_90 : i32
    %add3A_92 = arith.addi %mul3A_91, %add3A_89 : i32
    %dma_start3A_93 = arith.constant 0 : i32
    %dma_start3A_94 = tpu.memref_slice %arg6[%add3A_92, %dma_start3A_93] : memref<20480x128xf32, #tpu.memory_space<hbm>> -> memref<128x128xf32, #tpu.memory_space<hbm>>
    %dma_start3A_95 = arith.constant 0 : i32
    %dma_start3A_96 = tpu.memref_slice %arg6[%add3A_92, %dma_start3A_95] : memref<20480x128xf32, #tpu.memory_space<hbm>> -> memref<128x128xf32, #tpu.memory_space<hbm>>
    tpu.enqueue_dma source(%arg10 : memref<128x128xf32, #tpu.memory_space<vmem>>) target(%dma_start3A_96 : memref<128x128xf32, #tpu.memory_space<hbm>>) target_semaphore(%arg12 : memref<!tpu.dma_semaphore, #tpu.memory_space<semaphore_mem>>)
    %mul3A_97 = arith.constant 640 : i32
    %mul3A_98 = arith.muli %arg1, %mul3A_97 : i32
    %add3A_99 = arith.constant 128 : i32
    %add3A_100 = arith.addi %mul3A_98, %add3A_99 : i32
    "tpu.region"() ({
      %run_scoped3A = tpu.sem_alloc : memref<!tpu.dma_semaphore, #tpu.memory_space<semaphore_mem>>
      %dma_start3A_171 = arith.constant 0 : i32
      %dma_start3A_172 = tpu.memref_slice %arg7[%add3A_100, %dma_start3A_171] : memref<10240x128xf32, #tpu.memory_space<vmem_shared>> -> memref<128x128xf32, #tpu.memory_space<vmem_shared>>
      %dma_start3A_173 = arith.constant 0 : i32
      %dma_start3A_174 = tpu.memref_slice %arg7[%add3A_100, %dma_start3A_173] : memref<10240x128xf32, #tpu.memory_space<vmem_shared>> -> memref<128x128xf32, #tpu.memory_space<vmem_shared>>
      tpu.enqueue_dma source(%dma_start3A_174 : memref<128x128xf32, #tpu.memory_space<vmem_shared>>) target(%arg11 : memref<128x128xf32, #tpu.memory_space<vmem>>) target_semaphore(%run_scoped3A : memref<!tpu.dma_semaphore, #tpu.memory_space<semaphore_mem>>)
      %dma_wait3A_175 = arith.constant 0 : i32
      %dma_wait3A_176 = tpu.memref_slice %arg7[%add3A_100, %dma_wait3A_175] : memref<10240x128xf32, #tpu.memory_space<vmem_shared>> -> memref<128x128xf32, #tpu.memory_space<vmem_shared>>
      %dma_wait3A_177 = arith.constant 0 : i32
      %dma_wait3A_178 = tpu.memref_slice %arg7[%add3A_100, %dma_wait3A_177] : memref<10240x128xf32, #tpu.memory_space<vmem_shared>> -> memref<128x128xf32, #tpu.memory_space<vmem_shared>>
      tpu.wait_dma2 semaphore(%run_scoped3A : memref<!tpu.dma_semaphore, #tpu.memory_space<semaphore_mem>>) src(%dma_wait3A_178 : memref<128x128xf32, #tpu.memory_space<vmem_shared>>) dst(%arg11 : memref<128x128xf32, #tpu.memory_space<vmem>>)
      tpu.yield
    }) : () -> ()
    %mul3A_101 = arith.constant 10240 : i32
    %mul3A_102 = arith.muli %arg0, %mul3A_101 : i32
    %add3A_103 = arith.addi %mul3A_102, %add3A_100 : i32
    %dma_start3A_104 = arith.constant 0 : i32
    %dma_start3A_105 = tpu.memref_slice %arg6[%add3A_103, %dma_start3A_104] : memref<20480x128xf32, #tpu.memory_space<hbm>> -> memref<128x128xf32, #tpu.memory_space<hbm>>
    %dma_start3A_106 = arith.constant 0 : i32
    %dma_start3A_107 = tpu.memref_slice %arg6[%add3A_103, %dma_start3A_106] : memref<20480x128xf32, #tpu.memory_space<hbm>> -> memref<128x128xf32, #tpu.memory_space<hbm>>
    tpu.enqueue_dma source(%arg11 : memref<128x128xf32, #tpu.memory_space<vmem>>) target(%dma_start3A_107 : memref<128x128xf32, #tpu.memory_space<hbm>>) target_semaphore(%arg12 : memref<!tpu.dma_semaphore, #tpu.memory_space<semaphore_mem>>)
    %dma_wait3A_108 = arith.constant 0 : i32
    %dma_wait3A_109 = arith.constant 0 : i32
    %dma_wait3A_110 = tpu.memref_slice %arg2[%dma_wait3A_108, %dma_wait3A_109] : memref<20480x128xf32, #tpu.memory_space<hbm>> -> memref<128x128xf32, #tpu.memory_space<hbm>>
    %dma_wait3A_111 = arith.constant 0 : i32
    %dma_wait3A_112 = arith.constant 0 : i32
    %dma_wait3A_113 = tpu.memref_slice %arg2[%dma_wait3A_111, %dma_wait3A_112] : memref<20480x128xf32, #tpu.memory_space<hbm>> -> memref<128x128xf32, #tpu.memory_space<hbm>>
    tpu.wait_dma2 semaphore(%arg12 : memref<!tpu.dma_semaphore, #tpu.memory_space<semaphore_mem>>) src(%dma_wait3A_113 : memref<128x128xf32, #tpu.memory_space<hbm>>) dst(%arg10 : memref<128x128xf32, #tpu.memory_space<vmem>>)
    %mul3A_114 = arith.constant 640 : i32
    %mul3A_115 = arith.muli %arg1, %mul3A_114 : i32
    %add3A_116 = arith.constant 256 : i32
    %add3A_117 = arith.addi %mul3A_115, %add3A_116 : i32
    "tpu.region"() ({
      %run_scoped3A = tpu.sem_alloc : memref<!tpu.dma_semaphore, #tpu.memory_space<semaphore_mem>>
      %dma_start3A_171 = arith.constant 0 : i32
      %dma_start3A_172 = tpu.memref_slice %arg7[%add3A_117, %dma_start3A_171] : memref<10240x128xf32, #tpu.memory_space<vmem_shared>> -> memref<128x128xf32, #tpu.memory_space<vmem_shared>>
      %dma_start3A_173 = arith.constant 0 : i32
      %dma_start3A_174 = tpu.memref_slice %arg7[%add3A_117, %dma_start3A_173] : memref<10240x128xf32, #tpu.memory_space<vmem_shared>> -> memref<128x128xf32, #tpu.memory_space<vmem_shared>>
      tpu.enqueue_dma source(%dma_start3A_174 : memref<128x128xf32, #tpu.memory_space<vmem_shared>>) target(%arg10 : memref<128x128xf32, #tpu.memory_space<vmem>>) target_semaphore(%run_scoped3A : memref<!tpu.dma_semaphore, #tpu.memory_space<semaphore_mem>>)
      %dma_wait3A_175 = arith.constant 0 : i32
      %dma_wait3A_176 = tpu.memref_slice %arg7[%add3A_117, %dma_wait3A_175] : memref<10240x128xf32, #tpu.memory_space<vmem_shared>> -> memref<128x128xf32, #tpu.memory_space<vmem_shared>>
      %dma_wait3A_177 = arith.constant 0 : i32
      %dma_wait3A_178 = tpu.memref_slice %arg7[%add3A_117, %dma_wait3A_177] : memref<10240x128xf32, #tpu.memory_space<vmem_shared>> -> memref<128x128xf32, #tpu.memory_space<vmem_shared>>
      tpu.wait_dma2 semaphore(%run_scoped3A : memref<!tpu.dma_semaphore, #tpu.memory_space<semaphore_mem>>) src(%dma_wait3A_178 : memref<128x128xf32, #tpu.memory_space<vmem_shared>>) dst(%arg10 : memref<128x128xf32, #tpu.memory_space<vmem>>)
      tpu.yield
    }) : () -> ()
    %mul3A_118 = arith.constant 10240 : i32
    %mul3A_119 = arith.muli %arg0, %mul3A_118 : i32
    %add3A_120 = arith.addi %mul3A_119, %add3A_117 : i32
    %dma_start3A_121 = arith.constant 0 : i32
    %dma_start3A_122 = tpu.memref_slice %arg6[%add3A_120, %dma_start3A_121] : memref<20480x128xf32, #tpu.memory_space<hbm>> -> memref<128x128xf32, #tpu.memory_space<hbm>>
    %dma_start3A_123 = arith.constant 0 : i32
    %dma_start3A_124 = tpu.memref_slice %arg6[%add3A_120, %dma_start3A_123] : memref<20480x128xf32, #tpu.memory_space<hbm>> -> memref<128x128xf32, #tpu.memory_space<hbm>>
    tpu.enqueue_dma source(%arg10 : memref<128x128xf32, #tpu.memory_space<vmem>>) target(%dma_start3A_124 : memref<128x128xf32, #tpu.memory_space<hbm>>) target_semaphore(%arg12 : memref<!tpu.dma_semaphore, #tpu.memory_space<semaphore_mem>>)
    %dma_wait3A_125 = arith.constant 0 : i32
    %dma_wait3A_126 = arith.constant 0 : i32
    %dma_wait3A_127 = tpu.memref_slice %arg2[%dma_wait3A_125, %dma_wait3A_126] : memref<20480x128xf32, #tpu.memory_space<hbm>> -> memref<128x128xf32, #tpu.memory_space<hbm>>
    %dma_wait3A_128 = arith.constant 0 : i32
    %dma_wait3A_129 = arith.constant 0 : i32
    %dma_wait3A_130 = tpu.memref_slice %arg2[%dma_wait3A_128, %dma_wait3A_129] : memref<20480x128xf32, #tpu.memory_space<hbm>> -> memref<128x128xf32, #tpu.memory_space<hbm>>
    tpu.wait_dma2 semaphore(%arg12 : memref<!tpu.dma_semaphore, #tpu.memory_space<semaphore_mem>>) src(%dma_wait3A_130 : memref<128x128xf32, #tpu.memory_space<hbm>>) dst(%arg11 : memref<128x128xf32, #tpu.memory_space<vmem>>)
    %mul3A_131 = arith.constant 640 : i32
    %mul3A_132 = arith.muli %arg1, %mul3A_131 : i32
    %add3A_133 = arith.constant 384 : i32
    %add3A_134 = arith.addi %mul3A_132, %add3A_133 : i32
    "tpu.region"() ({
      %run_scoped3A = tpu.sem_alloc : memref<!tpu.dma_semaphore, #tpu.memory_space<semaphore_mem>>
      %dma_start3A_171 = arith.constant 0 : i32
      %dma_start3A_172 = tpu.memref_slice %arg7[%add3A_134, %dma_start3A_171] : memref<10240x128xf32, #tpu.memory_space<vmem_shared>> -> memref<128x128xf32, #tpu.memory_space<vmem_shared>>
      %dma_start3A_173 = arith.constant 0 : i32
      %dma_start3A_174 = tpu.memref_slice %arg7[%add3A_134, %dma_start3A_173] : memref<10240x128xf32, #tpu.memory_space<vmem_shared>> -> memref<128x128xf32, #tpu.memory_space<vmem_shared>>
      tpu.enqueue_dma source(%dma_start3A_174 : memref<128x128xf32, #tpu.memory_space<vmem_shared>>) target(%arg11 : memref<128x128xf32, #tpu.memory_space<vmem>>) target_semaphore(%run_scoped3A : memref<!tpu.dma_semaphore, #tpu.memory_space<semaphore_mem>>)
      %dma_wait3A_175 = arith.constant 0 : i32
      %dma_wait3A_176 = tpu.memref_slice %arg7[%add3A_134, %dma_wait3A_175] : memref<10240x128xf32, #tpu.memory_space<vmem_shared>> -> memref<128x128xf32, #tpu.memory_space<vmem_shared>>
      %dma_wait3A_177 = arith.constant 0 : i32
      %dma_wait3A_178 = tpu.memref_slice %arg7[%add3A_134, %dma_wait3A_177] : memref<10240x128xf32, #tpu.memory_space<vmem_shared>> -> memref<128x128xf32, #tpu.memory_space<vmem_shared>>
      tpu.wait_dma2 semaphore(%run_scoped3A : memref<!tpu.dma_semaphore, #tpu.memory_space<semaphore_mem>>) src(%dma_wait3A_178 : memref<128x128xf32, #tpu.memory_space<vmem_shared>>) dst(%arg11 : memref<128x128xf32, #tpu.memory_space<vmem>>)
      tpu.yield
    }) : () -> ()
    %mul3A_135 = arith.constant 10240 : i32
    %mul3A_136 = arith.muli %arg0, %mul3A_135 : i32
    %add3A_137 = arith.addi %mul3A_136, %add3A_134 : i32
    %dma_start3A_138 = arith.constant 0 : i32
    %dma_start3A_139 = tpu.memref_slice %arg6[%add3A_137, %dma_start3A_138] : memref<20480x128xf32, #tpu.memory_space<hbm>> -> memref<128x128xf32, #tpu.memory_space<hbm>>
    %dma_start3A_140 = arith.constant 0 : i32
    %dma_start3A_141 = tpu.memref_slice %arg6[%add3A_137, %dma_start3A_140] : memref<20480x128xf32, #tpu.memory_space<hbm>> -> memref<128x128xf32, #tpu.memory_space<hbm>>
    tpu.enqueue_dma source(%arg11 : memref<128x128xf32, #tpu.memory_space<vmem>>) target(%dma_start3A_141 : memref<128x128xf32, #tpu.memory_space<hbm>>) target_semaphore(%arg12 : memref<!tpu.dma_semaphore, #tpu.memory_space<semaphore_mem>>)
    %dma_wait3A_142 = arith.constant 0 : i32
    %dma_wait3A_143 = arith.constant 0 : i32
    %dma_wait3A_144 = tpu.memref_slice %arg2[%dma_wait3A_142, %dma_wait3A_143] : memref<20480x128xf32, #tpu.memory_space<hbm>> -> memref<128x128xf32, #tpu.memory_space<hbm>>
    %dma_wait3A_145 = arith.constant 0 : i32
    %dma_wait3A_146 = arith.constant 0 : i32
    %dma_wait3A_147 = tpu.memref_slice %arg2[%dma_wait3A_145, %dma_wait3A_146] : memref<20480x128xf32, #tpu.memory_space<hbm>> -> memref<128x128xf32, #tpu.memory_space<hbm>>
    tpu.wait_dma2 semaphore(%arg12 : memref<!tpu.dma_semaphore, #tpu.memory_space<semaphore_mem>>) src(%dma_wait3A_147 : memref<128x128xf32, #tpu.memory_space<hbm>>) dst(%arg10 : memref<128x128xf32, #tpu.memory_space<vmem>>)
    %mul3A_148 = arith.constant 640 : i32
    %mul3A_149 = arith.muli %arg1, %mul3A_148 : i32
    %add3A_150 = arith.constant 512 : i32
    %add3A_151 = arith.addi %mul3A_149, %add3A_150 : i32
    "tpu.region"() ({
      %run_scoped3A = tpu.sem_alloc : memref<!tpu.dma_semaphore, #tpu.memory_space<semaphore_mem>>
      %dma_start3A_171 = arith.constant 0 : i32
      %dma_start3A_172 = tpu.memref_slice %arg7[%add3A_151, %dma_start3A_171] : memref<10240x128xf32, #tpu.memory_space<vmem_shared>> -> memref<128x128xf32, #tpu.memory_space<vmem_shared>>
      %dma_start3A_173 = arith.constant 0 : i32
      %dma_start3A_174 = tpu.memref_slice %arg7[%add3A_151, %dma_start3A_173] : memref<10240x128xf32, #tpu.memory_space<vmem_shared>> -> memref<128x128xf32, #tpu.memory_space<vmem_shared>>
      tpu.enqueue_dma source(%dma_start3A_174 : memref<128x128xf32, #tpu.memory_space<vmem_shared>>) target(%arg10 : memref<128x128xf32, #tpu.memory_space<vmem>>) target_semaphore(%run_scoped3A : memref<!tpu.dma_semaphore, #tpu.memory_space<semaphore_mem>>)
      %dma_wait3A_175 = arith.constant 0 : i32
      %dma_wait3A_176 = tpu.memref_slice %arg7[%add3A_151, %dma_wait3A_175] : memref<10240x128xf32, #tpu.memory_space<vmem_shared>> -> memref<128x128xf32, #tpu.memory_space<vmem_shared>>
      %dma_wait3A_177 = arith.constant 0 : i32
      %dma_wait3A_178 = tpu.memref_slice %arg7[%add3A_151, %dma_wait3A_177] : memref<10240x128xf32, #tpu.memory_space<vmem_shared>> -> memref<128x128xf32, #tpu.memory_space<vmem_shared>>
      tpu.wait_dma2 semaphore(%run_scoped3A : memref<!tpu.dma_semaphore, #tpu.memory_space<semaphore_mem>>) src(%dma_wait3A_178 : memref<128x128xf32, #tpu.memory_space<vmem_shared>>) dst(%arg10 : memref<128x128xf32, #tpu.memory_space<vmem>>)
      tpu.yield
    }) : () -> ()
    %mul3A_152 = arith.constant 10240 : i32
    %mul3A_153 = arith.muli %arg0, %mul3A_152 : i32
    %add3A_154 = arith.addi %mul3A_153, %add3A_151 : i32
    %dma_start3A_155 = arith.constant 0 : i32
    %dma_start3A_156 = tpu.memref_slice %arg6[%add3A_154, %dma_start3A_155] : memref<20480x128xf32, #tpu.memory_space<hbm>> -> memref<128x128xf32, #tpu.memory_space<hbm>>
    %dma_start3A_157 = arith.constant 0 : i32
    %dma_start3A_158 = tpu.memref_slice %arg6[%add3A_154, %dma_start3A_157] : memref<20480x128xf32, #tpu.memory_space<hbm>> -> memref<128x128xf32, #tpu.memory_space<hbm>>
    tpu.enqueue_dma source(%arg10 : memref<128x128xf32, #tpu.memory_space<vmem>>) target(%dma_start3A_158 : memref<128x128xf32, #tpu.memory_space<hbm>>) target_semaphore(%arg12 : memref<!tpu.dma_semaphore, #tpu.memory_space<semaphore_mem>>)
    %dma_wait3A_159 = arith.constant 0 : i32
    %dma_wait3A_160 = arith.constant 0 : i32
    %dma_wait3A_161 = tpu.memref_slice %arg2[%dma_wait3A_159, %dma_wait3A_160] : memref<20480x128xf32, #tpu.memory_space<hbm>> -> memref<128x128xf32, #tpu.memory_space<hbm>>
    %dma_wait3A_162 = arith.constant 0 : i32
    %dma_wait3A_163 = arith.constant 0 : i32
    %dma_wait3A_164 = tpu.memref_slice %arg2[%dma_wait3A_162, %dma_wait3A_163] : memref<20480x128xf32, #tpu.memory_space<hbm>> -> memref<128x128xf32, #tpu.memory_space<hbm>>
    tpu.wait_dma2 semaphore(%arg12 : memref<!tpu.dma_semaphore, #tpu.memory_space<semaphore_mem>>) src(%dma_wait3A_164 : memref<128x128xf32, #tpu.memory_space<hbm>>) dst(%arg10 : memref<128x128xf32, #tpu.memory_space<vmem>>)
    %dma_wait3A_165 = arith.constant 0 : i32
    %dma_wait3A_166 = arith.constant 0 : i32
    %dma_wait3A_167 = tpu.memref_slice %arg2[%dma_wait3A_165, %dma_wait3A_166] : memref<20480x128xf32, #tpu.memory_space<hbm>> -> memref<128x128xf32, #tpu.memory_space<hbm>>
    %dma_wait3A_168 = arith.constant 0 : i32
    %dma_wait3A_169 = arith.constant 0 : i32
    %dma_wait3A_170 = tpu.memref_slice %arg2[%dma_wait3A_168, %dma_wait3A_169] : memref<20480x128xf32, #tpu.memory_space<hbm>> -> memref<128x128xf32, #tpu.memory_space<hbm>>
    tpu.wait_dma2 semaphore(%arg12 : memref<!tpu.dma_semaphore, #tpu.memory_space<semaphore_mem>>) src(%dma_wait3A_170 : memref<128x128xf32, #tpu.memory_space<hbm>>) dst(%arg11 : memref<128x128xf32, #tpu.memory_space<vmem>>)
    return
  }
}

#map = affine_map<(d0, d1) -> (0, 0)>
module attributes {stable_mosaic.version = 14 : i64} {
  func.func @body(%arg0: i32, %arg1: i32, %arg2: memref<20480x128xf32, #tpu.memory_space<hbm>>, %arg3: memref<5120x128xi32, #tpu.memory_space<hbm>>, %arg4: memref<2560x128xi32, #tpu.memory_space<hbm>>, %arg5: memref<128x128xf32, #tpu.memory_space<hbm>>, %arg6: memref<20480x128xf32, #tpu.memory_space<hbm>>, %arg7: memref<10240x128xf32, #tpu.memory_space<vmem_shared>>, %arg8: memref<16x128xi32, #tpu.memory_space<vmem>>, %arg9: memref<16x128xi32, #tpu.memory_space<vmem>>, %arg10: memref<128x128xf32, #tpu.memory_space<vmem>>, %arg11: memref<128x128xf32, #tpu.memory_space<vmem>>, %arg12: memref<!tpu.dma_semaphore, #tpu.memory_space<semaphore_mem>>, %arg13: memref<!tpu.dma_semaphore, #tpu.memory_space<semaphore_mem>>) attributes {dimension_semantics = [#tpu.dimension_semantics<core_parallel>, #tpu.dimension_semantics<subcore_parallel>], iteration_bounds = array<i64: 2, 16>, scalar_prefetch = 0 : i64, scratch_operands = 7 : i64, tpu.core_type = #tpu.core_type<sc_vector_subcore>, window_params = [{transform_indices = #map}, {transform_indices = #map}, {transform_indices = #map}, {transform_indices = #map}, {transform_indices = #map}]} {
    %mul3A = arith.constant 160 : i32
    %mul3A_0 = arith.muli %arg1, %mul3A : i32
    %mul3A_1 = arith.constant 2560 : i32
    %mul3A_2 = arith.muli %arg0, %mul3A_1 : i32
    "tpu.region"() ({
      %run_scoped3A = tpu.sem_alloc : memref<!tpu.dma_semaphore, #tpu.memory_space<semaphore_mem>>
      tpu.enqueue_dma source(%arg5 : memref<128x128xf32, #tpu.memory_space<hbm>>) target(%arg10 : memref<128x128xf32, #tpu.memory_space<vmem>>) target_semaphore(%run_scoped3A : memref<!tpu.dma_semaphore, #tpu.memory_space<semaphore_mem>>)
      tpu.wait_dma2 semaphore(%run_scoped3A : memref<!tpu.dma_semaphore, #tpu.memory_space<semaphore_mem>>) src(%arg5 : memref<128x128xf32, #tpu.memory_space<hbm>>) dst(%arg10 : memref<128x128xf32, #tpu.memory_space<vmem>>)
      tpu.yield
    }) : () -> ()
    %mul3A_3 = arith.constant 640 : i32
    %mul3A_4 = arith.muli %arg1, %mul3A_3 : i32
    %add3A = arith.constant 0 : i32
    %add3A_5 = arith.addi %mul3A_4, %add3A : i32
    %dma_start3A = arith.constant 0 : i32
    %dma_start3A_6 = tpu.memref_slice %arg7[%add3A_5, %dma_start3A] : memref<10240x128xf32, #tpu.memory_space<vmem_shared>> -> memref<128x128xf32, #tpu.memory_space<vmem_shared>>
    %dma_start3A_7 = arith.constant 0 : i32
    %dma_start3A_8 = tpu.memref_slice %arg7[%add3A_5, %dma_start3A_7] : memref<10240x128xf32, #tpu.memory_space<vmem_shared>> -> memref<128x128xf32, #tpu.memory_space<vmem_shared>>
    tpu.enqueue_dma source(%arg10 : memref<128x128xf32, #tpu.memory_space<vmem>>) target(%dma_start3A_8 : memref<128x128xf32, #tpu.memory_space<vmem_shared>>) target_semaphore(%arg13 : memref<!tpu.dma_semaphore, #tpu.memory_space<semaphore_mem>>)
    %mul3A_9 = arith.constant 640 : i32
    %mul3A_10 = arith.muli %arg1, %mul3A_9 : i32
    %add3A_11 = arith.constant 128 : i32
    %add3A_12 = arith.addi %mul3A_10, %add3A_11 : i32
    %dma_start3A_13 = arith.constant 0 : i32
    %dma_start3A_14 = tpu.memref_slice %arg7[%add3A_12, %dma_start3A_13] : memref<10240x128xf32, #tpu.memory_space<vmem_shared>> -> memref<128x128xf32, #tpu.memory_space<vmem_shared>>
    %dma_start3A_15 = arith.constant 0 : i32
    %dma_start3A_16 = tpu.memref_slice %arg7[%add3A_12, %dma_start3A_15] : memref<10240x128xf32, #tpu.memory_space<vmem_shared>> -> memref<128x128xf32, #tpu.memory_space<vmem_shared>>
    tpu.enqueue_dma source(%arg10 : memref<128x128xf32, #tpu.memory_space<vmem>>) target(%dma_start3A_16 : memref<128x128xf32, #tpu.memory_space<vmem_shared>>) target_semaphore(%arg13 : memref<!tpu.dma_semaphore, #tpu.memory_space<semaphore_mem>>)
    %mul3A_17 = arith.constant 640 : i32
    %mul3A_18 = arith.muli %arg1, %mul3A_17 : i32
    %add3A_19 = arith.constant 256 : i32
    %add3A_20 = arith.addi %mul3A_18, %add3A_19 : i32
    %dma_start3A_21 = arith.constant 0 : i32
    %dma_start3A_22 = tpu.memref_slice %arg7[%add3A_20, %dma_start3A_21] : memref<10240x128xf32, #tpu.memory_space<vmem_shared>> -> memref<128x128xf32, #tpu.memory_space<vmem_shared>>
    %dma_start3A_23 = arith.constant 0 : i32
    %dma_start3A_24 = tpu.memref_slice %arg7[%add3A_20, %dma_start3A_23] : memref<10240x128xf32, #tpu.memory_space<vmem_shared>> -> memref<128x128xf32, #tpu.memory_space<vmem_shared>>
    tpu.enqueue_dma source(%arg10 : memref<128x128xf32, #tpu.memory_space<vmem>>) target(%dma_start3A_24 : memref<128x128xf32, #tpu.memory_space<vmem_shared>>) target_semaphore(%arg13 : memref<!tpu.dma_semaphore, #tpu.memory_space<semaphore_mem>>)
    %mul3A_25 = arith.constant 640 : i32
    %mul3A_26 = arith.muli %arg1, %mul3A_25 : i32
    %add3A_27 = arith.constant 384 : i32
    %add3A_28 = arith.addi %mul3A_26, %add3A_27 : i32
    %dma_start3A_29 = arith.constant 0 : i32
    %dma_start3A_30 = tpu.memref_slice %arg7[%add3A_28, %dma_start3A_29] : memref<10240x128xf32, #tpu.memory_space<vmem_shared>> -> memref<128x128xf32, #tpu.memory_space<vmem_shared>>
    %dma_start3A_31 = arith.constant 0 : i32
    %dma_start3A_32 = tpu.memref_slice %arg7[%add3A_28, %dma_start3A_31] : memref<10240x128xf32, #tpu.memory_space<vmem_shared>> -> memref<128x128xf32, #tpu.memory_space<vmem_shared>>
    tpu.enqueue_dma source(%arg10 : memref<128x128xf32, #tpu.memory_space<vmem>>) target(%dma_start3A_32 : memref<128x128xf32, #tpu.memory_space<vmem_shared>>) target_semaphore(%arg13 : memref<!tpu.dma_semaphore, #tpu.memory_space<semaphore_mem>>)
    %mul3A_33 = arith.constant 640 : i32
    %mul3A_34 = arith.muli %arg1, %mul3A_33 : i32
    %add3A_35 = arith.constant 512 : i32
    %add3A_36 = arith.addi %mul3A_34, %add3A_35 : i32
    %dma_start3A_37 = arith.constant 0 : i32
    %dma_start3A_38 = tpu.memref_slice %arg7[%add3A_36, %dma_start3A_37] : memref<10240x128xf32, #tpu.memory_space<vmem_shared>> -> memref<128x128xf32, #tpu.memory_space<vmem_shared>>
    %dma_start3A_39 = arith.constant 0 : i32
    %dma_start3A_40 = tpu.memref_slice %arg7[%add3A_36, %dma_start3A_39] : memref<10240x128xf32, #tpu.memory_space<vmem_shared>> -> memref<128x128xf32, #tpu.memory_space<vmem_shared>>
    tpu.enqueue_dma source(%arg10 : memref<128x128xf32, #tpu.memory_space<vmem>>) target(%dma_start3A_40 : memref<128x128xf32, #tpu.memory_space<vmem_shared>>) target_semaphore(%arg13 : memref<!tpu.dma_semaphore, #tpu.memory_space<semaphore_mem>>)
    %dma_wait3A = arith.constant 0 : i32
    %dma_wait3A_41 = arith.constant 0 : i32
    %dma_wait3A_42 = tpu.memref_slice %arg2[%dma_wait3A, %dma_wait3A_41] : memref<20480x128xf32, #tpu.memory_space<hbm>> -> memref<128x128xf32, #tpu.memory_space<hbm>>
    %dma_wait3A_43 = arith.constant 0 : i32
    %dma_wait3A_44 = arith.constant 0 : i32
    %dma_wait3A_45 = tpu.memref_slice %arg2[%dma_wait3A_43, %dma_wait3A_44] : memref<20480x128xf32, #tpu.memory_space<hbm>> -> memref<128x128xf32, #tpu.memory_space<hbm>>
    tpu.wait_dma2 semaphore(%arg13 : memref<!tpu.dma_semaphore, #tpu.memory_space<semaphore_mem>>) src(%dma_wait3A_45 : memref<128x128xf32, #tpu.memory_space<hbm>>) dst(%arg10 : memref<128x128xf32, #tpu.memory_space<vmem>>)
    %dma_wait3A_46 = arith.constant 0 : i32
    %dma_wait3A_47 = arith.constant 0 : i32
    %dma_wait3A_48 = tpu.memref_slice %arg2[%dma_wait3A_46, %dma_wait3A_47] : memref<20480x128xf32, #tpu.memory_space<hbm>> -> memref<128x128xf32, #tpu.memory_space<hbm>>
    %dma_wait3A_49 = arith.constant 0 : i32
    %dma_wait3A_50 = arith.constant 0 : i32
    %dma_wait3A_51 = tpu.memref_slice %arg2[%dma_wait3A_49, %dma_wait3A_50] : memref<20480x128xf32, #tpu.memory_space<hbm>> -> memref<128x128xf32, #tpu.memory_space<hbm>>
    tpu.wait_dma2 semaphore(%arg13 : memref<!tpu.dma_semaphore, #tpu.memory_space<semaphore_mem>>) src(%dma_wait3A_51 : memref<128x128xf32, #tpu.memory_space<hbm>>) dst(%arg10 : memref<128x128xf32, #tpu.memory_space<vmem>>)
    %dma_wait3A_52 = arith.constant 0 : i32
    %dma_wait3A_53 = arith.constant 0 : i32
    %dma_wait3A_54 = tpu.memref_slice %arg2[%dma_wait3A_52, %dma_wait3A_53] : memref<20480x128xf32, #tpu.memory_space<hbm>> -> memref<128x128xf32, #tpu.memory_space<hbm>>
    %dma_wait3A_55 = arith.constant 0 : i32
    %dma_wait3A_56 = arith.constant 0 : i32
    %dma_wait3A_57 = tpu.memref_slice %arg2[%dma_wait3A_55, %dma_wait3A_56] : memref<20480x128xf32, #tpu.memory_space<hbm>> -> memref<128x128xf32, #tpu.memory_space<hbm>>
    tpu.wait_dma2 semaphore(%arg13 : memref<!tpu.dma_semaphore, #tpu.memory_space<semaphore_mem>>) src(%dma_wait3A_57 : memref<128x128xf32, #tpu.memory_space<hbm>>) dst(%arg10 : memref<128x128xf32, #tpu.memory_space<vmem>>)
    %dma_wait3A_58 = arith.constant 0 : i32
    %dma_wait3A_59 = arith.constant 0 : i32
    %dma_wait3A_60 = tpu.memref_slice %arg2[%dma_wait3A_58, %dma_wait3A_59] : memref<20480x128xf32, #tpu.memory_space<hbm>> -> memref<128x128xf32, #tpu.memory_space<hbm>>
    %dma_wait3A_61 = arith.constant 0 : i32
    %dma_wait3A_62 = arith.constant 0 : i32
    %dma_wait3A_63 = tpu.memref_slice %arg2[%dma_wait3A_61, %dma_wait3A_62] : memref<20480x128xf32, #tpu.memory_space<hbm>> -> memref<128x128xf32, #tpu.memory_space<hbm>>
    tpu.wait_dma2 semaphore(%arg13 : memref<!tpu.dma_semaphore, #tpu.memory_space<semaphore_mem>>) src(%dma_wait3A_63 : memref<128x128xf32, #tpu.memory_space<hbm>>) dst(%arg10 : memref<128x128xf32, #tpu.memory_space<vmem>>)
    %dma_wait3A_64 = arith.constant 0 : i32
    %dma_wait3A_65 = arith.constant 0 : i32
    %dma_wait3A_66 = tpu.memref_slice %arg2[%dma_wait3A_64, %dma_wait3A_65] : memref<20480x128xf32, #tpu.memory_space<hbm>> -> memref<128x128xf32, #tpu.memory_space<hbm>>
    %dma_wait3A_67 = arith.constant 0 : i32
    %dma_wait3A_68 = arith.constant 0 : i32
    %dma_wait3A_69 = tpu.memref_slice %arg2[%dma_wait3A_67, %dma_wait3A_68] : memref<20480x128xf32, #tpu.memory_space<hbm>> -> memref<128x128xf32, #tpu.memory_space<hbm>>
    tpu.wait_dma2 semaphore(%arg13 : memref<!tpu.dma_semaphore, #tpu.memory_space<semaphore_mem>>) src(%dma_wait3A_69 : memref<128x128xf32, #tpu.memory_space<hbm>>) dst(%arg10 : memref<128x128xf32, #tpu.memory_space<vmem>>)
    %add3A_70 = arith.constant 0 : i32
    %add3A_71 = arith.addi %mul3A_0, %add3A_70 : i32
    %add3A_72 = arith.addi %mul3A_2, %add3A_71 : i32
    "tpu.region"() ({
      %run_scoped3A = tpu.sem_alloc : memref<!tpu.dma_semaphore, #tpu.memory_space<semaphore_mem>>
      %dma_start3A_171 = arith.constant 0 : i32
      %dma_start3A_172 = tpu.memref_slice %arg3[%add3A_72, %dma_start3A_171] : memref<5120x128xi32, #tpu.memory_space<hbm>> -> memref<16x128xi32, #tpu.memory_space<hbm>>
      %dma_start3A_173 = arith.constant 0 : i32
      %dma_start3A_174 = tpu.memref_slice %arg3[%add3A_72, %dma_start3A_173] : memref<5120x128xi32, #tpu.memory_space<hbm>> -> memref<16x128xi32, #tpu.memory_space<hbm>>
      tpu.enqueue_dma source(%dma_start3A_174 : memref<16x128xi32, #tpu.memory_space<hbm>>) target(%arg8 : memref<16x128xi32, #tpu.memory_space<vmem>>) target_semaphore(%run_scoped3A : memref<!tpu.dma_semaphore, #tpu.memory_space<semaphore_mem>>)
      %dma_wait3A_175 = arith.constant 0 : i32
      %dma_wait3A_176 = tpu.memref_slice %arg3[%add3A_72, %dma_wait3A_175] : memref<5120x128xi32, #tpu.memory_space<hbm>> -> memref<16x128xi32, #tpu.memory_space<hbm>>
      %dma_wait3A_177 = arith.constant 0 : i32
      %dma_wait3A_178 = tpu.memref_slice %arg3[%add3A_72, %dma_wait3A_177] : memref<5120x128xi32, #tpu.memory_space<hbm>> -> memref<16x128xi32, #tpu.memory_space<hbm>>
      tpu.wait_dma2 semaphore(%run_scoped3A : memref<!tpu.dma_semaphore, #tpu.memory_space<semaphore_mem>>) src(%dma_wait3A_178 : memref<16x128xi32, #tpu.memory_space<hbm>>) dst(%arg8 : memref<16x128xi32, #tpu.memory_space<vmem>>)
      tpu.yield
    }) : () -> ()
    "tpu.region"() ({
      %run_scoped3A = tpu.sem_alloc : memref<!tpu.dma_semaphore, #tpu.memory_space<semaphore_mem>>
      %dma_start3A_171 = arith.constant 0 : i32
      %dma_start3A_172 = tpu.memref_slice %arg4[%add3A_71, %dma_start3A_171] : memref<2560x128xi32, #tpu.memory_space<hbm>> -> memref<16x128xi32, #tpu.memory_space<hbm>>
      %dma_start3A_173 = arith.constant 0 : i32
      %dma_start3A_174 = tpu.memref_slice %arg4[%add3A_71, %dma_start3A_173] : memref<2560x128xi32, #tpu.memory_space<hbm>> -> memref<16x128xi32, #tpu.memory_space<hbm>>
      tpu.enqueue_dma source(%dma_start3A_174 : memref<16x128xi32, #tpu.memory_space<hbm>>) target(%arg9 : memref<16x128xi32, #tpu.memory_space<vmem>>) target_semaphore(%run_scoped3A : memref<!tpu.dma_semaphore, #tpu.memory_space<semaphore_mem>>)
      %dma_wait3A_175 = arith.constant 0 : i32
      %dma_wait3A_176 = tpu.memref_slice %arg4[%add3A_71, %dma_wait3A_175] : memref<2560x128xi32, #tpu.memory_space<hbm>> -> memref<16x128xi32, #tpu.memory_space<hbm>>
      %dma_wait3A_177 = arith.constant 0 : i32
      %dma_wait3A_178 = tpu.memref_slice %arg4[%add3A_71, %dma_wait3A_177] : memref<2560x128xi32, #tpu.memory_space<hbm>> -> memref<16x128xi32, #tpu.memory_space<hbm>>
      tpu.wait_dma2 semaphore(%run_scoped3A : memref<!tpu.dma_semaphore, #tpu.memory_space<semaphore_mem>>) src(%dma_wait3A_178 : memref<16x128xi32, #tpu.memory_space<hbm>>) dst(%arg9 : memref<16x128xi32, #tpu.memory_space<vmem>>)
      tpu.yield
    }) : () -> ()
    %dma_start3A_73 = arith.constant 0 : i32
    %dma_start3A_74 = arith.constant 0 : i32
    %dma_start3A_75 = tpu.memref_slice %arg8[%dma_start3A_73, %dma_start3A_74] : memref<16x128xi32, #tpu.memory_space<vmem>> -> memref<1x128xi32, #tpu.memory_space<vmem>>
    %dma_start3A_76 = tpu.memref_squeeze %dma_start3A_75 : memref<1x128xi32, #tpu.memory_space<vmem>> -> memref<128xi32, #tpu.memory_space<vmem>>
    %dma_start3A_77 = arith.constant 0 : i32
    %dma_start3A_78 = arith.constant 0 : i32
    %dma_start3A_79 = tpu.memref_slice %arg2[%dma_start3A_77, %dma_start3A_78] : memref<20480x128xf32, #tpu.memory_space<hbm>> -> memref<20480x128xf32, #tpu.memory_space<hbm>>
    tpu.enqueue_indirect_dma source(%dma_start3A_79 : memref<20480x128xf32, #tpu.memory_space<hbm>>) target(%arg10 : memref<128x128xf32, #tpu.memory_space<vmem>>) offsets(%dma_start3A_76 : memref<128xi32, #tpu.memory_space<vmem>>) semaphore(%arg12 : memref<!tpu.dma_semaphore, #tpu.memory_space<semaphore_mem>>)
    %barrier3A = arith.constant 0 : index
    tpu.barrier barrier_id(%barrier3A)
    %scan3A = arith.constant 0 : i32
    %scan3A_80 = arith.constant 0 : i32
    %scan3A_81 = arith.constant 10 : i32
    %scan3A_82 = arith.addi %scan3A_80, %scan3A_81 : i32
    %scan3A_83 = arith.constant 1 : i32
    scf.for %scan3A_171 = %scan3A_80 to %scan3A_82 step %scan3A_83  : i32 {
      %dma_wait3A_172 = arith.constant 0 : i32
      %dma_wait3A_173 = arith.constant 0 : i32
      %dma_wait3A_174 = tpu.memref_slice %arg2[%dma_wait3A_172, %dma_wait3A_173] : memref<20480x128xf32, #tpu.memory_space<hbm>> -> memref<128x128xf32, #tpu.memory_space<hbm>>
      %dma_wait3A_175 = arith.constant 0 : i32
      %dma_wait3A_176 = arith.constant 0 : i32
      %dma_wait3A_177 = tpu.memref_slice %arg2[%dma_wait3A_175, %dma_wait3A_176] : memref<20480x128xf32, #tpu.memory_space<hbm>> -> memref<128x128xf32, #tpu.memory_space<hbm>>
      tpu.wait_dma2 semaphore(%arg12 : memref<!tpu.dma_semaphore, #tpu.memory_space<semaphore_mem>>) src(%dma_wait3A_177 : memref<128x128xf32, #tpu.memory_space<hbm>>) dst(%arg10 : memref<128x128xf32, #tpu.memory_space<vmem>>)
      %dma_start3A_178 = arith.constant 0 : i32
      %dma_start3A_179 = arith.constant 0 : i32
      %dma_start3A_180 = tpu.memref_slice %arg9[%dma_start3A_178, %dma_start3A_179] : memref<16x128xi32, #tpu.memory_space<vmem>> -> memref<1x128xi32, #tpu.memory_space<vmem>>
      %dma_start3A_181 = tpu.memref_squeeze %dma_start3A_180 : memref<1x128xi32, #tpu.memory_space<vmem>> -> memref<128xi32, #tpu.memory_space<vmem>>
      %dma_start3A_182 = arith.constant 0 : i32
      %dma_start3A_183 = arith.constant 0 : i32
      %dma_start3A_184 = tpu.memref_slice %arg7[%dma_start3A_182, %dma_start3A_183] : memref<10240x128xf32, #tpu.memory_space<vmem_shared>> -> memref<10240x128xf32, #tpu.memory_space<vmem_shared>>
      tpu.enqueue_indirect_dma source(%arg10 : memref<128x128xf32, #tpu.memory_space<vmem>>) target(%dma_start3A_184 : memref<10240x128xf32, #tpu.memory_space<vmem_shared>>) offsets(%dma_start3A_181 : memref<128xi32, #tpu.memory_space<vmem>>) semaphore(%arg13 : memref<!tpu.dma_semaphore, #tpu.memory_space<semaphore_mem>>) {add = true}
      %dma_start3A_185 = arith.constant 1 : i32
      %dma_start3A_186 = arith.constant 0 : i32
      %dma_start3A_187 = tpu.memref_slice %arg8[%dma_start3A_185, %dma_start3A_186] : memref<16x128xi32, #tpu.memory_space<vmem>> -> memref<1x128xi32, #tpu.memory_space<vmem>>
      %dma_start3A_188 = tpu.memref_squeeze %dma_start3A_187 : memref<1x128xi32, #tpu.memory_space<vmem>> -> memref<128xi32, #tpu.memory_space<vmem>>
      %dma_start3A_189 = arith.constant 0 : i32
      %dma_start3A_190 = arith.constant 0 : i32
      %dma_start3A_191 = tpu.memref_slice %arg2[%dma_start3A_189, %dma_start3A_190] : memref<20480x128xf32, #tpu.memory_space<hbm>> -> memref<20480x128xf32, #tpu.memory_space<hbm>>
      tpu.enqueue_indirect_dma source(%dma_start3A_191 : memref<20480x128xf32, #tpu.memory_space<hbm>>) target(%arg11 : memref<128x128xf32, #tpu.memory_space<vmem>>) offsets(%dma_start3A_188 : memref<128xi32, #tpu.memory_space<vmem>>) semaphore(%arg12 : memref<!tpu.dma_semaphore, #tpu.memory_space<semaphore_mem>>)
      %dma_wait3A_192 = arith.constant 0 : i32
      %dma_wait3A_193 = arith.constant 0 : i32
      %dma_wait3A_194 = tpu.memref_slice %arg2[%dma_wait3A_192, %dma_wait3A_193] : memref<20480x128xf32, #tpu.memory_space<hbm>> -> memref<128x128xf32, #tpu.memory_space<hbm>>
      %dma_wait3A_195 = arith.constant 0 : i32
      %dma_wait3A_196 = arith.constant 0 : i32
      %dma_wait3A_197 = tpu.memref_slice %arg2[%dma_wait3A_195, %dma_wait3A_196] : memref<20480x128xf32, #tpu.memory_space<hbm>> -> memref<128x128xf32, #tpu.memory_space<hbm>>
      tpu.wait_dma2 semaphore(%arg12 : memref<!tpu.dma_semaphore, #tpu.memory_space<semaphore_mem>>) src(%dma_wait3A_197 : memref<128x128xf32, #tpu.memory_space<hbm>>) dst(%arg11 : memref<128x128xf32, #tpu.memory_space<vmem>>)
      %dma_start3A_198 = arith.constant 1 : i32
      %dma_start3A_199 = arith.constant 0 : i32
      %dma_start3A_200 = tpu.memref_slice %arg9[%dma_start3A_198, %dma_start3A_199] : memref<16x128xi32, #tpu.memory_space<vmem>> -> memref<1x128xi32, #tpu.memory_space<vmem>>
      %dma_start3A_201 = tpu.memref_squeeze %dma_start3A_200 : memref<1x128xi32, #tpu.memory_space<vmem>> -> memref<128xi32, #tpu.memory_space<vmem>>
      %dma_start3A_202 = arith.constant 0 : i32
      %dma_start3A_203 = arith.constant 0 : i32
      %dma_start3A_204 = tpu.memref_slice %arg7[%dma_start3A_202, %dma_start3A_203] : memref<10240x128xf32, #tpu.memory_space<vmem_shared>> -> memref<10240x128xf32, #tpu.memory_space<vmem_shared>>
      tpu.enqueue_indirect_dma source(%arg11 : memref<128x128xf32, #tpu.memory_space<vmem>>) target(%dma_start3A_204 : memref<10240x128xf32, #tpu.memory_space<vmem_shared>>) offsets(%dma_start3A_201 : memref<128xi32, #tpu.memory_space<vmem>>) semaphore(%arg13 : memref<!tpu.dma_semaphore, #tpu.memory_space<semaphore_mem>>) {add = true}
      %dma_wait3A_205 = arith.constant 0 : i32
      %dma_wait3A_206 = arith.constant 0 : i32
      %dma_wait3A_207 = tpu.memref_slice %arg2[%dma_wait3A_205, %dma_wait3A_206] : memref<20480x128xf32, #tpu.memory_space<hbm>> -> memref<128x128xf32, #tpu.memory_space<hbm>>
      %dma_wait3A_208 = arith.constant 0 : i32
      %dma_wait3A_209 = arith.constant 0 : i32
      %dma_wait3A_210 = tpu.memref_slice %arg2[%dma_wait3A_208, %dma_wait3A_209] : memref<20480x128xf32, #tpu.memory_space<hbm>> -> memref<128x128xf32, #tpu.memory_space<hbm>>
      tpu.wait_dma2 semaphore(%arg13 : memref<!tpu.dma_semaphore, #tpu.memory_space<semaphore_mem>>) src(%dma_wait3A_210 : memref<128x128xf32, #tpu.memory_space<hbm>>) dst(%arg10 : memref<128x128xf32, #tpu.memory_space<vmem>>)
      %dma_start3A_211 = arith.constant 2 : i32
      %dma_start3A_212 = arith.constant 0 : i32
      %dma_start3A_213 = tpu.memref_slice %arg8[%dma_start3A_211, %dma_start3A_212] : memref<16x128xi32, #tpu.memory_space<vmem>> -> memref<1x128xi32, #tpu.memory_space<vmem>>
      %dma_start3A_214 = tpu.memref_squeeze %dma_start3A_213 : memref<1x128xi32, #tpu.memory_space<vmem>> -> memref<128xi32, #tpu.memory_space<vmem>>
      %dma_start3A_215 = arith.constant 0 : i32
      %dma_start3A_216 = arith.constant 0 : i32
      %dma_start3A_217 = tpu.memref_slice %arg2[%dma_start3A_215, %dma_start3A_216] : memref<20480x128xf32, #tpu.memory_space<hbm>> -> memref<20480x128xf32, #tpu.memory_space<hbm>>
      tpu.enqueue_indirect_dma source(%dma_start3A_217 : memref<20480x128xf32, #tpu.memory_space<hbm>>) target(%arg10 : memref<128x128xf32, #tpu.memory_space<vmem>>) offsets(%dma_start3A_214 : memref<128xi32, #tpu.memory_space<vmem>>) semaphore(%arg12 : memref<!tpu.dma_semaphore, #tpu.memory_space<semaphore_mem>>)
      %dma_wait3A_218 = arith.constant 0 : i32
      %dma_wait3A_219 = arith.constant 0 : i32
      %dma_wait3A_220 = tpu.memref_slice %arg2[%dma_wait3A_218, %dma_wait3A_219] : memref<20480x128xf32, #tpu.memory_space<hbm>> -> memref<128x128xf32, #tpu.memory_space<hbm>>
      %dma_wait3A_221 = arith.constant 0 : i32
      %dma_wait3A_222 = arith.constant 0 : i32
      %dma_wait3A_223 = tpu.memref_slice %arg2[%dma_wait3A_221, %dma_wait3A_222] : memref<20480x128xf32, #tpu.memory_space<hbm>> -> memref<128x128xf32, #tpu.memory_space<hbm>>
      tpu.wait_dma2 semaphore(%arg12 : memref<!tpu.dma_semaphore, #tpu.memory_space<semaphore_mem>>) src(%dma_wait3A_223 : memref<128x128xf32, #tpu.memory_space<hbm>>) dst(%arg10 : memref<128x128xf32, #tpu.memory_space<vmem>>)
      %dma_start3A_224 = arith.constant 2 : i32
      %dma_start3A_225 = arith.constant 0 : i32
      %dma_start3A_226 = tpu.memref_slice %arg9[%dma_start3A_224, %dma_start3A_225] : memref<16x128xi32, #tpu.memory_space<vmem>> -> memref<1x128xi32, #tpu.memory_space<vmem>>
      %dma_start3A_227 = tpu.memref_squeeze %dma_start3A_226 : memref<1x128xi32, #tpu.memory_space<vmem>> -> memref<128xi32, #tpu.memory_space<vmem>>
      %dma_start3A_228 = arith.constant 0 : i32
      %dma_start3A_229 = arith.constant 0 : i32
      %dma_start3A_230 = tpu.memref_slice %arg7[%dma_start3A_228, %dma_start3A_229] : memref<10240x128xf32, #tpu.memory_space<vmem_shared>> -> memref<10240x128xf32, #tpu.memory_space<vmem_shared>>
      tpu.enqueue_indirect_dma source(%arg10 : memref<128x128xf32, #tpu.memory_space<vmem>>) target(%dma_start3A_230 : memref<10240x128xf32, #tpu.memory_space<vmem_shared>>) offsets(%dma_start3A_227 : memref<128xi32, #tpu.memory_space<vmem>>) semaphore(%arg13 : memref<!tpu.dma_semaphore, #tpu.memory_space<semaphore_mem>>) {add = true}
      %dma_wait3A_231 = arith.constant 0 : i32
      %dma_wait3A_232 = arith.constant 0 : i32
      %dma_wait3A_233 = tpu.memref_slice %arg2[%dma_wait3A_231, %dma_wait3A_232] : memref<20480x128xf32, #tpu.memory_space<hbm>> -> memref<128x128xf32, #tpu.memory_space<hbm>>
      %dma_wait3A_234 = arith.constant 0 : i32
      %dma_wait3A_235 = arith.constant 0 : i32
      %dma_wait3A_236 = tpu.memref_slice %arg2[%dma_wait3A_234, %dma_wait3A_235] : memref<20480x128xf32, #tpu.memory_space<hbm>> -> memref<128x128xf32, #tpu.memory_space<hbm>>
      tpu.wait_dma2 semaphore(%arg13 : memref<!tpu.dma_semaphore, #tpu.memory_space<semaphore_mem>>) src(%dma_wait3A_236 : memref<128x128xf32, #tpu.memory_space<hbm>>) dst(%arg11 : memref<128x128xf32, #tpu.memory_space<vmem>>)
      %dma_start3A_237 = arith.constant 3 : i32
      %dma_start3A_238 = arith.constant 0 : i32
      %dma_start3A_239 = tpu.memref_slice %arg8[%dma_start3A_237, %dma_start3A_238] : memref<16x128xi32, #tpu.memory_space<vmem>> -> memref<1x128xi32, #tpu.memory_space<vmem>>
      %dma_start3A_240 = tpu.memref_squeeze %dma_start3A_239 : memref<1x128xi32, #tpu.memory_space<vmem>> -> memref<128xi32, #tpu.memory_space<vmem>>
      %dma_start3A_241 = arith.constant 0 : i32
      %dma_start3A_242 = arith.constant 0 : i32
      %dma_start3A_243 = tpu.memref_slice %arg2[%dma_start3A_241, %dma_start3A_242] : memref<20480x128xf32, #tpu.memory_space<hbm>> -> memref<20480x128xf32, #tpu.memory_space<hbm>>
      tpu.enqueue_indirect_dma source(%dma_start3A_243 : memref<20480x128xf32, #tpu.memory_space<hbm>>) target(%arg11 : memref<128x128xf32, #tpu.memory_space<vmem>>) offsets(%dma_start3A_240 : memref<128xi32, #tpu.memory_space<vmem>>) semaphore(%arg12 : memref<!tpu.dma_semaphore, #tpu.memory_space<semaphore_mem>>)
      %dma_wait3A_244 = arith.constant 0 : i32
      %dma_wait3A_245 = arith.constant 0 : i32
      %dma_wait3A_246 = tpu.memref_slice %arg2[%dma_wait3A_244, %dma_wait3A_245] : memref<20480x128xf32, #tpu.memory_space<hbm>> -> memref<128x128xf32, #tpu.memory_space<hbm>>
      %dma_wait3A_247 = arith.constant 0 : i32
      %dma_wait3A_248 = arith.constant 0 : i32
      %dma_wait3A_249 = tpu.memref_slice %arg2[%dma_wait3A_247, %dma_wait3A_248] : memref<20480x128xf32, #tpu.memory_space<hbm>> -> memref<128x128xf32, #tpu.memory_space<hbm>>
      tpu.wait_dma2 semaphore(%arg12 : memref<!tpu.dma_semaphore, #tpu.memory_space<semaphore_mem>>) src(%dma_wait3A_249 : memref<128x128xf32, #tpu.memory_space<hbm>>) dst(%arg11 : memref<128x128xf32, #tpu.memory_space<vmem>>)
      %dma_start3A_250 = arith.constant 3 : i32
      %dma_start3A_251 = arith.constant 0 : i32
      %dma_start3A_252 = tpu.memref_slice %arg9[%dma_start3A_250, %dma_start3A_251] : memref<16x128xi32, #tpu.memory_space<vmem>> -> memref<1x128xi32, #tpu.memory_space<vmem>>
      %dma_start3A_253 = tpu.memref_squeeze %dma_start3A_252 : memref<1x128xi32, #tpu.memory_space<vmem>> -> memref<128xi32, #tpu.memory_space<vmem>>
      %dma_start3A_254 = arith.constant 0 : i32
      %dma_start3A_255 = arith.constant 0 : i32
      %dma_start3A_256 = tpu.memref_slice %arg7[%dma_start3A_254, %dma_start3A_255] : memref<10240x128xf32, #tpu.memory_space<vmem_shared>> -> memref<10240x128xf32, #tpu.memory_space<vmem_shared>>
      tpu.enqueue_indirect_dma source(%arg11 : memref<128x128xf32, #tpu.memory_space<vmem>>) target(%dma_start3A_256 : memref<10240x128xf32, #tpu.memory_space<vmem_shared>>) offsets(%dma_start3A_253 : memref<128xi32, #tpu.memory_space<vmem>>) semaphore(%arg13 : memref<!tpu.dma_semaphore, #tpu.memory_space<semaphore_mem>>) {add = true}
      %dma_wait3A_257 = arith.constant 0 : i32
      %dma_wait3A_258 = arith.constant 0 : i32
      %dma_wait3A_259 = tpu.memref_slice %arg2[%dma_wait3A_257, %dma_wait3A_258] : memref<20480x128xf32, #tpu.memory_space<hbm>> -> memref<128x128xf32, #tpu.memory_space<hbm>>
      %dma_wait3A_260 = arith.constant 0 : i32
      %dma_wait3A_261 = arith.constant 0 : i32
      %dma_wait3A_262 = tpu.memref_slice %arg2[%dma_wait3A_260, %dma_wait3A_261] : memref<20480x128xf32, #tpu.memory_space<hbm>> -> memref<128x128xf32, #tpu.memory_space<hbm>>
      tpu.wait_dma2 semaphore(%arg13 : memref<!tpu.dma_semaphore, #tpu.memory_space<semaphore_mem>>) src(%dma_wait3A_262 : memref<128x128xf32, #tpu.memory_space<hbm>>) dst(%arg10 : memref<128x128xf32, #tpu.memory_space<vmem>>)
      %dma_start3A_263 = arith.constant 4 : i32
      %dma_start3A_264 = arith.constant 0 : i32
      %dma_start3A_265 = tpu.memref_slice %arg8[%dma_start3A_263, %dma_start3A_264] : memref<16x128xi32, #tpu.memory_space<vmem>> -> memref<1x128xi32, #tpu.memory_space<vmem>>
      %dma_start3A_266 = tpu.memref_squeeze %dma_start3A_265 : memref<1x128xi32, #tpu.memory_space<vmem>> -> memref<128xi32, #tpu.memory_space<vmem>>
      %dma_start3A_267 = arith.constant 0 : i32
      %dma_start3A_268 = arith.constant 0 : i32
      %dma_start3A_269 = tpu.memref_slice %arg2[%dma_start3A_267, %dma_start3A_268] : memref<20480x128xf32, #tpu.memory_space<hbm>> -> memref<20480x128xf32, #tpu.memory_space<hbm>>
      tpu.enqueue_indirect_dma source(%dma_start3A_269 : memref<20480x128xf32, #tpu.memory_space<hbm>>) target(%arg10 : memref<128x128xf32, #tpu.memory_space<vmem>>) offsets(%dma_start3A_266 : memref<128xi32, #tpu.memory_space<vmem>>) semaphore(%arg12 : memref<!tpu.dma_semaphore, #tpu.memory_space<semaphore_mem>>)
      %dma_wait3A_270 = arith.constant 0 : i32
      %dma_wait3A_271 = arith.constant 0 : i32
      %dma_wait3A_272 = tpu.memref_slice %arg2[%dma_wait3A_270, %dma_wait3A_271] : memref<20480x128xf32, #tpu.memory_space<hbm>> -> memref<128x128xf32, #tpu.memory_space<hbm>>
      %dma_wait3A_273 = arith.constant 0 : i32
      %dma_wait3A_274 = arith.constant 0 : i32
      %dma_wait3A_275 = tpu.memref_slice %arg2[%dma_wait3A_273, %dma_wait3A_274] : memref<20480x128xf32, #tpu.memory_space<hbm>> -> memref<128x128xf32, #tpu.memory_space<hbm>>
      tpu.wait_dma2 semaphore(%arg12 : memref<!tpu.dma_semaphore, #tpu.memory_space<semaphore_mem>>) src(%dma_wait3A_275 : memref<128x128xf32, #tpu.memory_space<hbm>>) dst(%arg10 : memref<128x128xf32, #tpu.memory_space<vmem>>)
      %dma_start3A_276 = arith.constant 4 : i32
      %dma_start3A_277 = arith.constant 0 : i32
      %dma_start3A_278 = tpu.memref_slice %arg9[%dma_start3A_276, %dma_start3A_277] : memref<16x128xi32, #tpu.memory_space<vmem>> -> memref<1x128xi32, #tpu.memory_space<vmem>>
      %dma_start3A_279 = tpu.memref_squeeze %dma_start3A_278 : memref<1x128xi32, #tpu.memory_space<vmem>> -> memref<128xi32, #tpu.memory_space<vmem>>
      %dma_start3A_280 = arith.constant 0 : i32
      %dma_start3A_281 = arith.constant 0 : i32
      %dma_start3A_282 = tpu.memref_slice %arg7[%dma_start3A_280, %dma_start3A_281] : memref<10240x128xf32, #tpu.memory_space<vmem_shared>> -> memref<10240x128xf32, #tpu.memory_space<vmem_shared>>
      tpu.enqueue_indirect_dma source(%arg10 : memref<128x128xf32, #tpu.memory_space<vmem>>) target(%dma_start3A_282 : memref<10240x128xf32, #tpu.memory_space<vmem_shared>>) offsets(%dma_start3A_279 : memref<128xi32, #tpu.memory_space<vmem>>) semaphore(%arg13 : memref<!tpu.dma_semaphore, #tpu.memory_space<semaphore_mem>>) {add = true}
      %dma_wait3A_283 = arith.constant 0 : i32
      %dma_wait3A_284 = arith.constant 0 : i32
      %dma_wait3A_285 = tpu.memref_slice %arg2[%dma_wait3A_283, %dma_wait3A_284] : memref<20480x128xf32, #tpu.memory_space<hbm>> -> memref<128x128xf32, #tpu.memory_space<hbm>>
      %dma_wait3A_286 = arith.constant 0 : i32
      %dma_wait3A_287 = arith.constant 0 : i32
      %dma_wait3A_288 = tpu.memref_slice %arg2[%dma_wait3A_286, %dma_wait3A_287] : memref<20480x128xf32, #tpu.memory_space<hbm>> -> memref<128x128xf32, #tpu.memory_space<hbm>>
      tpu.wait_dma2 semaphore(%arg13 : memref<!tpu.dma_semaphore, #tpu.memory_space<semaphore_mem>>) src(%dma_wait3A_288 : memref<128x128xf32, #tpu.memory_space<hbm>>) dst(%arg11 : memref<128x128xf32, #tpu.memory_space<vmem>>)
      %dma_start3A_289 = arith.constant 5 : i32
      %dma_start3A_290 = arith.constant 0 : i32
      %dma_start3A_291 = tpu.memref_slice %arg8[%dma_start3A_289, %dma_start3A_290] : memref<16x128xi32, #tpu.memory_space<vmem>> -> memref<1x128xi32, #tpu.memory_space<vmem>>
      %dma_start3A_292 = tpu.memref_squeeze %dma_start3A_291 : memref<1x128xi32, #tpu.memory_space<vmem>> -> memref<128xi32, #tpu.memory_space<vmem>>
      %dma_start3A_293 = arith.constant 0 : i32
      %dma_start3A_294 = arith.constant 0 : i32
      %dma_start3A_295 = tpu.memref_slice %arg2[%dma_start3A_293, %dma_start3A_294] : memref<20480x128xf32, #tpu.memory_space<hbm>> -> memref<20480x128xf32, #tpu.memory_space<hbm>>
      tpu.enqueue_indirect_dma source(%dma_start3A_295 : memref<20480x128xf32, #tpu.memory_space<hbm>>) target(%arg11 : memref<128x128xf32, #tpu.memory_space<vmem>>) offsets(%dma_start3A_292 : memref<128xi32, #tpu.memory_space<vmem>>) semaphore(%arg12 : memref<!tpu.dma_semaphore, #tpu.memory_space<semaphore_mem>>)
      %dma_wait3A_296 = arith.constant 0 : i32
      %dma_wait3A_297 = arith.constant 0 : i32
      %dma_wait3A_298 = tpu.memref_slice %arg2[%dma_wait3A_296, %dma_wait3A_297] : memref<20480x128xf32, #tpu.memory_space<hbm>> -> memref<128x128xf32, #tpu.memory_space<hbm>>
      %dma_wait3A_299 = arith.constant 0 : i32
      %dma_wait3A_300 = arith.constant 0 : i32
      %dma_wait3A_301 = tpu.memref_slice %arg2[%dma_wait3A_299, %dma_wait3A_300] : memref<20480x128xf32, #tpu.memory_space<hbm>> -> memref<128x128xf32, #tpu.memory_space<hbm>>
      tpu.wait_dma2 semaphore(%arg12 : memref<!tpu.dma_semaphore, #tpu.memory_space<semaphore_mem>>) src(%dma_wait3A_301 : memref<128x128xf32, #tpu.memory_space<hbm>>) dst(%arg11 : memref<128x128xf32, #tpu.memory_space<vmem>>)
      %dma_start3A_302 = arith.constant 5 : i32
      %dma_start3A_303 = arith.constant 0 : i32
      %dma_start3A_304 = tpu.memref_slice %arg9[%dma_start3A_302, %dma_start3A_303] : memref<16x128xi32, #tpu.memory_space<vmem>> -> memref<1x128xi32, #tpu.memory_space<vmem>>
      %dma_start3A_305 = tpu.memref_squeeze %dma_start3A_304 : memref<1x128xi32, #tpu.memory_space<vmem>> -> memref<128xi32, #tpu.memory_space<vmem>>
      %dma_start3A_306 = arith.constant 0 : i32
      %dma_start3A_307 = arith.constant 0 : i32
      %dma_start3A_308 = tpu.memref_slice %arg7[%dma_start3A_306, %dma_start3A_307] : memref<10240x128xf32, #tpu.memory_space<vmem_shared>> -> memref<10240x128xf32, #tpu.memory_space<vmem_shared>>
      tpu.enqueue_indirect_dma source(%arg11 : memref<128x128xf32, #tpu.memory_space<vmem>>) target(%dma_start3A_308 : memref<10240x128xf32, #tpu.memory_space<vmem_shared>>) offsets(%dma_start3A_305 : memref<128xi32, #tpu.memory_space<vmem>>) semaphore(%arg13 : memref<!tpu.dma_semaphore, #tpu.memory_space<semaphore_mem>>) {add = true}
      %dma_wait3A_309 = arith.constant 0 : i32
      %dma_wait3A_310 = arith.constant 0 : i32
      %dma_wait3A_311 = tpu.memref_slice %arg2[%dma_wait3A_309, %dma_wait3A_310] : memref<20480x128xf32, #tpu.memory_space<hbm>> -> memref<128x128xf32, #tpu.memory_space<hbm>>
      %dma_wait3A_312 = arith.constant 0 : i32
      %dma_wait3A_313 = arith.constant 0 : i32
      %dma_wait3A_314 = tpu.memref_slice %arg2[%dma_wait3A_312, %dma_wait3A_313] : memref<20480x128xf32, #tpu.memory_space<hbm>> -> memref<128x128xf32, #tpu.memory_space<hbm>>
      tpu.wait_dma2 semaphore(%arg13 : memref<!tpu.dma_semaphore, #tpu.memory_space<semaphore_mem>>) src(%dma_wait3A_314 : memref<128x128xf32, #tpu.memory_space<hbm>>) dst(%arg10 : memref<128x128xf32, #tpu.memory_space<vmem>>)
      %dma_start3A_315 = arith.constant 6 : i32
      %dma_start3A_316 = arith.constant 0 : i32
      %dma_start3A_317 = tpu.memref_slice %arg8[%dma_start3A_315, %dma_start3A_316] : memref<16x128xi32, #tpu.memory_space<vmem>> -> memref<1x128xi32, #tpu.memory_space<vmem>>
      %dma_start3A_318 = tpu.memref_squeeze %dma_start3A_317 : memref<1x128xi32, #tpu.memory_space<vmem>> -> memref<128xi32, #tpu.memory_space<vmem>>
      %dma_start3A_319 = arith.constant 0 : i32
      %dma_start3A_320 = arith.constant 0 : i32
      %dma_start3A_321 = tpu.memref_slice %arg2[%dma_start3A_319, %dma_start3A_320] : memref<20480x128xf32, #tpu.memory_space<hbm>> -> memref<20480x128xf32, #tpu.memory_space<hbm>>
      tpu.enqueue_indirect_dma source(%dma_start3A_321 : memref<20480x128xf32, #tpu.memory_space<hbm>>) target(%arg10 : memref<128x128xf32, #tpu.memory_space<vmem>>) offsets(%dma_start3A_318 : memref<128xi32, #tpu.memory_space<vmem>>) semaphore(%arg12 : memref<!tpu.dma_semaphore, #tpu.memory_space<semaphore_mem>>)
      %dma_wait3A_322 = arith.constant 0 : i32
      %dma_wait3A_323 = arith.constant 0 : i32
      %dma_wait3A_324 = tpu.memref_slice %arg2[%dma_wait3A_322, %dma_wait3A_323] : memref<20480x128xf32, #tpu.memory_space<hbm>> -> memref<128x128xf32, #tpu.memory_space<hbm>>
      %dma_wait3A_325 = arith.constant 0 : i32
      %dma_wait3A_326 = arith.constant 0 : i32
      %dma_wait3A_327 = tpu.memref_slice %arg2[%dma_wait3A_325, %dma_wait3A_326] : memref<20480x128xf32, #tpu.memory_space<hbm>> -> memref<128x128xf32, #tpu.memory_space<hbm>>
      tpu.wait_dma2 semaphore(%arg12 : memref<!tpu.dma_semaphore, #tpu.memory_space<semaphore_mem>>) src(%dma_wait3A_327 : memref<128x128xf32, #tpu.memory_space<hbm>>) dst(%arg10 : memref<128x128xf32, #tpu.memory_space<vmem>>)
      %dma_start3A_328 = arith.constant 6 : i32
      %dma_start3A_329 = arith.constant 0 : i32
      %dma_start3A_330 = tpu.memref_slice %arg9[%dma_start3A_328, %dma_start3A_329] : memref<16x128xi32, #tpu.memory_space<vmem>> -> memref<1x128xi32, #tpu.memory_space<vmem>>
      %dma_start3A_331 = tpu.memref_squeeze %dma_start3A_330 : memref<1x128xi32, #tpu.memory_space<vmem>> -> memref<128xi32, #tpu.memory_space<vmem>>
      %dma_start3A_332 = arith.constant 0 : i32
      %dma_start3A_333 = arith.constant 0 : i32
      %dma_start3A_334 = tpu.memref_slice %arg7[%dma_start3A_332, %dma_start3A_333] : memref<10240x128xf32, #tpu.memory_space<vmem_shared>> -> memref<10240x128xf32, #tpu.memory_space<vmem_shared>>
      tpu.enqueue_indirect_dma source(%arg10 : memref<128x128xf32, #tpu.memory_space<vmem>>) target(%dma_start3A_334 : memref<10240x128xf32, #tpu.memory_space<vmem_shared>>) offsets(%dma_start3A_331 : memref<128xi32, #tpu.memory_space<vmem>>) semaphore(%arg13 : memref<!tpu.dma_semaphore, #tpu.memory_space<semaphore_mem>>) {add = true}
      %dma_wait3A_335 = arith.constant 0 : i32
      %dma_wait3A_336 = arith.constant 0 : i32
      %dma_wait3A_337 = tpu.memref_slice %arg2[%dma_wait3A_335, %dma_wait3A_336] : memref<20480x128xf32, #tpu.memory_space<hbm>> -> memref<128x128xf32, #tpu.memory_space<hbm>>
      %dma_wait3A_338 = arith.constant 0 : i32
      %dma_wait3A_339 = arith.constant 0 : i32
      %dma_wait3A_340 = tpu.memref_slice %arg2[%dma_wait3A_338, %dma_wait3A_339] : memref<20480x128xf32, #tpu.memory_space<hbm>> -> memref<128x128xf32, #tpu.memory_space<hbm>>
      tpu.wait_dma2 semaphore(%arg13 : memref<!tpu.dma_semaphore, #tpu.memory_space<semaphore_mem>>) src(%dma_wait3A_340 : memref<128x128xf32, #tpu.memory_space<hbm>>) dst(%arg11 : memref<128x128xf32, #tpu.memory_space<vmem>>)
      %dma_start3A_341 = arith.constant 7 : i32
      %dma_start3A_342 = arith.constant 0 : i32
      %dma_start3A_343 = tpu.memref_slice %arg8[%dma_start3A_341, %dma_start3A_342] : memref<16x128xi32, #tpu.memory_space<vmem>> -> memref<1x128xi32, #tpu.memory_space<vmem>>
      %dma_start3A_344 = tpu.memref_squeeze %dma_start3A_343 : memref<1x128xi32, #tpu.memory_space<vmem>> -> memref<128xi32, #tpu.memory_space<vmem>>
      %dma_start3A_345 = arith.constant 0 : i32
      %dma_start3A_346 = arith.constant 0 : i32
      %dma_start3A_347 = tpu.memref_slice %arg2[%dma_start3A_345, %dma_start3A_346] : memref<20480x128xf32, #tpu.memory_space<hbm>> -> memref<20480x128xf32, #tpu.memory_space<hbm>>
      tpu.enqueue_indirect_dma source(%dma_start3A_347 : memref<20480x128xf32, #tpu.memory_space<hbm>>) target(%arg11 : memref<128x128xf32, #tpu.memory_space<vmem>>) offsets(%dma_start3A_344 : memref<128xi32, #tpu.memory_space<vmem>>) semaphore(%arg12 : memref<!tpu.dma_semaphore, #tpu.memory_space<semaphore_mem>>)
      %dma_wait3A_348 = arith.constant 0 : i32
      %dma_wait3A_349 = arith.constant 0 : i32
      %dma_wait3A_350 = tpu.memref_slice %arg2[%dma_wait3A_348, %dma_wait3A_349] : memref<20480x128xf32, #tpu.memory_space<hbm>> -> memref<128x128xf32, #tpu.memory_space<hbm>>
      %dma_wait3A_351 = arith.constant 0 : i32
      %dma_wait3A_352 = arith.constant 0 : i32
      %dma_wait3A_353 = tpu.memref_slice %arg2[%dma_wait3A_351, %dma_wait3A_352] : memref<20480x128xf32, #tpu.memory_space<hbm>> -> memref<128x128xf32, #tpu.memory_space<hbm>>
      tpu.wait_dma2 semaphore(%arg12 : memref<!tpu.dma_semaphore, #tpu.memory_space<semaphore_mem>>) src(%dma_wait3A_353 : memref<128x128xf32, #tpu.memory_space<hbm>>) dst(%arg11 : memref<128x128xf32, #tpu.memory_space<vmem>>)
      %dma_start3A_354 = arith.constant 7 : i32
      %dma_start3A_355 = arith.constant 0 : i32
      %dma_start3A_356 = tpu.memref_slice %arg9[%dma_start3A_354, %dma_start3A_355] : memref<16x128xi32, #tpu.memory_space<vmem>> -> memref<1x128xi32, #tpu.memory_space<vmem>>
      %dma_start3A_357 = tpu.memref_squeeze %dma_start3A_356 : memref<1x128xi32, #tpu.memory_space<vmem>> -> memref<128xi32, #tpu.memory_space<vmem>>
      %dma_start3A_358 = arith.constant 0 : i32
      %dma_start3A_359 = arith.constant 0 : i32
      %dma_start3A_360 = tpu.memref_slice %arg7[%dma_start3A_358, %dma_start3A_359] : memref<10240x128xf32, #tpu.memory_space<vmem_shared>> -> memref<10240x128xf32, #tpu.memory_space<vmem_shared>>
      tpu.enqueue_indirect_dma source(%arg11 : memref<128x128xf32, #tpu.memory_space<vmem>>) target(%dma_start3A_360 : memref<10240x128xf32, #tpu.memory_space<vmem_shared>>) offsets(%dma_start3A_357 : memref<128xi32, #tpu.memory_space<vmem>>) semaphore(%arg13 : memref<!tpu.dma_semaphore, #tpu.memory_space<semaphore_mem>>) {add = true}
      %dma_wait3A_361 = arith.constant 0 : i32
      %dma_wait3A_362 = arith.constant 0 : i32
      %dma_wait3A_363 = tpu.memref_slice %arg2[%dma_wait3A_361, %dma_wait3A_362] : memref<20480x128xf32, #tpu.memory_space<hbm>> -> memref<128x128xf32, #tpu.memory_space<hbm>>
      %dma_wait3A_364 = arith.constant 0 : i32
      %dma_wait3A_365 = arith.constant 0 : i32
      %dma_wait3A_366 = tpu.memref_slice %arg2[%dma_wait3A_364, %dma_wait3A_365] : memref<20480x128xf32, #tpu.memory_space<hbm>> -> memref<128x128xf32, #tpu.memory_space<hbm>>
      tpu.wait_dma2 semaphore(%arg13 : memref<!tpu.dma_semaphore, #tpu.memory_space<semaphore_mem>>) src(%dma_wait3A_366 : memref<128x128xf32, #tpu.memory_space<hbm>>) dst(%arg10 : memref<128x128xf32, #tpu.memory_space<vmem>>)
      %dma_start3A_367 = arith.constant 8 : i32
      %dma_start3A_368 = arith.constant 0 : i32
      %dma_start3A_369 = tpu.memref_slice %arg8[%dma_start3A_367, %dma_start3A_368] : memref<16x128xi32, #tpu.memory_space<vmem>> -> memref<1x128xi32, #tpu.memory_space<vmem>>
      %dma_start3A_370 = tpu.memref_squeeze %dma_start3A_369 : memref<1x128xi32, #tpu.memory_space<vmem>> -> memref<128xi32, #tpu.memory_space<vmem>>
      %dma_start3A_371 = arith.constant 0 : i32
      %dma_start3A_372 = arith.constant 0 : i32
      %dma_start3A_373 = tpu.memref_slice %arg2[%dma_start3A_371, %dma_start3A_372] : memref<20480x128xf32, #tpu.memory_space<hbm>> -> memref<20480x128xf32, #tpu.memory_space<hbm>>
      tpu.enqueue_indirect_dma source(%dma_start3A_373 : memref<20480x128xf32, #tpu.memory_space<hbm>>) target(%arg10 : memref<128x128xf32, #tpu.memory_space<vmem>>) offsets(%dma_start3A_370 : memref<128xi32, #tpu.memory_space<vmem>>) semaphore(%arg12 : memref<!tpu.dma_semaphore, #tpu.memory_space<semaphore_mem>>)
      %dma_wait3A_374 = arith.constant 0 : i32
      %dma_wait3A_375 = arith.constant 0 : i32
      %dma_wait3A_376 = tpu.memref_slice %arg2[%dma_wait3A_374, %dma_wait3A_375] : memref<20480x128xf32, #tpu.memory_space<hbm>> -> memref<128x128xf32, #tpu.memory_space<hbm>>
      %dma_wait3A_377 = arith.constant 0 : i32
      %dma_wait3A_378 = arith.constant 0 : i32
      %dma_wait3A_379 = tpu.memref_slice %arg2[%dma_wait3A_377, %dma_wait3A_378] : memref<20480x128xf32, #tpu.memory_space<hbm>> -> memref<128x128xf32, #tpu.memory_space<hbm>>
      tpu.wait_dma2 semaphore(%arg12 : memref<!tpu.dma_semaphore, #tpu.memory_space<semaphore_mem>>) src(%dma_wait3A_379 : memref<128x128xf32, #tpu.memory_space<hbm>>) dst(%arg10 : memref<128x128xf32, #tpu.memory_space<vmem>>)
      %dma_start3A_380 = arith.constant 8 : i32
      %dma_start3A_381 = arith.constant 0 : i32
      %dma_start3A_382 = tpu.memref_slice %arg9[%dma_start3A_380, %dma_start3A_381] : memref<16x128xi32, #tpu.memory_space<vmem>> -> memref<1x128xi32, #tpu.memory_space<vmem>>
      %dma_start3A_383 = tpu.memref_squeeze %dma_start3A_382 : memref<1x128xi32, #tpu.memory_space<vmem>> -> memref<128xi32, #tpu.memory_space<vmem>>
      %dma_start3A_384 = arith.constant 0 : i32
      %dma_start3A_385 = arith.constant 0 : i32
      %dma_start3A_386 = tpu.memref_slice %arg7[%dma_start3A_384, %dma_start3A_385] : memref<10240x128xf32, #tpu.memory_space<vmem_shared>> -> memref<10240x128xf32, #tpu.memory_space<vmem_shared>>
      tpu.enqueue_indirect_dma source(%arg10 : memref<128x128xf32, #tpu.memory_space<vmem>>) target(%dma_start3A_386 : memref<10240x128xf32, #tpu.memory_space<vmem_shared>>) offsets(%dma_start3A_383 : memref<128xi32, #tpu.memory_space<vmem>>) semaphore(%arg13 : memref<!tpu.dma_semaphore, #tpu.memory_space<semaphore_mem>>) {add = true}
      %dma_wait3A_387 = arith.constant 0 : i32
      %dma_wait3A_388 = arith.constant 0 : i32
      %dma_wait3A_389 = tpu.memref_slice %arg2[%dma_wait3A_387, %dma_wait3A_388] : memref<20480x128xf32, #tpu.memory_space<hbm>> -> memref<128x128xf32, #tpu.memory_space<hbm>>
      %dma_wait3A_390 = arith.constant 0 : i32
      %dma_wait3A_391 = arith.constant 0 : i32
      %dma_wait3A_392 = tpu.memref_slice %arg2[%dma_wait3A_390, %dma_wait3A_391] : memref<20480x128xf32, #tpu.memory_space<hbm>> -> memref<128x128xf32, #tpu.memory_space<hbm>>
      tpu.wait_dma2 semaphore(%arg13 : memref<!tpu.dma_semaphore, #tpu.memory_space<semaphore_mem>>) src(%dma_wait3A_392 : memref<128x128xf32, #tpu.memory_space<hbm>>) dst(%arg11 : memref<128x128xf32, #tpu.memory_space<vmem>>)
      %dma_start3A_393 = arith.constant 9 : i32
      %dma_start3A_394 = arith.constant 0 : i32
      %dma_start3A_395 = tpu.memref_slice %arg8[%dma_start3A_393, %dma_start3A_394] : memref<16x128xi32, #tpu.memory_space<vmem>> -> memref<1x128xi32, #tpu.memory_space<vmem>>
      %dma_start3A_396 = tpu.memref_squeeze %dma_start3A_395 : memref<1x128xi32, #tpu.memory_space<vmem>> -> memref<128xi32, #tpu.memory_space<vmem>>
      %dma_start3A_397 = arith.constant 0 : i32
      %dma_start3A_398 = arith.constant 0 : i32
      %dma_start3A_399 = tpu.memref_slice %arg2[%dma_start3A_397, %dma_start3A_398] : memref<20480x128xf32, #tpu.memory_space<hbm>> -> memref<20480x128xf32, #tpu.memory_space<hbm>>
      tpu.enqueue_indirect_dma source(%dma_start3A_399 : memref<20480x128xf32, #tpu.memory_space<hbm>>) target(%arg11 : memref<128x128xf32, #tpu.memory_space<vmem>>) offsets(%dma_start3A_396 : memref<128xi32, #tpu.memory_space<vmem>>) semaphore(%arg12 : memref<!tpu.dma_semaphore, #tpu.memory_space<semaphore_mem>>)
      %dma_wait3A_400 = arith.constant 0 : i32
      %dma_wait3A_401 = arith.constant 0 : i32
      %dma_wait3A_402 = tpu.memref_slice %arg2[%dma_wait3A_400, %dma_wait3A_401] : memref<20480x128xf32, #tpu.memory_space<hbm>> -> memref<128x128xf32, #tpu.memory_space<hbm>>
      %dma_wait3A_403 = arith.constant 0 : i32
      %dma_wait3A_404 = arith.constant 0 : i32
      %dma_wait3A_405 = tpu.memref_slice %arg2[%dma_wait3A_403, %dma_wait3A_404] : memref<20480x128xf32, #tpu.memory_space<hbm>> -> memref<128x128xf32, #tpu.memory_space<hbm>>
      tpu.wait_dma2 semaphore(%arg12 : memref<!tpu.dma_semaphore, #tpu.memory_space<semaphore_mem>>) src(%dma_wait3A_405 : memref<128x128xf32, #tpu.memory_space<hbm>>) dst(%arg11 : memref<128x128xf32, #tpu.memory_space<vmem>>)
      %dma_start3A_406 = arith.constant 9 : i32
      %dma_start3A_407 = arith.constant 0 : i32
      %dma_start3A_408 = tpu.memref_slice %arg9[%dma_start3A_406, %dma_start3A_407] : memref<16x128xi32, #tpu.memory_space<vmem>> -> memref<1x128xi32, #tpu.memory_space<vmem>>
      %dma_start3A_409 = tpu.memref_squeeze %dma_start3A_408 : memref<1x128xi32, #tpu.memory_space<vmem>> -> memref<128xi32, #tpu.memory_space<vmem>>
      %dma_start3A_410 = arith.constant 0 : i32
      %dma_start3A_411 = arith.constant 0 : i32
      %dma_start3A_412 = tpu.memref_slice %arg7[%dma_start3A_410, %dma_start3A_411] : memref<10240x128xf32, #tpu.memory_space<vmem_shared>> -> memref<10240x128xf32, #tpu.memory_space<vmem_shared>>
      tpu.enqueue_indirect_dma source(%arg11 : memref<128x128xf32, #tpu.memory_space<vmem>>) target(%dma_start3A_412 : memref<10240x128xf32, #tpu.memory_space<vmem_shared>>) offsets(%dma_start3A_409 : memref<128xi32, #tpu.memory_space<vmem>>) semaphore(%arg13 : memref<!tpu.dma_semaphore, #tpu.memory_space<semaphore_mem>>) {add = true}
      %dma_wait3A_413 = arith.constant 0 : i32
      %dma_wait3A_414 = arith.constant 0 : i32
      %dma_wait3A_415 = tpu.memref_slice %arg2[%dma_wait3A_413, %dma_wait3A_414] : memref<20480x128xf32, #tpu.memory_space<hbm>> -> memref<128x128xf32, #tpu.memory_space<hbm>>
      %dma_wait3A_416 = arith.constant 0 : i32
      %dma_wait3A_417 = arith.constant 0 : i32
      %dma_wait3A_418 = tpu.memref_slice %arg2[%dma_wait3A_416, %dma_wait3A_417] : memref<20480x128xf32, #tpu.memory_space<hbm>> -> memref<128x128xf32, #tpu.memory_space<hbm>>
      tpu.wait_dma2 semaphore(%arg13 : memref<!tpu.dma_semaphore, #tpu.memory_space<semaphore_mem>>) src(%dma_wait3A_418 : memref<128x128xf32, #tpu.memory_space<hbm>>) dst(%arg10 : memref<128x128xf32, #tpu.memory_space<vmem>>)
      %dma_start3A_419 = arith.constant 10 : i32
      %dma_start3A_420 = arith.constant 0 : i32
      %dma_start3A_421 = tpu.memref_slice %arg8[%dma_start3A_419, %dma_start3A_420] : memref<16x128xi32, #tpu.memory_space<vmem>> -> memref<1x128xi32, #tpu.memory_space<vmem>>
      %dma_start3A_422 = tpu.memref_squeeze %dma_start3A_421 : memref<1x128xi32, #tpu.memory_space<vmem>> -> memref<128xi32, #tpu.memory_space<vmem>>
      %dma_start3A_423 = arith.constant 0 : i32
      %dma_start3A_424 = arith.constant 0 : i32
      %dma_start3A_425 = tpu.memref_slice %arg2[%dma_start3A_423, %dma_start3A_424] : memref<20480x128xf32, #tpu.memory_space<hbm>> -> memref<20480x128xf32, #tpu.memory_space<hbm>>
      tpu.enqueue_indirect_dma source(%dma_start3A_425 : memref<20480x128xf32, #tpu.memory_space<hbm>>) target(%arg10 : memref<128x128xf32, #tpu.memory_space<vmem>>) offsets(%dma_start3A_422 : memref<128xi32, #tpu.memory_space<vmem>>) semaphore(%arg12 : memref<!tpu.dma_semaphore, #tpu.memory_space<semaphore_mem>>)
      %dma_wait3A_426 = arith.constant 0 : i32
      %dma_wait3A_427 = arith.constant 0 : i32
      %dma_wait3A_428 = tpu.memref_slice %arg2[%dma_wait3A_426, %dma_wait3A_427] : memref<20480x128xf32, #tpu.memory_space<hbm>> -> memref<128x128xf32, #tpu.memory_space<hbm>>
      %dma_wait3A_429 = arith.constant 0 : i32
      %dma_wait3A_430 = arith.constant 0 : i32
      %dma_wait3A_431 = tpu.memref_slice %arg2[%dma_wait3A_429, %dma_wait3A_430] : memref<20480x128xf32, #tpu.memory_space<hbm>> -> memref<128x128xf32, #tpu.memory_space<hbm>>
      tpu.wait_dma2 semaphore(%arg12 : memref<!tpu.dma_semaphore, #tpu.memory_space<semaphore_mem>>) src(%dma_wait3A_431 : memref<128x128xf32, #tpu.memory_space<hbm>>) dst(%arg10 : memref<128x128xf32, #tpu.memory_space<vmem>>)
      %dma_start3A_432 = arith.constant 10 : i32
      %dma_start3A_433 = arith.constant 0 : i32
      %dma_start3A_434 = tpu.memref_slice %arg9[%dma_start3A_432, %dma_start3A_433] : memref<16x128xi32, #tpu.memory_space<vmem>> -> memref<1x128xi32, #tpu.memory_space<vmem>>
      %dma_start3A_435 = tpu.memref_squeeze %dma_start3A_434 : memref<1x128xi32, #tpu.memory_space<vmem>> -> memref<128xi32, #tpu.memory_space<vmem>>
      %dma_start3A_436 = arith.constant 0 : i32
      %dma_start3A_437 = arith.constant 0 : i32
      %dma_start3A_438 = tpu.memref_slice %arg7[%dma_start3A_436, %dma_start3A_437] : memref<10240x128xf32, #tpu.memory_space<vmem_shared>> -> memref<10240x128xf32, #tpu.memory_space<vmem_shared>>
      tpu.enqueue_indirect_dma source(%arg10 : memref<128x128xf32, #tpu.memory_space<vmem>>) target(%dma_start3A_438 : memref<10240x128xf32, #tpu.memory_space<vmem_shared>>) offsets(%dma_start3A_435 : memref<128xi32, #tpu.memory_space<vmem>>) semaphore(%arg13 : memref<!tpu.dma_semaphore, #tpu.memory_space<semaphore_mem>>) {add = true}
      %dma_wait3A_439 = arith.constant 0 : i32
      %dma_wait3A_440 = arith.constant 0 : i32
      %dma_wait3A_441 = tpu.memref_slice %arg2[%dma_wait3A_439, %dma_wait3A_440] : memref<20480x128xf32, #tpu.memory_space<hbm>> -> memref<128x128xf32, #tpu.memory_space<hbm>>
      %dma_wait3A_442 = arith.constant 0 : i32
      %dma_wait3A_443 = arith.constant 0 : i32
      %dma_wait3A_444 = tpu.memref_slice %arg2[%dma_wait3A_442, %dma_wait3A_443] : memref<20480x128xf32, #tpu.memory_space<hbm>> -> memref<128x128xf32, #tpu.memory_space<hbm>>
      tpu.wait_dma2 semaphore(%arg13 : memref<!tpu.dma_semaphore, #tpu.memory_space<semaphore_mem>>) src(%dma_wait3A_444 : memref<128x128xf32, #tpu.memory_space<hbm>>) dst(%arg11 : memref<128x128xf32, #tpu.memory_space<vmem>>)
      %dma_start3A_445 = arith.constant 11 : i32
      %dma_start3A_446 = arith.constant 0 : i32
      %dma_start3A_447 = tpu.memref_slice %arg8[%dma_start3A_445, %dma_start3A_446] : memref<16x128xi32, #tpu.memory_space<vmem>> -> memref<1x128xi32, #tpu.memory_space<vmem>>
      %dma_start3A_448 = tpu.memref_squeeze %dma_start3A_447 : memref<1x128xi32, #tpu.memory_space<vmem>> -> memref<128xi32, #tpu.memory_space<vmem>>
      %dma_start3A_449 = arith.constant 0 : i32
      %dma_start3A_450 = arith.constant 0 : i32
      %dma_start3A_451 = tpu.memref_slice %arg2[%dma_start3A_449, %dma_start3A_450] : memref<20480x128xf32, #tpu.memory_space<hbm>> -> memref<20480x128xf32, #tpu.memory_space<hbm>>
      tpu.enqueue_indirect_dma source(%dma_start3A_451 : memref<20480x128xf32, #tpu.memory_space<hbm>>) target(%arg11 : memref<128x128xf32, #tpu.memory_space<vmem>>) offsets(%dma_start3A_448 : memref<128xi32, #tpu.memory_space<vmem>>) semaphore(%arg12 : memref<!tpu.dma_semaphore, #tpu.memory_space<semaphore_mem>>)
      %dma_wait3A_452 = arith.constant 0 : i32
      %dma_wait3A_453 = arith.constant 0 : i32
      %dma_wait3A_454 = tpu.memref_slice %arg2[%dma_wait3A_452, %dma_wait3A_453] : memref<20480x128xf32, #tpu.memory_space<hbm>> -> memref<128x128xf32, #tpu.memory_space<hbm>>
      %dma_wait3A_455 = arith.constant 0 : i32
      %dma_wait3A_456 = arith.constant 0 : i32
      %dma_wait3A_457 = tpu.memref_slice %arg2[%dma_wait3A_455, %dma_wait3A_456] : memref<20480x128xf32, #tpu.memory_space<hbm>> -> memref<128x128xf32, #tpu.memory_space<hbm>>
      tpu.wait_dma2 semaphore(%arg12 : memref<!tpu.dma_semaphore, #tpu.memory_space<semaphore_mem>>) src(%dma_wait3A_457 : memref<128x128xf32, #tpu.memory_space<hbm>>) dst(%arg11 : memref<128x128xf32, #tpu.memory_space<vmem>>)
      %dma_start3A_458 = arith.constant 11 : i32
      %dma_start3A_459 = arith.constant 0 : i32
      %dma_start3A_460 = tpu.memref_slice %arg9[%dma_start3A_458, %dma_start3A_459] : memref<16x128xi32, #tpu.memory_space<vmem>> -> memref<1x128xi32, #tpu.memory_space<vmem>>
      %dma_start3A_461 = tpu.memref_squeeze %dma_start3A_460 : memref<1x128xi32, #tpu.memory_space<vmem>> -> memref<128xi32, #tpu.memory_space<vmem>>
      %dma_start3A_462 = arith.constant 0 : i32
      %dma_start3A_463 = arith.constant 0 : i32
      %dma_start3A_464 = tpu.memref_slice %arg7[%dma_start3A_462, %dma_start3A_463] : memref<10240x128xf32, #tpu.memory_space<vmem_shared>> -> memref<10240x128xf32, #tpu.memory_space<vmem_shared>>
      tpu.enqueue_indirect_dma source(%arg11 : memref<128x128xf32, #tpu.memory_space<vmem>>) target(%dma_start3A_464 : memref<10240x128xf32, #tpu.memory_space<vmem_shared>>) offsets(%dma_start3A_461 : memref<128xi32, #tpu.memory_space<vmem>>) semaphore(%arg13 : memref<!tpu.dma_semaphore, #tpu.memory_space<semaphore_mem>>) {add = true}
      %dma_wait3A_465 = arith.constant 0 : i32
      %dma_wait3A_466 = arith.constant 0 : i32
      %dma_wait3A_467 = tpu.memref_slice %arg2[%dma_wait3A_465, %dma_wait3A_466] : memref<20480x128xf32, #tpu.memory_space<hbm>> -> memref<128x128xf32, #tpu.memory_space<hbm>>
      %dma_wait3A_468 = arith.constant 0 : i32
      %dma_wait3A_469 = arith.constant 0 : i32
      %dma_wait3A_470 = tpu.memref_slice %arg2[%dma_wait3A_468, %dma_wait3A_469] : memref<20480x128xf32, #tpu.memory_space<hbm>> -> memref<128x128xf32, #tpu.memory_space<hbm>>
      tpu.wait_dma2 semaphore(%arg13 : memref<!tpu.dma_semaphore, #tpu.memory_space<semaphore_mem>>) src(%dma_wait3A_470 : memref<128x128xf32, #tpu.memory_space<hbm>>) dst(%arg10 : memref<128x128xf32, #tpu.memory_space<vmem>>)
      %dma_start3A_471 = arith.constant 12 : i32
      %dma_start3A_472 = arith.constant 0 : i32
      %dma_start3A_473 = tpu.memref_slice %arg8[%dma_start3A_471, %dma_start3A_472] : memref<16x128xi32, #tpu.memory_space<vmem>> -> memref<1x128xi32, #tpu.memory_space<vmem>>
      %dma_start3A_474 = tpu.memref_squeeze %dma_start3A_473 : memref<1x128xi32, #tpu.memory_space<vmem>> -> memref<128xi32, #tpu.memory_space<vmem>>
      %dma_start3A_475 = arith.constant 0 : i32
      %dma_start3A_476 = arith.constant 0 : i32
      %dma_start3A_477 = tpu.memref_slice %arg2[%dma_start3A_475, %dma_start3A_476] : memref<20480x128xf32, #tpu.memory_space<hbm>> -> memref<20480x128xf32, #tpu.memory_space<hbm>>
      tpu.enqueue_indirect_dma source(%dma_start3A_477 : memref<20480x128xf32, #tpu.memory_space<hbm>>) target(%arg10 : memref<128x128xf32, #tpu.memory_space<vmem>>) offsets(%dma_start3A_474 : memref<128xi32, #tpu.memory_space<vmem>>) semaphore(%arg12 : memref<!tpu.dma_semaphore, #tpu.memory_space<semaphore_mem>>)
      %dma_wait3A_478 = arith.constant 0 : i32
      %dma_wait3A_479 = arith.constant 0 : i32
      %dma_wait3A_480 = tpu.memref_slice %arg2[%dma_wait3A_478, %dma_wait3A_479] : memref<20480x128xf32, #tpu.memory_space<hbm>> -> memref<128x128xf32, #tpu.memory_space<hbm>>
      %dma_wait3A_481 = arith.constant 0 : i32
      %dma_wait3A_482 = arith.constant 0 : i32
      %dma_wait3A_483 = tpu.memref_slice %arg2[%dma_wait3A_481, %dma_wait3A_482] : memref<20480x128xf32, #tpu.memory_space<hbm>> -> memref<128x128xf32, #tpu.memory_space<hbm>>
      tpu.wait_dma2 semaphore(%arg12 : memref<!tpu.dma_semaphore, #tpu.memory_space<semaphore_mem>>) src(%dma_wait3A_483 : memref<128x128xf32, #tpu.memory_space<hbm>>) dst(%arg10 : memref<128x128xf32, #tpu.memory_space<vmem>>)
      %dma_start3A_484 = arith.constant 12 : i32
      %dma_start3A_485 = arith.constant 0 : i32
      %dma_start3A_486 = tpu.memref_slice %arg9[%dma_start3A_484, %dma_start3A_485] : memref<16x128xi32, #tpu.memory_space<vmem>> -> memref<1x128xi32, #tpu.memory_space<vmem>>
      %dma_start3A_487 = tpu.memref_squeeze %dma_start3A_486 : memref<1x128xi32, #tpu.memory_space<vmem>> -> memref<128xi32, #tpu.memory_space<vmem>>
      %dma_start3A_488 = arith.constant 0 : i32
      %dma_start3A_489 = arith.constant 0 : i32
      %dma_start3A_490 = tpu.memref_slice %arg7[%dma_start3A_488, %dma_start3A_489] : memref<10240x128xf32, #tpu.memory_space<vmem_shared>> -> memref<10240x128xf32, #tpu.memory_space<vmem_shared>>
      tpu.enqueue_indirect_dma source(%arg10 : memref<128x128xf32, #tpu.memory_space<vmem>>) target(%dma_start3A_490 : memref<10240x128xf32, #tpu.memory_space<vmem_shared>>) offsets(%dma_start3A_487 : memref<128xi32, #tpu.memory_space<vmem>>) semaphore(%arg13 : memref<!tpu.dma_semaphore, #tpu.memory_space<semaphore_mem>>) {add = true}
      %dma_wait3A_491 = arith.constant 0 : i32
      %dma_wait3A_492 = arith.constant 0 : i32
      %dma_wait3A_493 = tpu.memref_slice %arg2[%dma_wait3A_491, %dma_wait3A_492] : memref<20480x128xf32, #tpu.memory_space<hbm>> -> memref<128x128xf32, #tpu.memory_space<hbm>>
      %dma_wait3A_494 = arith.constant 0 : i32
      %dma_wait3A_495 = arith.constant 0 : i32
      %dma_wait3A_496 = tpu.memref_slice %arg2[%dma_wait3A_494, %dma_wait3A_495] : memref<20480x128xf32, #tpu.memory_space<hbm>> -> memref<128x128xf32, #tpu.memory_space<hbm>>
      tpu.wait_dma2 semaphore(%arg13 : memref<!tpu.dma_semaphore, #tpu.memory_space<semaphore_mem>>) src(%dma_wait3A_496 : memref<128x128xf32, #tpu.memory_space<hbm>>) dst(%arg11 : memref<128x128xf32, #tpu.memory_space<vmem>>)
      %dma_start3A_497 = arith.constant 13 : i32
      %dma_start3A_498 = arith.constant 0 : i32
      %dma_start3A_499 = tpu.memref_slice %arg8[%dma_start3A_497, %dma_start3A_498] : memref<16x128xi32, #tpu.memory_space<vmem>> -> memref<1x128xi32, #tpu.memory_space<vmem>>
      %dma_start3A_500 = tpu.memref_squeeze %dma_start3A_499 : memref<1x128xi32, #tpu.memory_space<vmem>> -> memref<128xi32, #tpu.memory_space<vmem>>
      %dma_start3A_501 = arith.constant 0 : i32
      %dma_start3A_502 = arith.constant 0 : i32
      %dma_start3A_503 = tpu.memref_slice %arg2[%dma_start3A_501, %dma_start3A_502] : memref<20480x128xf32, #tpu.memory_space<hbm>> -> memref<20480x128xf32, #tpu.memory_space<hbm>>
      tpu.enqueue_indirect_dma source(%dma_start3A_503 : memref<20480x128xf32, #tpu.memory_space<hbm>>) target(%arg11 : memref<128x128xf32, #tpu.memory_space<vmem>>) offsets(%dma_start3A_500 : memref<128xi32, #tpu.memory_space<vmem>>) semaphore(%arg12 : memref<!tpu.dma_semaphore, #tpu.memory_space<semaphore_mem>>)
      %dma_wait3A_504 = arith.constant 0 : i32
      %dma_wait3A_505 = arith.constant 0 : i32
      %dma_wait3A_506 = tpu.memref_slice %arg2[%dma_wait3A_504, %dma_wait3A_505] : memref<20480x128xf32, #tpu.memory_space<hbm>> -> memref<128x128xf32, #tpu.memory_space<hbm>>
      %dma_wait3A_507 = arith.constant 0 : i32
      %dma_wait3A_508 = arith.constant 0 : i32
      %dma_wait3A_509 = tpu.memref_slice %arg2[%dma_wait3A_507, %dma_wait3A_508] : memref<20480x128xf32, #tpu.memory_space<hbm>> -> memref<128x128xf32, #tpu.memory_space<hbm>>
      tpu.wait_dma2 semaphore(%arg12 : memref<!tpu.dma_semaphore, #tpu.memory_space<semaphore_mem>>) src(%dma_wait3A_509 : memref<128x128xf32, #tpu.memory_space<hbm>>) dst(%arg11 : memref<128x128xf32, #tpu.memory_space<vmem>>)
      %dma_start3A_510 = arith.constant 13 : i32
      %dma_start3A_511 = arith.constant 0 : i32
      %dma_start3A_512 = tpu.memref_slice %arg9[%dma_start3A_510, %dma_start3A_511] : memref<16x128xi32, #tpu.memory_space<vmem>> -> memref<1x128xi32, #tpu.memory_space<vmem>>
      %dma_start3A_513 = tpu.memref_squeeze %dma_start3A_512 : memref<1x128xi32, #tpu.memory_space<vmem>> -> memref<128xi32, #tpu.memory_space<vmem>>
      %dma_start3A_514 = arith.constant 0 : i32
      %dma_start3A_515 = arith.constant 0 : i32
      %dma_start3A_516 = tpu.memref_slice %arg7[%dma_start3A_514, %dma_start3A_515] : memref<10240x128xf32, #tpu.memory_space<vmem_shared>> -> memref<10240x128xf32, #tpu.memory_space<vmem_shared>>
      tpu.enqueue_indirect_dma source(%arg11 : memref<128x128xf32, #tpu.memory_space<vmem>>) target(%dma_start3A_516 : memref<10240x128xf32, #tpu.memory_space<vmem_shared>>) offsets(%dma_start3A_513 : memref<128xi32, #tpu.memory_space<vmem>>) semaphore(%arg13 : memref<!tpu.dma_semaphore, #tpu.memory_space<semaphore_mem>>) {add = true}
      %dma_wait3A_517 = arith.constant 0 : i32
      %dma_wait3A_518 = arith.constant 0 : i32
      %dma_wait3A_519 = tpu.memref_slice %arg2[%dma_wait3A_517, %dma_wait3A_518] : memref<20480x128xf32, #tpu.memory_space<hbm>> -> memref<128x128xf32, #tpu.memory_space<hbm>>
      %dma_wait3A_520 = arith.constant 0 : i32
      %dma_wait3A_521 = arith.constant 0 : i32
      %dma_wait3A_522 = tpu.memref_slice %arg2[%dma_wait3A_520, %dma_wait3A_521] : memref<20480x128xf32, #tpu.memory_space<hbm>> -> memref<128x128xf32, #tpu.memory_space<hbm>>
      tpu.wait_dma2 semaphore(%arg13 : memref<!tpu.dma_semaphore, #tpu.memory_space<semaphore_mem>>) src(%dma_wait3A_522 : memref<128x128xf32, #tpu.memory_space<hbm>>) dst(%arg10 : memref<128x128xf32, #tpu.memory_space<vmem>>)
      %dma_start3A_523 = arith.constant 14 : i32
      %dma_start3A_524 = arith.constant 0 : i32
      %dma_start3A_525 = tpu.memref_slice %arg8[%dma_start3A_523, %dma_start3A_524] : memref<16x128xi32, #tpu.memory_space<vmem>> -> memref<1x128xi32, #tpu.memory_space<vmem>>
      %dma_start3A_526 = tpu.memref_squeeze %dma_start3A_525 : memref<1x128xi32, #tpu.memory_space<vmem>> -> memref<128xi32, #tpu.memory_space<vmem>>
      %dma_start3A_527 = arith.constant 0 : i32
      %dma_start3A_528 = arith.constant 0 : i32
      %dma_start3A_529 = tpu.memref_slice %arg2[%dma_start3A_527, %dma_start3A_528] : memref<20480x128xf32, #tpu.memory_space<hbm>> -> memref<20480x128xf32, #tpu.memory_space<hbm>>
      tpu.enqueue_indirect_dma source(%dma_start3A_529 : memref<20480x128xf32, #tpu.memory_space<hbm>>) target(%arg10 : memref<128x128xf32, #tpu.memory_space<vmem>>) offsets(%dma_start3A_526 : memref<128xi32, #tpu.memory_space<vmem>>) semaphore(%arg12 : memref<!tpu.dma_semaphore, #tpu.memory_space<semaphore_mem>>)
      %dma_wait3A_530 = arith.constant 0 : i32
      %dma_wait3A_531 = arith.constant 0 : i32
      %dma_wait3A_532 = tpu.memref_slice %arg2[%dma_wait3A_530, %dma_wait3A_531] : memref<20480x128xf32, #tpu.memory_space<hbm>> -> memref<128x128xf32, #tpu.memory_space<hbm>>
      %dma_wait3A_533 = arith.constant 0 : i32
      %dma_wait3A_534 = arith.constant 0 : i32
      %dma_wait3A_535 = tpu.memref_slice %arg2[%dma_wait3A_533, %dma_wait3A_534] : memref<20480x128xf32, #tpu.memory_space<hbm>> -> memref<128x128xf32, #tpu.memory_space<hbm>>
      tpu.wait_dma2 semaphore(%arg12 : memref<!tpu.dma_semaphore, #tpu.memory_space<semaphore_mem>>) src(%dma_wait3A_535 : memref<128x128xf32, #tpu.memory_space<hbm>>) dst(%arg10 : memref<128x128xf32, #tpu.memory_space<vmem>>)
      %dma_start3A_536 = arith.constant 14 : i32
      %dma_start3A_537 = arith.constant 0 : i32
      %dma_start3A_538 = tpu.memref_slice %arg9[%dma_start3A_536, %dma_start3A_537] : memref<16x128xi32, #tpu.memory_space<vmem>> -> memref<1x128xi32, #tpu.memory_space<vmem>>
      %dma_start3A_539 = tpu.memref_squeeze %dma_start3A_538 : memref<1x128xi32, #tpu.memory_space<vmem>> -> memref<128xi32, #tpu.memory_space<vmem>>
      %dma_start3A_540 = arith.constant 0 : i32
      %dma_start3A_541 = arith.constant 0 : i32
      %dma_start3A_542 = tpu.memref_slice %arg7[%dma_start3A_540, %dma_start3A_541] : memref<10240x128xf32, #tpu.memory_space<vmem_shared>> -> memref<10240x128xf32, #tpu.memory_space<vmem_shared>>
      tpu.enqueue_indirect_dma source(%arg10 : memref<128x128xf32, #tpu.memory_space<vmem>>) target(%dma_start3A_542 : memref<10240x128xf32, #tpu.memory_space<vmem_shared>>) offsets(%dma_start3A_539 : memref<128xi32, #tpu.memory_space<vmem>>) semaphore(%arg13 : memref<!tpu.dma_semaphore, #tpu.memory_space<semaphore_mem>>) {add = true}
      %dma_wait3A_543 = arith.constant 0 : i32
      %dma_wait3A_544 = arith.constant 0 : i32
      %dma_wait3A_545 = tpu.memref_slice %arg2[%dma_wait3A_543, %dma_wait3A_544] : memref<20480x128xf32, #tpu.memory_space<hbm>> -> memref<128x128xf32, #tpu.memory_space<hbm>>
      %dma_wait3A_546 = arith.constant 0 : i32
      %dma_wait3A_547 = arith.constant 0 : i32
      %dma_wait3A_548 = tpu.memref_slice %arg2[%dma_wait3A_546, %dma_wait3A_547] : memref<20480x128xf32, #tpu.memory_space<hbm>> -> memref<128x128xf32, #tpu.memory_space<hbm>>
      tpu.wait_dma2 semaphore(%arg13 : memref<!tpu.dma_semaphore, #tpu.memory_space<semaphore_mem>>) src(%dma_wait3A_548 : memref<128x128xf32, #tpu.memory_space<hbm>>) dst(%arg11 : memref<128x128xf32, #tpu.memory_space<vmem>>)
      %dma_start3A_549 = arith.constant 15 : i32
      %dma_start3A_550 = arith.constant 0 : i32
      %dma_start3A_551 = tpu.memref_slice %arg8[%dma_start3A_549, %dma_start3A_550] : memref<16x128xi32, #tpu.memory_space<vmem>> -> memref<1x128xi32, #tpu.memory_space<vmem>>
      %dma_start3A_552 = tpu.memref_squeeze %dma_start3A_551 : memref<1x128xi32, #tpu.memory_space<vmem>> -> memref<128xi32, #tpu.memory_space<vmem>>
      %dma_start3A_553 = arith.constant 0 : i32
      %dma_start3A_554 = arith.constant 0 : i32
      %dma_start3A_555 = tpu.memref_slice %arg2[%dma_start3A_553, %dma_start3A_554] : memref<20480x128xf32, #tpu.memory_space<hbm>> -> memref<20480x128xf32, #tpu.memory_space<hbm>>
      tpu.enqueue_indirect_dma source(%dma_start3A_555 : memref<20480x128xf32, #tpu.memory_space<hbm>>) target(%arg11 : memref<128x128xf32, #tpu.memory_space<vmem>>) offsets(%dma_start3A_552 : memref<128xi32, #tpu.memory_space<vmem>>) semaphore(%arg12 : memref<!tpu.dma_semaphore, #tpu.memory_space<semaphore_mem>>)
      %dma_wait3A_556 = arith.constant 0 : i32
      %dma_wait3A_557 = arith.constant 0 : i32
      %dma_wait3A_558 = tpu.memref_slice %arg2[%dma_wait3A_556, %dma_wait3A_557] : memref<20480x128xf32, #tpu.memory_space<hbm>> -> memref<128x128xf32, #tpu.memory_space<hbm>>
      %dma_wait3A_559 = arith.constant 0 : i32
      %dma_wait3A_560 = arith.constant 0 : i32
      %dma_wait3A_561 = tpu.memref_slice %arg2[%dma_wait3A_559, %dma_wait3A_560] : memref<20480x128xf32, #tpu.memory_space<hbm>> -> memref<128x128xf32, #tpu.memory_space<hbm>>
      tpu.wait_dma2 semaphore(%arg12 : memref<!tpu.dma_semaphore, #tpu.memory_space<semaphore_mem>>) src(%dma_wait3A_561 : memref<128x128xf32, #tpu.memory_space<hbm>>) dst(%arg11 : memref<128x128xf32, #tpu.memory_space<vmem>>)
      %dma_start3A_562 = arith.constant 15 : i32
      %dma_start3A_563 = arith.constant 0 : i32
      %dma_start3A_564 = tpu.memref_slice %arg9[%dma_start3A_562, %dma_start3A_563] : memref<16x128xi32, #tpu.memory_space<vmem>> -> memref<1x128xi32, #tpu.memory_space<vmem>>
      %dma_start3A_565 = tpu.memref_squeeze %dma_start3A_564 : memref<1x128xi32, #tpu.memory_space<vmem>> -> memref<128xi32, #tpu.memory_space<vmem>>
      %dma_start3A_566 = arith.constant 0 : i32
      %dma_start3A_567 = arith.constant 0 : i32
      %dma_start3A_568 = tpu.memref_slice %arg7[%dma_start3A_566, %dma_start3A_567] : memref<10240x128xf32, #tpu.memory_space<vmem_shared>> -> memref<10240x128xf32, #tpu.memory_space<vmem_shared>>
      tpu.enqueue_indirect_dma source(%arg11 : memref<128x128xf32, #tpu.memory_space<vmem>>) target(%dma_start3A_568 : memref<10240x128xf32, #tpu.memory_space<vmem_shared>>) offsets(%dma_start3A_565 : memref<128xi32, #tpu.memory_space<vmem>>) semaphore(%arg13 : memref<!tpu.dma_semaphore, #tpu.memory_space<semaphore_mem>>) {add = true}
      %dma_wait3A_569 = arith.constant 0 : i32
      %dma_wait3A_570 = arith.constant 0 : i32
      %dma_wait3A_571 = tpu.memref_slice %arg2[%dma_wait3A_569, %dma_wait3A_570] : memref<20480x128xf32, #tpu.memory_space<hbm>> -> memref<128x128xf32, #tpu.memory_space<hbm>>
      %dma_wait3A_572 = arith.constant 0 : i32
      %dma_wait3A_573 = arith.constant 0 : i32
      %dma_wait3A_574 = tpu.memref_slice %arg2[%dma_wait3A_572, %dma_wait3A_573] : memref<20480x128xf32, #tpu.memory_space<hbm>> -> memref<128x128xf32, #tpu.memory_space<hbm>>
      tpu.wait_dma2 semaphore(%arg13 : memref<!tpu.dma_semaphore, #tpu.memory_space<semaphore_mem>>) src(%dma_wait3A_574 : memref<128x128xf32, #tpu.memory_space<hbm>>) dst(%arg10 : memref<128x128xf32, #tpu.memory_space<vmem>>)
      %dma_wait3A_575 = arith.constant 0 : i32
      %dma_wait3A_576 = arith.constant 0 : i32
      %dma_wait3A_577 = tpu.memref_slice %arg2[%dma_wait3A_575, %dma_wait3A_576] : memref<20480x128xf32, #tpu.memory_space<hbm>> -> memref<128x128xf32, #tpu.memory_space<hbm>>
      %dma_wait3A_578 = arith.constant 0 : i32
      %dma_wait3A_579 = arith.constant 0 : i32
      %dma_wait3A_580 = tpu.memref_slice %arg2[%dma_wait3A_578, %dma_wait3A_579] : memref<20480x128xf32, #tpu.memory_space<hbm>> -> memref<128x128xf32, #tpu.memory_space<hbm>>
      tpu.wait_dma2 semaphore(%arg13 : memref<!tpu.dma_semaphore, #tpu.memory_space<semaphore_mem>>) src(%dma_wait3A_580 : memref<128x128xf32, #tpu.memory_space<hbm>>) dst(%arg11 : memref<128x128xf32, #tpu.memory_space<vmem>>)
      %lt3A = arith.constant 9 : i32
      %lt3A_581 = arith.cmpi slt, %scan3A_171, %lt3A : i32
      %convert_element_type3A = arith.extui %lt3A_581 : i1 to i32
      %cond3A = arith.constant 0 : i32
      %cond3A_582 = arith.cmpi ne, %convert_element_type3A, %cond3A : i32
      scf.if %cond3A_582 {
        %add3A_583 = arith.constant 1 : i32
        %add3A_584 = arith.addi %scan3A_171, %add3A_583 : i32
        %mul3A_585 = arith.constant 16 : i32
        %mul3A_586 = arith.muli %add3A_584, %mul3A_585 : i32
        %add3A_587 = arith.addi %mul3A_0, %mul3A_586 : i32
        %add3A_588 = arith.addi %mul3A_2, %add3A_587 : i32
        "tpu.region"() ({
          %run_scoped3A = tpu.sem_alloc : memref<!tpu.dma_semaphore, #tpu.memory_space<semaphore_mem>>
          %dma_start3A_596 = arith.constant 0 : i32
          %dma_start3A_597 = tpu.memref_slice %arg3[%add3A_588, %dma_start3A_596] : memref<5120x128xi32, #tpu.memory_space<hbm>> -> memref<16x128xi32, #tpu.memory_space<hbm>>
          %dma_start3A_598 = arith.constant 0 : i32
          %dma_start3A_599 = tpu.memref_slice %arg3[%add3A_588, %dma_start3A_598] : memref<5120x128xi32, #tpu.memory_space<hbm>> -> memref<16x128xi32, #tpu.memory_space<hbm>>
          tpu.enqueue_dma source(%dma_start3A_599 : memref<16x128xi32, #tpu.memory_space<hbm>>) target(%arg8 : memref<16x128xi32, #tpu.memory_space<vmem>>) target_semaphore(%run_scoped3A : memref<!tpu.dma_semaphore, #tpu.memory_space<semaphore_mem>>)
          %dma_wait3A_600 = arith.constant 0 : i32
          %dma_wait3A_601 = tpu.memref_slice %arg3[%add3A_588, %dma_wait3A_600] : memref<5120x128xi32, #tpu.memory_space<hbm>> -> memref<16x128xi32, #tpu.memory_space<hbm>>
          %dma_wait3A_602 = arith.constant 0 : i32
          %dma_wait3A_603 = tpu.memref_slice %arg3[%add3A_588, %dma_wait3A_602] : memref<5120x128xi32, #tpu.memory_space<hbm>> -> memref<16x128xi32, #tpu.memory_space<hbm>>
          tpu.wait_dma2 semaphore(%run_scoped3A : memref<!tpu.dma_semaphore, #tpu.memory_space<semaphore_mem>>) src(%dma_wait3A_603 : memref<16x128xi32, #tpu.memory_space<hbm>>) dst(%arg8 : memref<16x128xi32, #tpu.memory_space<vmem>>)
          tpu.yield
        }) : () -> ()
        "tpu.region"() ({
          %run_scoped3A = tpu.sem_alloc : memref<!tpu.dma_semaphore, #tpu.memory_space<semaphore_mem>>
          %dma_start3A_596 = arith.constant 0 : i32
          %dma_start3A_597 = tpu.memref_slice %arg4[%add3A_587, %dma_start3A_596] : memref<2560x128xi32, #tpu.memory_space<hbm>> -> memref<16x128xi32, #tpu.memory_space<hbm>>
          %dma_start3A_598 = arith.constant 0 : i32
          %dma_start3A_599 = tpu.memref_slice %arg4[%add3A_587, %dma_start3A_598] : memref<2560x128xi32, #tpu.memory_space<hbm>> -> memref<16x128xi32, #tpu.memory_space<hbm>>
          tpu.enqueue_dma source(%dma_start3A_599 : memref<16x128xi32, #tpu.memory_space<hbm>>) target(%arg9 : memref<16x128xi32, #tpu.memory_space<vmem>>) target_semaphore(%run_scoped3A : memref<!tpu.dma_semaphore, #tpu.memory_space<semaphore_mem>>)
          %dma_wait3A_600 = arith.constant 0 : i32
          %dma_wait3A_601 = tpu.memref_slice %arg4[%add3A_587, %dma_wait3A_600] : memref<2560x128xi32, #tpu.memory_space<hbm>> -> memref<16x128xi32, #tpu.memory_space<hbm>>
          %dma_wait3A_602 = arith.constant 0 : i32
          %dma_wait3A_603 = tpu.memref_slice %arg4[%add3A_587, %dma_wait3A_602] : memref<2560x128xi32, #tpu.memory_space<hbm>> -> memref<16x128xi32, #tpu.memory_space<hbm>>
          tpu.wait_dma2 semaphore(%run_scoped3A : memref<!tpu.dma_semaphore, #tpu.memory_space<semaphore_mem>>) src(%dma_wait3A_603 : memref<16x128xi32, #tpu.memory_space<hbm>>) dst(%arg9 : memref<16x128xi32, #tpu.memory_space<vmem>>)
          tpu.yield
        }) : () -> ()
        %dma_start3A_589 = arith.constant 0 : i32
        %dma_start3A_590 = arith.constant 0 : i32
        %dma_start3A_591 = tpu.memref_slice %arg8[%dma_start3A_589, %dma_start3A_590] : memref<16x128xi32, #tpu.memory_space<vmem>> -> memref<1x128xi32, #tpu.memory_space<vmem>>
        %dma_start3A_592 = tpu.memref_squeeze %dma_start3A_591 : memref<1x128xi32, #tpu.memory_space<vmem>> -> memref<128xi32, #tpu.memory_space<vmem>>
        %dma_start3A_593 = arith.constant 0 : i32
        %dma_start3A_594 = arith.constant 0 : i32
        %dma_start3A_595 = tpu.memref_slice %arg2[%dma_start3A_593, %dma_start3A_594] : memref<20480x128xf32, #tpu.memory_space<hbm>> -> memref<20480x128xf32, #tpu.memory_space<hbm>>
        tpu.enqueue_indirect_dma source(%dma_start3A_595 : memref<20480x128xf32, #tpu.memory_space<hbm>>) target(%arg10 : memref<128x128xf32, #tpu.memory_space<vmem>>) offsets(%dma_start3A_592 : memref<128xi32, #tpu.memory_space<vmem>>) semaphore(%arg12 : memref<!tpu.dma_semaphore, #tpu.memory_space<semaphore_mem>>)
      } else {
      }
    }
    %scan3A_84 = arith.constant 10 : i32
    %barrier3A_85 = arith.constant 0 : index
    tpu.barrier barrier_id(%barrier3A_85)
    %mul3A_86 = arith.constant 640 : i32
    %mul3A_87 = arith.muli %arg1, %mul3A_86 : i32
    %add3A_88 = arith.constant 0 : i32
    %add3A_89 = arith.addi %mul3A_87, %add3A_88 : i32
    "tpu.region"() ({
      %run_scoped3A = tpu.sem_alloc : memref<!tpu.dma_semaphore, #tpu.memory_space<semaphore_mem>>
      %dma_start3A_171 = arith.constant 0 : i32
      %dma_start3A_172 = tpu.memref_slice %arg7[%add3A_89, %dma_start3A_171] : memref<10240x128xf32, #tpu.memory_space<vmem_shared>> -> memref<128x128xf32, #tpu.memory_space<vmem_shared>>
      %dma_start3A_173 = arith.constant 0 : i32
      %dma_start3A_174 = tpu.memref_slice %arg7[%add3A_89, %dma_start3A_173] : memref<10240x128xf32, #tpu.memory_space<vmem_shared>> -> memref<128x128xf32, #tpu.memory_space<vmem_shared>>
      tpu.enqueue_dma source(%dma_start3A_174 : memref<128x128xf32, #tpu.memory_space<vmem_shared>>) target(%arg10 : memref<128x128xf32, #tpu.memory_space<vmem>>) target_semaphore(%run_scoped3A : memref<!tpu.dma_semaphore, #tpu.memory_space<semaphore_mem>>)
      %dma_wait3A_175 = arith.constant 0 : i32
      %dma_wait3A_176 = tpu.memref_slice %arg7[%add3A_89, %dma_wait3A_175] : memref<10240x128xf32, #tpu.memory_space<vmem_shared>> -> memref<128x128xf32, #tpu.memory_space<vmem_shared>>
      %dma_wait3A_177 = arith.constant 0 : i32
      %dma_wait3A_178 = tpu.memref_slice %arg7[%add3A_89, %dma_wait3A_177] : memref<10240x128xf32, #tpu.memory_space<vmem_shared>> -> memref<128x128xf32, #tpu.memory_space<vmem_shared>>
      tpu.wait_dma2 semaphore(%run_scoped3A : memref<!tpu.dma_semaphore, #tpu.memory_space<semaphore_mem>>) src(%dma_wait3A_178 : memref<128x128xf32, #tpu.memory_space<vmem_shared>>) dst(%arg10 : memref<128x128xf32, #tpu.memory_space<vmem>>)
      tpu.yield
    }) : () -> ()
    %mul3A_90 = arith.constant 10240 : i32
    %mul3A_91 = arith.muli %arg0, %mul3A_90 : i32
    %add3A_92 = arith.addi %mul3A_91, %add3A_89 : i32
    %dma_start3A_93 = arith.constant 0 : i32
    %dma_start3A_94 = tpu.memref_slice %arg6[%add3A_92, %dma_start3A_93] : memref<20480x128xf32, #tpu.memory_space<hbm>> -> memref<128x128xf32, #tpu.memory_space<hbm>>
    %dma_start3A_95 = arith.constant 0 : i32
    %dma_start3A_96 = tpu.memref_slice %arg6[%add3A_92, %dma_start3A_95] : memref<20480x128xf32, #tpu.memory_space<hbm>> -> memref<128x128xf32, #tpu.memory_space<hbm>>
    tpu.enqueue_dma source(%arg10 : memref<128x128xf32, #tpu.memory_space<vmem>>) target(%dma_start3A_96 : memref<128x128xf32, #tpu.memory_space<hbm>>) target_semaphore(%arg12 : memref<!tpu.dma_semaphore, #tpu.memory_space<semaphore_mem>>)
    %mul3A_97 = arith.constant 640 : i32
    %mul3A_98 = arith.muli %arg1, %mul3A_97 : i32
    %add3A_99 = arith.constant 128 : i32
    %add3A_100 = arith.addi %mul3A_98, %add3A_99 : i32
    "tpu.region"() ({
      %run_scoped3A = tpu.sem_alloc : memref<!tpu.dma_semaphore, #tpu.memory_space<semaphore_mem>>
      %dma_start3A_171 = arith.constant 0 : i32
      %dma_start3A_172 = tpu.memref_slice %arg7[%add3A_100, %dma_start3A_171] : memref<10240x128xf32, #tpu.memory_space<vmem_shared>> -> memref<128x128xf32, #tpu.memory_space<vmem_shared>>
      %dma_start3A_173 = arith.constant 0 : i32
      %dma_start3A_174 = tpu.memref_slice %arg7[%add3A_100, %dma_start3A_173] : memref<10240x128xf32, #tpu.memory_space<vmem_shared>> -> memref<128x128xf32, #tpu.memory_space<vmem_shared>>
      tpu.enqueue_dma source(%dma_start3A_174 : memref<128x128xf32, #tpu.memory_space<vmem_shared>>) target(%arg11 : memref<128x128xf32, #tpu.memory_space<vmem>>) target_semaphore(%run_scoped3A : memref<!tpu.dma_semaphore, #tpu.memory_space<semaphore_mem>>)
      %dma_wait3A_175 = arith.constant 0 : i32
      %dma_wait3A_176 = tpu.memref_slice %arg7[%add3A_100, %dma_wait3A_175] : memref<10240x128xf32, #tpu.memory_space<vmem_shared>> -> memref<128x128xf32, #tpu.memory_space<vmem_shared>>
      %dma_wait3A_177 = arith.constant 0 : i32
      %dma_wait3A_178 = tpu.memref_slice %arg7[%add3A_100, %dma_wait3A_177] : memref<10240x128xf32, #tpu.memory_space<vmem_shared>> -> memref<128x128xf32, #tpu.memory_space<vmem_shared>>
      tpu.wait_dma2 semaphore(%run_scoped3A : memref<!tpu.dma_semaphore, #tpu.memory_space<semaphore_mem>>) src(%dma_wait3A_178 : memref<128x128xf32, #tpu.memory_space<vmem_shared>>) dst(%arg11 : memref<128x128xf32, #tpu.memory_space<vmem>>)
      tpu.yield
    }) : () -> ()
    %mul3A_101 = arith.constant 10240 : i32
    %mul3A_102 = arith.muli %arg0, %mul3A_101 : i32
    %add3A_103 = arith.addi %mul3A_102, %add3A_100 : i32
    %dma_start3A_104 = arith.constant 0 : i32
    %dma_start3A_105 = tpu.memref_slice %arg6[%add3A_103, %dma_start3A_104] : memref<20480x128xf32, #tpu.memory_space<hbm>> -> memref<128x128xf32, #tpu.memory_space<hbm>>
    %dma_start3A_106 = arith.constant 0 : i32
    %dma_start3A_107 = tpu.memref_slice %arg6[%add3A_103, %dma_start3A_106] : memref<20480x128xf32, #tpu.memory_space<hbm>> -> memref<128x128xf32, #tpu.memory_space<hbm>>
    tpu.enqueue_dma source(%arg11 : memref<128x128xf32, #tpu.memory_space<vmem>>) target(%dma_start3A_107 : memref<128x128xf32, #tpu.memory_space<hbm>>) target_semaphore(%arg12 : memref<!tpu.dma_semaphore, #tpu.memory_space<semaphore_mem>>)
    %dma_wait3A_108 = arith.constant 0 : i32
    %dma_wait3A_109 = arith.constant 0 : i32
    %dma_wait3A_110 = tpu.memref_slice %arg2[%dma_wait3A_108, %dma_wait3A_109] : memref<20480x128xf32, #tpu.memory_space<hbm>> -> memref<128x128xf32, #tpu.memory_space<hbm>>
    %dma_wait3A_111 = arith.constant 0 : i32
    %dma_wait3A_112 = arith.constant 0 : i32
    %dma_wait3A_113 = tpu.memref_slice %arg2[%dma_wait3A_111, %dma_wait3A_112] : memref<20480x128xf32, #tpu.memory_space<hbm>> -> memref<128x128xf32, #tpu.memory_space<hbm>>
    tpu.wait_dma2 semaphore(%arg12 : memref<!tpu.dma_semaphore, #tpu.memory_space<semaphore_mem>>) src(%dma_wait3A_113 : memref<128x128xf32, #tpu.memory_space<hbm>>) dst(%arg10 : memref<128x128xf32, #tpu.memory_space<vmem>>)
    %mul3A_114 = arith.constant 640 : i32
    %mul3A_115 = arith.muli %arg1, %mul3A_114 : i32
    %add3A_116 = arith.constant 256 : i32
    %add3A_117 = arith.addi %mul3A_115, %add3A_116 : i32
    "tpu.region"() ({
      %run_scoped3A = tpu.sem_alloc : memref<!tpu.dma_semaphore, #tpu.memory_space<semaphore_mem>>
      %dma_start3A_171 = arith.constant 0 : i32
      %dma_start3A_172 = tpu.memref_slice %arg7[%add3A_117, %dma_start3A_171] : memref<10240x128xf32, #tpu.memory_space<vmem_shared>> -> memref<128x128xf32, #tpu.memory_space<vmem_shared>>
      %dma_start3A_173 = arith.constant 0 : i32
      %dma_start3A_174 = tpu.memref_slice %arg7[%add3A_117, %dma_start3A_173] : memref<10240x128xf32, #tpu.memory_space<vmem_shared>> -> memref<128x128xf32, #tpu.memory_space<vmem_shared>>
      tpu.enqueue_dma source(%dma_start3A_174 : memref<128x128xf32, #tpu.memory_space<vmem_shared>>) target(%arg10 : memref<128x128xf32, #tpu.memory_space<vmem>>) target_semaphore(%run_scoped3A : memref<!tpu.dma_semaphore, #tpu.memory_space<semaphore_mem>>)
      %dma_wait3A_175 = arith.constant 0 : i32
      %dma_wait3A_176 = tpu.memref_slice %arg7[%add3A_117, %dma_wait3A_175] : memref<10240x128xf32, #tpu.memory_space<vmem_shared>> -> memref<128x128xf32, #tpu.memory_space<vmem_shared>>
      %dma_wait3A_177 = arith.constant 0 : i32
      %dma_wait3A_178 = tpu.memref_slice %arg7[%add3A_117, %dma_wait3A_177] : memref<10240x128xf32, #tpu.memory_space<vmem_shared>> -> memref<128x128xf32, #tpu.memory_space<vmem_shared>>
      tpu.wait_dma2 semaphore(%run_scoped3A : memref<!tpu.dma_semaphore, #tpu.memory_space<semaphore_mem>>) src(%dma_wait3A_178 : memref<128x128xf32, #tpu.memory_space<vmem_shared>>) dst(%arg10 : memref<128x128xf32, #tpu.memory_space<vmem>>)
      tpu.yield
    }) : () -> ()
    %mul3A_118 = arith.constant 10240 : i32
    %mul3A_119 = arith.muli %arg0, %mul3A_118 : i32
    %add3A_120 = arith.addi %mul3A_119, %add3A_117 : i32
    %dma_start3A_121 = arith.constant 0 : i32
    %dma_start3A_122 = tpu.memref_slice %arg6[%add3A_120, %dma_start3A_121] : memref<20480x128xf32, #tpu.memory_space<hbm>> -> memref<128x128xf32, #tpu.memory_space<hbm>>
    %dma_start3A_123 = arith.constant 0 : i32
    %dma_start3A_124 = tpu.memref_slice %arg6[%add3A_120, %dma_start3A_123] : memref<20480x128xf32, #tpu.memory_space<hbm>> -> memref<128x128xf32, #tpu.memory_space<hbm>>
    tpu.enqueue_dma source(%arg10 : memref<128x128xf32, #tpu.memory_space<vmem>>) target(%dma_start3A_124 : memref<128x128xf32, #tpu.memory_space<hbm>>) target_semaphore(%arg12 : memref<!tpu.dma_semaphore, #tpu.memory_space<semaphore_mem>>)
    %dma_wait3A_125 = arith.constant 0 : i32
    %dma_wait3A_126 = arith.constant 0 : i32
    %dma_wait3A_127 = tpu.memref_slice %arg2[%dma_wait3A_125, %dma_wait3A_126] : memref<20480x128xf32, #tpu.memory_space<hbm>> -> memref<128x128xf32, #tpu.memory_space<hbm>>
    %dma_wait3A_128 = arith.constant 0 : i32
    %dma_wait3A_129 = arith.constant 0 : i32
    %dma_wait3A_130 = tpu.memref_slice %arg2[%dma_wait3A_128, %dma_wait3A_129] : memref<20480x128xf32, #tpu.memory_space<hbm>> -> memref<128x128xf32, #tpu.memory_space<hbm>>
    tpu.wait_dma2 semaphore(%arg12 : memref<!tpu.dma_semaphore, #tpu.memory_space<semaphore_mem>>) src(%dma_wait3A_130 : memref<128x128xf32, #tpu.memory_space<hbm>>) dst(%arg11 : memref<128x128xf32, #tpu.memory_space<vmem>>)
    %mul3A_131 = arith.constant 640 : i32
    %mul3A_132 = arith.muli %arg1, %mul3A_131 : i32
    %add3A_133 = arith.constant 384 : i32
    %add3A_134 = arith.addi %mul3A_132, %add3A_133 : i32
    "tpu.region"() ({
      %run_scoped3A = tpu.sem_alloc : memref<!tpu.dma_semaphore, #tpu.memory_space<semaphore_mem>>
      %dma_start3A_171 = arith.constant 0 : i32
      %dma_start3A_172 = tpu.memref_slice %arg7[%add3A_134, %dma_start3A_171] : memref<10240x128xf32, #tpu.memory_space<vmem_shared>> -> memref<128x128xf32, #tpu.memory_space<vmem_shared>>
      %dma_start3A_173 = arith.constant 0 : i32
      %dma_start3A_174 = tpu.memref_slice %arg7[%add3A_134, %dma_start3A_173] : memref<10240x128xf32, #tpu.memory_space<vmem_shared>> -> memref<128x128xf32, #tpu.memory_space<vmem_shared>>
      tpu.enqueue_dma source(%dma_start3A_174 : memref<128x128xf32, #tpu.memory_space<vmem_shared>>) target(%arg11 : memref<128x128xf32, #tpu.memory_space<vmem>>) target_semaphore(%run_scoped3A : memref<!tpu.dma_semaphore, #tpu.memory_space<semaphore_mem>>)
      %dma_wait3A_175 = arith.constant 0 : i32
      %dma_wait3A_176 = tpu.memref_slice %arg7[%add3A_134, %dma_wait3A_175] : memref<10240x128xf32, #tpu.memory_space<vmem_shared>> -> memref<128x128xf32, #tpu.memory_space<vmem_shared>>
      %dma_wait3A_177 = arith.constant 0 : i32
      %dma_wait3A_178 = tpu.memref_slice %arg7[%add3A_134, %dma_wait3A_177] : memref<10240x128xf32, #tpu.memory_space<vmem_shared>> -> memref<128x128xf32, #tpu.memory_space<vmem_shared>>
      tpu.wait_dma2 semaphore(%run_scoped3A : memref<!tpu.dma_semaphore, #tpu.memory_space<semaphore_mem>>) src(%dma_wait3A_178 : memref<128x128xf32, #tpu.memory_space<vmem_shared>>) dst(%arg11 : memref<128x128xf32, #tpu.memory_space<vmem>>)
      tpu.yield
    }) : () -> ()
    %mul3A_135 = arith.constant 10240 : i32
    %mul3A_136 = arith.muli %arg0, %mul3A_135 : i32
    %add3A_137 = arith.addi %mul3A_136, %add3A_134 : i32
    %dma_start3A_138 = arith.constant 0 : i32
    %dma_start3A_139 = tpu.memref_slice %arg6[%add3A_137, %dma_start3A_138] : memref<20480x128xf32, #tpu.memory_space<hbm>> -> memref<128x128xf32, #tpu.memory_space<hbm>>
    %dma_start3A_140 = arith.constant 0 : i32
    %dma_start3A_141 = tpu.memref_slice %arg6[%add3A_137, %dma_start3A_140] : memref<20480x128xf32, #tpu.memory_space<hbm>> -> memref<128x128xf32, #tpu.memory_space<hbm>>
    tpu.enqueue_dma source(%arg11 : memref<128x128xf32, #tpu.memory_space<vmem>>) target(%dma_start3A_141 : memref<128x128xf32, #tpu.memory_space<hbm>>) target_semaphore(%arg12 : memref<!tpu.dma_semaphore, #tpu.memory_space<semaphore_mem>>)
    %dma_wait3A_142 = arith.constant 0 : i32
    %dma_wait3A_143 = arith.constant 0 : i32
    %dma_wait3A_144 = tpu.memref_slice %arg2[%dma_wait3A_142, %dma_wait3A_143] : memref<20480x128xf32, #tpu.memory_space<hbm>> -> memref<128x128xf32, #tpu.memory_space<hbm>>
    %dma_wait3A_145 = arith.constant 0 : i32
    %dma_wait3A_146 = arith.constant 0 : i32
    %dma_wait3A_147 = tpu.memref_slice %arg2[%dma_wait3A_145, %dma_wait3A_146] : memref<20480x128xf32, #tpu.memory_space<hbm>> -> memref<128x128xf32, #tpu.memory_space<hbm>>
    tpu.wait_dma2 semaphore(%arg12 : memref<!tpu.dma_semaphore, #tpu.memory_space<semaphore_mem>>) src(%dma_wait3A_147 : memref<128x128xf32, #tpu.memory_space<hbm>>) dst(%arg10 : memref<128x128xf32, #tpu.memory_space<vmem>>)
    %mul3A_148 = arith.constant 640 : i32
    %mul3A_149 = arith.muli %arg1, %mul3A_148 : i32
    %add3A_150 = arith.constant 512 : i32
    %add3A_151 = arith.addi %mul3A_149, %add3A_150 : i32
    "tpu.region"() ({
      %run_scoped3A = tpu.sem_alloc : memref<!tpu.dma_semaphore, #tpu.memory_space<semaphore_mem>>
      %dma_start3A_171 = arith.constant 0 : i32
      %dma_start3A_172 = tpu.memref_slice %arg7[%add3A_151, %dma_start3A_171] : memref<10240x128xf32, #tpu.memory_space<vmem_shared>> -> memref<128x128xf32, #tpu.memory_space<vmem_shared>>
      %dma_start3A_173 = arith.constant 0 : i32
      %dma_start3A_174 = tpu.memref_slice %arg7[%add3A_151, %dma_start3A_173] : memref<10240x128xf32, #tpu.memory_space<vmem_shared>> -> memref<128x128xf32, #tpu.memory_space<vmem_shared>>
      tpu.enqueue_dma source(%dma_start3A_174 : memref<128x128xf32, #tpu.memory_space<vmem_shared>>) target(%arg10 : memref<128x128xf32, #tpu.memory_space<vmem>>) target_semaphore(%run_scoped3A : memref<!tpu.dma_semaphore, #tpu.memory_space<semaphore_mem>>)
      %dma_wait3A_175 = arith.constant 0 : i32
      %dma_wait3A_176 = tpu.memref_slice %arg7[%add3A_151, %dma_wait3A_175] : memref<10240x128xf32, #tpu.memory_space<vmem_shared>> -> memref<128x128xf32, #tpu.memory_space<vmem_shared>>
      %dma_wait3A_177 = arith.constant 0 : i32
      %dma_wait3A_178 = tpu.memref_slice %arg7[%add3A_151, %dma_wait3A_177] : memref<10240x128xf32, #tpu.memory_space<vmem_shared>> -> memref<128x128xf32, #tpu.memory_space<vmem_shared>>
      tpu.wait_dma2 semaphore(%run_scoped3A : memref<!tpu.dma_semaphore, #tpu.memory_space<semaphore_mem>>) src(%dma_wait3A_178 : memref<128x128xf32, #tpu.memory_space<vmem_shared>>) dst(%arg10 : memref<128x128xf32, #tpu.memory_space<vmem>>)
      tpu.yield
    }) : () -> ()
    %mul3A_152 = arith.constant 10240 : i32
    %mul3A_153 = arith.muli %arg0, %mul3A_152 : i32
    %add3A_154 = arith.addi %mul3A_153, %add3A_151 : i32
    %dma_start3A_155 = arith.constant 0 : i32
    %dma_start3A_156 = tpu.memref_slice %arg6[%add3A_154, %dma_start3A_155] : memref<20480x128xf32, #tpu.memory_space<hbm>> -> memref<128x128xf32, #tpu.memory_space<hbm>>
    %dma_start3A_157 = arith.constant 0 : i32
    %dma_start3A_158 = tpu.memref_slice %arg6[%add3A_154, %dma_start3A_157] : memref<20480x128xf32, #tpu.memory_space<hbm>> -> memref<128x128xf32, #tpu.memory_space<hbm>>
    tpu.enqueue_dma source(%arg10 : memref<128x128xf32, #tpu.memory_space<vmem>>) target(%dma_start3A_158 : memref<128x128xf32, #tpu.memory_space<hbm>>) target_semaphore(%arg12 : memref<!tpu.dma_semaphore, #tpu.memory_space<semaphore_mem>>)
    %dma_wait3A_159 = arith.constant 0 : i32
    %dma_wait3A_160 = arith.constant 0 : i32
    %dma_wait3A_161 = tpu.memref_slice %arg2[%dma_wait3A_159, %dma_wait3A_160] : memref<20480x128xf32, #tpu.memory_space<hbm>> -> memref<128x128xf32, #tpu.memory_space<hbm>>
    %dma_wait3A_162 = arith.constant 0 : i32
    %dma_wait3A_163 = arith.constant 0 : i32
    %dma_wait3A_164 = tpu.memref_slice %arg2[%dma_wait3A_162, %dma_wait3A_163] : memref<20480x128xf32, #tpu.memory_space<hbm>> -> memref<128x128xf32, #tpu.memory_space<hbm>>
    tpu.wait_dma2 semaphore(%arg12 : memref<!tpu.dma_semaphore, #tpu.memory_space<semaphore_mem>>) src(%dma_wait3A_164 : memref<128x128xf32, #tpu.memory_space<hbm>>) dst(%arg10 : memref<128x128xf32, #tpu.memory_space<vmem>>)
    %dma_wait3A_165 = arith.constant 0 : i32
    %dma_wait3A_166 = arith.constant 0 : i32
    %dma_wait3A_167 = tpu.memref_slice %arg2[%dma_wait3A_165, %dma_wait3A_166] : memref<20480x128xf32, #tpu.memory_space<hbm>> -> memref<128x128xf32, #tpu.memory_space<hbm>>
    %dma_wait3A_168 = arith.constant 0 : i32
    %dma_wait3A_169 = arith.constant 0 : i32
    %dma_wait3A_170 = tpu.memref_slice %arg2[%dma_wait3A_168, %dma_wait3A_169] : memref<20480x128xf32, #tpu.memory_space<hbm>> -> memref<128x128xf32, #tpu.memory_space<hbm>>
    tpu.wait_dma2 semaphore(%arg12 : memref<!tpu.dma_semaphore, #tpu.memory_space<semaphore_mem>>) src(%dma_wait3A_170 : memref<128x128xf32, #tpu.memory_space<hbm>>) dst(%arg11 : memref<128x128xf32, #tpu.memory_space<vmem>>)
    return
  }
}

#map = affine_map<(d0, d1) -> (0, 0)>
module attributes {stable_mosaic.version = 14 : i64} {
  func.func @_deg_body(%arg0: i32, %arg1: i32, %arg2: memref<2560x128xi32, #tpu.memory_space<hbm>>, %arg3: memref<128x128xf32, #tpu.memory_space<hbm>>, %arg4: memref<128x128xf32, #tpu.memory_space<hbm>>, %arg5: memref<20480x128xf32, #tpu.memory_space<hbm>>, %arg6: memref<10240x128xf32, #tpu.memory_space<vmem_shared>>, %arg7: memref<8x128xi32, #tpu.memory_space<vmem>>, %arg8: memref<128x128xf32, #tpu.memory_space<vmem>>, %arg9: memref<!tpu.dma_semaphore, #tpu.memory_space<semaphore_mem>>) attributes {dimension_semantics = [#tpu.dimension_semantics<core_parallel>, #tpu.dimension_semantics<subcore_parallel>], iteration_bounds = array<i64: 2, 16>, scalar_prefetch = 0 : i64, scratch_operands = 4 : i64, tpu.core_type = #tpu.core_type<sc_vector_subcore>, window_params = [{transform_indices = #map}, {transform_indices = #map}, {transform_indices = #map}, {transform_indices = #map}]} {
    %mul3A = arith.constant 16 : i32
    %mul3A_0 = arith.muli %arg0, %mul3A : i32
    %add3A = arith.addi %mul3A_0, %arg1 : i32
    "tpu.region"() ({
      %run_scoped3A = tpu.sem_alloc : memref<!tpu.dma_semaphore, #tpu.memory_space<semaphore_mem>>
      tpu.enqueue_dma source(%arg3 : memref<128x128xf32, #tpu.memory_space<hbm>>) target(%arg8 : memref<128x128xf32, #tpu.memory_space<vmem>>) target_semaphore(%run_scoped3A : memref<!tpu.dma_semaphore, #tpu.memory_space<semaphore_mem>>)
      tpu.wait_dma2 semaphore(%run_scoped3A : memref<!tpu.dma_semaphore, #tpu.memory_space<semaphore_mem>>) src(%arg3 : memref<128x128xf32, #tpu.memory_space<hbm>>) dst(%arg8 : memref<128x128xf32, #tpu.memory_space<vmem>>)
      tpu.yield
    }) : () -> ()
    %mul3A_1 = arith.constant 640 : i32
    %mul3A_2 = arith.muli %arg1, %mul3A_1 : i32
    %add3A_3 = arith.constant 0 : i32
    %add3A_4 = arith.addi %mul3A_2, %add3A_3 : i32
    "tpu.region"() ({
      %run_scoped3A = tpu.sem_alloc : memref<!tpu.dma_semaphore, #tpu.memory_space<semaphore_mem>>
      %dma_start3A = arith.constant 0 : i32
      %dma_start3A_62 = tpu.memref_slice %arg6[%add3A_4, %dma_start3A] : memref<10240x128xf32, #tpu.memory_space<vmem_shared>> -> memref<128x128xf32, #tpu.memory_space<vmem_shared>>
      %dma_start3A_63 = arith.constant 0 : i32
      %dma_start3A_64 = tpu.memref_slice %arg6[%add3A_4, %dma_start3A_63] : memref<10240x128xf32, #tpu.memory_space<vmem_shared>> -> memref<128x128xf32, #tpu.memory_space<vmem_shared>>
      tpu.enqueue_dma source(%arg8 : memref<128x128xf32, #tpu.memory_space<vmem>>) target(%dma_start3A_64 : memref<128x128xf32, #tpu.memory_space<vmem_shared>>) target_semaphore(%run_scoped3A : memref<!tpu.dma_semaphore, #tpu.memory_space<semaphore_mem>>)
      %dma_wait3A = arith.constant 0 : i32
      %dma_wait3A_65 = tpu.memref_slice %arg6[%add3A_4, %dma_wait3A] : memref<10240x128xf32, #tpu.memory_space<vmem_shared>> -> memref<128x128xf32, #tpu.memory_space<vmem_shared>>
      %dma_wait3A_66 = arith.constant 0 : i32
      %dma_wait3A_67 = tpu.memref_slice %arg6[%add3A_4, %dma_wait3A_66] : memref<10240x128xf32, #tpu.memory_space<vmem_shared>> -> memref<128x128xf32, #tpu.memory_space<vmem_shared>>
      tpu.wait_dma2 semaphore(%run_scoped3A : memref<!tpu.dma_semaphore, #tpu.memory_space<semaphore_mem>>) src(%arg8 : memref<128x128xf32, #tpu.memory_space<vmem>>) dst(%dma_wait3A_67 : memref<128x128xf32, #tpu.memory_space<vmem_shared>>)
      tpu.yield
    }) : () -> ()
    %mul3A_5 = arith.constant 640 : i32
    %mul3A_6 = arith.muli %arg1, %mul3A_5 : i32
    %add3A_7 = arith.constant 128 : i32
    %add3A_8 = arith.addi %mul3A_6, %add3A_7 : i32
    "tpu.region"() ({
      %run_scoped3A = tpu.sem_alloc : memref<!tpu.dma_semaphore, #tpu.memory_space<semaphore_mem>>
      %dma_start3A = arith.constant 0 : i32
      %dma_start3A_62 = tpu.memref_slice %arg6[%add3A_8, %dma_start3A] : memref<10240x128xf32, #tpu.memory_space<vmem_shared>> -> memref<128x128xf32, #tpu.memory_space<vmem_shared>>
      %dma_start3A_63 = arith.constant 0 : i32
      %dma_start3A_64 = tpu.memref_slice %arg6[%add3A_8, %dma_start3A_63] : memref<10240x128xf32, #tpu.memory_space<vmem_shared>> -> memref<128x128xf32, #tpu.memory_space<vmem_shared>>
      tpu.enqueue_dma source(%arg8 : memref<128x128xf32, #tpu.memory_space<vmem>>) target(%dma_start3A_64 : memref<128x128xf32, #tpu.memory_space<vmem_shared>>) target_semaphore(%run_scoped3A : memref<!tpu.dma_semaphore, #tpu.memory_space<semaphore_mem>>)
      %dma_wait3A = arith.constant 0 : i32
      %dma_wait3A_65 = tpu.memref_slice %arg6[%add3A_8, %dma_wait3A] : memref<10240x128xf32, #tpu.memory_space<vmem_shared>> -> memref<128x128xf32, #tpu.memory_space<vmem_shared>>
      %dma_wait3A_66 = arith.constant 0 : i32
      %dma_wait3A_67 = tpu.memref_slice %arg6[%add3A_8, %dma_wait3A_66] : memref<10240x128xf32, #tpu.memory_space<vmem_shared>> -> memref<128x128xf32, #tpu.memory_space<vmem_shared>>
      tpu.wait_dma2 semaphore(%run_scoped3A : memref<!tpu.dma_semaphore, #tpu.memory_space<semaphore_mem>>) src(%arg8 : memref<128x128xf32, #tpu.memory_space<vmem>>) dst(%dma_wait3A_67 : memref<128x128xf32, #tpu.memory_space<vmem_shared>>)
      tpu.yield
    }) : () -> ()
    %mul3A_9 = arith.constant 640 : i32
    %mul3A_10 = arith.muli %arg1, %mul3A_9 : i32
    %add3A_11 = arith.constant 256 : i32
    %add3A_12 = arith.addi %mul3A_10, %add3A_11 : i32
    "tpu.region"() ({
      %run_scoped3A = tpu.sem_alloc : memref<!tpu.dma_semaphore, #tpu.memory_space<semaphore_mem>>
      %dma_start3A = arith.constant 0 : i32
      %dma_start3A_62 = tpu.memref_slice %arg6[%add3A_12, %dma_start3A] : memref<10240x128xf32, #tpu.memory_space<vmem_shared>> -> memref<128x128xf32, #tpu.memory_space<vmem_shared>>
      %dma_start3A_63 = arith.constant 0 : i32
      %dma_start3A_64 = tpu.memref_slice %arg6[%add3A_12, %dma_start3A_63] : memref<10240x128xf32, #tpu.memory_space<vmem_shared>> -> memref<128x128xf32, #tpu.memory_space<vmem_shared>>
      tpu.enqueue_dma source(%arg8 : memref<128x128xf32, #tpu.memory_space<vmem>>) target(%dma_start3A_64 : memref<128x128xf32, #tpu.memory_space<vmem_shared>>) target_semaphore(%run_scoped3A : memref<!tpu.dma_semaphore, #tpu.memory_space<semaphore_mem>>)
      %dma_wait3A = arith.constant 0 : i32
      %dma_wait3A_65 = tpu.memref_slice %arg6[%add3A_12, %dma_wait3A] : memref<10240x128xf32, #tpu.memory_space<vmem_shared>> -> memref<128x128xf32, #tpu.memory_space<vmem_shared>>
      %dma_wait3A_66 = arith.constant 0 : i32
      %dma_wait3A_67 = tpu.memref_slice %arg6[%add3A_12, %dma_wait3A_66] : memref<10240x128xf32, #tpu.memory_space<vmem_shared>> -> memref<128x128xf32, #tpu.memory_space<vmem_shared>>
      tpu.wait_dma2 semaphore(%run_scoped3A : memref<!tpu.dma_semaphore, #tpu.memory_space<semaphore_mem>>) src(%arg8 : memref<128x128xf32, #tpu.memory_space<vmem>>) dst(%dma_wait3A_67 : memref<128x128xf32, #tpu.memory_space<vmem_shared>>)
      tpu.yield
    }) : () -> ()
    %mul3A_13 = arith.constant 640 : i32
    %mul3A_14 = arith.muli %arg1, %mul3A_13 : i32
    %add3A_15 = arith.constant 384 : i32
    %add3A_16 = arith.addi %mul3A_14, %add3A_15 : i32
    "tpu.region"() ({
      %run_scoped3A = tpu.sem_alloc : memref<!tpu.dma_semaphore, #tpu.memory_space<semaphore_mem>>
      %dma_start3A = arith.constant 0 : i32
      %dma_start3A_62 = tpu.memref_slice %arg6[%add3A_16, %dma_start3A] : memref<10240x128xf32, #tpu.memory_space<vmem_shared>> -> memref<128x128xf32, #tpu.memory_space<vmem_shared>>
      %dma_start3A_63 = arith.constant 0 : i32
      %dma_start3A_64 = tpu.memref_slice %arg6[%add3A_16, %dma_start3A_63] : memref<10240x128xf32, #tpu.memory_space<vmem_shared>> -> memref<128x128xf32, #tpu.memory_space<vmem_shared>>
      tpu.enqueue_dma source(%arg8 : memref<128x128xf32, #tpu.memory_space<vmem>>) target(%dma_start3A_64 : memref<128x128xf32, #tpu.memory_space<vmem_shared>>) target_semaphore(%run_scoped3A : memref<!tpu.dma_semaphore, #tpu.memory_space<semaphore_mem>>)
      %dma_wait3A = arith.constant 0 : i32
      %dma_wait3A_65 = tpu.memref_slice %arg6[%add3A_16, %dma_wait3A] : memref<10240x128xf32, #tpu.memory_space<vmem_shared>> -> memref<128x128xf32, #tpu.memory_space<vmem_shared>>
      %dma_wait3A_66 = arith.constant 0 : i32
      %dma_wait3A_67 = tpu.memref_slice %arg6[%add3A_16, %dma_wait3A_66] : memref<10240x128xf32, #tpu.memory_space<vmem_shared>> -> memref<128x128xf32, #tpu.memory_space<vmem_shared>>
      tpu.wait_dma2 semaphore(%run_scoped3A : memref<!tpu.dma_semaphore, #tpu.memory_space<semaphore_mem>>) src(%arg8 : memref<128x128xf32, #tpu.memory_space<vmem>>) dst(%dma_wait3A_67 : memref<128x128xf32, #tpu.memory_space<vmem_shared>>)
      tpu.yield
    }) : () -> ()
    %mul3A_17 = arith.constant 640 : i32
    %mul3A_18 = arith.muli %arg1, %mul3A_17 : i32
    %add3A_19 = arith.constant 512 : i32
    %add3A_20 = arith.addi %mul3A_18, %add3A_19 : i32
    "tpu.region"() ({
      %run_scoped3A = tpu.sem_alloc : memref<!tpu.dma_semaphore, #tpu.memory_space<semaphore_mem>>
      %dma_start3A = arith.constant 0 : i32
      %dma_start3A_62 = tpu.memref_slice %arg6[%add3A_20, %dma_start3A] : memref<10240x128xf32, #tpu.memory_space<vmem_shared>> -> memref<128x128xf32, #tpu.memory_space<vmem_shared>>
      %dma_start3A_63 = arith.constant 0 : i32
      %dma_start3A_64 = tpu.memref_slice %arg6[%add3A_20, %dma_start3A_63] : memref<10240x128xf32, #tpu.memory_space<vmem_shared>> -> memref<128x128xf32, #tpu.memory_space<vmem_shared>>
      tpu.enqueue_dma source(%arg8 : memref<128x128xf32, #tpu.memory_space<vmem>>) target(%dma_start3A_64 : memref<128x128xf32, #tpu.memory_space<vmem_shared>>) target_semaphore(%run_scoped3A : memref<!tpu.dma_semaphore, #tpu.memory_space<semaphore_mem>>)
      %dma_wait3A = arith.constant 0 : i32
      %dma_wait3A_65 = tpu.memref_slice %arg6[%add3A_20, %dma_wait3A] : memref<10240x128xf32, #tpu.memory_space<vmem_shared>> -> memref<128x128xf32, #tpu.memory_space<vmem_shared>>
      %dma_wait3A_66 = arith.constant 0 : i32
      %dma_wait3A_67 = tpu.memref_slice %arg6[%add3A_20, %dma_wait3A_66] : memref<10240x128xf32, #tpu.memory_space<vmem_shared>> -> memref<128x128xf32, #tpu.memory_space<vmem_shared>>
      tpu.wait_dma2 semaphore(%run_scoped3A : memref<!tpu.dma_semaphore, #tpu.memory_space<semaphore_mem>>) src(%arg8 : memref<128x128xf32, #tpu.memory_space<vmem>>) dst(%dma_wait3A_67 : memref<128x128xf32, #tpu.memory_space<vmem_shared>>)
      tpu.yield
    }) : () -> ()
    "tpu.region"() ({
      %run_scoped3A = tpu.sem_alloc : memref<!tpu.dma_semaphore, #tpu.memory_space<semaphore_mem>>
      tpu.enqueue_dma source(%arg4 : memref<128x128xf32, #tpu.memory_space<hbm>>) target(%arg8 : memref<128x128xf32, #tpu.memory_space<vmem>>) target_semaphore(%run_scoped3A : memref<!tpu.dma_semaphore, #tpu.memory_space<semaphore_mem>>)
      tpu.wait_dma2 semaphore(%run_scoped3A : memref<!tpu.dma_semaphore, #tpu.memory_space<semaphore_mem>>) src(%arg4 : memref<128x128xf32, #tpu.memory_space<hbm>>) dst(%arg8 : memref<128x128xf32, #tpu.memory_space<vmem>>)
      tpu.yield
    }) : () -> ()
    %barrier3A = arith.constant 0 : index
    tpu.barrier barrier_id(%barrier3A)
    %scan3A = arith.constant 0 : i32
    %scan3A_21 = arith.constant 0 : i32
    %scan3A_22 = arith.constant 10 : i32
    %scan3A_23 = arith.addi %scan3A_21, %scan3A_22 : i32
    %scan3A_24 = arith.constant 1 : i32
    scf.for %scan3A_62 = %scan3A_21 to %scan3A_23 step %scan3A_24  : i32 {
      %mul3A_63 = arith.constant 80 : i32
      %mul3A_64 = arith.muli %add3A, %mul3A_63 : i32
      %mul3A_65 = arith.constant 8 : i32
      %mul3A_66 = arith.muli %scan3A_62, %mul3A_65 : i32
      %add3A_67 = arith.addi %mul3A_64, %mul3A_66 : i32
      "tpu.region"() ({
        %run_scoped3A_75 = tpu.sem_alloc : memref<!tpu.dma_semaphore, #tpu.memory_space<semaphore_mem>>
        %dma_start3A = arith.constant 0 : i32
        %dma_start3A_76 = tpu.memref_slice %arg2[%add3A_67, %dma_start3A] : memref<2560x128xi32, #tpu.memory_space<hbm>> -> memref<8x128xi32, #tpu.memory_space<hbm>>
        %dma_start3A_77 = arith.constant 0 : i32
        %dma_start3A_78 = tpu.memref_slice %arg2[%add3A_67, %dma_start3A_77] : memref<2560x128xi32, #tpu.memory_space<hbm>> -> memref<8x128xi32, #tpu.memory_space<hbm>>
        tpu.enqueue_dma source(%dma_start3A_78 : memref<8x128xi32, #tpu.memory_space<hbm>>) target(%arg7 : memref<8x128xi32, #tpu.memory_space<vmem>>) target_semaphore(%run_scoped3A_75 : memref<!tpu.dma_semaphore, #tpu.memory_space<semaphore_mem>>)
        %dma_wait3A = arith.constant 0 : i32
        %dma_wait3A_79 = tpu.memref_slice %arg2[%add3A_67, %dma_wait3A] : memref<2560x128xi32, #tpu.memory_space<hbm>> -> memref<8x128xi32, #tpu.memory_space<hbm>>
        %dma_wait3A_80 = arith.constant 0 : i32
        %dma_wait3A_81 = tpu.memref_slice %arg2[%add3A_67, %dma_wait3A_80] : memref<2560x128xi32, #tpu.memory_space<hbm>> -> memref<8x128xi32, #tpu.memory_space<hbm>>
        tpu.wait_dma2 semaphore(%run_scoped3A_75 : memref<!tpu.dma_semaphore, #tpu.memory_space<semaphore_mem>>) src(%dma_wait3A_81 : memref<8x128xi32, #tpu.memory_space<hbm>>) dst(%arg7 : memref<8x128xi32, #tpu.memory_space<vmem>>)
        tpu.yield
      }) : () -> ()
      %run_scoped3A = arith.constant 0 : i32
      "tpu.region"() ({
        %run_scoped3A_75 = tpu.sem_alloc : memref<!tpu.dma_semaphore, #tpu.memory_space<semaphore_mem>>
        %dma_start3A = arith.constant 0 : i32
        %dma_start3A_76 = tpu.memref_slice %arg7[%run_scoped3A, %dma_start3A] : memref<8x128xi32, #tpu.memory_space<vmem>> -> memref<1x128xi32, #tpu.memory_space<vmem>>
        %dma_start3A_77 = tpu.memref_squeeze %dma_start3A_76 : memref<1x128xi32, #tpu.memory_space<vmem>> -> memref<128xi32, #tpu.memory_space<vmem>>
        %dma_start3A_78 = arith.constant 0 : i32
        %dma_start3A_79 = arith.constant 0 : i32
        %dma_start3A_80 = tpu.memref_slice %arg6[%dma_start3A_78, %dma_start3A_79] : memref<10240x128xf32, #tpu.memory_space<vmem_shared>> -> memref<10240x128xf32, #tpu.memory_space<vmem_shared>>
        tpu.enqueue_indirect_dma source(%arg8 : memref<128x128xf32, #tpu.memory_space<vmem>>) target(%dma_start3A_80 : memref<10240x128xf32, #tpu.memory_space<vmem_shared>>) offsets(%dma_start3A_77 : memref<128xi32, #tpu.memory_space<vmem>>) semaphore(%run_scoped3A_75 : memref<!tpu.dma_semaphore, #tpu.memory_space<semaphore_mem>>) {add = true}
        %dma_wait3A = arith.constant 0 : i32
        %dma_wait3A_81 = tpu.memref_slice %arg7[%run_scoped3A, %dma_wait3A] : memref<8x128xi32, #tpu.memory_space<vmem>> -> memref<1x128xi32, #tpu.memory_space<vmem>>
        %dma_wait3A_82 = tpu.memref_squeeze %dma_wait3A_81 : memref<1x128xi32, #tpu.memory_space<vmem>> -> memref<128xi32, #tpu.memory_space<vmem>>
        %dma_wait3A_83 = arith.constant 0 : i32
        %dma_wait3A_84 = arith.constant 0 : i32
        %dma_wait3A_85 = tpu.memref_slice %arg6[%dma_wait3A_83, %dma_wait3A_84] : memref<10240x128xf32, #tpu.memory_space<vmem_shared>> -> memref<10240x128xf32, #tpu.memory_space<vmem_shared>>
        tpu.wait_indirect_dma semaphore(%run_scoped3A_75 : memref<!tpu.dma_semaphore, #tpu.memory_space<semaphore_mem>>) src(%arg8 : memref<128x128xf32, #tpu.memory_space<vmem>>) dst(%dma_wait3A_85 : memref<10240x128xf32, #tpu.memory_space<vmem_shared>>)
        tpu.yield
      }) : () -> ()
      %run_scoped3A_68 = arith.constant 1 : i32
      "tpu.region"() ({
        %run_scoped3A_75 = tpu.sem_alloc : memref<!tpu.dma_semaphore, #tpu.memory_space<semaphore_mem>>
        %dma_start3A = arith.constant 0 : i32
        %dma_start3A_76 = tpu.memref_slice %arg7[%run_scoped3A_68, %dma_start3A] : memref<8x128xi32, #tpu.memory_space<vmem>> -> memref<1x128xi32, #tpu.memory_space<vmem>>
        %dma_start3A_77 = tpu.memref_squeeze %dma_start3A_76 : memref<1x128xi32, #tpu.memory_space<vmem>> -> memref<128xi32, #tpu.memory_space<vmem>>
        %dma_start3A_78 = arith.constant 0 : i32
        %dma_start3A_79 = arith.constant 0 : i32
        %dma_start3A_80 = tpu.memref_slice %arg6[%dma_start3A_78, %dma_start3A_79] : memref<10240x128xf32, #tpu.memory_space<vmem_shared>> -> memref<10240x128xf32, #tpu.memory_space<vmem_shared>>
        tpu.enqueue_indirect_dma source(%arg8 : memref<128x128xf32, #tpu.memory_space<vmem>>) target(%dma_start3A_80 : memref<10240x128xf32, #tpu.memory_space<vmem_shared>>) offsets(%dma_start3A_77 : memref<128xi32, #tpu.memory_space<vmem>>) semaphore(%run_scoped3A_75 : memref<!tpu.dma_semaphore, #tpu.memory_space<semaphore_mem>>) {add = true}
        %dma_wait3A = arith.constant 0 : i32
        %dma_wait3A_81 = tpu.memref_slice %arg7[%run_scoped3A_68, %dma_wait3A] : memref<8x128xi32, #tpu.memory_space<vmem>> -> memref<1x128xi32, #tpu.memory_space<vmem>>
        %dma_wait3A_82 = tpu.memref_squeeze %dma_wait3A_81 : memref<1x128xi32, #tpu.memory_space<vmem>> -> memref<128xi32, #tpu.memory_space<vmem>>
        %dma_wait3A_83 = arith.constant 0 : i32
        %dma_wait3A_84 = arith.constant 0 : i32
        %dma_wait3A_85 = tpu.memref_slice %arg6[%dma_wait3A_83, %dma_wait3A_84] : memref<10240x128xf32, #tpu.memory_space<vmem_shared>> -> memref<10240x128xf32, #tpu.memory_space<vmem_shared>>
        tpu.wait_indirect_dma semaphore(%run_scoped3A_75 : memref<!tpu.dma_semaphore, #tpu.memory_space<semaphore_mem>>) src(%arg8 : memref<128x128xf32, #tpu.memory_space<vmem>>) dst(%dma_wait3A_85 : memref<10240x128xf32, #tpu.memory_space<vmem_shared>>)
        tpu.yield
      }) : () -> ()
      %run_scoped3A_69 = arith.constant 2 : i32
      "tpu.region"() ({
        %run_scoped3A_75 = tpu.sem_alloc : memref<!tpu.dma_semaphore, #tpu.memory_space<semaphore_mem>>
        %dma_start3A = arith.constant 0 : i32
        %dma_start3A_76 = tpu.memref_slice %arg7[%run_scoped3A_69, %dma_start3A] : memref<8x128xi32, #tpu.memory_space<vmem>> -> memref<1x128xi32, #tpu.memory_space<vmem>>
        %dma_start3A_77 = tpu.memref_squeeze %dma_start3A_76 : memref<1x128xi32, #tpu.memory_space<vmem>> -> memref<128xi32, #tpu.memory_space<vmem>>
        %dma_start3A_78 = arith.constant 0 : i32
        %dma_start3A_79 = arith.constant 0 : i32
        %dma_start3A_80 = tpu.memref_slice %arg6[%dma_start3A_78, %dma_start3A_79] : memref<10240x128xf32, #tpu.memory_space<vmem_shared>> -> memref<10240x128xf32, #tpu.memory_space<vmem_shared>>
        tpu.enqueue_indirect_dma source(%arg8 : memref<128x128xf32, #tpu.memory_space<vmem>>) target(%dma_start3A_80 : memref<10240x128xf32, #tpu.memory_space<vmem_shared>>) offsets(%dma_start3A_77 : memref<128xi32, #tpu.memory_space<vmem>>) semaphore(%run_scoped3A_75 : memref<!tpu.dma_semaphore, #tpu.memory_space<semaphore_mem>>) {add = true}
        %dma_wait3A = arith.constant 0 : i32
        %dma_wait3A_81 = tpu.memref_slice %arg7[%run_scoped3A_69, %dma_wait3A] : memref<8x128xi32, #tpu.memory_space<vmem>> -> memref<1x128xi32, #tpu.memory_space<vmem>>
        %dma_wait3A_82 = tpu.memref_squeeze %dma_wait3A_81 : memref<1x128xi32, #tpu.memory_space<vmem>> -> memref<128xi32, #tpu.memory_space<vmem>>
        %dma_wait3A_83 = arith.constant 0 : i32
        %dma_wait3A_84 = arith.constant 0 : i32
        %dma_wait3A_85 = tpu.memref_slice %arg6[%dma_wait3A_83, %dma_wait3A_84] : memref<10240x128xf32, #tpu.memory_space<vmem_shared>> -> memref<10240x128xf32, #tpu.memory_space<vmem_shared>>
        tpu.wait_indirect_dma semaphore(%run_scoped3A_75 : memref<!tpu.dma_semaphore, #tpu.memory_space<semaphore_mem>>) src(%arg8 : memref<128x128xf32, #tpu.memory_space<vmem>>) dst(%dma_wait3A_85 : memref<10240x128xf32, #tpu.memory_space<vmem_shared>>)
        tpu.yield
      }) : () -> ()
      %run_scoped3A_70 = arith.constant 3 : i32
      "tpu.region"() ({
        %run_scoped3A_75 = tpu.sem_alloc : memref<!tpu.dma_semaphore, #tpu.memory_space<semaphore_mem>>
        %dma_start3A = arith.constant 0 : i32
        %dma_start3A_76 = tpu.memref_slice %arg7[%run_scoped3A_70, %dma_start3A] : memref<8x128xi32, #tpu.memory_space<vmem>> -> memref<1x128xi32, #tpu.memory_space<vmem>>
        %dma_start3A_77 = tpu.memref_squeeze %dma_start3A_76 : memref<1x128xi32, #tpu.memory_space<vmem>> -> memref<128xi32, #tpu.memory_space<vmem>>
        %dma_start3A_78 = arith.constant 0 : i32
        %dma_start3A_79 = arith.constant 0 : i32
        %dma_start3A_80 = tpu.memref_slice %arg6[%dma_start3A_78, %dma_start3A_79] : memref<10240x128xf32, #tpu.memory_space<vmem_shared>> -> memref<10240x128xf32, #tpu.memory_space<vmem_shared>>
        tpu.enqueue_indirect_dma source(%arg8 : memref<128x128xf32, #tpu.memory_space<vmem>>) target(%dma_start3A_80 : memref<10240x128xf32, #tpu.memory_space<vmem_shared>>) offsets(%dma_start3A_77 : memref<128xi32, #tpu.memory_space<vmem>>) semaphore(%run_scoped3A_75 : memref<!tpu.dma_semaphore, #tpu.memory_space<semaphore_mem>>) {add = true}
        %dma_wait3A = arith.constant 0 : i32
        %dma_wait3A_81 = tpu.memref_slice %arg7[%run_scoped3A_70, %dma_wait3A] : memref<8x128xi32, #tpu.memory_space<vmem>> -> memref<1x128xi32, #tpu.memory_space<vmem>>
        %dma_wait3A_82 = tpu.memref_squeeze %dma_wait3A_81 : memref<1x128xi32, #tpu.memory_space<vmem>> -> memref<128xi32, #tpu.memory_space<vmem>>
        %dma_wait3A_83 = arith.constant 0 : i32
        %dma_wait3A_84 = arith.constant 0 : i32
        %dma_wait3A_85 = tpu.memref_slice %arg6[%dma_wait3A_83, %dma_wait3A_84] : memref<10240x128xf32, #tpu.memory_space<vmem_shared>> -> memref<10240x128xf32, #tpu.memory_space<vmem_shared>>
        tpu.wait_indirect_dma semaphore(%run_scoped3A_75 : memref<!tpu.dma_semaphore, #tpu.memory_space<semaphore_mem>>) src(%arg8 : memref<128x128xf32, #tpu.memory_space<vmem>>) dst(%dma_wait3A_85 : memref<10240x128xf32, #tpu.memory_space<vmem_shared>>)
        tpu.yield
      }) : () -> ()
      %run_scoped3A_71 = arith.constant 4 : i32
      "tpu.region"() ({
        %run_scoped3A_75 = tpu.sem_alloc : memref<!tpu.dma_semaphore, #tpu.memory_space<semaphore_mem>>
        %dma_start3A = arith.constant 0 : i32
        %dma_start3A_76 = tpu.memref_slice %arg7[%run_scoped3A_71, %dma_start3A] : memref<8x128xi32, #tpu.memory_space<vmem>> -> memref<1x128xi32, #tpu.memory_space<vmem>>
        %dma_start3A_77 = tpu.memref_squeeze %dma_start3A_76 : memref<1x128xi32, #tpu.memory_space<vmem>> -> memref<128xi32, #tpu.memory_space<vmem>>
        %dma_start3A_78 = arith.constant 0 : i32
        %dma_start3A_79 = arith.constant 0 : i32
        %dma_start3A_80 = tpu.memref_slice %arg6[%dma_start3A_78, %dma_start3A_79] : memref<10240x128xf32, #tpu.memory_space<vmem_shared>> -> memref<10240x128xf32, #tpu.memory_space<vmem_shared>>
        tpu.enqueue_indirect_dma source(%arg8 : memref<128x128xf32, #tpu.memory_space<vmem>>) target(%dma_start3A_80 : memref<10240x128xf32, #tpu.memory_space<vmem_shared>>) offsets(%dma_start3A_77 : memref<128xi32, #tpu.memory_space<vmem>>) semaphore(%run_scoped3A_75 : memref<!tpu.dma_semaphore, #tpu.memory_space<semaphore_mem>>) {add = true}
        %dma_wait3A = arith.constant 0 : i32
        %dma_wait3A_81 = tpu.memref_slice %arg7[%run_scoped3A_71, %dma_wait3A] : memref<8x128xi32, #tpu.memory_space<vmem>> -> memref<1x128xi32, #tpu.memory_space<vmem>>
        %dma_wait3A_82 = tpu.memref_squeeze %dma_wait3A_81 : memref<1x128xi32, #tpu.memory_space<vmem>> -> memref<128xi32, #tpu.memory_space<vmem>>
        %dma_wait3A_83 = arith.constant 0 : i32
        %dma_wait3A_84 = arith.constant 0 : i32
        %dma_wait3A_85 = tpu.memref_slice %arg6[%dma_wait3A_83, %dma_wait3A_84] : memref<10240x128xf32, #tpu.memory_space<vmem_shared>> -> memref<10240x128xf32, #tpu.memory_space<vmem_shared>>
        tpu.wait_indirect_dma semaphore(%run_scoped3A_75 : memref<!tpu.dma_semaphore, #tpu.memory_space<semaphore_mem>>) src(%arg8 : memref<128x128xf32, #tpu.memory_space<vmem>>) dst(%dma_wait3A_85 : memref<10240x128xf32, #tpu.memory_space<vmem_shared>>)
        tpu.yield
      }) : () -> ()
      %run_scoped3A_72 = arith.constant 5 : i32
      "tpu.region"() ({
        %run_scoped3A_75 = tpu.sem_alloc : memref<!tpu.dma_semaphore, #tpu.memory_space<semaphore_mem>>
        %dma_start3A = arith.constant 0 : i32
        %dma_start3A_76 = tpu.memref_slice %arg7[%run_scoped3A_72, %dma_start3A] : memref<8x128xi32, #tpu.memory_space<vmem>> -> memref<1x128xi32, #tpu.memory_space<vmem>>
        %dma_start3A_77 = tpu.memref_squeeze %dma_start3A_76 : memref<1x128xi32, #tpu.memory_space<vmem>> -> memref<128xi32, #tpu.memory_space<vmem>>
        %dma_start3A_78 = arith.constant 0 : i32
        %dma_start3A_79 = arith.constant 0 : i32
        %dma_start3A_80 = tpu.memref_slice %arg6[%dma_start3A_78, %dma_start3A_79] : memref<10240x128xf32, #tpu.memory_space<vmem_shared>> -> memref<10240x128xf32, #tpu.memory_space<vmem_shared>>
        tpu.enqueue_indirect_dma source(%arg8 : memref<128x128xf32, #tpu.memory_space<vmem>>) target(%dma_start3A_80 : memref<10240x128xf32, #tpu.memory_space<vmem_shared>>) offsets(%dma_start3A_77 : memref<128xi32, #tpu.memory_space<vmem>>) semaphore(%run_scoped3A_75 : memref<!tpu.dma_semaphore, #tpu.memory_space<semaphore_mem>>) {add = true}
        %dma_wait3A = arith.constant 0 : i32
        %dma_wait3A_81 = tpu.memref_slice %arg7[%run_scoped3A_72, %dma_wait3A] : memref<8x128xi32, #tpu.memory_space<vmem>> -> memref<1x128xi32, #tpu.memory_space<vmem>>
        %dma_wait3A_82 = tpu.memref_squeeze %dma_wait3A_81 : memref<1x128xi32, #tpu.memory_space<vmem>> -> memref<128xi32, #tpu.memory_space<vmem>>
        %dma_wait3A_83 = arith.constant 0 : i32
        %dma_wait3A_84 = arith.constant 0 : i32
        %dma_wait3A_85 = tpu.memref_slice %arg6[%dma_wait3A_83, %dma_wait3A_84] : memref<10240x128xf32, #tpu.memory_space<vmem_shared>> -> memref<10240x128xf32, #tpu.memory_space<vmem_shared>>
        tpu.wait_indirect_dma semaphore(%run_scoped3A_75 : memref<!tpu.dma_semaphore, #tpu.memory_space<semaphore_mem>>) src(%arg8 : memref<128x128xf32, #tpu.memory_space<vmem>>) dst(%dma_wait3A_85 : memref<10240x128xf32, #tpu.memory_space<vmem_shared>>)
        tpu.yield
      }) : () -> ()
      %run_scoped3A_73 = arith.constant 6 : i32
      "tpu.region"() ({
        %run_scoped3A_75 = tpu.sem_alloc : memref<!tpu.dma_semaphore, #tpu.memory_space<semaphore_mem>>
        %dma_start3A = arith.constant 0 : i32
        %dma_start3A_76 = tpu.memref_slice %arg7[%run_scoped3A_73, %dma_start3A] : memref<8x128xi32, #tpu.memory_space<vmem>> -> memref<1x128xi32, #tpu.memory_space<vmem>>
        %dma_start3A_77 = tpu.memref_squeeze %dma_start3A_76 : memref<1x128xi32, #tpu.memory_space<vmem>> -> memref<128xi32, #tpu.memory_space<vmem>>
        %dma_start3A_78 = arith.constant 0 : i32
        %dma_start3A_79 = arith.constant 0 : i32
        %dma_start3A_80 = tpu.memref_slice %arg6[%dma_start3A_78, %dma_start3A_79] : memref<10240x128xf32, #tpu.memory_space<vmem_shared>> -> memref<10240x128xf32, #tpu.memory_space<vmem_shared>>
        tpu.enqueue_indirect_dma source(%arg8 : memref<128x128xf32, #tpu.memory_space<vmem>>) target(%dma_start3A_80 : memref<10240x128xf32, #tpu.memory_space<vmem_shared>>) offsets(%dma_start3A_77 : memref<128xi32, #tpu.memory_space<vmem>>) semaphore(%run_scoped3A_75 : memref<!tpu.dma_semaphore, #tpu.memory_space<semaphore_mem>>) {add = true}
        %dma_wait3A = arith.constant 0 : i32
        %dma_wait3A_81 = tpu.memref_slice %arg7[%run_scoped3A_73, %dma_wait3A] : memref<8x128xi32, #tpu.memory_space<vmem>> -> memref<1x128xi32, #tpu.memory_space<vmem>>
        %dma_wait3A_82 = tpu.memref_squeeze %dma_wait3A_81 : memref<1x128xi32, #tpu.memory_space<vmem>> -> memref<128xi32, #tpu.memory_space<vmem>>
        %dma_wait3A_83 = arith.constant 0 : i32
        %dma_wait3A_84 = arith.constant 0 : i32
        %dma_wait3A_85 = tpu.memref_slice %arg6[%dma_wait3A_83, %dma_wait3A_84] : memref<10240x128xf32, #tpu.memory_space<vmem_shared>> -> memref<10240x128xf32, #tpu.memory_space<vmem_shared>>
        tpu.wait_indirect_dma semaphore(%run_scoped3A_75 : memref<!tpu.dma_semaphore, #tpu.memory_space<semaphore_mem>>) src(%arg8 : memref<128x128xf32, #tpu.memory_space<vmem>>) dst(%dma_wait3A_85 : memref<10240x128xf32, #tpu.memory_space<vmem_shared>>)
        tpu.yield
      }) : () -> ()
      %run_scoped3A_74 = arith.constant 7 : i32
      "tpu.region"() ({
        %run_scoped3A_75 = tpu.sem_alloc : memref<!tpu.dma_semaphore, #tpu.memory_space<semaphore_mem>>
        %dma_start3A = arith.constant 0 : i32
        %dma_start3A_76 = tpu.memref_slice %arg7[%run_scoped3A_74, %dma_start3A] : memref<8x128xi32, #tpu.memory_space<vmem>> -> memref<1x128xi32, #tpu.memory_space<vmem>>
        %dma_start3A_77 = tpu.memref_squeeze %dma_start3A_76 : memref<1x128xi32, #tpu.memory_space<vmem>> -> memref<128xi32, #tpu.memory_space<vmem>>
        %dma_start3A_78 = arith.constant 0 : i32
        %dma_start3A_79 = arith.constant 0 : i32
        %dma_start3A_80 = tpu.memref_slice %arg6[%dma_start3A_78, %dma_start3A_79] : memref<10240x128xf32, #tpu.memory_space<vmem_shared>> -> memref<10240x128xf32, #tpu.memory_space<vmem_shared>>
        tpu.enqueue_indirect_dma source(%arg8 : memref<128x128xf32, #tpu.memory_space<vmem>>) target(%dma_start3A_80 : memref<10240x128xf32, #tpu.memory_space<vmem_shared>>) offsets(%dma_start3A_77 : memref<128xi32, #tpu.memory_space<vmem>>) semaphore(%run_scoped3A_75 : memref<!tpu.dma_semaphore, #tpu.memory_space<semaphore_mem>>) {add = true}
        %dma_wait3A = arith.constant 0 : i32
        %dma_wait3A_81 = tpu.memref_slice %arg7[%run_scoped3A_74, %dma_wait3A] : memref<8x128xi32, #tpu.memory_space<vmem>> -> memref<1x128xi32, #tpu.memory_space<vmem>>
        %dma_wait3A_82 = tpu.memref_squeeze %dma_wait3A_81 : memref<1x128xi32, #tpu.memory_space<vmem>> -> memref<128xi32, #tpu.memory_space<vmem>>
        %dma_wait3A_83 = arith.constant 0 : i32
        %dma_wait3A_84 = arith.constant 0 : i32
        %dma_wait3A_85 = tpu.memref_slice %arg6[%dma_wait3A_83, %dma_wait3A_84] : memref<10240x128xf32, #tpu.memory_space<vmem_shared>> -> memref<10240x128xf32, #tpu.memory_space<vmem_shared>>
        tpu.wait_indirect_dma semaphore(%run_scoped3A_75 : memref<!tpu.dma_semaphore, #tpu.memory_space<semaphore_mem>>) src(%arg8 : memref<128x128xf32, #tpu.memory_space<vmem>>) dst(%dma_wait3A_85 : memref<10240x128xf32, #tpu.memory_space<vmem_shared>>)
        tpu.yield
      }) : () -> ()
    }
    %scan3A_25 = arith.constant 10 : i32
    %barrier3A_26 = arith.constant 0 : index
    tpu.barrier barrier_id(%barrier3A_26)
    %mul3A_27 = arith.constant 640 : i32
    %mul3A_28 = arith.muli %arg1, %mul3A_27 : i32
    %add3A_29 = arith.constant 0 : i32
    %add3A_30 = arith.addi %mul3A_28, %add3A_29 : i32
    "tpu.region"() ({
      %run_scoped3A = tpu.sem_alloc : memref<!tpu.dma_semaphore, #tpu.memory_space<semaphore_mem>>
      %dma_start3A = arith.constant 0 : i32
      %dma_start3A_62 = tpu.memref_slice %arg6[%add3A_30, %dma_start3A] : memref<10240x128xf32, #tpu.memory_space<vmem_shared>> -> memref<128x128xf32, #tpu.memory_space<vmem_shared>>
      %dma_start3A_63 = arith.constant 0 : i32
      %dma_start3A_64 = tpu.memref_slice %arg6[%add3A_30, %dma_start3A_63] : memref<10240x128xf32, #tpu.memory_space<vmem_shared>> -> memref<128x128xf32, #tpu.memory_space<vmem_shared>>
      tpu.enqueue_dma source(%dma_start3A_64 : memref<128x128xf32, #tpu.memory_space<vmem_shared>>) target(%arg8 : memref<128x128xf32, #tpu.memory_space<vmem>>) target_semaphore(%run_scoped3A : memref<!tpu.dma_semaphore, #tpu.memory_space<semaphore_mem>>)
      %dma_wait3A = arith.constant 0 : i32
      %dma_wait3A_65 = tpu.memref_slice %arg6[%add3A_30, %dma_wait3A] : memref<10240x128xf32, #tpu.memory_space<vmem_shared>> -> memref<128x128xf32, #tpu.memory_space<vmem_shared>>
      %dma_wait3A_66 = arith.constant 0 : i32
      %dma_wait3A_67 = tpu.memref_slice %arg6[%add3A_30, %dma_wait3A_66] : memref<10240x128xf32, #tpu.memory_space<vmem_shared>> -> memref<128x128xf32, #tpu.memory_space<vmem_shared>>
      tpu.wait_dma2 semaphore(%run_scoped3A : memref<!tpu.dma_semaphore, #tpu.memory_space<semaphore_mem>>) src(%dma_wait3A_67 : memref<128x128xf32, #tpu.memory_space<vmem_shared>>) dst(%arg8 : memref<128x128xf32, #tpu.memory_space<vmem>>)
      tpu.yield
    }) : () -> ()
    %mul3A_31 = arith.constant 10240 : i32
    %mul3A_32 = arith.muli %arg0, %mul3A_31 : i32
    %add3A_33 = arith.addi %mul3A_32, %add3A_30 : i32
    "tpu.region"() ({
      %run_scoped3A = tpu.sem_alloc : memref<!tpu.dma_semaphore, #tpu.memory_space<semaphore_mem>>
      %dma_start3A = arith.constant 0 : i32
      %dma_start3A_62 = tpu.memref_slice %arg5[%add3A_33, %dma_start3A] : memref<20480x128xf32, #tpu.memory_space<hbm>> -> memref<128x128xf32, #tpu.memory_space<hbm>>
      %dma_start3A_63 = arith.constant 0 : i32
      %dma_start3A_64 = tpu.memref_slice %arg5[%add3A_33, %dma_start3A_63] : memref<20480x128xf32, #tpu.memory_space<hbm>> -> memref<128x128xf32, #tpu.memory_space<hbm>>
      tpu.enqueue_dma source(%arg8 : memref<128x128xf32, #tpu.memory_space<vmem>>) target(%dma_start3A_64 : memref<128x128xf32, #tpu.memory_space<hbm>>) target_semaphore(%run_scoped3A : memref<!tpu.dma_semaphore, #tpu.memory_space<semaphore_mem>>)
      %dma_wait3A = arith.constant 0 : i32
      %dma_wait3A_65 = tpu.memref_slice %arg5[%add3A_33, %dma_wait3A] : memref<20480x128xf32, #tpu.memory_space<hbm>> -> memref<128x128xf32, #tpu.memory_space<hbm>>
      %dma_wait3A_66 = arith.constant 0 : i32
      %dma_wait3A_67 = tpu.memref_slice %arg5[%add3A_33, %dma_wait3A_66] : memref<20480x128xf32, #tpu.memory_space<hbm>> -> memref<128x128xf32, #tpu.memory_space<hbm>>
      tpu.wait_dma2 semaphore(%run_scoped3A : memref<!tpu.dma_semaphore, #tpu.memory_space<semaphore_mem>>) src(%arg8 : memref<128x128xf32, #tpu.memory_space<vmem>>) dst(%dma_wait3A_67 : memref<128x128xf32, #tpu.memory_space<hbm>>)
      tpu.yield
    }) : () -> ()
    %mul3A_34 = arith.constant 640 : i32
    %mul3A_35 = arith.muli %arg1, %mul3A_34 : i32
    %add3A_36 = arith.constant 128 : i32
    %add3A_37 = arith.addi %mul3A_35, %add3A_36 : i32
    "tpu.region"() ({
      %run_scoped3A = tpu.sem_alloc : memref<!tpu.dma_semaphore, #tpu.memory_space<semaphore_mem>>
      %dma_start3A = arith.constant 0 : i32
      %dma_start3A_62 = tpu.memref_slice %arg6[%add3A_37, %dma_start3A] : memref<10240x128xf32, #tpu.memory_space<vmem_shared>> -> memref<128x128xf32, #tpu.memory_space<vmem_shared>>
      %dma_start3A_63 = arith.constant 0 : i32
      %dma_start3A_64 = tpu.memref_slice %arg6[%add3A_37, %dma_start3A_63] : memref<10240x128xf32, #tpu.memory_space<vmem_shared>> -> memref<128x128xf32, #tpu.memory_space<vmem_shared>>
      tpu.enqueue_dma source(%dma_start3A_64 : memref<128x128xf32, #tpu.memory_space<vmem_shared>>) target(%arg8 : memref<128x128xf32, #tpu.memory_space<vmem>>) target_semaphore(%run_scoped3A : memref<!tpu.dma_semaphore, #tpu.memory_space<semaphore_mem>>)
      %dma_wait3A = arith.constant 0 : i32
      %dma_wait3A_65 = tpu.memref_slice %arg6[%add3A_37, %dma_wait3A] : memref<10240x128xf32, #tpu.memory_space<vmem_shared>> -> memref<128x128xf32, #tpu.memory_space<vmem_shared>>
      %dma_wait3A_66 = arith.constant 0 : i32
      %dma_wait3A_67 = tpu.memref_slice %arg6[%add3A_37, %dma_wait3A_66] : memref<10240x128xf32, #tpu.memory_space<vmem_shared>> -> memref<128x128xf32, #tpu.memory_space<vmem_shared>>
      tpu.wait_dma2 semaphore(%run_scoped3A : memref<!tpu.dma_semaphore, #tpu.memory_space<semaphore_mem>>) src(%dma_wait3A_67 : memref<128x128xf32, #tpu.memory_space<vmem_shared>>) dst(%arg8 : memref<128x128xf32, #tpu.memory_space<vmem>>)
      tpu.yield
    }) : () -> ()
    %mul3A_38 = arith.constant 10240 : i32
    %mul3A_39 = arith.muli %arg0, %mul3A_38 : i32
    %add3A_40 = arith.addi %mul3A_39, %add3A_37 : i32
    "tpu.region"() ({
      %run_scoped3A = tpu.sem_alloc : memref<!tpu.dma_semaphore, #tpu.memory_space<semaphore_mem>>
      %dma_start3A = arith.constant 0 : i32
      %dma_start3A_62 = tpu.memref_slice %arg5[%add3A_40, %dma_start3A] : memref<20480x128xf32, #tpu.memory_space<hbm>> -> memref<128x128xf32, #tpu.memory_space<hbm>>
      %dma_start3A_63 = arith.constant 0 : i32
      %dma_start3A_64 = tpu.memref_slice %arg5[%add3A_40, %dma_start3A_63] : memref<20480x128xf32, #tpu.memory_space<hbm>> -> memref<128x128xf32, #tpu.memory_space<hbm>>
      tpu.enqueue_dma source(%arg8 : memref<128x128xf32, #tpu.memory_space<vmem>>) target(%dma_start3A_64 : memref<128x128xf32, #tpu.memory_space<hbm>>) target_semaphore(%run_scoped3A : memref<!tpu.dma_semaphore, #tpu.memory_space<semaphore_mem>>)
      %dma_wait3A = arith.constant 0 : i32
      %dma_wait3A_65 = tpu.memref_slice %arg5[%add3A_40, %dma_wait3A] : memref<20480x128xf32, #tpu.memory_space<hbm>> -> memref<128x128xf32, #tpu.memory_space<hbm>>
      %dma_wait3A_66 = arith.constant 0 : i32
      %dma_wait3A_67 = tpu.memref_slice %arg5[%add3A_40, %dma_wait3A_66] : memref<20480x128xf32, #tpu.memory_space<hbm>> -> memref<128x128xf32, #tpu.memory_space<hbm>>
      tpu.wait_dma2 semaphore(%run_scoped3A : memref<!tpu.dma_semaphore, #tpu.memory_space<semaphore_mem>>) src(%arg8 : memref<128x128xf32, #tpu.memory_space<vmem>>) dst(%dma_wait3A_67 : memref<128x128xf32, #tpu.memory_space<hbm>>)
      tpu.yield
    }) : () -> ()
    %mul3A_41 = arith.constant 640 : i32
    %mul3A_42 = arith.muli %arg1, %mul3A_41 : i32
    %add3A_43 = arith.constant 256 : i32
    %add3A_44 = arith.addi %mul3A_42, %add3A_43 : i32
    "tpu.region"() ({
      %run_scoped3A = tpu.sem_alloc : memref<!tpu.dma_semaphore, #tpu.memory_space<semaphore_mem>>
      %dma_start3A = arith.constant 0 : i32
      %dma_start3A_62 = tpu.memref_slice %arg6[%add3A_44, %dma_start3A] : memref<10240x128xf32, #tpu.memory_space<vmem_shared>> -> memref<128x128xf32, #tpu.memory_space<vmem_shared>>
      %dma_start3A_63 = arith.constant 0 : i32
      %dma_start3A_64 = tpu.memref_slice %arg6[%add3A_44, %dma_start3A_63] : memref<10240x128xf32, #tpu.memory_space<vmem_shared>> -> memref<128x128xf32, #tpu.memory_space<vmem_shared>>
      tpu.enqueue_dma source(%dma_start3A_64 : memref<128x128xf32, #tpu.memory_space<vmem_shared>>) target(%arg8 : memref<128x128xf32, #tpu.memory_space<vmem>>) target_semaphore(%run_scoped3A : memref<!tpu.dma_semaphore, #tpu.memory_space<semaphore_mem>>)
      %dma_wait3A = arith.constant 0 : i32
      %dma_wait3A_65 = tpu.memref_slice %arg6[%add3A_44, %dma_wait3A] : memref<10240x128xf32, #tpu.memory_space<vmem_shared>> -> memref<128x128xf32, #tpu.memory_space<vmem_shared>>
      %dma_wait3A_66 = arith.constant 0 : i32
      %dma_wait3A_67 = tpu.memref_slice %arg6[%add3A_44, %dma_wait3A_66] : memref<10240x128xf32, #tpu.memory_space<vmem_shared>> -> memref<128x128xf32, #tpu.memory_space<vmem_shared>>
      tpu.wait_dma2 semaphore(%run_scoped3A : memref<!tpu.dma_semaphore, #tpu.memory_space<semaphore_mem>>) src(%dma_wait3A_67 : memref<128x128xf32, #tpu.memory_space<vmem_shared>>) dst(%arg8 : memref<128x128xf32, #tpu.memory_space<vmem>>)
      tpu.yield
    }) : () -> ()
    %mul3A_45 = arith.constant 10240 : i32
    %mul3A_46 = arith.muli %arg0, %mul3A_45 : i32
    %add3A_47 = arith.addi %mul3A_46, %add3A_44 : i32
    "tpu.region"() ({
      %run_scoped3A = tpu.sem_alloc : memref<!tpu.dma_semaphore, #tpu.memory_space<semaphore_mem>>
      %dma_start3A = arith.constant 0 : i32
      %dma_start3A_62 = tpu.memref_slice %arg5[%add3A_47, %dma_start3A] : memref<20480x128xf32, #tpu.memory_space<hbm>> -> memref<128x128xf32, #tpu.memory_space<hbm>>
      %dma_start3A_63 = arith.constant 0 : i32
      %dma_start3A_64 = tpu.memref_slice %arg5[%add3A_47, %dma_start3A_63] : memref<20480x128xf32, #tpu.memory_space<hbm>> -> memref<128x128xf32, #tpu.memory_space<hbm>>
      tpu.enqueue_dma source(%arg8 : memref<128x128xf32, #tpu.memory_space<vmem>>) target(%dma_start3A_64 : memref<128x128xf32, #tpu.memory_space<hbm>>) target_semaphore(%run_scoped3A : memref<!tpu.dma_semaphore, #tpu.memory_space<semaphore_mem>>)
      %dma_wait3A = arith.constant 0 : i32
      %dma_wait3A_65 = tpu.memref_slice %arg5[%add3A_47, %dma_wait3A] : memref<20480x128xf32, #tpu.memory_space<hbm>> -> memref<128x128xf32, #tpu.memory_space<hbm>>
      %dma_wait3A_66 = arith.constant 0 : i32
      %dma_wait3A_67 = tpu.memref_slice %arg5[%add3A_47, %dma_wait3A_66] : memref<20480x128xf32, #tpu.memory_space<hbm>> -> memref<128x128xf32, #tpu.memory_space<hbm>>
      tpu.wait_dma2 semaphore(%run_scoped3A : memref<!tpu.dma_semaphore, #tpu.memory_space<semaphore_mem>>) src(%arg8 : memref<128x128xf32, #tpu.memory_space<vmem>>) dst(%dma_wait3A_67 : memref<128x128xf32, #tpu.memory_space<hbm>>)
      tpu.yield
    }) : () -> ()
    %mul3A_48 = arith.constant 640 : i32
    %mul3A_49 = arith.muli %arg1, %mul3A_48 : i32
    %add3A_50 = arith.constant 384 : i32
    %add3A_51 = arith.addi %mul3A_49, %add3A_50 : i32
    "tpu.region"() ({
      %run_scoped3A = tpu.sem_alloc : memref<!tpu.dma_semaphore, #tpu.memory_space<semaphore_mem>>
      %dma_start3A = arith.constant 0 : i32
      %dma_start3A_62 = tpu.memref_slice %arg6[%add3A_51, %dma_start3A] : memref<10240x128xf32, #tpu.memory_space<vmem_shared>> -> memref<128x128xf32, #tpu.memory_space<vmem_shared>>
      %dma_start3A_63 = arith.constant 0 : i32
      %dma_start3A_64 = tpu.memref_slice %arg6[%add3A_51, %dma_start3A_63] : memref<10240x128xf32, #tpu.memory_space<vmem_shared>> -> memref<128x128xf32, #tpu.memory_space<vmem_shared>>
      tpu.enqueue_dma source(%dma_start3A_64 : memref<128x128xf32, #tpu.memory_space<vmem_shared>>) target(%arg8 : memref<128x128xf32, #tpu.memory_space<vmem>>) target_semaphore(%run_scoped3A : memref<!tpu.dma_semaphore, #tpu.memory_space<semaphore_mem>>)
      %dma_wait3A = arith.constant 0 : i32
      %dma_wait3A_65 = tpu.memref_slice %arg6[%add3A_51, %dma_wait3A] : memref<10240x128xf32, #tpu.memory_space<vmem_shared>> -> memref<128x128xf32, #tpu.memory_space<vmem_shared>>
      %dma_wait3A_66 = arith.constant 0 : i32
      %dma_wait3A_67 = tpu.memref_slice %arg6[%add3A_51, %dma_wait3A_66] : memref<10240x128xf32, #tpu.memory_space<vmem_shared>> -> memref<128x128xf32, #tpu.memory_space<vmem_shared>>
      tpu.wait_dma2 semaphore(%run_scoped3A : memref<!tpu.dma_semaphore, #tpu.memory_space<semaphore_mem>>) src(%dma_wait3A_67 : memref<128x128xf32, #tpu.memory_space<vmem_shared>>) dst(%arg8 : memref<128x128xf32, #tpu.memory_space<vmem>>)
      tpu.yield
    }) : () -> ()
    %mul3A_52 = arith.constant 10240 : i32
    %mul3A_53 = arith.muli %arg0, %mul3A_52 : i32
    %add3A_54 = arith.addi %mul3A_53, %add3A_51 : i32
    "tpu.region"() ({
      %run_scoped3A = tpu.sem_alloc : memref<!tpu.dma_semaphore, #tpu.memory_space<semaphore_mem>>
      %dma_start3A = arith.constant 0 : i32
      %dma_start3A_62 = tpu.memref_slice %arg5[%add3A_54, %dma_start3A] : memref<20480x128xf32, #tpu.memory_space<hbm>> -> memref<128x128xf32, #tpu.memory_space<hbm>>
      %dma_start3A_63 = arith.constant 0 : i32
      %dma_start3A_64 = tpu.memref_slice %arg5[%add3A_54, %dma_start3A_63] : memref<20480x128xf32, #tpu.memory_space<hbm>> -> memref<128x128xf32, #tpu.memory_space<hbm>>
      tpu.enqueue_dma source(%arg8 : memref<128x128xf32, #tpu.memory_space<vmem>>) target(%dma_start3A_64 : memref<128x128xf32, #tpu.memory_space<hbm>>) target_semaphore(%run_scoped3A : memref<!tpu.dma_semaphore, #tpu.memory_space<semaphore_mem>>)
      %dma_wait3A = arith.constant 0 : i32
      %dma_wait3A_65 = tpu.memref_slice %arg5[%add3A_54, %dma_wait3A] : memref<20480x128xf32, #tpu.memory_space<hbm>> -> memref<128x128xf32, #tpu.memory_space<hbm>>
      %dma_wait3A_66 = arith.constant 0 : i32
      %dma_wait3A_67 = tpu.memref_slice %arg5[%add3A_54, %dma_wait3A_66] : memref<20480x128xf32, #tpu.memory_space<hbm>> -> memref<128x128xf32, #tpu.memory_space<hbm>>
      tpu.wait_dma2 semaphore(%run_scoped3A : memref<!tpu.dma_semaphore, #tpu.memory_space<semaphore_mem>>) src(%arg8 : memref<128x128xf32, #tpu.memory_space<vmem>>) dst(%dma_wait3A_67 : memref<128x128xf32, #tpu.memory_space<hbm>>)
      tpu.yield
    }) : () -> ()
    %mul3A_55 = arith.constant 640 : i32
    %mul3A_56 = arith.muli %arg1, %mul3A_55 : i32
    %add3A_57 = arith.constant 512 : i32
    %add3A_58 = arith.addi %mul3A_56, %add3A_57 : i32
    "tpu.region"() ({
      %run_scoped3A = tpu.sem_alloc : memref<!tpu.dma_semaphore, #tpu.memory_space<semaphore_mem>>
      %dma_start3A = arith.constant 0 : i32
      %dma_start3A_62 = tpu.memref_slice %arg6[%add3A_58, %dma_start3A] : memref<10240x128xf32, #tpu.memory_space<vmem_shared>> -> memref<128x128xf32, #tpu.memory_space<vmem_shared>>
      %dma_start3A_63 = arith.constant 0 : i32
      %dma_start3A_64 = tpu.memref_slice %arg6[%add3A_58, %dma_start3A_63] : memref<10240x128xf32, #tpu.memory_space<vmem_shared>> -> memref<128x128xf32, #tpu.memory_space<vmem_shared>>
      tpu.enqueue_dma source(%dma_start3A_64 : memref<128x128xf32, #tpu.memory_space<vmem_shared>>) target(%arg8 : memref<128x128xf32, #tpu.memory_space<vmem>>) target_semaphore(%run_scoped3A : memref<!tpu.dma_semaphore, #tpu.memory_space<semaphore_mem>>)
      %dma_wait3A = arith.constant 0 : i32
      %dma_wait3A_65 = tpu.memref_slice %arg6[%add3A_58, %dma_wait3A] : memref<10240x128xf32, #tpu.memory_space<vmem_shared>> -> memref<128x128xf32, #tpu.memory_space<vmem_shared>>
      %dma_wait3A_66 = arith.constant 0 : i32
      %dma_wait3A_67 = tpu.memref_slice %arg6[%add3A_58, %dma_wait3A_66] : memref<10240x128xf32, #tpu.memory_space<vmem_shared>> -> memref<128x128xf32, #tpu.memory_space<vmem_shared>>
      tpu.wait_dma2 semaphore(%run_scoped3A : memref<!tpu.dma_semaphore, #tpu.memory_space<semaphore_mem>>) src(%dma_wait3A_67 : memref<128x128xf32, #tpu.memory_space<vmem_shared>>) dst(%arg8 : memref<128x128xf32, #tpu.memory_space<vmem>>)
      tpu.yield
    }) : () -> ()
    %mul3A_59 = arith.constant 10240 : i32
    %mul3A_60 = arith.muli %arg0, %mul3A_59 : i32
    %add3A_61 = arith.addi %mul3A_60, %add3A_58 : i32
    "tpu.region"() ({
      %run_scoped3A = tpu.sem_alloc : memref<!tpu.dma_semaphore, #tpu.memory_space<semaphore_mem>>
      %dma_start3A = arith.constant 0 : i32
      %dma_start3A_62 = tpu.memref_slice %arg5[%add3A_61, %dma_start3A] : memref<20480x128xf32, #tpu.memory_space<hbm>> -> memref<128x128xf32, #tpu.memory_space<hbm>>
      %dma_start3A_63 = arith.constant 0 : i32
      %dma_start3A_64 = tpu.memref_slice %arg5[%add3A_61, %dma_start3A_63] : memref<20480x128xf32, #tpu.memory_space<hbm>> -> memref<128x128xf32, #tpu.memory_space<hbm>>
      tpu.enqueue_dma source(%arg8 : memref<128x128xf32, #tpu.memory_space<vmem>>) target(%dma_start3A_64 : memref<128x128xf32, #tpu.memory_space<hbm>>) target_semaphore(%run_scoped3A : memref<!tpu.dma_semaphore, #tpu.memory_space<semaphore_mem>>)
      %dma_wait3A = arith.constant 0 : i32
      %dma_wait3A_65 = tpu.memref_slice %arg5[%add3A_61, %dma_wait3A] : memref<20480x128xf32, #tpu.memory_space<hbm>> -> memref<128x128xf32, #tpu.memory_space<hbm>>
      %dma_wait3A_66 = arith.constant 0 : i32
      %dma_wait3A_67 = tpu.memref_slice %arg5[%add3A_61, %dma_wait3A_66] : memref<20480x128xf32, #tpu.memory_space<hbm>> -> memref<128x128xf32, #tpu.memory_space<hbm>>
      tpu.wait_dma2 semaphore(%run_scoped3A : memref<!tpu.dma_semaphore, #tpu.memory_space<semaphore_mem>>) src(%arg8 : memref<128x128xf32, #tpu.memory_space<vmem>>) dst(%dma_wait3A_67 : memref<128x128xf32, #tpu.memory_space<hbm>>)
      tpu.yield
    }) : () -> ()
    return
  }
}

module attributes {stable_mosaic.version = 14 : i64} {
  func.func @_mm0_body(%arg0: i32, %arg1: memref<2x400x128xf32, #tpu.memory_space<vmem>>, %arg2: memref<2x400x128xf32, #tpu.memory_space<vmem>>, %arg3: memref<400x128xf32, #tpu.memory_space<vmem>>, %arg4: memref<128x256xf32, #tpu.memory_space<vmem>>, %arg5: memref<128x256xf32, #tpu.memory_space<vmem>>, %arg6: memref<1x256xf32, #tpu.memory_space<vmem>>, %arg7: memref<400x256xf32, #tpu.memory_space<vmem>>, %arg8: memref<8x256xf32, #tpu.memory_space<vmem>>, %arg9: memref<400x16xf32, #tpu.memory_space<vmem>>) attributes {dimension_semantics = [#tpu.dimension_semantics<arbitrary>], iteration_bounds = array<i64: 25>, scalar_prefetch = 0 : i64, scratch_operands = 0 : i64, tpu.core_type = #tpu.core_type<tc>, window_params = [{transform_indices = @transform_0, window_bounds = array<i64: 2, 400, 128>}, {transform_indices = @transform_1, window_bounds = array<i64: 2, 400, 128>}, {transform_indices = @transform_2, window_bounds = array<i64: 400, 128>}, {pipeline_mode = #tpu.pipeline_mode<synchronous>, transform_indices = @transform_3, window_bounds = array<i64: 128, 256>}, {pipeline_mode = #tpu.pipeline_mode<synchronous>, transform_indices = @transform_4, window_bounds = array<i64: 128, 256>}, {pipeline_mode = #tpu.pipeline_mode<synchronous>, transform_indices = @transform_5, window_bounds = array<i64: 1, 256>}, {transform_indices = @transform_6, window_bounds = array<i64: 400, 256>}, {pipeline_mode = #tpu.pipeline_mode<synchronous>, transform_indices = @transform_7, window_bounds = array<i64: 8, 256>}, {transform_indices = @transform_8, window_bounds = array<i64: 400, 16>}]} {
    %get3A = arith.constant 0 : index
    %get3A_0 = arith.constant 0 : index
    %get3A_1 = arith.constant 0 : index
    %get3A_2 = vector.load %arg1[%get3A, %get3A_0, %get3A_1] : memref<2x400x128xf32, #tpu.memory_space<vmem>>, vector<1x400x128xf32>
    %get3A_3 = vector.shape_cast %get3A_2 : vector<1x400x128xf32> to vector<400x128xf32>
    %get3A_4 = arith.constant 1 : index
    %get3A_5 = arith.constant 0 : index
    %get3A_6 = arith.constant 0 : index
    %get3A_7 = vector.load %arg1[%get3A_4, %get3A_5, %get3A_6] : memref<2x400x128xf32, #tpu.memory_space<vmem>>, vector<1x400x128xf32>
    %get3A_8 = vector.shape_cast %get3A_7 : vector<1x400x128xf32> to vector<400x128xf32>
    %add3A = arith.addf %get3A_3, %get3A_8 : vector<400x128xf32>
    %get3A_9 = arith.constant 0 : index
    %get3A_10 = arith.constant 0 : index
    %get3A_11 = arith.constant 0 : index
    %get3A_12 = vector.load %arg2[%get3A_9, %get3A_10, %get3A_11] : memref<2x400x128xf32, #tpu.memory_space<vmem>>, vector<1x400x128xf32>
    %get3A_13 = vector.shape_cast %get3A_12 : vector<1x400x128xf32> to vector<400x128xf32>
    %get3A_14 = arith.constant 1 : index
    %get3A_15 = arith.constant 0 : index
    %get3A_16 = arith.constant 0 : index
    %get3A_17 = vector.load %arg2[%get3A_14, %get3A_15, %get3A_16] : memref<2x400x128xf32, #tpu.memory_space<vmem>>, vector<1x400x128xf32>
    %get3A_18 = vector.shape_cast %get3A_17 : vector<1x400x128xf32> to vector<400x128xf32>
    %add3A_19 = arith.addf %get3A_13, %get3A_18 : vector<400x128xf32>
    %slice3A = vector.extract_strided_slice %add3A_19 {offsets = [0, 0], sizes = [400, 16], strides = [1, 1]} : vector<400x128xf32> to vector<400x16xf32>
    %swap3A = arith.constant 0 : index
    %swap3A_20 = arith.constant 0 : index
    %swap3A_21 = vector.load %arg9[%swap3A, %swap3A_20] : memref<400x16xf32, #tpu.memory_space<vmem>>, vector<400x16xf32>
    tpu.vector_store %arg9[%swap3A, %swap3A_20], %slice3A {strides = array<i32>} : memref<400x16xf32, #tpu.memory_space<vmem>>, vector<400x16xf32>,
    %slice3A_22 = vector.extract_strided_slice %add3A_19 {offsets = [0, 0], sizes = [400, 1], strides = [1, 1]} : vector<400x128xf32> to vector<400x1xf32>
    %max3A = arith.constant 1.000000e+00 : f32
    %max3A_23 = vector.broadcast %max3A : f32 to vector<400x1xf32>
    %max3A_24 = arith.maximumf %slice3A_22, %max3A_23 : vector<400x1xf32>
    %div3A = arith.constant 1.000000e+00 : f32
    %div3A_25 = vector.broadcast %div3A : f32 to vector<400x1xf32>
    %div3A_26 = arith.divf %div3A_25, %max3A_24 : vector<400x1xf32>
    %mul3A = vector.broadcast %div3A_26 : vector<400x1xf32> to vector<400x128xf32>
    %mul3A_27 = arith.mulf %add3A, %mul3A : vector<400x128xf32>
    %get3A_28 = arith.constant 0 : index
    %get3A_29 = arith.constant 0 : index
    %get3A_30 = vector.load %arg4[%get3A_28, %get3A_29] : memref<128x256xf32, #tpu.memory_space<vmem>>, vector<128x256xf32>
    %dot_general3A = arith.constant dense<0.000000e+00> : vector<400x256xf32>
    %dot_general3A_31 = tpu.matmul %mul3A_27, %get3A_30, %dot_general3A {dimension_numbers = #tpu.dot_dimension_numbers<[1], [0], [0], [1], [0, 0, 1, 1], [], []>, transpose_lhs_hint = false} : vector<400x128xf32>, vector<128x256xf32>, vector<400x256xf32> -> vector<400x256xf32>
    %get3A_32 = arith.constant 0 : index
    %get3A_33 = arith.constant 0 : index
    %get3A_34 = vector.load %arg3[%get3A_32, %get3A_33] : memref<400x128xf32, #tpu.memory_space<vmem>>, vector<400x128xf32>
    %get3A_35 = arith.constant 0 : index
    %get3A_36 = arith.constant 0 : index
    %get3A_37 = vector.load %arg5[%get3A_35, %get3A_36] : memref<128x256xf32, #tpu.memory_space<vmem>>, vector<128x256xf32>
    %dot_general3A_38 = arith.constant dense<0.000000e+00> : vector<400x256xf32>
    %dot_general3A_39 = tpu.matmul %get3A_34, %get3A_37, %dot_general3A_38 {dimension_numbers = #tpu.dot_dimension_numbers<[1], [0], [0], [1], [0, 0, 1, 1], [], []>, transpose_lhs_hint = false} : vector<400x128xf32>, vector<128x256xf32>, vector<400x256xf32> -> vector<400x256xf32>
    %add3A_40 = arith.addf %dot_general3A_31, %dot_general3A_39 : vector<400x256xf32>
    %get3A_41 = arith.constant 0 : index
    %get3A_42 = arith.constant 0 : index
    %get3A_43 = vector.load %arg6[%get3A_41, %get3A_42] : memref<1x256xf32, #tpu.memory_space<vmem>>, vector<1x256xf32>
    %add3A_44 = vector.broadcast %get3A_43 : vector<1x256xf32> to vector<400x256xf32>
    %add3A_45 = arith.addf %add3A_40, %add3A_44 : vector<400x256xf32>
    %swap3A_46 = arith.constant 0 : index
    %swap3A_47 = arith.constant 0 : index
    %swap3A_48 = vector.load %arg7[%swap3A_46, %swap3A_47] : memref<400x256xf32, #tpu.memory_space<vmem>>, vector<400x256xf32>
    tpu.vector_store %arg7[%swap3A_46, %swap3A_47], %add3A_45 {strides = array<i32>} : memref<400x256xf32, #tpu.memory_space<vmem>>, vector<400x256xf32>,
    %eq3A = arith.constant 0 : i32
    %eq3A_49 = arith.cmpi eq, %arg0, %eq3A : i32
    %convert_element_type3A = arith.extui %eq3A_49 : i1 to i32
    %cond3A = arith.constant 0 : i32
    %cond3A_50 = arith.cmpi ne, %convert_element_type3A, %cond3A : i32
    scf.if %cond3A_50 {
      %broadcast_in_dim3A_70 = arith.constant 0.000000e+00 : f32
      %broadcast_in_dim3A_71 = vector.broadcast %broadcast_in_dim3A_70 : f32 to vector<8x256xf32>
      %swap3A_72 = arith.constant 0 : index
      %swap3A_73 = arith.constant 0 : index
      %swap3A_74 = vector.load %arg8[%swap3A_72, %swap3A_73] : memref<8x256xf32, #tpu.memory_space<vmem>>, vector<8x256xf32>
      tpu.vector_store %arg8[%swap3A_72, %swap3A_73], %broadcast_in_dim3A_71 {strides = array<i32>} : memref<8x256xf32, #tpu.memory_space<vmem>>, vector<8x256xf32>,
    } else {
    }
    %get3A_51 = arith.constant 0 : index
    %get3A_52 = arith.constant 0 : index
    %get3A_53 = vector.load %arg8[%get3A_51, %get3A_52] : memref<8x256xf32, #tpu.memory_space<vmem>>, vector<1x256xf32>
    %reduce_sum3A = arith.constant dense<0.000000e+00> : vector<256xf32>
    %reduce_sum3A_54 = vector.multi_reduction <add>, %add3A_45, %reduce_sum3A [0] : vector<400x256xf32> to vector<256xf32>
    %broadcast_in_dim3A = vector.shape_cast %reduce_sum3A_54 : vector<256xf32> to vector<1x256xf32>
    %add3A_55 = arith.addf %get3A_53, %broadcast_in_dim3A : vector<1x256xf32>
    %swap3A_56 = arith.constant 0 : index
    %swap3A_57 = arith.constant 0 : index
    %swap3A_58 = vector.load %arg8[%swap3A_56, %swap3A_57] : memref<8x256xf32, #tpu.memory_space<vmem>>, vector<1x256xf32>
    tpu.vector_store %arg8[%swap3A_56, %swap3A_57], %add3A_55 {strides = array<i32>} : memref<8x256xf32, #tpu.memory_space<vmem>>, vector<1x256xf32>,
    %get3A_59 = arith.constant 1 : index
    %get3A_60 = arith.constant 0 : index
    %get3A_61 = vector.load %arg8[%get3A_59, %get3A_60] : memref<8x256xf32, #tpu.memory_space<vmem>>, vector<1x256xf32>
    %mul3A_62 = arith.mulf %add3A_45, %add3A_45 : vector<400x256xf32>
    %reduce_sum3A_63 = arith.constant dense<0.000000e+00> : vector<256xf32>
    %reduce_sum3A_64 = vector.multi_reduction <add>, %mul3A_62, %reduce_sum3A_63 [0] : vector<400x256xf32> to vector<256xf32>
    %broadcast_in_dim3A_65 = vector.shape_cast %reduce_sum3A_64 : vector<256xf32> to vector<1x256xf32>
    %add3A_66 = arith.addf %get3A_61, %broadcast_in_dim3A_65 : vector<1x256xf32>
    %swap3A_67 = arith.constant 1 : index
    %swap3A_68 = arith.constant 0 : index
    %swap3A_69 = vector.load %arg8[%swap3A_67, %swap3A_68] : memref<8x256xf32, #tpu.memory_space<vmem>>, vector<1x256xf32>
    tpu.vector_store %arg8[%swap3A_67, %swap3A_68], %add3A_66 {strides = array<i32>} : memref<8x256xf32, #tpu.memory_space<vmem>>, vector<1x256xf32>,
    return
  }
  func.func @transform_0(%arg0: i32) -> (i32, i32, i32) {
    %c0_i32 = arith.constant 0 : i32
    %c0_i32_0 = arith.constant 0 : i32
    %c0_i32_1 = arith.constant 0 : i32
    return %c0_i32, %arg0, %c0_i32_0 : i32, i32, i32
  }
  func.func @transform_1(%arg0: i32) -> (i32, i32, i32) {
    %c0_i32 = arith.constant 0 : i32
    %c0_i32_0 = arith.constant 0 : i32
    %c0_i32_1 = arith.constant 0 : i32
    return %c0_i32, %arg0, %c0_i32_0 : i32, i32, i32
  }
  func.func @transform_2(%arg0: i32) -> (i32, i32) {
    %c0_i32 = arith.constant 0 : i32
    %c0_i32_0 = arith.constant 0 : i32
    return %arg0, %c0_i32 : i32, i32
  }
  func.func @transform_3(%arg0: i32) -> (i32, i32) {
    %c0_i32 = arith.constant 0 : i32
    %c0_i32_0 = arith.constant 0 : i32
    %c0_i32_1 = arith.constant 0 : i32
    return %c0_i32, %c0_i32_0 : i32, i32
  }
  func.func @transform_4(%arg0: i32) -> (i32, i32) {
    %c0_i32 = arith.constant 0 : i32
    %c0_i32_0 = arith.constant 0 : i32
    %c0_i32_1 = arith.constant 0 : i32
    return %c0_i32, %c0_i32_0 : i32, i32
  }
  func.func @transform_5(%arg0: i32) -> (i32, i32) {
    %c0_i32 = arith.constant 0 : i32
    %c0_i32_0 = arith.constant 0 : i32
    %c0_i32_1 = arith.constant 0 : i32
    return %c0_i32, %c0_i32_0 : i32, i32
  }
  func.func @transform_6(%arg0: i32) -> (i32, i32) {
    %c0_i32 = arith.constant 0 : i32
    %c0_i32_0 = arith.constant 0 : i32
    return %arg0, %c0_i32 : i32, i32
  }
  func.func @transform_7(%arg0: i32) -> (i32, i32) {
    %c0_i32 = arith.constant 0 : i32
    %c0_i32_0 = arith.constant 0 : i32
    %c0_i32_1 = arith.constant 0 : i32
    return %c0_i32, %c0_i32_0 : i32, i32
  }
  func.func @transform_8(%arg0: i32) -> (i32, i32) {
    %c0_i32 = arith.constant 0 : i32
    %c0_i32_0 = arith.constant 0 : i32
    return %arg0, %c0_i32 : i32, i32
  }
}

module attributes {stable_mosaic.version = 14 : i64} {
  func.func @_bn_planes_body(%arg0: i32, %arg1: memref<400x256xf32, #tpu.memory_space<vmem>>, %arg2: memref<8x256xf32, #tpu.memory_space<vmem>>, %arg3: memref<1x256xf32, #tpu.memory_space<vmem>>, %arg4: memref<1x256xf32, #tpu.memory_space<vmem>>, %arg5: memref<2x400x128xf32, #tpu.memory_space<vmem>>) attributes {dimension_semantics = [#tpu.dimension_semantics<arbitrary>], iteration_bounds = array<i64: 25>, scalar_prefetch = 0 : i64, scratch_operands = 0 : i64, tpu.core_type = #tpu.core_type<tc>, window_params = [{transform_indices = @transform_0, window_bounds = array<i64: 400, 256>}, {pipeline_mode = #tpu.pipeline_mode<synchronous>, transform_indices = @transform_1, window_bounds = array<i64: 8, 256>}, {pipeline_mode = #tpu.pipeline_mode<synchronous>, transform_indices = @transform_2, window_bounds = array<i64: 1, 256>}, {pipeline_mode = #tpu.pipeline_mode<synchronous>, transform_indices = @transform_3, window_bounds = array<i64: 1, 256>}, {transform_indices = @transform_4, window_bounds = array<i64: 2, 400, 128>}]} {
    %get3A = arith.constant 0 : index
    %get3A_0 = arith.constant 0 : index
    %get3A_1 = vector.load %arg2[%get3A, %get3A_0] : memref<8x256xf32, #tpu.memory_space<vmem>>, vector<8x256xf32>
    %slice3A = vector.extract_strided_slice %get3A_1 {offsets = [0, 0], sizes = [1, 256], strides = [1, 1]} : vector<8x256xf32> to vector<1x256xf32>
    %mul3A = arith.constant 9.99999974E-5 : f32
    %mul3A_2 = vector.broadcast %mul3A : f32 to vector<1x256xf32>
    %mul3A_3 = arith.mulf %slice3A, %mul3A_2 : vector<1x256xf32>
    %slice3A_4 = vector.extract_strided_slice %get3A_1 {offsets = [1, 0], sizes = [1, 256], strides = [1, 1]} : vector<8x256xf32> to vector<1x256xf32>
    %mul3A_5 = arith.constant 9.99999974E-5 : f32
    %mul3A_6 = vector.broadcast %mul3A_5 : f32 to vector<1x256xf32>
    %mul3A_7 = arith.mulf %slice3A_4, %mul3A_6 : vector<1x256xf32>
    %mul3A_8 = arith.mulf %mul3A_3, %mul3A_3 : vector<1x256xf32>
    %sub3A = arith.subf %mul3A_7, %mul3A_8 : vector<1x256xf32>
    %get3A_9 = arith.constant 0 : index
    %get3A_10 = arith.constant 0 : index
    %get3A_11 = vector.load %arg3[%get3A_9, %get3A_10] : memref<1x256xf32, #tpu.memory_space<vmem>>, vector<1x256xf32>
    %add3A = arith.constant 9.99999974E-6 : f32
    %add3A_12 = vector.broadcast %add3A : f32 to vector<1x256xf32>
    %add3A_13 = arith.addf %sub3A, %add3A_12 : vector<1x256xf32>
    %rsqrt3A = math.rsqrt %add3A_13 : vector<1x256xf32>
    %mul3A_14 = arith.mulf %get3A_11, %rsqrt3A : vector<1x256xf32>
    %get3A_15 = arith.constant 0 : index
    %get3A_16 = arith.constant 0 : index
    %get3A_17 = vector.load %arg1[%get3A_15, %get3A_16] : memref<400x256xf32, #tpu.memory_space<vmem>>, vector<400x256xf32>
    %sub3A_18 = vector.broadcast %mul3A_3 : vector<1x256xf32> to vector<400x256xf32>
    %sub3A_19 = arith.subf %get3A_17, %sub3A_18 : vector<400x256xf32>
    %mul3A_20 = vector.broadcast %mul3A_14 : vector<1x256xf32> to vector<400x256xf32>
    %mul3A_21 = arith.mulf %sub3A_19, %mul3A_20 : vector<400x256xf32>
    %get3A_22 = arith.constant 0 : index
    %get3A_23 = arith.constant 0 : index
    %get3A_24 = vector.load %arg4[%get3A_22, %get3A_23] : memref<1x256xf32, #tpu.memory_space<vmem>>, vector<1x256xf32>
    %add3A_25 = vector.broadcast %get3A_24 : vector<1x256xf32> to vector<400x256xf32>
    %add3A_26 = arith.addf %mul3A_21, %add3A_25 : vector<400x256xf32>
    %max3A = arith.constant 0.000000e+00 : f32
    %max3A_27 = vector.broadcast %max3A : f32 to vector<400x256xf32>
    %max3A_28 = arith.maximumf %add3A_26, %max3A_27 : vector<400x256xf32>
    %slice3A_29 = vector.extract_strided_slice %max3A_28 {offsets = [0, 0], sizes = [400, 128], strides = [1, 1]} : vector<400x256xf32> to vector<400x128xf32>
    %swap3A = arith.constant 0 : index
    %swap3A_30 = arith.constant 0 : index
    %swap3A_31 = arith.constant 0 : index
    %swap3A_32 = vector.load %arg5[%swap3A, %swap3A_30, %swap3A_31] : memref<2x400x128xf32, #tpu.memory_space<vmem>>, vector<1x400x128xf32>
    %swap3A_33 = vector.shape_cast %swap3A_32 : vector<1x400x128xf32> to vector<400x128xf32>
    %swap3A_34 = vector.shape_cast %slice3A_29 : vector<400x128xf32> to vector<1x400x128xf32>
    tpu.vector_store %arg5[%swap3A, %swap3A_30, %swap3A_31], %swap3A_34 {strides = array<i32>} : memref<2x400x128xf32, #tpu.memory_space<vmem>>, vector<1x400x128xf32>,
    %slice3A_35 = vector.extract_strided_slice %max3A_28 {offsets = [0, 128], sizes = [400, 128], strides = [1, 1]} : vector<400x256xf32> to vector<400x128xf32>
    %swap3A_36 = arith.constant 1 : index
    %swap3A_37 = arith.constant 0 : index
    %swap3A_38 = arith.constant 0 : index
    %swap3A_39 = vector.load %arg5[%swap3A_36, %swap3A_37, %swap3A_38] : memref<2x400x128xf32, #tpu.memory_space<vmem>>, vector<1x400x128xf32>
    %swap3A_40 = vector.shape_cast %swap3A_39 : vector<1x400x128xf32> to vector<400x128xf32>
    %swap3A_41 = vector.shape_cast %slice3A_35 : vector<400x128xf32> to vector<1x400x128xf32>
    tpu.vector_store %arg5[%swap3A_36, %swap3A_37, %swap3A_38], %swap3A_41 {strides = array<i32>} : memref<2x400x128xf32, #tpu.memory_space<vmem>>, vector<1x400x128xf32>,
    return
  }
  func.func @transform_0(%arg0: i32) -> (i32, i32) {
    %c0_i32 = arith.constant 0 : i32
    %c0_i32_0 = arith.constant 0 : i32
    return %arg0, %c0_i32 : i32, i32
  }
  func.func @transform_1(%arg0: i32) -> (i32, i32) {
    %c0_i32 = arith.constant 0 : i32
    %c0_i32_0 = arith.constant 0 : i32
    %c0_i32_1 = arith.constant 0 : i32
    return %c0_i32, %c0_i32_0 : i32, i32
  }
  func.func @transform_2(%arg0: i32) -> (i32, i32) {
    %c0_i32 = arith.constant 0 : i32
    %c0_i32_0 = arith.constant 0 : i32
    %c0_i32_1 = arith.constant 0 : i32
    return %c0_i32, %c0_i32_0 : i32, i32
  }
  func.func @transform_3(%arg0: i32) -> (i32, i32) {
    %c0_i32 = arith.constant 0 : i32
    %c0_i32_0 = arith.constant 0 : i32
    %c0_i32_1 = arith.constant 0 : i32
    return %c0_i32, %c0_i32_0 : i32, i32
  }
  func.func @transform_4(%arg0: i32) -> (i32, i32, i32) {
    %c0_i32 = arith.constant 0 : i32
    %c0_i32_0 = arith.constant 0 : i32
    %c0_i32_1 = arith.constant 0 : i32
    return %c0_i32, %arg0, %c0_i32_0 : i32, i32, i32
  }
}

module attributes {stable_mosaic.version = 14 : i64} {
  func.func @_mm12_body(%arg0: i32, %arg1: memref<2x400x128xf32, #tpu.memory_space<vmem>>, %arg2: memref<400x16xf32, #tpu.memory_space<vmem>>, %arg3: memref<2x400x128xf32, #tpu.memory_space<vmem>>, %arg4: memref<256x256xf32, #tpu.memory_space<vmem>>, %arg5: memref<256x256xf32, #tpu.memory_space<vmem>>, %arg6: memref<1x256xf32, #tpu.memory_space<vmem>>, %arg7: memref<400x256xf32, #tpu.memory_space<vmem>>, %arg8: memref<8x256xf32, #tpu.memory_space<vmem>>) attributes {dimension_semantics = [#tpu.dimension_semantics<arbitrary>], iteration_bounds = array<i64: 25>, scalar_prefetch = 0 : i64, scratch_operands = 0 : i64, tpu.core_type = #tpu.core_type<tc>, window_params = [{transform_indices = @transform_0, window_bounds = array<i64: 2, 400, 128>}, {transform_indices = @transform_1, window_bounds = array<i64: 400, 16>}, {transform_indices = @transform_2, window_bounds = array<i64: 2, 400, 128>}, {pipeline_mode = #tpu.pipeline_mode<synchronous>, transform_indices = @transform_3, window_bounds = array<i64: 256, 256>}, {pipeline_mode = #tpu.pipeline_mode<synchronous>, transform_indices = @transform_4, window_bounds = array<i64: 256, 256>}, {pipeline_mode = #tpu.pipeline_mode<synchronous>, transform_indices = @transform_5, window_bounds = array<i64: 1, 256>}, {transform_indices = @transform_6, window_bounds = array<i64: 400, 256>}, {pipeline_mode = #tpu.pipeline_mode<synchronous>, transform_indices = @transform_7, window_bounds = array<i64: 8, 256>}]} {
    %get3A = arith.constant 0 : index
    %get3A_0 = arith.constant 0 : index
    %get3A_1 = arith.constant 0 : index
    %get3A_2 = vector.load %arg1[%get3A, %get3A_0, %get3A_1] : memref<2x400x128xf32, #tpu.memory_space<vmem>>, vector<1x400x128xf32>
    %get3A_3 = vector.shape_cast %get3A_2 : vector<1x400x128xf32> to vector<400x128xf32>
    %get3A_4 = arith.constant 1 : index
    %get3A_5 = arith.constant 0 : index
    %get3A_6 = arith.constant 0 : index
    %get3A_7 = vector.load %arg1[%get3A_4, %get3A_5, %get3A_6] : memref<2x400x128xf32, #tpu.memory_space<vmem>>, vector<1x400x128xf32>
    %get3A_8 = vector.shape_cast %get3A_7 : vector<1x400x128xf32> to vector<400x128xf32>
    %concatenate3A = tpu.concatenate %get3A_3, %get3A_8 in 1 : vector<400x128xf32>, vector<400x128xf32> -> vector<400x256xf32>
    %get3A_9 = arith.constant 0 : index
    %get3A_10 = arith.constant 0 : index
    %get3A_11 = arith.constant 0 : index
    %get3A_12 = vector.load %arg3[%get3A_9, %get3A_10, %get3A_11] : memref<2x400x128xf32, #tpu.memory_space<vmem>>, vector<1x400x128xf32>
    %get3A_13 = vector.shape_cast %get3A_12 : vector<1x400x128xf32> to vector<400x128xf32>
    %get3A_14 = arith.constant 1 : index
    %get3A_15 = arith.constant 0 : index
    %get3A_16 = arith.constant 0 : index
    %get3A_17 = vector.load %arg3[%get3A_14, %get3A_15, %get3A_16] : memref<2x400x128xf32, #tpu.memory_space<vmem>>, vector<1x400x128xf32>
    %get3A_18 = vector.shape_cast %get3A_17 : vector<1x400x128xf32> to vector<400x128xf32>
    %concatenate3A_19 = tpu.concatenate %get3A_13, %get3A_18 in 1 : vector<400x128xf32>, vector<400x128xf32> -> vector<400x256xf32>
    %get3A_20 = arith.constant 0 : index
    %get3A_21 = arith.constant 0 : index
    %get3A_22 = vector.load %arg2[%get3A_20, %get3A_21] : memref<400x16xf32, #tpu.memory_space<vmem>>, vector<400x1xf32>
    %max3A = arith.constant 1.000000e+00 : f32
    %max3A_23 = vector.broadcast %max3A : f32 to vector<400x1xf32>
    %max3A_24 = arith.maximumf %get3A_22, %max3A_23 : vector<400x1xf32>
    %div3A = arith.constant 1.000000e+00 : f32
    %div3A_25 = vector.broadcast %div3A : f32 to vector<400x1xf32>
    %div3A_26 = arith.divf %div3A_25, %max3A_24 : vector<400x1xf32>
    %mul3A = vector.broadcast %div3A_26 : vector<400x1xf32> to vector<400x256xf32>
    %mul3A_27 = arith.mulf %concatenate3A, %mul3A : vector<400x256xf32>
    %get3A_28 = arith.constant 0 : index
    %get3A_29 = arith.constant 0 : index
    %get3A_30 = vector.load %arg4[%get3A_28, %get3A_29] : memref<256x256xf32, #tpu.memory_space<vmem>>, vector<256x256xf32>
    %dot_general3A = arith.constant dense<0.000000e+00> : vector<400x256xf32>
    %dot_general3A_31 = tpu.matmul %mul3A_27, %get3A_30, %dot_general3A {dimension_numbers = #tpu.dot_dimension_numbers<[1], [0], [0], [1], [0, 0, 1, 1], [], []>, transpose_lhs_hint = false} : vector<400x256xf32>, vector<256x256xf32>, vector<400x256xf32> -> vector<400x256xf32>
    %get3A_32 = arith.constant 0 : index
    %get3A_33 = arith.constant 0 : index
    %get3A_34 = vector.load %arg5[%get3A_32, %get3A_33] : memref<256x256xf32, #tpu.memory_space<vmem>>, vector<256x256xf32>
    %dot_general3A_35 = arith.constant dense<0.000000e+00> : vector<400x256xf32>
    %dot_general3A_36 = tpu.matmul %concatenate3A_19, %get3A_34, %dot_general3A_35 {dimension_numbers = #tpu.dot_dimension_numbers<[1], [0], [0], [1], [0, 0, 1, 1], [], []>, transpose_lhs_hint = false} : vector<400x256xf32>, vector<256x256xf32>, vector<400x256xf32> -> vector<400x256xf32>
    %add3A = arith.addf %dot_general3A_31, %dot_general3A_36 : vector<400x256xf32>
    %get3A_37 = arith.constant 0 : index
    %get3A_38 = arith.constant 0 : index
    %get3A_39 = vector.load %arg6[%get3A_37, %get3A_38] : memref<1x256xf32, #tpu.memory_space<vmem>>, vector<1x256xf32>
    %add3A_40 = vector.broadcast %get3A_39 : vector<1x256xf32> to vector<400x256xf32>
    %add3A_41 = arith.addf %add3A, %add3A_40 : vector<400x256xf32>
    %swap3A = arith.constant 0 : index
    %swap3A_42 = arith.constant 0 : index
    %swap3A_43 = vector.load %arg7[%swap3A, %swap3A_42] : memref<400x256xf32, #tpu.memory_space<vmem>>, vector<400x256xf32>
    tpu.vector_store %arg7[%swap3A, %swap3A_42], %add3A_41 {strides = array<i32>} : memref<400x256xf32, #tpu.memory_space<vmem>>, vector<400x256xf32>,
    %eq3A = arith.constant 0 : i32
    %eq3A_44 = arith.cmpi eq, %arg0, %eq3A : i32
    %convert_element_type3A = arith.extui %eq3A_44 : i1 to i32
    %cond3A = arith.constant 0 : i32
    %cond3A_45 = arith.cmpi ne, %convert_element_type3A, %cond3A : i32
    scf.if %cond3A_45 {
      %broadcast_in_dim3A_65 = arith.constant 0.000000e+00 : f32
      %broadcast_in_dim3A_66 = vector.broadcast %broadcast_in_dim3A_65 : f32 to vector<8x256xf32>
      %swap3A_67 = arith.constant 0 : index
      %swap3A_68 = arith.constant 0 : index
      %swap3A_69 = vector.load %arg8[%swap3A_67, %swap3A_68] : memref<8x256xf32, #tpu.memory_space<vmem>>, vector<8x256xf32>
      tpu.vector_store %arg8[%swap3A_67, %swap3A_68], %broadcast_in_dim3A_66 {strides = array<i32>} : memref<8x256xf32, #tpu.memory_space<vmem>>, vector<8x256xf32>,
    } else {
    }
    %get3A_46 = arith.constant 0 : index
    %get3A_47 = arith.constant 0 : index
    %get3A_48 = vector.load %arg8[%get3A_46, %get3A_47] : memref<8x256xf32, #tpu.memory_space<vmem>>, vector<1x256xf32>
    %reduce_sum3A = arith.constant dense<0.000000e+00> : vector<256xf32>
    %reduce_sum3A_49 = vector.multi_reduction <add>, %add3A_41, %reduce_sum3A [0] : vector<400x256xf32> to vector<256xf32>
    %broadcast_in_dim3A = vector.shape_cast %reduce_sum3A_49 : vector<256xf32> to vector<1x256xf32>
    %add3A_50 = arith.addf %get3A_48, %broadcast_in_dim3A : vector<1x256xf32>
    %swap3A_51 = arith.constant 0 : index
    %swap3A_52 = arith.constant 0 : index
    %swap3A_53 = vector.load %arg8[%swap3A_51, %swap3A_52] : memref<8x256xf32, #tpu.memory_space<vmem>>, vector<1x256xf32>
    tpu.vector_store %arg8[%swap3A_51, %swap3A_52], %add3A_50 {strides = array<i32>} : memref<8x256xf32, #tpu.memory_space<vmem>>, vector<1x256xf32>,
    %get3A_54 = arith.constant 1 : index
    %get3A_55 = arith.constant 0 : index
    %get3A_56 = vector.load %arg8[%get3A_54, %get3A_55] : memref<8x256xf32, #tpu.memory_space<vmem>>, vector<1x256xf32>
    %mul3A_57 = arith.mulf %add3A_41, %add3A_41 : vector<400x256xf32>
    %reduce_sum3A_58 = arith.constant dense<0.000000e+00> : vector<256xf32>
    %reduce_sum3A_59 = vector.multi_reduction <add>, %mul3A_57, %reduce_sum3A_58 [0] : vector<400x256xf32> to vector<256xf32>
    %broadcast_in_dim3A_60 = vector.shape_cast %reduce_sum3A_59 : vector<256xf32> to vector<1x256xf32>
    %add3A_61 = arith.addf %get3A_56, %broadcast_in_dim3A_60 : vector<1x256xf32>
    %swap3A_62 = arith.constant 1 : index
    %swap3A_63 = arith.constant 0 : index
    %swap3A_64 = vector.load %arg8[%swap3A_62, %swap3A_63] : memref<8x256xf32, #tpu.memory_space<vmem>>, vector<1x256xf32>
    tpu.vector_store %arg8[%swap3A_62, %swap3A_63], %add3A_61 {strides = array<i32>} : memref<8x256xf32, #tpu.memory_space<vmem>>, vector<1x256xf32>,
    return
  }
  func.func @transform_0(%arg0: i32) -> (i32, i32, i32) {
    %c0_i32 = arith.constant 0 : i32
    %c0_i32_0 = arith.constant 0 : i32
    %c0_i32_1 = arith.constant 0 : i32
    return %c0_i32, %arg0, %c0_i32_0 : i32, i32, i32
  }
  func.func @transform_1(%arg0: i32) -> (i32, i32) {
    %c0_i32 = arith.constant 0 : i32
    %c0_i32_0 = arith.constant 0 : i32
    return %arg0, %c0_i32 : i32, i32
  }
  func.func @transform_2(%arg0: i32) -> (i32, i32, i32) {
    %c0_i32 = arith.constant 0 : i32
    %c0_i32_0 = arith.constant 0 : i32
    %c0_i32_1 = arith.constant 0 : i32
    return %c0_i32, %arg0, %c0_i32_0 : i32, i32, i32
  }
  func.func @transform_3(%arg0: i32) -> (i32, i32) {
    %c0_i32 = arith.constant 0 : i32
    %c0_i32_0 = arith.constant 0 : i32
    %c0_i32_1 = arith.constant 0 : i32
    return %c0_i32, %c0_i32_0 : i32, i32
  }
  func.func @transform_4(%arg0: i32) -> (i32, i32) {
    %c0_i32 = arith.constant 0 : i32
    %c0_i32_0 = arith.constant 0 : i32
    %c0_i32_1 = arith.constant 0 : i32
    return %c0_i32, %c0_i32_0 : i32, i32
  }
  func.func @transform_5(%arg0: i32) -> (i32, i32) {
    %c0_i32 = arith.constant 0 : i32
    %c0_i32_0 = arith.constant 0 : i32
    %c0_i32_1 = arith.constant 0 : i32
    return %c0_i32, %c0_i32_0 : i32, i32
  }
  func.func @transform_6(%arg0: i32) -> (i32, i32) {
    %c0_i32 = arith.constant 0 : i32
    %c0_i32_0 = arith.constant 0 : i32
    return %arg0, %c0_i32 : i32, i32
  }
  func.func @transform_7(%arg0: i32) -> (i32, i32) {
    %c0_i32 = arith.constant 0 : i32
    %c0_i32_0 = arith.constant 0 : i32
    %c0_i32_1 = arith.constant 0 : i32
    return %c0_i32, %c0_i32_0 : i32, i32
  }
}

module attributes {stable_mosaic.version = 14 : i64} {
  func.func @_bn_res_planes_body(%arg0: i32, %arg1: memref<400x256xf32, #tpu.memory_space<vmem>>, %arg2: memref<8x256xf32, #tpu.memory_space<vmem>>, %arg3: memref<1x256xf32, #tpu.memory_space<vmem>>, %arg4: memref<1x256xf32, #tpu.memory_space<vmem>>, %arg5: memref<2x400x128xf32, #tpu.memory_space<vmem>>, %arg6: memref<2x400x128xf32, #tpu.memory_space<vmem>>) attributes {dimension_semantics = [#tpu.dimension_semantics<arbitrary>], iteration_bounds = array<i64: 25>, scalar_prefetch = 0 : i64, scratch_operands = 0 : i64, tpu.core_type = #tpu.core_type<tc>, window_params = [{transform_indices = @transform_0, window_bounds = array<i64: 400, 256>}, {pipeline_mode = #tpu.pipeline_mode<synchronous>, transform_indices = @transform_1, window_bounds = array<i64: 8, 256>}, {pipeline_mode = #tpu.pipeline_mode<synchronous>, transform_indices = @transform_2, window_bounds = array<i64: 1, 256>}, {pipeline_mode = #tpu.pipeline_mode<synchronous>, transform_indices = @transform_3, window_bounds = array<i64: 1, 256>}, {transform_indices = @transform_4, window_bounds = array<i64: 2, 400, 128>}, {transform_indices = @transform_5, window_bounds = array<i64: 2, 400, 128>}]} {
    %get3A = arith.constant 0 : index
    %get3A_0 = arith.constant 0 : index
    %get3A_1 = vector.load %arg2[%get3A, %get3A_0] : memref<8x256xf32, #tpu.memory_space<vmem>>, vector<8x256xf32>
    %slice3A = vector.extract_strided_slice %get3A_1 {offsets = [0, 0], sizes = [1, 256], strides = [1, 1]} : vector<8x256xf32> to vector<1x256xf32>
    %mul3A = arith.constant 9.99999974E-5 : f32
    %mul3A_2 = vector.broadcast %mul3A : f32 to vector<1x256xf32>
    %mul3A_3 = arith.mulf %slice3A, %mul3A_2 : vector<1x256xf32>
    %slice3A_4 = vector.extract_strided_slice %get3A_1 {offsets = [1, 0], sizes = [1, 256], strides = [1, 1]} : vector<8x256xf32> to vector<1x256xf32>
    %mul3A_5 = arith.constant 9.99999974E-5 : f32
    %mul3A_6 = vector.broadcast %mul3A_5 : f32 to vector<1x256xf32>
    %mul3A_7 = arith.mulf %slice3A_4, %mul3A_6 : vector<1x256xf32>
    %mul3A_8 = arith.mulf %mul3A_3, %mul3A_3 : vector<1x256xf32>
    %sub3A = arith.subf %mul3A_7, %mul3A_8 : vector<1x256xf32>
    %get3A_9 = arith.constant 0 : index
    %get3A_10 = arith.constant 0 : index
    %get3A_11 = vector.load %arg3[%get3A_9, %get3A_10] : memref<1x256xf32, #tpu.memory_space<vmem>>, vector<1x256xf32>
    %add3A = arith.constant 9.99999974E-6 : f32
    %add3A_12 = vector.broadcast %add3A : f32 to vector<1x256xf32>
    %add3A_13 = arith.addf %sub3A, %add3A_12 : vector<1x256xf32>
    %rsqrt3A = math.rsqrt %add3A_13 : vector<1x256xf32>
    %mul3A_14 = arith.mulf %get3A_11, %rsqrt3A : vector<1x256xf32>
    %get3A_15 = arith.constant 0 : index
    %get3A_16 = arith.constant 0 : index
    %get3A_17 = vector.load %arg1[%get3A_15, %get3A_16] : memref<400x256xf32, #tpu.memory_space<vmem>>, vector<400x256xf32>
    %sub3A_18 = vector.broadcast %mul3A_3 : vector<1x256xf32> to vector<400x256xf32>
    %sub3A_19 = arith.subf %get3A_17, %sub3A_18 : vector<400x256xf32>
    %mul3A_20 = vector.broadcast %mul3A_14 : vector<1x256xf32> to vector<400x256xf32>
    %mul3A_21 = arith.mulf %sub3A_19, %mul3A_20 : vector<400x256xf32>
    %get3A_22 = arith.constant 0 : index
    %get3A_23 = arith.constant 0 : index
    %get3A_24 = vector.load %arg4[%get3A_22, %get3A_23] : memref<1x256xf32, #tpu.memory_space<vmem>>, vector<1x256xf32>
    %add3A_25 = vector.broadcast %get3A_24 : vector<1x256xf32> to vector<400x256xf32>
    %add3A_26 = arith.addf %mul3A_21, %add3A_25 : vector<400x256xf32>
    %max3A = arith.constant 0.000000e+00 : f32
    %max3A_27 = vector.broadcast %max3A : f32 to vector<400x256xf32>
    %max3A_28 = arith.maximumf %add3A_26, %max3A_27 : vector<400x256xf32>
    %get3A_29 = arith.constant 0 : index
    %get3A_30 = arith.constant 0 : index
    %get3A_31 = arith.constant 0 : index
    %get3A_32 = vector.load %arg5[%get3A_29, %get3A_30, %get3A_31] : memref<2x400x128xf32, #tpu.memory_space<vmem>>, vector<1x400x128xf32>
    %get3A_33 = vector.shape_cast %get3A_32 : vector<1x400x128xf32> to vector<400x128xf32>
    %slice3A_34 = vector.extract_strided_slice %max3A_28 {offsets = [0, 0], sizes = [400, 128], strides = [1, 1]} : vector<400x256xf32> to vector<400x128xf32>
    %mul3A_35 = arith.constant 3.000000e-01 : f32
    %mul3A_36 = vector.broadcast %mul3A_35 : f32 to vector<400x128xf32>
    %mul3A_37 = arith.mulf %mul3A_36, %slice3A_34 : vector<400x128xf32>
    %add3A_38 = arith.addf %get3A_33, %mul3A_37 : vector<400x128xf32>
    %swap3A = arith.constant 0 : index
    %swap3A_39 = arith.constant 0 : index
    %swap3A_40 = arith.constant 0 : index
    %swap3A_41 = vector.load %arg6[%swap3A, %swap3A_39, %swap3A_40] : memref<2x400x128xf32, #tpu.memory_space<vmem>>, vector<1x400x128xf32>
    %swap3A_42 = vector.shape_cast %swap3A_41 : vector<1x400x128xf32> to vector<400x128xf32>
    %swap3A_43 = vector.shape_cast %add3A_38 : vector<400x128xf32> to vector<1x400x128xf32>
    tpu.vector_store %arg6[%swap3A, %swap3A_39, %swap3A_40], %swap3A_43 {strides = array<i32>} : memref<2x400x128xf32, #tpu.memory_space<vmem>>, vector<1x400x128xf32>,
    %get3A_44 = arith.constant 1 : index
    %get3A_45 = arith.constant 0 : index
    %get3A_46 = arith.constant 0 : index
    %get3A_47 = vector.load %arg5[%get3A_44, %get3A_45, %get3A_46] : memref<2x400x128xf32, #tpu.memory_space<vmem>>, vector<1x400x128xf32>
    %get3A_48 = vector.shape_cast %get3A_47 : vector<1x400x128xf32> to vector<400x128xf32>
    %slice3A_49 = vector.extract_strided_slice %max3A_28 {offsets = [0, 128], sizes = [400, 128], strides = [1, 1]} : vector<400x256xf32> to vector<400x128xf32>
    %mul3A_50 = arith.constant 3.000000e-01 : f32
    %mul3A_51 = vector.broadcast %mul3A_50 : f32 to vector<400x128xf32>
    %mul3A_52 = arith.mulf %mul3A_51, %slice3A_49 : vector<400x128xf32>
    %add3A_53 = arith.addf %get3A_48, %mul3A_52 : vector<400x128xf32>
    %swap3A_54 = arith.constant 1 : index
    %swap3A_55 = arith.constant 0 : index
    %swap3A_56 = arith.constant 0 : index
    %swap3A_57 = vector.load %arg6[%swap3A_54, %swap3A_55, %swap3A_56] : memref<2x400x128xf32, #tpu.memory_space<vmem>>, vector<1x400x128xf32>
    %swap3A_58 = vector.shape_cast %swap3A_57 : vector<1x400x128xf32> to vector<400x128xf32>
    %swap3A_59 = vector.shape_cast %add3A_53 : vector<400x128xf32> to vector<1x400x128xf32>
    tpu.vector_store %arg6[%swap3A_54, %swap3A_55, %swap3A_56], %swap3A_59 {strides = array<i32>} : memref<2x400x128xf32, #tpu.memory_space<vmem>>, vector<1x400x128xf32>,
    return
  }
  func.func @transform_0(%arg0: i32) -> (i32, i32) {
    %c0_i32 = arith.constant 0 : i32
    %c0_i32_0 = arith.constant 0 : i32
    return %arg0, %c0_i32 : i32, i32
  }
  func.func @transform_1(%arg0: i32) -> (i32, i32) {
    %c0_i32 = arith.constant 0 : i32
    %c0_i32_0 = arith.constant 0 : i32
    %c0_i32_1 = arith.constant 0 : i32
    return %c0_i32, %c0_i32_0 : i32, i32
  }
  func.func @transform_2(%arg0: i32) -> (i32, i32) {
    %c0_i32 = arith.constant 0 : i32
    %c0_i32_0 = arith.constant 0 : i32
    %c0_i32_1 = arith.constant 0 : i32
    return %c0_i32, %c0_i32_0 : i32, i32
  }
  func.func @transform_3(%arg0: i32) -> (i32, i32) {
    %c0_i32 = arith.constant 0 : i32
    %c0_i32_0 = arith.constant 0 : i32
    %c0_i32_1 = arith.constant 0 : i32
    return %c0_i32, %c0_i32_0 : i32, i32
  }
  func.func @transform_4(%arg0: i32) -> (i32, i32, i32) {
    %c0_i32 = arith.constant 0 : i32
    %c0_i32_0 = arith.constant 0 : i32
    %c0_i32_1 = arith.constant 0 : i32
    return %c0_i32, %arg0, %c0_i32_0 : i32, i32, i32
  }
  func.func @transform_5(%arg0: i32) -> (i32, i32, i32) {
    %c0_i32 = arith.constant 0 : i32
    %c0_i32_0 = arith.constant 0 : i32
    %c0_i32_1 = arith.constant 0 : i32
    return %c0_i32, %arg0, %c0_i32_0 : i32, i32, i32
  }
}

module attributes {stable_mosaic.version = 14 : i64} {
  func.func @_bn_final_body(%arg0: i32, %arg1: memref<400x256xf32, #tpu.memory_space<vmem>>, %arg2: memref<8x256xf32, #tpu.memory_space<vmem>>, %arg3: memref<1x256xf32, #tpu.memory_space<vmem>>, %arg4: memref<1x256xf32, #tpu.memory_space<vmem>>, %arg5: memref<400x256xf32, #tpu.memory_space<vmem>>) attributes {dimension_semantics = [#tpu.dimension_semantics<arbitrary>], iteration_bounds = array<i64: 25>, scalar_prefetch = 0 : i64, scratch_operands = 0 : i64, tpu.core_type = #tpu.core_type<tc>, window_params = [{transform_indices = @transform_0, window_bounds = array<i64: 400, 256>}, {pipeline_mode = #tpu.pipeline_mode<synchronous>, transform_indices = @transform_1, window_bounds = array<i64: 8, 256>}, {pipeline_mode = #tpu.pipeline_mode<synchronous>, transform_indices = @transform_2, window_bounds = array<i64: 1, 256>}, {pipeline_mode = #tpu.pipeline_mode<synchronous>, transform_indices = @transform_3, window_bounds = array<i64: 1, 256>}, {transform_indices = @transform_4, window_bounds = array<i64: 400, 256>}]} {
    %get3A = arith.constant 0 : index
    %get3A_0 = arith.constant 0 : index
    %get3A_1 = vector.load %arg2[%get3A, %get3A_0] : memref<8x256xf32, #tpu.memory_space<vmem>>, vector<8x256xf32>
    %slice3A = vector.extract_strided_slice %get3A_1 {offsets = [0, 0], sizes = [1, 256], strides = [1, 1]} : vector<8x256xf32> to vector<1x256xf32>
    %mul3A = arith.constant 9.99999974E-5 : f32
    %mul3A_2 = vector.broadcast %mul3A : f32 to vector<1x256xf32>
    %mul3A_3 = arith.mulf %slice3A, %mul3A_2 : vector<1x256xf32>
    %slice3A_4 = vector.extract_strided_slice %get3A_1 {offsets = [1, 0], sizes = [1, 256], strides = [1, 1]} : vector<8x256xf32> to vector<1x256xf32>
    %mul3A_5 = arith.constant 9.99999974E-5 : f32
    %mul3A_6 = vector.broadcast %mul3A_5 : f32 to vector<1x256xf32>
    %mul3A_7 = arith.mulf %slice3A_4, %mul3A_6 : vector<1x256xf32>
    %mul3A_8 = arith.mulf %mul3A_3, %mul3A_3 : vector<1x256xf32>
    %sub3A = arith.subf %mul3A_7, %mul3A_8 : vector<1x256xf32>
    %get3A_9 = arith.constant 0 : index
    %get3A_10 = arith.constant 0 : index
    %get3A_11 = vector.load %arg3[%get3A_9, %get3A_10] : memref<1x256xf32, #tpu.memory_space<vmem>>, vector<1x256xf32>
    %add3A = arith.constant 9.99999974E-6 : f32
    %add3A_12 = vector.broadcast %add3A : f32 to vector<1x256xf32>
    %add3A_13 = arith.addf %sub3A, %add3A_12 : vector<1x256xf32>
    %rsqrt3A = math.rsqrt %add3A_13 : vector<1x256xf32>
    %mul3A_14 = arith.mulf %get3A_11, %rsqrt3A : vector<1x256xf32>
    %get3A_15 = arith.constant 0 : index
    %get3A_16 = arith.constant 0 : index
    %get3A_17 = vector.load %arg1[%get3A_15, %get3A_16] : memref<400x256xf32, #tpu.memory_space<vmem>>, vector<400x256xf32>
    %sub3A_18 = vector.broadcast %mul3A_3 : vector<1x256xf32> to vector<400x256xf32>
    %sub3A_19 = arith.subf %get3A_17, %sub3A_18 : vector<400x256xf32>
    %mul3A_20 = vector.broadcast %mul3A_14 : vector<1x256xf32> to vector<400x256xf32>
    %mul3A_21 = arith.mulf %sub3A_19, %mul3A_20 : vector<400x256xf32>
    %get3A_22 = arith.constant 0 : index
    %get3A_23 = arith.constant 0 : index
    %get3A_24 = vector.load %arg4[%get3A_22, %get3A_23] : memref<1x256xf32, #tpu.memory_space<vmem>>, vector<1x256xf32>
    %add3A_25 = vector.broadcast %get3A_24 : vector<1x256xf32> to vector<400x256xf32>
    %add3A_26 = arith.addf %mul3A_21, %add3A_25 : vector<400x256xf32>
    %max3A = arith.constant 0.000000e+00 : f32
    %max3A_27 = vector.broadcast %max3A : f32 to vector<400x256xf32>
    %max3A_28 = arith.maximumf %add3A_26, %max3A_27 : vector<400x256xf32>
    %swap3A = arith.constant 0 : index
    %swap3A_29 = arith.constant 0 : index
    %swap3A_30 = vector.load %arg5[%swap3A, %swap3A_29] : memref<400x256xf32, #tpu.memory_space<vmem>>, vector<400x256xf32>
    tpu.vector_store %arg5[%swap3A, %swap3A_29], %max3A_28 {strides = array<i32>} : memref<400x256xf32, #tpu.memory_space<vmem>>, vector<400x256xf32>,
    return
  }
  func.func @transform_0(%arg0: i32) -> (i32, i32) {
    %c0_i32 = arith.constant 0 : i32
    %c0_i32_0 = arith.constant 0 : i32
    return %arg0, %c0_i32 : i32, i32
  }
  func.func @transform_1(%arg0: i32) -> (i32, i32) {
    %c0_i32 = arith.constant 0 : i32
    %c0_i32_0 = arith.constant 0 : i32
    %c0_i32_1 = arith.constant 0 : i32
    return %c0_i32, %c0_i32_0 : i32, i32
  }
  func.func @transform_2(%arg0: i32) -> (i32, i32) {
    %c0_i32 = arith.constant 0 : i32
    %c0_i32_0 = arith.constant 0 : i32
    %c0_i32_1 = arith.constant 0 : i32
    return %c0_i32, %c0_i32_0 : i32, i32
  }
  func.func @transform_3(%arg0: i32) -> (i32, i32) {
    %c0_i32 = arith.constant 0 : i32
    %c0_i32_0 = arith.constant 0 : i32
    %c0_i32_1 = arith.constant 0 : i32
    return %c0_i32, %c0_i32_0 : i32, i32
  }
  func.func @transform_4(%arg0: i32) -> (i32, i32) {
    %c0_i32 = arith.constant 0 : i32
    %c0_i32_0 = arith.constant 0 : i32
    return %arg0, %c0_i32 : i32, i32
  }
}

</mosaic_0001>

<sc_bundles>
// kernel: kernel.12.cloned.1.call-start
scs
__scs_entry_jumppad:
0x0: {  	(pc) =	sbr.rel $0x88, $3  }
0x1: {  	(tag) =	ssettag $0x0;
	lr =	simm.s32 $0x1  }
0x2: {  	[smem:$0x3F8D] =	sst lr;
	_ =	strace $0xD0000000  }
0x3: {  	_ = 	snop  }
0x4: {  	_ = 	snop  }
0x5: {  	_ = 	snop  }
0x6: {  	_ = 	snop  }
0x7: {  	_ = 	snop  }
__scs_overlays_trampoline_lowered:
0x8: {  	[smem:$0x3F9C] =	sst s0  }
0x9: {  	[smem:$0x3F9D] =	sst s1  }
0xa: {  	[smem:$0x3F9E] =	sst s2  }
0xb: {  	[smem:$0x3F9F] =	sst s3  }
0xc: {  	[smem:$0x3FA0] =	sst s4  }
0xd: {  	[smem:$0x3FA1] =	sst s5  }
0xe: {  	[smem:$0x3FA2] =	sst s6  }
0xf: {  	[smem:$0x3FA3] =	sst s7  }
0x10: {  	[smem:$0x3FA4] =	sst s8  }
0x11: {  	[smem:$0x3FA5] =	sst s9;
	s0 =	simm.s32 @!p0 $0x0  }
0x12: {  	s1 =	sld [smem:$0x3F8B];
	s0 =	simm.s32 @p0 $0x1  }
0x13: {  	[smem:$0x3FA6] =	sst s0;
	s0 =	simm.s32 @!p1 $0x0  }
0x14: {  	s2 =	sld [smem:$0x3F8A];
	s0 =	simm.s32 @p1 $0x1  }
0x15: {  	[smem:$0x3FA7] =	sst s0;
	s0 =	simm.s32 @!p2 $0x0  }
0x16: {  	s3 =	sld [smem:$0x3FDB];
	s0 =	simm.s32 @p2 $0x1  }
0x17: {  	s4 =	simm.s32 $0x1BF5;
	[smem:$0x3FA9] =	sst s0  }
0x18: {  	s0 =	sld [smem:$0x3F8C];
	_ =	swait.ge [sflag:s4], $0x0  }
0x19: {  	s7 =	sld [smem:$0x3F8D]  }
0x1a: {  	s8 =	sadd.s32 $0xFFFFE003, lr  }
0x1b: {  	s9 =	sadd.s32 $0xFFFFFEF7, lr;
	s5 =	simm.s32 $0xFFFFFFFF;
	p2 =	slt.u32 s8, $0xFFFFF086  }
0x1c: {  	p1 =	slt.u32 s9, $0xF7A;
	s5 =	simm.s32 @!p2 $0x0  }
0x1d: {  	s5 =	simm.s32 @p1 $0x1;
	p0 =	seq.s32 s7, s2  }
0x1e: {  	s7 =	smul.u32 @!p0 $0xF7A, s2;
	p2 =	seq.s32 @!p0 s5, $0x0  }
0x1f: {  	s9 =	smul.u32 $0xF7A, s1;
	s8 =	simm.s32 @!p0 $0x1BF5;
	p2 =	por !p2, p0  }
0x20: {  	[sflag:s8] =	ssyncset.s32 @!p0 $0xFFFFF086;
	s6 =	sadd.s32 @!p0 s3, s7;
	s7 =	simm.s32 @!p0 $0x108  }
0x21: {  	s3 =	sadd.s32 s3, s9;
	s6 =	sadd.s32 @!p0 $0x88, s6;
	s7 =	simm.s32 @p2 $0x1082  }
0x22: {  	[simem:s7], [sflag:s8] =	dma.local @!p0 [hbm:s6], $0xF7A  }
0x23: {  	s9 =	sor.u32 $0xD0000000, s2;
	s6 =	simm.s32 $0x108;
	_ =	swait.ge @!p0 [sflag:s8], $0x0  }
0x24: {  	s3 =	sadd.s32 $0x88, s3;
	s6 =	simm.s32 @!p1 $0x1082;
	[sflag:s4] =	ssyncset.s32 $0xFFFFF086  }
0x25: {  	[simem:s6], [sflag:s4] =	dma.local [hbm:s3], $0xF7A  }
0x26: {  	[smem:$0x3F8D] =	sst s1;
	(tag) =	ssettag s2;
	_ =	strace s9  }
0x27: {  	s1 =	sld [smem:$0x3F9D]  }
0x28: {  	s2 =	sld [smem:$0x3F9E]  }
0x29: {  	s4 =	sld [smem:$0x3FA0]  }
0x2a: {  	p0 =	seq.s32 s5, $0x0;
	s5 =	sld [smem:$0x3FA1]  }
0x2b: {  	s6 =	sld [smem:$0x3FA2]  }
0x2c: {  	s7 =	sld [smem:$0x3FA3]  }
0x2d: {  	s3 =	simm.s32 $0x108;
	s8 =	sld [smem:$0x3FA4]  }
0x2e: {  	s3 =	simm.s32 @!p0 $0x1082;
	s9 =	sld [smem:$0x3FA5]  }
0x2f: {  	lr =	sadd.s32 s0, s3;
	s0 =	sld [smem:$0x3F9C]  }
0x30: {  	s3 =	sld [smem:$0x3F9F]  }
0x31: {  	[smem:$0x3FA8] =	sst s10  }
0x32: {  	s10 =	sld [smem:$0x3FA6];
	_ =	sdelay $0x3  }
0x33: {  	p0 =	seq.s32 s10, $0x1;
	s10 =	sld [smem:$0x3FA8];
	_ =	sdelay $0x3  }
0x34: {  	[smem:$0x3FA8] =	sst s10  }
0x35: {  	s10 =	sld [smem:$0x3FA7];
	_ =	sdelay $0x3  }
0x36: {  	p1 =	seq.s32 s10, $0x1;
	s10 =	sld [smem:$0x3FA8];
	_ =	sdelay $0x3  }
0x37: {  	[smem:$0x3FA8] =	sst s10  }
0x38: {  	s10 =	sld [smem:$0x3FA9]  }
0x39: {  	_ = 	snop;
	(pc) =	sbr.ind lr, $3  }
0x3a: {  	_ = 	snop  }
0x3b: {  	_ = 	snop  }
0x3c: {  	p2 =	seq.s32 s10, $0x1;
	s10 =	sld [smem:$0x3FA8]  }
0x3d: {  	_ =	shalt  }
0x3e: {  	_ =	shalt  }
0x3f: {  	_ =	shalt  }
0x40: {  	_ =	shalt  }
0x41: {  	_ =	shalt  }
0x42: {  	_ =	shalt  }
0x43: {  	_ =	shalt  }
0x44: {  	_ =	shalt  }
0x45: {  	_ =	shalt  }
0x46: {  	_ =	shalt  }
0x47: {  	_ =	shalt  }
0x48: {  	_ =	shalt  }
0x49: {  	_ =	shalt  }
0x4a: {  	_ =	shalt  }
0x4b: {  	_ =	shalt  }
0x4c: {  	_ =	shalt  }
0x4d: {  	_ =	shalt  }
0x4e: {  	_ =	shalt  }
0x4f: {  	_ =	shalt  }
0x50: {  	_ =	shalt  }
0x51: {  	_ =	shalt  }
0x52: {  	_ =	shalt  }
0x53: {  	_ =	shalt  }
0x54: {  	_ =	shalt  }
0x55: {  	_ =	shalt  }
0x56: {  	_ =	shalt  }
0x57: {  	_ =	shalt  }
0x58: {  	_ =	shalt  }
0x59: {  	_ =	shalt  }
0x5a: {  	_ =	shalt  }
0x5b: {  	_ =	shalt  }
0x5c: {  	_ =	shalt  }
0x5d: {  	_ =	shalt  }
0x5e: {  	_ =	shalt  }
0x5f: {  	_ =	shalt  }
0x60: {  	_ =	shalt  }
0x61: {  	_ =	shalt  }
0x62: {  	_ =	shalt  }
0x63: {  	_ =	shalt  }
0x64: {  	_ =	shalt  }
0x65: {  	_ =	shalt  }
0x66: {  	_ =	shalt  }
0x67: {  	_ =	shalt  }
0x68: {  	_ =	shalt  }
0x69: {  	_ =	shalt  }
0x6a: {  	_ =	shalt  }
0x6b: {  	_ =	shalt  }
0x6c: {  	_ =	shalt  }
0x6d: {  	_ =	shalt  }
0x6e: {  	_ =	shalt  }
0x6f: {  	_ =	shalt  }
0x70: {  	_ =	shalt  }
0x71: {  	_ =	shalt  }
0x72: {  	_ =	shalt  }
0x73: {  	_ =	shalt  }
0x74: {  	_ =	shalt  }
0x75: {  	_ =	shalt  }
0x76: {  	_ =	shalt  }
0x77: {  	_ =	shalt  }
0x78: {  	_ =	shalt  }
0x79: {  	_ =	shalt  }
0x7a: {  	_ =	shalt  }
0x7b: {  	_ =	shalt  }
0x7c: {  	_ =	shalt  }
0x7d: {  	_ =	shalt  }
0x7e: {  	_ =	shalt  }
0x7f: {  	_ =	shalt  }
0x80: {  	_ =	shalt  }
0x81: {  	_ =	shalt  }
0x82: {  	_ =	shalt  }
0x83: {  	_ =	shalt  }
0x84: {  	_ =	shalt  }
0x85: {  	_ =	shalt  }
0x86: {  	_ =	shalt  }
0x87: {  	_ =	shalt  }
.Lfunc_end0:
.L_simem_size_0:
called_computation_lowered:
.L_overlay_start_0:
0x88: {  	s2 =	sld [smem:$0x3FD9]  }
0x89: {  	s3 =	sld [smem:$0x3FFE];
	_ =	sdelay $0x1  }
0x8a: {  	s1 =	srdreg.scid  }
0x8b: {  	s0 =	sand.u32 $0x1, s1  }
0x8c: {  	s17 =	sshll.u32 s0, $0xA;
	s2 =	sadd.s32 s3, s2  }
0x8d: {  	s2 =	sadd.s32 s2, s17  }
0x8e: {  	[smem:$0x3FB4] =	sst s2  }
0x8f: {  	_ = 	snop  }
0x90: {  	s2 =	sld [smem:$0x3FC9]  }
0x91: {  	s18 =	sld [smem:$0x3FD0];
	(tm) =	ssettm $0x1  }
0x92: {  	s4 =	sld [smem:$0x3FFB];
	_ =	sdelay $0x3  }
0x93: {  	_ =	strace s4  }
0x94: {  	s4 =	sld [smem:$0x3FFC];
	_ =	sdelay $0x3  }
0x95: {  	_ =	strace s4  }
0x96: {  	s4 =	sld [smem:$0x3FFD];
	_ =	sdelay $0x3  }
0x97: {  	_ =	strace s4  }
0x98: {  	_ =	strace $0x8FFFFFFF  }
0x99: {  	s19 =	sld [smem:$0x3FDB];
	_ =	sdelay $0x1  }
0x9a: {  	s5 =	simm.s32 $_scs_section_size  }
0x9b: {  	s6 =	simm.s32 $_size__tile_overlayer_lowered;
	s7 =	simm.s32 $_tile_overlayer_lowered  }
0x9c: {  	s22 =	simm.s32 $0x1BFF;
	s21 =	sshll.u32 s7, $0x1;
	s4 =	sadd.s32 s5, s19  }
0x9d: {  	s8 =	simm.s32 $0x0;
	s20 =	sshll.u32 s6, $0x1;
	s6 =	sadd.s32 s21, s4  }
0x9e: {  	[timem:s8], [sflag:s22] =	dma.local [hbm:s6], s20  }
0x9f: {  	_ =	swait.ge [sflag:s22], s20  }
0xa0: {  	s5 =	ssub.s32 $0x0, s20;
	[sflag:s22] =	ssyncset.done $0x0  }
0xa1: {  	[sflag:s22] =	ssyncadd.s32 s5;
	_ =	sdelay $0x1  }
0xa2: {  	s23 =	simm.s32 $0x1B8B  }
0xa3: {  	_ =	swait.ge [sflag:s23], $0x1  }
0xa4: {  	[sflag:s23] =	ssyncset.done $0x0  }
0xa5: {  	s25 =	simm.s32 $0x1B8E;
	s24 =	sld [smem:$0x3FFE];
	[sflag:s23] =	ssyncadd.s32 $0xFFFFFFFF  }
0xa6: {  	s26 =	simm.s32 $execute0_lowered;
	[smem:$0x3FD2] =	sst s25  }
0xa7: {  	s6 =	sshll.u32 s26, $0x1;
	_ =	strace $0x80000046;
	[dreg:$0x1] =	wrdreg $0xFFFFFFFF  }
0xa8: {  	s28 =	simm.s32 $_size_execute0_lowered;
	s4 =	sadd.s32 s4, s6;
	[dreg:$0x0] =	wrdreg $0x0  }
0xa9: {  	s6 =	sshll.u32 s28, $0x1;
	[dreg:$0x2] =	wrdreg s4  }
0xaa: {  	[dreg:$0x3] =	wrdreg s6  }
0xab: {  	[dreg:$0x4] =	wrdreg $0xC0  }
0xac: {  	_ =	task [dreg:s8], $0x5FFFF  }
0xad: {  	[dreg:$0x1] =	wrdreg $0xFFFFFFFF  }
0xae: {  	[dreg:$0x0] =	wrdreg $0x60  }
0xaf: {  	[dreg:$0x2] =	wrdreg s2  }
0xb0: {  	[dreg:$0x3] =	wrdreg s18  }
0xb1: {  	[dreg:$0x4] =	wrdreg s24  }
0xb2: {  	[dreg:$0x5] =	wrdreg $0x0  }
0xb3: {  	[dreg:$0x6] =	wrdreg $0x9  }
0xb4: {  	_ =	task.clear_ibuf [dreg:s8], $0x7FFFF;
	_ =	strace $0x90000046  }
0xb5: {  	s29 =	simm.s32 $0x9;
	_ =	strace $0x80000048  }
0xb6: {  	_ =	swait.ge [sflag:s29], $0x1  }
0xb7: {  	[sflag:s29] =	ssyncadd.s32 $0xFFFFFFFF  }
0xb8: {  	_ =	strace $0x90000048  }
0xb9: {  	_ =	sfence  }
0xba: {  	s30 =	sld [smem:$0x0];
	_ =	sdelay $0x2  }
0xbb: {  	s31 =	sshll.u32 s1, $0xD;
	s1 =	sshrl.u32 s1, $0x2  }
0xbc: {  	s3 =	sand.u32 $0x4000, s31;
	s1 =	sadd.s32 s1, s30  }
0xbd: {  	s0 =	sor.u32 s3, s0;
	s1 =	sshll.u32 s1, $0x11  }
0xbe: {  	s0 =	sor.u32 s1, s0  }
0xbf: {  	s0 =	sadd.s32 $0x8F2B, s0  }
0xc0: {  	[sflag:s0] =	ssyncadd.remote.s32 $0x1  }
0xc1: {  	_ =	sfence.sel $0xFFFF  }
0xc2: {  	[dreg:$0x0] =	wrdreg $0xFFFFFFFF;
	(pc) =	sbr.abs _section_cstart, $3  }
0xc3: {  	[dreg:$0x1] =	wrdreg $0xFFFFFFFF  }
0xc4: {  	_ =	task.clear_ibuf [dreg:s8], $0x2FFFF;
	_ =	strace $0x9FFFFFFF  }
0xc5: {  	(tm) =	ssettm $0x7FFFFFFF  }
tec
execute0_lowered:
.L_overlay_start_1:
0x0: {  	(tag) =	ssettag $0x1  }
0x1: {  	s1 =	rddreg [dreg:$0x0]  }
0x2: {  	s0 =	rddreg [dreg:$0x1]  }
0x3: {  	s4 =	rddreg [dreg:$0x2]  }
0x4: {  	s2 =	rddreg [dreg:$0x3];
	s3 =	simm.s32 $0x0;
	s5 =	srdreg.scid  }
0x5: {  	s17 =	stileid.u32;
	s28 =	simm.s32 $0x1;
	s30 =	simm.s32 $0x19000  }
0x6: {  	s29 =	simm.s32 $0x14500;
	s31 =	simm.s32 $0x14D00;
	[smem:$0x7FF] =	sst s3  }
0x7: {  	s6 =	sadd.s32 $0x4E00, s4;
	s5 =	sand.u32 $0x1, s5;
	s8 =	smul.u32 $0x280, s17  }
0x8: {  	s7 =	sadd.s32 $0xEE00, s4;
	s4 =	sadd.s32 $0xF600, s4;
	s10 =	smul.u32 $0x50000, s17  }
0x9: {  	_ =	strace $0x80000047;
	[dreg:$0x5] =	wrdreg s7;
	s16 =	smul.u32 $0x2800, s5  }
0xa: {  	s21 =	ssub.s32 $0x2, s5;
	s22 =	sshll.u32 s5, $0x4;
	s5 =	smul.u32 $0x5000, s5  }
0xb: {  	s9 =	sshrl.u32 s21, $0x1;
	s11 =	sadd.s32 $0x80, s8;
	s10 =	sshrl.u32 s10, $0x2  }
0xc: {  	s23 =	sadd.s32 $0x100, s8;
	s13 =	sadd.s32 $0x180, s8;
	s15 =	sadd.s32 $0x200, s8  }
0xd: {  	s7 =	ssub.s32 s21, s9;
	s9 =	sor.u32 s17, s22;
	s12 =	sshll.u32 s11, $0x7  }
0xe: {  	s18 =	sadd.s32 s10, s2;
	s24 =	sshll.u32 s23, $0x7;
	s14 =	sshll.u32 s13, $0x7  }
0xf: {  	s25 =	sshll.u32 s15, $0x7;
	s8 =	sadd.s32 s8, s16;
	s26 =	sadd.s32 s16, s11  }
0x10: {  	s11 =	sadd.s32 s16, s23;
	s23 =	sadd.s32 s16, s15;
	s15 =	simm.s32 $0x14F00  }
0x11: {  	s21 =	sadd.s32 s12, s2;
	s9 =	smul.u32 $0x500, s9;
	s19 =	sadd.s32 s24, s2  }
0x12: {  	s14 =	sadd.s32 s14, s2;
	s12 =	sadd.s32 s25, s2;
	s8 =	sshll.u32 s8, $0x4  }
0x13: {  	s24 =	smul.u32 $0x500, s17;
	s17 =	simm.s32 $0x14F80;
	[dreg:$0x6] =	wrdreg s18  }
0x14: {  	s8 =	sadd.s32 s4, s8;
	s10 =	smov.u32 s21;
	s21 =	sadd.s32 s16, s13  }
0x15: {  	s13 =	simm.s32 $0x14E80;
	s16 =	simm.s32 $0x14780;
	s20 =	sadd.s32 s0, s9  }
0x16: {  	s9 =	sadd.s32 s6, s9;
	[dreg:$0x9] =	wrdreg s8;
	s22 =	sshll.u32 s21, $0x4  }
0x17: {  	s6 =	sadd.s32 s5, s6;
	s0 =	sadd.s32 s5, s0;
	[dreg:$0x7] =	wrdreg s20  }
0x18: {  	s21 =	simm.s32 $0x15000;
	s5 =	simm.s32 $0x14600;
	[dreg:$0x8] =	wrdreg s9  }
0x19: {  	s9 =	sshll.u32 s26, $0x4;
	s20 =	sshll.u32 s11, $0x4;
	s25 =	sadd.s32 s24, s6  }
0x1a: {  	s0 =	sadd.s32 s24, s0;
	s26 =	smax.u32 s7, $0x1;
	s7 =	smov.u32 s19  }
0x1b: {  	s24 =	simm.s32 $0x14000;
	s11 =	simm.s32 $0x14E00;
	s6 =	simm.s32 $0x0  }
0x1c: {  	s8 =	sadd.s32 s4, s9;
	s9 =	smov.u32 s12;
	[dreg:$0xe] =	wrdreg s26  }
0x1d: {  	s19 =	sadd.s32 $0x100, s25;
	s25 =	simm.s32 $0x14800;
	[dreg:$0xf] =	wrdreg s6  }
0x1e: {  	s26 =	simm.s32 $0x80;
	s12 =	simm.s32 $0x14680;
	[dreg:$0xa] =	wrdreg s8  }
.Ltmp0:
0x1f: {  	s8 =	sadd.s32 s4, s20;
	s20 =	sadd.s32 $0x100, s0;
	(pc) =	sbr.rel .LBB2_1-.Ltmp0, $4  }
0x20: {  	s0 =	simm.s32 $0x14580;
	[dreg:$0xb] =	wrdreg s8;
	s8 =	sadd.s32 s4, s22  }
0x21: {  	s22 =	simm.s32 $0x3;
	[dreg:$0xc] =	wrdreg s8;
	s8 =	sshll.u32 s23, $0x4  }
0x22: {  	s23 =	simm.s32 $0x2;
	s4 =	sadd.s32 s4, s8;
	s8 =	smov.u32 s14  }
0x23: {  	s14 =	simm.s32 $0x14700;
	[dreg:$0xd] =	wrdreg s4;
	s4 =	simm.s32 $0x14D80  }
.LBB2_4:
0x24: {  	[bflag:$0x0] =	sbarrier.arrive $0xFFFF  }
0x25: {  	s10 =	rddreg [dreg:$0x6]  }
0x26: {  	[tilespmem:s21], [sflag:$0x3] =	stream.linear.gather [spmem:s10], $0x4000, $0x38;
	[tilespmem:$0x1D000] =	vst v63  }
0x27: {  	_ =	swait.ge [sflag:s22], $0x4000  }
0x28: {  	[sflag:s22] =	ssyncset.done $0x0  }
0x29: {  	s18 =	rddreg [dreg:$0x9];
	[sflag:s22] =	ssyncadd.s32 $0xFFFFC000  }
0x2a: {  	[hbm4b:s18+s3] =	stream.linear.scatter [tilespmem:s21], [sflag:$0x1], $0x4000, $0x38;
	[tilespmem:$0x1D000] =	vst v63  }
0x2b: {  	_ = 	snop  }
0x2c: {  	[tilespmem:s30], [sflag:$0x3] =	stream.linear.gather [spmem:s6], $0x4000, $0x38;
	[tilespmem:$0x1D000] =	vst v63  }
0x2d: {  	_ =	swait.ge [sflag:s22], $0x4000  }
0x2e: {  	[sflag:s22] =	ssyncset.done $0x0  }
0x2f: {  	s18 =	rddreg [dreg:$0xa];
	[sflag:s22] =	ssyncadd.s32 $0xFFFFC000  }
0x30: {  	[hbm4b:s18+s3] =	stream.linear.scatter [tilespmem:s30], [sflag:$0x1], $0x4000, $0x38;
	[tilespmem:$0x1D000] =	vst v63  }
0x31: {  	_ =	swait.ge [sflag:s28], $0x4000  }
0x32: {  	[sflag:s28] =	ssyncset.done $0x0  }
0x33: {  	[sflag:s28] =	ssyncadd.s32 $0xFFFFC000  }
0x34: {  	[tilespmem:s21], [sflag:$0x3] =	stream.linear.gather [spmem:s7], $0x4000, $0x38;
	[tilespmem:$0x1D000] =	vst v63  }
0x35: {  	_ =	swait.ge [sflag:s22], $0x4000  }
0x36: {  	[sflag:s22] =	ssyncset.done $0x0  }
0x37: {  	s18 =	rddreg [dreg:$0xb];
	[sflag:s22] =	ssyncadd.s32 $0xFFFFC000  }
0x38: {  	[hbm4b:s18+s3] =	stream.linear.scatter [tilespmem:s21], [sflag:$0x1], $0x4000, $0x38;
	[tilespmem:$0x1D000] =	vst v63  }
0x39: {  	_ =	swait.ge [sflag:s28], $0x4000  }
0x3a: {  	[sflag:s28] =	ssyncset.done $0x0  }
0x3b: {  	[sflag:s28] =	ssyncadd.s32 $0xFFFFC000  }
0x3c: {  	[tilespmem:s30], [sflag:$0x3] =	stream.linear.gather [spmem:s8], $0x4000, $0x38;
	[tilespmem:$0x1D000] =	vst v63  }
0x3d: {  	_ =	swait.ge [sflag:s22], $0x4000  }
0x3e: {  	[sflag:s22] =	ssyncset.done $0x0  }
0x3f: {  	s18 =	rddreg [dreg:$0xc];
	[sflag:s22] =	ssyncadd.s32 $0xFFFFC000  }
0x40: {  	[hbm4b:s18+s3] =	stream.linear.scatter [tilespmem:s30], [sflag:$0x1], $0x4000, $0x38;
	[tilespmem:$0x1D000] =	vst v63  }
0x41: {  	_ =	swait.ge [sflag:s28], $0x4000  }
0x42: {  	[sflag:s28] =	ssyncset.done $0x0  }
0x43: {  	[sflag:s28] =	ssyncadd.s32 $0xFFFFC000  }
0x44: {  	[tilespmem:s21], [sflag:$0x3] =	stream.linear.gather [spmem:s9], $0x4000, $0x38;
	[tilespmem:$0x1D000] =	vst v63  }
0x45: {  	_ =	swait.ge [sflag:s22], $0x4000  }
0x46: {  	[sflag:s22] =	ssyncset.done $0x0  }
0x47: {  	s18 =	rddreg [dreg:$0xd];
	[sflag:s22] =	ssyncadd.s32 $0xFFFFC000  }
0x48: {  	[hbm4b:s18+s3] =	stream.linear.scatter [tilespmem:s21], [sflag:$0x1], $0x4000, $0x38;
	[tilespmem:$0x1D000] =	vst v63  }
0x49: {  	_ =	swait.ge [sflag:s28], $0x4000  }
0x4a: {  	[sflag:s28] =	ssyncset.done $0x0  }
0x4b: {  	[sflag:s28] =	ssyncadd.s32 $0xFFFFC000  }
0x4c: {  	_ =	swait.ge [sflag:s28], $0x4000  }
0x4d: {  	s18 =	rddreg [dreg:$0xf]  }
0x4e: {  	s10 =	rddreg [dreg:$0xe];
	s18 =	sadd.s32 $0x1, s18  }
0x4f: {  	p0 =	sne.s32 s18, s10  }
.Ltmp1:
0x50: {  	_ = 	snop;
	(pc) =	sbr.rel @!p0 .LBB2_5-.Ltmp1, $3  }
0x51: {  	_ =	sdelay $0x1  }
0x52: {  	[sflag:s28] =	ssyncset.done $0x0;
	[dreg:$0xf] =	wrdreg s18  }
0x53: {  	[sflag:s28] =	ssyncadd.s32 $0xFFFFC000;
	s18 =	rddreg [dreg:$0x6];
	s10 =	smov.u32 s6  }
.LBB2_1:
0x54: {  	s6 =	rddreg [dreg:$0x5]  }
0x55: {  	[tilespmem:s21], [sflag:$0x3] =	stream.linear.gather [hbm4b:s6+s3], $0x4000, $0x38;
	[tilespmem:$0x1D000] =	vst v63  }
0x56: {  	_ =	swait.ge [sflag:s22], $0x4000  }
0x57: {  	[sflag:s22] =	ssyncset.done $0x0  }
0x58: {  	[sflag:s22] =	ssyncadd.s32 $0xFFFFC000  }
0x59: {  	[spmem:s18] =	stream.linear.scatter [tilespmem:s21], [sflag:$0x2], $0x4000, $0x38;
	[tilespmem:$0x1D000] =	vst v63  }
0x5a: {  	_ = 	snop  }
0x5b: {  	[spmem:s10] =	stream.linear.scatter [tilespmem:s21], [sflag:$0x2], $0x4000, $0x38;
	[tilespmem:$0x1D000] =	vst v63  }
0x5c: {  	_ = 	snop  }
0x5d: {  	[spmem:s7] =	stream.linear.scatter [tilespmem:s21], [sflag:$0x2], $0x4000, $0x38;
	[tilespmem:$0x1D000] =	vst v63  }
0x5e: {  	_ = 	snop  }
0x5f: {  	[spmem:s8] =	stream.linear.scatter [tilespmem:s21], [sflag:$0x2], $0x4000, $0x38;
	[tilespmem:$0x1D000] =	vst v63  }
0x60: {  	_ = 	snop  }
0x61: {  	[spmem:s9] =	stream.linear.scatter [tilespmem:s21], [sflag:$0x2], $0x4000, $0x38;
	[tilespmem:$0x1D000] =	vst v63  }
0x62: {  	_ =	swait.ge [sflag:s23], $0x4000  }
0x63: {  	[sflag:s23] =	ssyncset.done $0x0  }
0x64: {  	[sflag:s23] =	ssyncadd.s32 $0xFFFFC000  }
0x65: {  	_ =	swait.ge [sflag:s23], $0x4000  }
0x66: {  	[sflag:s23] =	ssyncset.done $0x0  }
0x67: {  	[sflag:s23] =	ssyncadd.s32 $0xFFFFC000  }
0x68: {  	_ =	swait.ge [sflag:s23], $0x4000  }
0x69: {  	[sflag:s23] =	ssyncset.done $0x0  }
0x6a: {  	[sflag:s23] =	ssyncadd.s32 $0xFFFFC000  }
0x6b: {  	_ =	swait.ge [sflag:s23], $0x4000  }
0x6c: {  	[sflag:s23] =	ssyncset.done $0x0  }
0x6d: {  	[sflag:s23] =	ssyncadd.s32 $0xFFFFC000  }
0x6e: {  	_ =	swait.ge [sflag:s23], $0x4000  }
0x6f: {  	[sflag:s23] =	ssyncset.done $0x0  }
0x70: {  	s18 =	rddreg [dreg:$0x7];
	[sflag:s23] =	ssyncadd.s32 $0xFFFFC000  }
0x71: {  	[tilespmem:s24], [sflag:$0x3] =	stream.linear.gather [hbm4b:s18+s3], $0x800, $0x38;
	[tilespmem:$0x1D000] =	vst v63  }
0x72: {  	_ =	swait.ge [sflag:s22], $0x800  }
0x73: {  	[sflag:s22] =	ssyncset.done $0x0  }
0x74: {  	s18 =	rddreg [dreg:$0x8];
	[sflag:s22] =	ssyncadd.s32 $0xFFFFF800  }
0x75: {  	[tilespmem:s25], [sflag:$0x3] =	stream.linear.gather [hbm4b:s18+s3], $0x800, $0x38;
	[tilespmem:$0x1D000] =	vst v63  }
0x76: {  	_ =	swait.ge [sflag:s22], $0x800  }
0x77: {  	[sflag:s22] =	ssyncset.done $0x0  }
0x78: {  	[sflag:s22] =	ssyncadd.s32 $0xFFFFF800  }
0x79: {  	[tilespmem:s21], [sflag:$0x1] =	stream.indirect.gather [hbm4b:s1+s26], $0x80, s24, s26, $0xb8;
	[tilespmem:$0x1D000] =	vst v63  }
0x7a: {  	s6 =	smov.u32 s10;
	s18 =	simm.s32 $0x0;
	[bflag:$0x0] =	sbarrier.arrive $0xFFFF  }
.LBB2_2:
0x7b: {  	_ =	swait.ge [sflag:s28], $0x4000  }
0x7c: {  	[sflag:s28] =	ssyncset.done $0x0  }
0x7d: {  	[sflag:s28] =	ssyncadd.s32 $0xFFFFC000  }
0x7e: {  	[spmem:s2] =	stream.indirect.scatter.add.f32 [tilespmem:s21], [sflag:$0x2], $0x80, s25, s26, $0xb8;
	[tilespmem:$0x1D000] =	vst v63  }
0x7f: {  	s10 =	simm.s32 $0x14080  }
0x80: {  	[tilespmem:s30], [sflag:$0x1] =	stream.indirect.gather [hbm4b:s1+s26], $0x80, s10, s26, $0xb8;
	[tilespmem:$0x1D000] =	vst v63  }
0x81: {  	_ =	swait.ge [sflag:s28], $0x4000  }
0x82: {  	[sflag:s28] =	ssyncset.done $0x0  }
0x83: {  	s10 =	simm.s32 $0x14880;
	[sflag:s28] =	ssyncadd.s32 $0xFFFFC000  }
0x84: {  	[spmem:s2] =	stream.indirect.scatter.add.f32 [tilespmem:s30], [sflag:$0x2], $0x80, s10, s26, $0xb8;
	[tilespmem:$0x1D000] =	vst v63  }
0x85: {  	_ =	swait.ge [sflag:s23], $0x4000  }
0x86: {  	[sflag:s23] =	ssyncset.done $0x0  }
0x87: {  	s10 =	simm.s32 $0x14100;
	[sflag:s23] =	ssyncadd.s32 $0xFFFFC000  }
0x88: {  	[tilespmem:s21], [sflag:$0x1] =	stream.indirect.gather [hbm4b:s1+s26], $0x80, s10, s26, $0xb8;
	[tilespmem:$0x1D000] =	vst v63  }
0x89: {  	_ =	swait.ge [sflag:s28], $0x4000  }
0x8a: {  	[sflag:s28] =	ssyncset.done $0x0  }
0x8b: {  	s10 =	simm.s32 $0x14900;
	[sflag:s28] =	ssyncadd.s32 $0xFFFFC000  }
0x8c: {  	[spmem:s2] =	stream.indirect.scatter.add.f32 [tilespmem:s21], [sflag:$0x2], $0x80, s10, s26, $0xb8;
	[tilespmem:$0x1D000] =	vst v63  }
0x8d: {  	_ =	swait.ge [sflag:s23], $0x4000  }
0x8e: {  	[sflag:s23] =	ssyncset.done $0x0  }
0x8f: {  	s10 =	simm.s32 $0x14180;
	[sflag:s23] =	ssyncadd.s32 $0xFFFFC000  }
0x90: {  	[tilespmem:s30], [sflag:$0x1] =	stream.indirect.gather [hbm4b:s1+s26], $0x80, s10, s26, $0xb8;
	[tilespmem:$0x1D000] =	vst v63  }
0x91: {  	_ =	swait.ge [sflag:s28], $0x4000  }
0x92: {  	[sflag:s28] =	ssyncset.done $0x0  }
0x93: {  	s10 =	simm.s32 $0x14980;
	[sflag:s28] =	ssyncadd.s32 $0xFFFFC000  }
0x94: {  	[spmem:s2] =	stream.indirect.scatter.add.f32 [tilespmem:s30], [sflag:$0x2], $0x80, s10, s26, $0xb8;
	[tilespmem:$0x1D000] =	vst v63  }
0x95: {  	_ =	swait.ge [sflag:s23], $0x4000  }
0x96: {  	[sflag:s23] =	ssyncset.done $0x0  }
0x97: {  	s10 =	simm.s32 $0x14200;
	[sflag:s23] =	ssyncadd.s32 $0xFFFFC000  }
0x98: {  	[tilespmem:s21], [sflag:$0x1] =	stream.indirect.gather [hbm4b:s1+s26], $0x80, s10, s26, $0xb8;
	[tilespmem:$0x1D000] =	vst v63  }
0x99: {  	_ =	swait.ge [sflag:s28], $0x4000  }
0x9a: {  	[sflag:s28] =	ssyncset.done $0x0  }
0x9b: {  	s10 =	simm.s32 $0x14A00;
	[sflag:s28] =	ssyncadd.s32 $0xFFFFC000  }
0x9c: {  	[spmem:s2] =	stream.indirect.scatter.add.f32 [tilespmem:s21], [sflag:$0x2], $0x80, s10, s26, $0xb8;
	[tilespmem:$0x1D000] =	vst v63  }
0x9d: {  	_ =	swait.ge [sflag:s23], $0x4000  }
0x9e: {  	[sflag:s23] =	ssyncset.done $0x0  }
0x9f: {  	s10 =	simm.s32 $0x14280;
	[sflag:s23] =	ssyncadd.s32 $0xFFFFC000  }
0xa0: {  	[tilespmem:s30], [sflag:$0x1] =	stream.indirect.gather [hbm4b:s1+s26], $0x80, s10, s26, $0xb8;
	[tilespmem:$0x1D000] =	vst v63  }
0xa1: {  	_ =	swait.ge [sflag:s28], $0x4000  }
0xa2: {  	[sflag:s28] =	ssyncset.done $0x0  }
0xa3: {  	s10 =	simm.s32 $0x14A80;
	[sflag:s28] =	ssyncadd.s32 $0xFFFFC000  }
0xa4: {  	[spmem:s2] =	stream.indirect.scatter.add.f32 [tilespmem:s30], [sflag:$0x2], $0x80, s10, s26, $0xb8;
	[tilespmem:$0x1D000] =	vst v63  }
0xa5: {  	_ =	swait.ge [sflag:s23], $0x4000  }
0xa6: {  	[sflag:s23] =	ssyncset.done $0x0  }
0xa7: {  	s10 =	simm.s32 $0x14300;
	[sflag:s23] =	ssyncadd.s32 $0xFFFFC000  }
0xa8: {  	[tilespmem:s21], [sflag:$0x1] =	stream.indirect.gather [hbm4b:s1+s26], $0x80, s10, s26, $0xb8;
	[tilespmem:$0x1D000] =	vst v63  }
0xa9: {  	_ =	swait.ge [sflag:s28], $0x4000  }
0xaa: {  	[sflag:s28] =	ssyncset.done $0x0  }
0xab: {  	s10 =	simm.s32 $0x14B00;
	[sflag:s28] =	ssyncadd.s32 $0xFFFFC000  }
0xac: {  	[spmem:s2] =	stream.indirect.scatter.add.f32 [tilespmem:s21], [sflag:$0x2], $0x80, s10, s26, $0xb8;
	[tilespmem:$0x1D000] =	vst v63  }
0xad: {  	_ =	swait.ge [sflag:s23], $0x4000  }
0xae: {  	[sflag:s23] =	ssyncset.done $0x0  }
0xaf: {  	s10 =	simm.s32 $0x14380;
	[sflag:s23] =	ssyncadd.s32 $0xFFFFC000  }
0xb0: {  	[tilespmem:s30], [sflag:$0x1] =	stream.indirect.gather [hbm4b:s1+s26], $0x80, s10, s26, $0xb8;
	[tilespmem:$0x1D000] =	vst v63  }
0xb1: {  	_ =	swait.ge [sflag:s28], $0x4000  }
0xb2: {  	[sflag:s28] =	ssyncset.done $0x0  }
0xb3: {  	s10 =	simm.s32 $0x14B80;
	[sflag:s28] =	ssyncadd.s32 $0xFFFFC000  }
0xb4: {  	[spmem:s2] =	stream.indirect.scatter.add.f32 [tilespmem:s30], [sflag:$0x2], $0x80, s10, s26, $0xb8;
	[tilespmem:$0x1D000] =	vst v63  }
0xb5: {  	_ =	swait.ge [sflag:s23], $0x4000  }
0xb6: {  	[sflag:s23] =	ssyncset.done $0x0  }
0xb7: {  	s10 =	simm.s32 $0x14400;
	[sflag:s23] =	ssyncadd.s32 $0xFFFFC000  }
0xb8: {  	[tilespmem:s21], [sflag:$0x1] =	stream.indirect.gather [hbm4b:s1+s26], $0x80, s10, s26, $0xb8;
	[tilespmem:$0x1D000] =	vst v63  }
0xb9: {  	_ =	swait.ge [sflag:s28], $0x4000  }
0xba: {  	[sflag:s28] =	ssyncset.done $0x0  }
0xbb: {  	s10 =	simm.s32 $0x14C00;
	[sflag:s28] =	ssyncadd.s32 $0xFFFFC000  }
0xbc: {  	[spmem:s2] =	stream.indirect.scatter.add.f32 [tilespmem:s21], [sflag:$0x2], $0x80, s10, s26, $0xb8;
	[tilespmem:$0x1D000] =	vst v63  }
0xbd: {  	_ =	swait.ge [sflag:s23], $0x4000  }
0xbe: {  	[sflag:s23] =	ssyncset.done $0x0  }
0xbf: {  	s10 =	simm.s32 $0x14480;
	[sflag:s23] =	ssyncadd.s32 $0xFFFFC000  }
0xc0: {  	[tilespmem:s30], [sflag:$0x1] =	stream.indirect.gather [hbm4b:s1+s26], $0x80, s10, s26, $0xb8;
	[tilespmem:$0x1D000] =	vst v63  }
0xc1: {  	_ =	swait.ge [sflag:s28], $0x4000  }
0xc2: {  	[sflag:s28] =	ssyncset.done $0x0  }
0xc3: {  	s10 =	simm.s32 $0x14C80;
	[sflag:s28] =	ssyncadd.s32 $0xFFFFC000  }
0xc4: {  	[spmem:s2] =	stream.indirect.scatter.add.f32 [tilespmem:s30], [sflag:$0x2], $0x80, s10, s26, $0xb8;
	[tilespmem:$0x1D000] =	vst v63  }
0xc5: {  	_ =	swait.ge [sflag:s23], $0x4000  }
0xc6: {  	[sflag:s23] =	ssyncset.done $0x0  }
0xc7: {  	[sflag:s23] =	ssyncadd.s32 $0xFFFFC000  }
0xc8: {  	[tilespmem:s21], [sflag:$0x1] =	stream.indirect.gather [hbm4b:s1+s26], $0x80, s29, s26, $0xb8;
	[tilespmem:$0x1D000] =	vst v63  }
0xc9: {  	_ =	swait.ge [sflag:s28], $0x4000  }
0xca: {  	[sflag:s28] =	ssyncset.done $0x0  }
0xcb: {  	[sflag:s28] =	ssyncadd.s32 $0xFFFFC000  }
0xcc: {  	[spmem:s2] =	stream.indirect.scatter.add.f32 [tilespmem:s21], [sflag:$0x2], $0x80, s31, s26, $0xb8;
	[tilespmem:$0x1D000] =	vst v63  }
0xcd: {  	_ =	swait.ge [sflag:s23], $0x4000  }
0xce: {  	[sflag:s23] =	ssyncset.done $0x0  }
0xcf: {  	[sflag:s23] =	ssyncadd.s32 $0xFFFFC000  }
0xd0: {  	[tilespmem:s30], [sflag:$0x1] =	stream.indirect.gather [hbm4b:s1+s26], $0x80, s0, s26, $0xb8;
	[tilespmem:$0x1D000] =	vst v63  }
0xd1: {  	_ =	swait.ge [sflag:s28], $0x4000  }
0xd2: {  	[sflag:s28] =	ssyncset.done $0x0  }
0xd3: {  	[sflag:s28] =	ssyncadd.s32 $0xFFFFC000  }
0xd4: {  	[spmem:s2] =	stream.indirect.scatter.add.f32 [tilespmem:s30], [sflag:$0x2], $0x80, s4, s26, $0xb8;
	[tilespmem:$0x1D000] =	vst v63  }
0xd5: {  	_ =	swait.ge [sflag:s23], $0x4000  }
0xd6: {  	[sflag:s23] =	ssyncset.done $0x0  }
0xd7: {  	[sflag:s23] =	ssyncadd.s32 $0xFFFFC000  }
0xd8: {  	[tilespmem:s21], [sflag:$0x1] =	stream.indirect.gather [hbm4b:s1+s26], $0x80, s5, s26, $0xb8;
	[tilespmem:$0x1D000] =	vst v63  }
0xd9: {  	_ =	swait.ge [sflag:s28], $0x4000  }
0xda: {  	[sflag:s28] =	ssyncset.done $0x0  }
0xdb: {  	[sflag:s28] =	ssyncadd.s32 $0xFFFFC000  }
0xdc: {  	[spmem:s2] =	stream.indirect.scatter.add.f32 [tilespmem:s21], [sflag:$0x2], $0x80, s11, s26, $0xb8;
	[tilespmem:$0x1D000] =	vst v63  }
0xdd: {  	_ =	swait.ge [sflag:s23], $0x4000  }
0xde: {  	[sflag:s23] =	ssyncset.done $0x0  }
0xdf: {  	[sflag:s23] =	ssyncadd.s32 $0xFFFFC000  }
0xe0: {  	[tilespmem:s30], [sflag:$0x1] =	stream.indirect.gather [hbm4b:s1+s26], $0x80, s12, s26, $0xb8;
	[tilespmem:$0x1D000] =	vst v63  }
0xe1: {  	_ =	swait.ge [sflag:s28], $0x4000  }
0xe2: {  	[sflag:s28] =	ssyncset.done $0x0  }
0xe3: {  	[sflag:s28] =	ssyncadd.s32 $0xFFFFC000  }
0xe4: {  	[spmem:s2] =	stream.indirect.scatter.add.f32 [tilespmem:s30], [sflag:$0x2], $0x80, s13, s26, $0xb8;
	[tilespmem:$0x1D000] =	vst v63  }
0xe5: {  	_ =	swait.ge [sflag:s23], $0x4000  }
0xe6: {  	[sflag:s23] =	ssyncset.done $0x0  }
0xe7: {  	[sflag:s23] =	ssyncadd.s32 $0xFFFFC000  }
0xe8: {  	[tilespmem:s21], [sflag:$0x1] =	stream.indirect.gather [hbm4b:s1+s26], $0x80, s14, s26, $0xb8;
	[tilespmem:$0x1D000] =	vst v63  }
0xe9: {  	_ =	swait.ge [sflag:s28], $0x4000  }
0xea: {  	[sflag:s28] =	ssyncset.done $0x0  }
0xeb: {  	[sflag:s28] =	ssyncadd.s32 $0xFFFFC000  }
0xec: {  	[spmem:s2] =	stream.indirect.scatter.add.f32 [tilespmem:s21], [sflag:$0x2], $0x80, s15, s26, $0xb8;
	[tilespmem:$0x1D000] =	vst v63  }
0xed: {  	_ =	swait.ge [sflag:s23], $0x4000  }
0xee: {  	[sflag:s23] =	ssyncset.done $0x0  }
0xef: {  	[sflag:s23] =	ssyncadd.s32 $0xFFFFC000  }
0xf0: {  	[tilespmem:s30], [sflag:$0x1] =	stream.indirect.gather [hbm4b:s1+s26], $0x80, s16, s26, $0xb8;
	[tilespmem:$0x1D000] =	vst v63  }
0xf1: {  	_ =	swait.ge [sflag:s28], $0x4000  }
0xf2: {  	[sflag:s28] =	ssyncset.done $0x0  }
0xf3: {  	[sflag:s28] =	ssyncadd.s32 $0xFFFFC000  }
0xf4: {  	[spmem:s2] =	stream.indirect.scatter.add.f32 [tilespmem:s30], [sflag:$0x2], $0x80, s17, s26, $0xb8;
	[tilespmem:$0x1D000] =	vst v63  }
0xf5: {  	p0 =	seq.s32 s18, $0x400;
	_ =	swait.ge [sflag:s23], $0x4000  }
.Ltmp2:
0xf6: {  	[sflag:s23] =	ssyncset.done $0x0;
	(pc) =	sbr.rel @p0 .LBB2_4-.Ltmp2, $4  }
0xf7: {  	[sflag:s23] =	ssyncadd.s32 $0xFFFFC000  }
0xf8: {  	_ =	swait.ge [sflag:s23], $0x4000  }
0xf9: {  	[sflag:s23] =	ssyncset.done $0x0  }
0xfa: {  	[sflag:s23] =	ssyncadd.s32 $0xFFFFC000  }
0xfb: {  	s10 =	smov.u32 s9;
	s9 =	smov.u32 s8  }
0xfc: {  	s8 =	smov.u32 s7;
	s7 =	smov.u32 s6;
	s6 =	sadd.s32 s18, s20  }
0xfd: {  	[tilespmem:s24], [sflag:$0x3] =	stream.linear.gather [hbm4b:s6+s3], $0x800, $0x38;
	[tilespmem:$0x1D000] =	vst v63  }
0xfe: {  	_ =	swait.ge [sflag:s22], $0x800  }
0xff: {  	[sflag:s22] =	ssyncset.done $0x0  }
0x100: {  	s6 =	sadd.s32 s18, s19;
	[sflag:s22] =	ssyncadd.s32 $0xFFFFF800  }
0x101: {  	[tilespmem:s25], [sflag:$0x3] =	stream.linear.gather [hbm4b:s6+s3], $0x800, $0x38;
	[tilespmem:$0x1D000] =	vst v63  }
.Ltmp3:
0x102: {  	_ = 	snop;
	(pc) =	sbr.rel .LBB2_2-.Ltmp3, $4  }
0x103: {  	s18 =	sadd.s32 $0x100, s18;
	_ =	swait.ge [sflag:s22], $0x800  }
0x104: {  	s6 =	smov.u32 s7;
	s7 =	smov.u32 s8;
	[sflag:s22] =	ssyncset.done $0x0  }
0x105: {  	s8 =	smov.u32 s9;
	s9 =	smov.u32 s10;
	[sflag:s22] =	ssyncadd.s32 $0xFFFFF800  }
0x106: {  	[tilespmem:s21], [sflag:$0x1] =	stream.indirect.gather [hbm4b:s1+s26], $0x80, s24, s26, $0xb8;
	[tilespmem:$0x1D000] =	vst v63  }
.LBB2_5:
0x107: {  	_ =	sfence.sel $0x180000  }
0x108: {  	[bflag:$0x0] =	sbarrier.arrive $0xFFFF  }
0x109: {  	_ =	strace $0x90000047  }
0x10a: {  	s0 =	stileid.u32;
	[bflag:$0x2] =	sbarrier.arrive $0xFFFF  }
0x10b: {  	p0 =	sne.s32 s0, $0x0;
	s0 =	rddreg [dreg:$0x4]  }
0x10c: {  	s0 =	sadd.s32 @!p0 $0x100000, s0  }
0x10d: {  	[sflag:s0] =	ssyncadd.tile.s32 @!p0 $0x1;
	_ =	shalt  }
.Lfunc_end2:
_tile_overlayer_lowered:
.L_overlay_start_2:
0x10e: {  	(tag) =	ssettag $0x2  }
0x10f: {  	s0 =	rddreg [dreg:$0x0];
	s2 =	stileid.u32  }
0x110: {  	s1 =	rddreg [dreg:$0x1];
	p0 =	sne.s32 s2, $0x0  }
0x111: {  	s3 =	rddreg [dreg:$0x2];
	[bflag:$0x3] =	sbarrier.arrive $0xFFFF;
	s2 =	simm.s32 @!p0 $0x1C03  }
0x112: {  	[timem:s3], [sflag:s2] =	dma.local @!p0 [hbm:s0], s1  }
0x113: {  	s0 =	simm.s32 @!p0 $0x3  }
0x114: {  	_ =	swait.ge @!p0 [sflag:s0], s1  }
0x115: {  	s1 =	ssub.s32 @!p0 $0x0, s1;
	[sflag:s0] =	ssyncset.done @!p0 $0x0  }
0x116: {  	[sflag:s0] =	ssyncadd.s32 @!p0 s1  }
0x117: {  	[bflag:$0x3] =	sbarrier.arrive $0xFFFF  }
0x118: {  	_ =	shalt  }

// kernel: kernel.15.cloned.1.call-start
scs
__scs_entry_jumppad:
0x0: {  	(pc) =	sbr.rel $0x88, $3  }
0x1: {  	(tag) =	ssettag $0x0;
	lr =	simm.s32 $0x1  }
0x2: {  	[smem:$0x3F8D] =	sst lr;
	_ =	strace $0xD0000000  }
0x3: {  	_ = 	snop  }
0x4: {  	_ = 	snop  }
0x5: {  	_ = 	snop  }
0x6: {  	_ = 	snop  }
0x7: {  	_ = 	snop  }
__scs_overlays_trampoline_lowered:
0x8: {  	[smem:$0x3F9C] =	sst s0  }
0x9: {  	[smem:$0x3F9D] =	sst s1  }
0xa: {  	[smem:$0x3F9E] =	sst s2  }
0xb: {  	[smem:$0x3F9F] =	sst s3  }
0xc: {  	[smem:$0x3FA0] =	sst s4  }
0xd: {  	[smem:$0x3FA1] =	sst s5  }
0xe: {  	[smem:$0x3FA2] =	sst s6  }
0xf: {  	[smem:$0x3FA3] =	sst s7  }
0x10: {  	[smem:$0x3FA4] =	sst s8  }
0x11: {  	[smem:$0x3FA5] =	sst s9;
	s0 =	simm.s32 @!p0 $0x0  }
0x12: {  	s1 =	sld [smem:$0x3F8B];
	s0 =	simm.s32 @p0 $0x1  }
0x13: {  	[smem:$0x3FA6] =	sst s0;
	s0 =	simm.s32 @!p1 $0x0  }
0x14: {  	s2 =	sld [smem:$0x3F8A];
	s0 =	simm.s32 @p1 $0x1  }
0x15: {  	[smem:$0x3FA7] =	sst s0;
	s0 =	simm.s32 @!p2 $0x0  }
0x16: {  	s3 =	sld [smem:$0x3FDB];
	s0 =	simm.s32 @p2 $0x1  }
0x17: {  	s4 =	simm.s32 $0x1BF5;
	[smem:$0x3FA9] =	sst s0  }
0x18: {  	s0 =	sld [smem:$0x3F8C];
	_ =	swait.ge [sflag:s4], $0x0  }
0x19: {  	s7 =	sld [smem:$0x3F8D]  }
0x1a: {  	s8 =	sadd.s32 $0xFFFFE003, lr  }
0x1b: {  	s9 =	sadd.s32 $0xFFFFFEF7, lr;
	s5 =	simm.s32 $0xFFFFFFFF;
	p2 =	slt.u32 s8, $0xFFFFF086  }
0x1c: {  	p1 =	slt.u32 s9, $0xF7A;
	s5 =	simm.s32 @!p2 $0x0  }
0x1d: {  	s5 =	simm.s32 @p1 $0x1;
	p0 =	seq.s32 s7, s2  }
0x1e: {  	s7 =	smul.u32 @!p0 $0xF7A, s2;
	p2 =	seq.s32 @!p0 s5, $0x0  }
0x1f: {  	s9 =	smul.u32 $0xF7A, s1;
	s8 =	simm.s32 @!p0 $0x1BF5;
	p2 =	por !p2, p0  }
0x20: {  	[sflag:s8] =	ssyncset.s32 @!p0 $0xFFFFF086;
	s6 =	sadd.s32 @!p0 s3, s7;
	s7 =	simm.s32 @!p0 $0x108  }
0x21: {  	s3 =	sadd.s32 s3, s9;
	s6 =	sadd.s32 @!p0 $0x88, s6;
	s7 =	simm.s32 @p2 $0x1082  }
0x22: {  	[simem:s7], [sflag:s8] =	dma.local @!p0 [hbm:s6], $0xF7A  }
0x23: {  	s9 =	sor.u32 $0xD0000000, s2;
	s6 =	simm.s32 $0x108;
	_ =	swait.ge @!p0 [sflag:s8], $0x0  }
0x24: {  	s3 =	sadd.s32 $0x88, s3;
	s6 =	simm.s32 @!p1 $0x1082;
	[sflag:s4] =	ssyncset.s32 $0xFFFFF086  }
0x25: {  	[simem:s6], [sflag:s4] =	dma.local [hbm:s3], $0xF7A  }
0x26: {  	[smem:$0x3F8D] =	sst s1;
	(tag) =	ssettag s2;
	_ =	strace s9  }
0x27: {  	s1 =	sld [smem:$0x3F9D]  }
0x28: {  	s2 =	sld [smem:$0x3F9E]  }
0x29: {  	s4 =	sld [smem:$0x3FA0]  }
0x2a: {  	p0 =	seq.s32 s5, $0x0;
	s5 =	sld [smem:$0x3FA1]  }
0x2b: {  	s6 =	sld [smem:$0x3FA2]  }
0x2c: {  	s7 =	sld [smem:$0x3FA3]  }
0x2d: {  	s3 =	simm.s32 $0x108;
	s8 =	sld [smem:$0x3FA4]  }
0x2e: {  	s3 =	simm.s32 @!p0 $0x1082;
	s9 =	sld [smem:$0x3FA5]  }
0x2f: {  	lr =	sadd.s32 s0, s3;
	s0 =	sld [smem:$0x3F9C]  }
0x30: {  	s3 =	sld [smem:$0x3F9F]  }
0x31: {  	[smem:$0x3FA8] =	sst s10  }
0x32: {  	s10 =	sld [smem:$0x3FA6];
	_ =	sdelay $0x3  }
0x33: {  	p0 =	seq.s32 s10, $0x1;
	s10 =	sld [smem:$0x3FA8];
	_ =	sdelay $0x3  }
0x34: {  	[smem:$0x3FA8] =	sst s10  }
0x35: {  	s10 =	sld [smem:$0x3FA7];
	_ =	sdelay $0x3  }
0x36: {  	p1 =	seq.s32 s10, $0x1;
	s10 =	sld [smem:$0x3FA8];
	_ =	sdelay $0x3  }
0x37: {  	[smem:$0x3FA8] =	sst s10  }
0x38: {  	s10 =	sld [smem:$0x3FA9]  }
0x39: {  	_ = 	snop;
	(pc) =	sbr.ind lr, $3  }
0x3a: {  	_ = 	snop  }
0x3b: {  	_ = 	snop  }
0x3c: {  	p2 =	seq.s32 s10, $0x1;
	s10 =	sld [smem:$0x3FA8]  }
0x3d: {  	_ =	shalt  }
0x3e: {  	_ =	shalt  }
0x3f: {  	_ =	shalt  }
0x40: {  	_ =	shalt  }
0x41: {  	_ =	shalt  }
0x42: {  	_ =	shalt  }
0x43: {  	_ =	shalt  }
0x44: {  	_ =	shalt  }
0x45: {  	_ =	shalt  }
0x46: {  	_ =	shalt  }
0x47: {  	_ =	shalt  }
0x48: {  	_ =	shalt  }
0x49: {  	_ =	shalt  }
0x4a: {  	_ =	shalt  }
0x4b: {  	_ =	shalt  }
0x4c: {  	_ =	shalt  }
0x4d: {  	_ =	shalt  }
0x4e: {  	_ =	shalt  }
0x4f: {  	_ =	shalt  }
0x50: {  	_ =	shalt  }
0x51: {  	_ =	shalt  }
0x52: {  	_ =	shalt  }
0x53: {  	_ =	shalt  }
0x54: {  	_ =	shalt  }
0x55: {  	_ =	shalt  }
0x56: {  	_ =	shalt  }
0x57: {  	_ =	shalt  }
0x58: {  	_ =	shalt  }
0x59: {  	_ =	shalt  }
0x5a: {  	_ =	shalt  }
0x5b: {  	_ =	shalt  }
0x5c: {  	_ =	shalt  }
0x5d: {  	_ =	shalt  }
0x5e: {  	_ =	shalt  }
0x5f: {  	_ =	shalt  }
0x60: {  	_ =	shalt  }
0x61: {  	_ =	shalt  }
0x62: {  	_ =	shalt  }
0x63: {  	_ =	shalt  }
0x64: {  	_ =	shalt  }
0x65: {  	_ =	shalt  }
0x66: {  	_ =	shalt  }
0x67: {  	_ =	shalt  }
0x68: {  	_ =	shalt  }
0x69: {  	_ =	shalt  }
0x6a: {  	_ =	shalt  }
0x6b: {  	_ =	shalt  }
0x6c: {  	_ =	shalt  }
0x6d: {  	_ =	shalt  }
0x6e: {  	_ =	shalt  }
0x6f: {  	_ =	shalt  }
0x70: {  	_ =	shalt  }
0x71: {  	_ =	shalt  }
0x72: {  	_ =	shalt  }
0x73: {  	_ =	shalt  }
0x74: {  	_ =	shalt  }
0x75: {  	_ =	shalt  }
0x76: {  	_ =	shalt  }
0x77: {  	_ =	shalt  }
0x78: {  	_ =	shalt  }
0x79: {  	_ =	shalt  }
0x7a: {  	_ =	shalt  }
0x7b: {  	_ =	shalt  }
0x7c: {  	_ =	shalt  }
0x7d: {  	_ =	shalt  }
0x7e: {  	_ =	shalt  }
0x7f: {  	_ =	shalt  }
0x80: {  	_ =	shalt  }
0x81: {  	_ =	shalt  }
0x82: {  	_ =	shalt  }
0x83: {  	_ =	shalt  }
0x84: {  	_ =	shalt  }
0x85: {  	_ =	shalt  }
0x86: {  	_ =	shalt  }
0x87: {  	_ =	shalt  }
.Lfunc_end0:
.L_simem_size_0:
called_computation.1_lowered:
.L_overlay_start_0:
0x88: {  	s2 =	sld [smem:$0x3FD9]  }
0x89: {  	s3 =	sld [smem:$0x3FFE];
	_ =	sdelay $0x1  }
0x8a: {  	s1 =	srdreg.scid  }
0x8b: {  	s0 =	sand.u32 $0x1, s1  }
0x8c: {  	s17 =	sshll.u32 s0, $0xA;
	s2 =	sadd.s32 s3, s2  }
0x8d: {  	s2 =	sadd.s32 s2, s17  }
0x8e: {  	[smem:$0x3FB4] =	sst s2  }
0x8f: {  	_ = 	snop  }
0x90: {  	(tm) =	ssettm $0x1  }
0x91: {  	s18 =	sld [smem:$0x3FFB];
	_ =	sdelay $0x3  }
0x92: {  	_ =	strace s18  }
0x93: {  	s2 =	sld [smem:$0x3FFC];
	_ =	sdelay $0x3  }
0x94: {  	_ =	strace s2  }
0x95: {  	s2 =	sld [smem:$0x3FFD];
	_ =	sdelay $0x3  }
0x96: {  	_ =	strace s2  }
0x97: {  	_ =	strace $0x8FFFFFFF  }
0x98: {  	s19 =	sld [smem:$0x3FDB];
	_ =	sdelay $0x1  }
0x99: {  	s20 =	simm.s32 $_scs_section_size  }
0x9a: {  	s4 =	simm.s32 $_size__tile_overlayer_lowered;
	s5 =	simm.s32 $_tile_overlayer_lowered  }
0x9b: {  	s6 =	simm.s32 $0x1BFF;
	s21 =	sshll.u32 s5, $0x1;
	s3 =	sadd.s32 s20, s19  }
0x9c: {  	s22 =	simm.s32 $0x0;
	s4 =	sshll.u32 s4, $0x1;
	s5 =	sadd.s32 s21, s3  }
0x9d: {  	[timem:s22], [sflag:s6] =	dma.local [hbm:s5], s4  }
0x9e: {  	_ =	swait.ge [sflag:s6], s4  }
0x9f: {  	s4 =	ssub.s32 $0x0, s4;
	[sflag:s6] =	ssyncset.done $0x0  }
0xa0: {  	[sflag:s6] =	ssyncadd.s32 s4;
	_ =	sdelay $0x1  }
0xa1: {  	s23 =	simm.s32 $0x1B8B  }
0xa2: {  	_ =	swait.ge [sflag:s23], $0x1  }
0xa3: {  	[sflag:s23] =	ssyncset.done $0x0  }
0xa4: {  	[sflag:s23] =	ssyncadd.s32 $0xFFFFFFFF  }
0xa5: {  	s4 =	sld [smem:$0x0]  }
0xa6: {  	s5 =	sand.u32 $0xFFFFFFFE, s1  }
0xa7: {  	p0 =	sne.s32 s1, s5  }
0xa8: {  	s5 =	sshll.u32 @p0 s5, $0xE  }
0xa9: {  	s5 =	sadd.s32 @p0 $0x11B8D, s5;
	s6 =	sshll.u32 @p0 s4, $0x11  }
0xaa: {  	s5 =	sor.u32 @p0 s6, s5  }
0xab: {  	[sflag:s5] =	ssyncadd.remote.s32 @p0 $0x1;
	_ =	sdelay $0x1  }
0xac: {  	s5 =	simm.s32 @p0 $0x1B8D  }
0xad: {  	_ =	swait.eq @p0 [sflag:s5], $0x1  }
0xae: {  	[sflag:s5] =	ssyncadd.s32 @p0 $0xFFFFFFFF  }
0xaf: {  	s6 =	sshll.u32 @!p0 s1, $0xE  }
0xb0: {  	s6 =	sor.u32 @!p0 $0x4000, s6;
	s5 =	simm.s32 @!p0 $0x1B8D  }
0xb1: {  	s4 =	sshll.u32 @!p0 s4, $0x11;
	s6 =	sadd.s32 @!p0 $0x11B8D, s6;
	_ =	swait.eq @!p0 [sflag:s5], $0x1  }
0xb2: {  	s4 =	sor.u32 @!p0 s4, s6;
	[sflag:s5] =	ssyncadd.s32 @!p0 $0xFFFFFFFF  }
0xb3: {  	s25 =	simm.s32 $0x1B8E;
	s24 =	sld [smem:$0x3FFE];
	[sflag:s4] =	ssyncadd.remote.s32 @!p0 $0x1  }
0xb4: {  	s26 =	simm.s32 $execute0_lowered;
	[smem:$0x3FD2] =	sst s25  }
0xb5: {  	s5 =	sshll.u32 s26, $0x1;
	_ =	strace $0x80000049;
	[dreg:$0x1] =	wrdreg $0xFFFFFFFF  }
0xb6: {  	s28 =	simm.s32 $_size_execute0_lowered;
	s3 =	sadd.s32 s3, s5;
	[dreg:$0x0] =	wrdreg $0x0  }
0xb7: {  	s5 =	sshll.u32 s28, $0x1;
	[dreg:$0x2] =	wrdreg s3  }
0xb8: {  	[dreg:$0x3] =	wrdreg s5  }
0xb9: {  	[dreg:$0x4] =	wrdreg $0xC0  }
0xba: {  	_ =	task [dreg:s22], $0x5FFFF  }
0xbb: {  	[dreg:$0x1] =	wrdreg $0xFFFFFFFF  }
0xbc: {  	[dreg:$0x0] =	wrdreg $0x60  }
0xbd: {  	[dreg:$0x2] =	wrdreg s24  }
0xbe: {  	[dreg:$0x3] =	wrdreg $0x0  }
0xbf: {  	[dreg:$0x4] =	wrdreg $0xA  }
0xc0: {  	_ =	task.clear_ibuf [dreg:s22], $0x5FFFF;
	_ =	strace $0x90000049  }
0xc1: {  	s29 =	simm.s32 $0xA;
	_ =	strace $0x8000004B  }
0xc2: {  	_ =	swait.ge [sflag:s29], $0x1  }
0xc3: {  	[sflag:s29] =	ssyncadd.s32 $0xFFFFFFFF  }
0xc4: {  	_ =	strace $0x9000004B  }
0xc5: {  	_ =	sfence  }
0xc6: {  	s30 =	sld [smem:$0x0];
	_ =	sdelay $0x2  }
0xc7: {  	s31 =	sshll.u32 s1, $0xD;
	s1 =	sshrl.u32 s1, $0x2  }
0xc8: {  	s4 =	sand.u32 $0x4000, s31;
	s1 =	sadd.s32 s1, s30  }
0xc9: {  	s0 =	sor.u32 s4, s0;
	s1 =	sshll.u32 s1, $0x11  }
0xca: {  	s0 =	sor.u32 s1, s0  }
0xcb: {  	s0 =	sadd.s32 $0x8F2B, s0  }
0xcc: {  	[sflag:s0] =	ssyncadd.remote.s32 $0x1  }
0xcd: {  	_ =	sfence.sel $0xFFFF  }
0xce: {  	[dreg:$0x0] =	wrdreg $0xFFFFFFFF;
	(pc) =	sbr.abs _section_cstart, $3  }
0xcf: {  	[dreg:$0x1] =	wrdreg $0xFFFFFFFF  }
0xd0: {  	_ =	task.clear_ibuf [dreg:s22], $0x2FFFF;
	_ =	strace $0x9FFFFFFF  }
0xd1: {  	(tm) =	ssettm $0x7FFFFFFF  }
tec
execute0_lowered:
.L_overlay_start_1:
0x0: {  	(tag) =	ssettag $0x1  }
0x1: {  	s0 =	rddreg [dreg:$0x0]  }
0x2: {  	s1 =	rddreg [dreg:$0x1]  }
0x3: {  	s2 =	simm.s32 $0x0;
	s3 =	srdreg.scid;
	s19 =	stileid.u32  }
0x4: {  	s20 =	simm.s32 $0x14000;
	s28 =	simm.s32 $0x14300;
	s29 =	simm.s32 $0x14380  }
0x5: {  	s30 =	simm.s32 $0x0;
	[smem:$0x7FF] =	sst s2;
	s10 =	smul.u32 $0x280, s19  }
0x6: {  	s3 =	sand.u32 $0x1, s3;
	s21 =	sadd.s32 $0xEE00, s0;
	s6 =	smul.u32 $0x50000, s19  }
0x7: {  	s5 =	sadd.s32 $0x5F600, s0;
	s26 =	smul.u32 $0x500, s19;
	s19 =	simm.s32 $0x1  }
0x8: {  	s4 =	smul.u32 $0x5000, s3;
	_ =	strace $0x8000004A;
	[dreg:$0x3] =	wrdreg s21  }
0x9: {  	s7 =	ssub.s32 $0x2, s3;
	s3 =	smul.u32 $0x2800, s3;
	s21 =	simm.s32 $0x80  }
0xa: {  	s8 =	sshrl.u32 s7, $0x1;
	s6 =	sshrl.u32 s6, $0x2;
	s11 =	sadd.s32 $0x80, s10  }
0xb: {  	s13 =	sadd.s32 $0x100, s10;
	s14 =	sadd.s32 $0x180, s10;
	s17 =	sadd.s32 $0x200, s10  }
0xc: {  	s15 =	sadd.s32 s4, s0;
	s0 =	sadd.s32 $0x5FE00, s0;
	s16 =	ssub.s32 s7, s8  }
0xd: {  	s6 =	sadd.s32 s6, s1;
	s22 =	sshll.u32 s11, $0x7;
	s23 =	sshll.u32 s13, $0x7  }
0xe: {  	s9 =	sshll.u32 s14, $0x7;
	s12 =	sshll.u32 s17, $0x7;
	s18 =	sadd.s32 s10, s3  }
0xf: {  	s11 =	sadd.s32 s3, s11;
	s13 =	sadd.s32 s3, s13;
	s14 =	sadd.s32 s3, s14  }
0x10: {  	s3 =	sadd.s32 s3, s17;
	s7 =	sadd.s32 s22, s1;
	s8 =	sadd.s32 s23, s1  }
0x11: {  	s9 =	sadd.s32 s9, s1;
	s10 =	sadd.s32 s12, s1;
	s24 =	sshll.u32 s18, $0x4  }
0x12: {  	s25 =	sshll.u32 s11, $0x4;
	s13 =	sshll.u32 s13, $0x4;
	s14 =	sshll.u32 s14, $0x4  }
0x13: {  	s3 =	sshll.u32 s3, $0x4;
	s31 =	sadd.s32 s26, s15;
	s16 =	smax.u32 s16, $0x1  }
0x14: {  	s18 =	simm.s32 $0x14400;
	s22 =	simm.s32 $0x14080;
	s23 =	simm.s32 $0x14100  }
0x15: {  	s26 =	simm.s32 $0x14280;
	s11 =	sadd.s32 s0, s24;
	s12 =	sadd.s32 s0, s25  }
0x16: {  	s13 =	sadd.s32 s0, s13;
	s14 =	sadd.s32 s0, s14;
	s15 =	sadd.s32 s0, s3  }
0x17: {  	s17 =	sadd.s32 $0x4E00, s31;
	s24 =	simm.s32 $0x14180;
	s25 =	simm.s32 $0x14200  }
.LBB2_1:
0x18: {  	s0 =	rddreg [dreg:$0x3]  }
0x19: {  	[tilespmem:s18], [sflag:$0x1] =	stream.linear.gather [hbm4b:s0+s2], $0x4000, $0x38;
	[tilespmem:$0x18400] =	vst v63  }
0x1a: {  	_ =	swait.ge [sflag:s19], $0x4000  }
0x1b: {  	[sflag:s19] =	ssyncset.done $0x0  }
0x1c: {  	[sflag:s19] =	ssyncadd.s32 $0xFFFFC000  }
0x1d: {  	[spmem:s6] =	stream.linear.scatter [tilespmem:s18], [sflag:$0x1], $0x4000, $0x38;
	[tilespmem:$0x18400] =	vst v63  }
0x1e: {  	_ =	swait.ge [sflag:s19], $0x4000  }
0x1f: {  	[sflag:s19] =	ssyncset.done $0x0  }
0x20: {  	[sflag:s19] =	ssyncadd.s32 $0xFFFFC000  }
0x21: {  	[spmem:s7] =	stream.linear.scatter [tilespmem:s18], [sflag:$0x1], $0x4000, $0x38;
	[tilespmem:$0x18400] =	vst v63  }
0x22: {  	_ =	swait.ge [sflag:s19], $0x4000  }
0x23: {  	[sflag:s19] =	ssyncset.done $0x0  }
0x24: {  	[sflag:s19] =	ssyncadd.s32 $0xFFFFC000  }
0x25: {  	[spmem:s8] =	stream.linear.scatter [tilespmem:s18], [sflag:$0x1], $0x4000, $0x38;
	[tilespmem:$0x18400] =	vst v63  }
0x26: {  	_ =	swait.ge [sflag:s19], $0x4000  }
0x27: {  	[sflag:s19] =	ssyncset.done $0x0  }
0x28: {  	[sflag:s19] =	ssyncadd.s32 $0xFFFFC000  }
0x29: {  	[spmem:s9] =	stream.linear.scatter [tilespmem:s18], [sflag:$0x1], $0x4000, $0x38;
	[tilespmem:$0x18400] =	vst v63  }
0x2a: {  	_ =	swait.ge [sflag:s19], $0x4000  }
0x2b: {  	[sflag:s19] =	ssyncset.done $0x0  }
0x2c: {  	[sflag:s19] =	ssyncadd.s32 $0xFFFFC000  }
0x2d: {  	[spmem:s10] =	stream.linear.scatter [tilespmem:s18], [sflag:$0x1], $0x4000, $0x38;
	[tilespmem:$0x18400] =	vst v63  }
0x2e: {  	_ =	swait.ge [sflag:s19], $0x4000  }
0x2f: {  	[sflag:s19] =	ssyncset.done $0x0  }
0x30: {  	[sflag:s19] =	ssyncadd.s32 $0xFFFFC000  }
0x31: {  	[tilespmem:s18], [sflag:$0x1] =	stream.linear.gather [hbm4b:s5+s2], $0x4000, $0x38;
	[tilespmem:$0x18400] =	vst v63  }
0x32: {  	_ =	swait.ge [sflag:s19], $0x4000  }
0x33: {  	[sflag:s19] =	ssyncset.done $0x0  }
0x34: {  	[sflag:s19] =	ssyncadd.s32 $0xFFFFC000  }
0x35: {  	s4 =	sadd.s32 $0x0, s17;
	[bflag:$0x0] =	sbarrier.arrive $0xFFFF  }
0x36: {  	[tilespmem:s20], [sflag:$0x1] =	stream.linear.gather [hbm4b:s4+s2], $0x400, $0x38;
	[tilespmem:$0x18400] =	vst v63  }
0x37: {  	_ =	swait.ge [sflag:s19], $0x400  }
0x38: {  	[sflag:s19] =	ssyncset.done $0x0  }
0x39: {  	[sflag:s19] =	ssyncadd.s32 $0xFFFFFC00  }
0x3a: {  	[spmem:s1] =	stream.indirect.scatter.add.f32 [tilespmem:s18], [sflag:$0x1], $0x80, s20, s21, $0xb8;
	[tilespmem:$0x18400] =	vst v63  }
0x3b: {  	_ =	swait.ge [sflag:s19], $0x4000  }
0x3c: {  	[sflag:s19] =	ssyncset.done $0x0  }
0x3d: {  	[sflag:s19] =	ssyncadd.s32 $0xFFFFC000  }
0x3e: {  	[spmem:s1] =	stream.indirect.scatter.add.f32 [tilespmem:s18], [sflag:$0x1], $0x80, s22, s21, $0xb8;
	[tilespmem:$0x18400] =	vst v63  }
0x3f: {  	_ =	swait.ge [sflag:s19], $0x4000  }
0x40: {  	[sflag:s19] =	ssyncset.done $0x0  }
0x41: {  	[sflag:s19] =	ssyncadd.s32 $0xFFFFC000  }
0x42: {  	[spmem:s1] =	stream.indirect.scatter.add.f32 [tilespmem:s18], [sflag:$0x1], $0x80, s23, s21, $0xb8;
	[tilespmem:$0x18400] =	vst v63  }
0x43: {  	_ =	swait.ge [sflag:s19], $0x4000  }
0x44: {  	[sflag:s19] =	ssyncset.done $0x0  }
0x45: {  	[sflag:s19] =	ssyncadd.s32 $0xFFFFC000  }
0x46: {  	[spmem:s1] =	stream.indirect.scatter.add.f32 [tilespmem:s18], [sflag:$0x1], $0x80, s24, s21, $0xb8;
	[tilespmem:$0x18400] =	vst v63  }
0x47: {  	_ =	swait.ge [sflag:s19], $0x4000  }
0x48: {  	[sflag:s19] =	ssyncset.done $0x0  }
0x49: {  	[sflag:s19] =	ssyncadd.s32 $0xFFFFC000  }
0x4a: {  	[spmem:s1] =	stream.indirect.scatter.add.f32 [tilespmem:s18], [sflag:$0x1], $0x80, s25, s21, $0xb8;
	[tilespmem:$0x18400] =	vst v63  }
0x4b: {  	_ =	swait.ge [sflag:s19], $0x4000  }
0x4c: {  	[sflag:s19] =	ssyncset.done $0x0  }
0x4d: {  	[sflag:s19] =	ssyncadd.s32 $0xFFFFC000  }
0x4e: {  	[spmem:s1] =	stream.indirect.scatter.add.f32 [tilespmem:s18], [sflag:$0x1], $0x80, s26, s21, $0xb8;
	[tilespmem:$0x18400] =	vst v63  }
0x4f: {  	_ =	swait.ge [sflag:s19], $0x4000  }
0x50: {  	[sflag:s19] =	ssyncset.done $0x0  }
0x51: {  	[sflag:s19] =	ssyncadd.s32 $0xFFFFC000  }
0x52: {  	[spmem:s1] =	stream.indirect.scatter.add.f32 [tilespmem:s18], [sflag:$0x1], $0x80, s28, s21, $0xb8;
	[tilespmem:$0x18400] =	vst v63  }
0x53: {  	_ =	swait.ge [sflag:s19], $0x4000  }
0x54: {  	[sflag:s19] =	ssyncset.done $0x0  }
0x55: {  	[sflag:s19] =	ssyncadd.s32 $0xFFFFC000  }
0x56: {  	[spmem:s1] =	stream.indirect.scatter.add.f32 [tilespmem:s18], [sflag:$0x1], $0x80, s29, s21, $0xb8;
	[tilespmem:$0x18400] =	vst v63  }
0x57: {  	_ =	swait.ge [sflag:s19], $0x4000  }
0x58: {  	s31 =	simm.s32 $0x80;
	s0 =	simm.s32 $0x100;
	[sflag:s19] =	ssyncset.done $0x0  }
.LBB2_2:
0x59: {  	s4 =	sadd.s32 s31, s17  }
0x5a: {  	[sflag:s19] =	ssyncadd.s32 $0xFFFFC000;
	s31 =	smov.u32 s0;
	s3 =	sadd.s32 $0x80, s0  }
0x5b: {  	[tilespmem:s20], [sflag:$0x1] =	stream.linear.gather [hbm4b:s4+s2], $0x400, $0x38;
	[tilespmem:$0x18400] =	vst v63  }
0x5c: {  	p0 =	sne.s32 s0, $0x480;
	_ =	swait.ge [sflag:s19], $0x400  }
0x5d: {  	[sflag:s19] =	ssyncset.done $0x0  }
0x5e: {  	[sflag:s19] =	ssyncadd.s32 $0xFFFFFC00  }
0x5f: {  	[spmem:s1] =	stream.indirect.scatter.add.f32 [tilespmem:s18], [sflag:$0x1], $0x80, s20, s21, $0xb8;
	[tilespmem:$0x18400] =	vst v63  }
0x60: {  	_ =	swait.ge [sflag:s19], $0x4000  }
0x61: {  	[sflag:s19] =	ssyncset.done $0x0  }
0x62: {  	[sflag:s19] =	ssyncadd.s32 $0xFFFFC000  }
0x63: {  	[spmem:s1] =	stream.indirect.scatter.add.f32 [tilespmem:s18], [sflag:$0x1], $0x80, s22, s21, $0xb8;
	[tilespmem:$0x18400] =	vst v63  }
0x64: {  	_ =	swait.ge [sflag:s19], $0x4000  }
0x65: {  	[sflag:s19] =	ssyncset.done $0x0  }
0x66: {  	[sflag:s19] =	ssyncadd.s32 $0xFFFFC000  }
0x67: {  	[spmem:s1] =	stream.indirect.scatter.add.f32 [tilespmem:s18], [sflag:$0x1], $0x80, s23, s21, $0xb8;
	[tilespmem:$0x18400] =	vst v63  }
0x68: {  	_ =	swait.ge [sflag:s19], $0x4000  }
0x69: {  	[sflag:s19] =	ssyncset.done $0x0  }
0x6a: {  	[sflag:s19] =	ssyncadd.s32 $0xFFFFC000  }
0x6b: {  	[spmem:s1] =	stream.indirect.scatter.add.f32 [tilespmem:s18], [sflag:$0x1], $0x80, s24, s21, $0xb8;
	[tilespmem:$0x18400] =	vst v63  }
0x6c: {  	_ =	swait.ge [sflag:s19], $0x4000  }
0x6d: {  	[sflag:s19] =	ssyncset.done $0x0  }
0x6e: {  	[sflag:s19] =	ssyncadd.s32 $0xFFFFC000  }
0x6f: {  	[spmem:s1] =	stream.indirect.scatter.add.f32 [tilespmem:s18], [sflag:$0x1], $0x80, s25, s21, $0xb8;
	[tilespmem:$0x18400] =	vst v63  }
0x70: {  	_ =	swait.ge [sflag:s19], $0x4000  }
0x71: {  	[sflag:s19] =	ssyncset.done $0x0  }
0x72: {  	[sflag:s19] =	ssyncadd.s32 $0xFFFFC000  }
0x73: {  	[spmem:s1] =	stream.indirect.scatter.add.f32 [tilespmem:s18], [sflag:$0x1], $0x80, s26, s21, $0xb8;
	[tilespmem:$0x18400] =	vst v63  }
0x74: {  	_ =	swait.ge [sflag:s19], $0x4000  }
0x75: {  	[sflag:s19] =	ssyncset.done $0x0  }
0x76: {  	[sflag:s19] =	ssyncadd.s32 $0xFFFFC000  }
0x77: {  	[spmem:s1] =	stream.indirect.scatter.add.f32 [tilespmem:s18], [sflag:$0x1], $0x80, s28, s21, $0xb8;
	[tilespmem:$0x18400] =	vst v63  }
0x78: {  	_ =	swait.ge [sflag:s19], $0x4000  }
.Ltmp0:
0x79: {  	[sflag:s19] =	ssyncset.done $0x0;
	(pc) =	sbr.rel @p0 .LBB2_2-.Ltmp0, $4  }
0x7a: {  	[sflag:s19] =	ssyncadd.s32 $0xFFFFC000  }
0x7b: {  	[spmem:s1] =	stream.indirect.scatter.add.f32 [tilespmem:s18], [sflag:$0x1], $0x80, s29, s21, $0xb8;
	[tilespmem:$0x18400] =	vst v63  }
0x7c: {  	_ =	swait.ge [sflag:s19], $0x4000  }
0x7d: {  	s0 =	smov.u32 s3;
	[sflag:s19] =	ssyncset.done $0x0  }
0x7e: {  	s0 =	sadd.s32 s31, s17;
	[sflag:s19] =	ssyncadd.s32 $0xFFFFC000  }
0x7f: {  	[tilespmem:s20], [sflag:$0x1] =	stream.linear.gather [hbm4b:s0+s2], $0x400, $0x38;
	[tilespmem:$0x18400] =	vst v63  }
0x80: {  	_ =	swait.ge [sflag:s19], $0x400  }
0x81: {  	[sflag:s19] =	ssyncset.done $0x0  }
0x82: {  	[sflag:s19] =	ssyncadd.s32 $0xFFFFFC00  }
0x83: {  	[spmem:s1] =	stream.indirect.scatter.add.f32 [tilespmem:s18], [sflag:$0x1], $0x80, s20, s21, $0xb8;
	[tilespmem:$0x18400] =	vst v63  }
0x84: {  	_ =	swait.ge [sflag:s19], $0x4000  }
0x85: {  	[sflag:s19] =	ssyncset.done $0x0  }
0x86: {  	[sflag:s19] =	ssyncadd.s32 $0xFFFFC000  }
0x87: {  	[spmem:s1] =	stream.indirect.scatter.add.f32 [tilespmem:s18], [sflag:$0x1], $0x80, s22, s21, $0xb8;
	[tilespmem:$0x18400] =	vst v63  }
0x88: {  	_ =	swait.ge [sflag:s19], $0x4000  }
0x89: {  	[sflag:s19] =	ssyncset.done $0x0  }
0x8a: {  	[sflag:s19] =	ssyncadd.s32 $0xFFFFC000  }
0x8b: {  	[spmem:s1] =	stream.indirect.scatter.add.f32 [tilespmem:s18], [sflag:$0x1], $0x80, s23, s21, $0xb8;
	[tilespmem:$0x18400] =	vst v63  }
0x8c: {  	_ =	swait.ge [sflag:s19], $0x4000  }
0x8d: {  	[sflag:s19] =	ssyncset.done $0x0  }
0x8e: {  	[sflag:s19] =	ssyncadd.s32 $0xFFFFC000  }
0x8f: {  	[spmem:s1] =	stream.indirect.scatter.add.f32 [tilespmem:s18], [sflag:$0x1], $0x80, s24, s21, $0xb8;
	[tilespmem:$0x18400] =	vst v63  }
0x90: {  	_ =	swait.ge [sflag:s19], $0x4000  }
0x91: {  	[sflag:s19] =	ssyncset.done $0x0  }
0x92: {  	[sflag:s19] =	ssyncadd.s32 $0xFFFFC000  }
0x93: {  	[spmem:s1] =	stream.indirect.scatter.add.f32 [tilespmem:s18], [sflag:$0x1], $0x80, s25, s21, $0xb8;
	[tilespmem:$0x18400] =	vst v63  }
0x94: {  	_ =	swait.ge [sflag:s19], $0x4000  }
0x95: {  	[sflag:s19] =	ssyncset.done $0x0  }
0x96: {  	[sflag:s19] =	ssyncadd.s32 $0xFFFFC000  }
0x97: {  	[spmem:s1] =	stream.indirect.scatter.add.f32 [tilespmem:s18], [sflag:$0x1], $0x80, s26, s21, $0xb8;
	[tilespmem:$0x18400] =	vst v63  }
0x98: {  	_ =	swait.ge [sflag:s19], $0x4000  }
0x99: {  	[sflag:s19] =	ssyncset.done $0x0  }
0x9a: {  	[sflag:s19] =	ssyncadd.s32 $0xFFFFC000  }
0x9b: {  	[spmem:s1] =	stream.indirect.scatter.add.f32 [tilespmem:s18], [sflag:$0x1], $0x80, s28, s21, $0xb8;
	[tilespmem:$0x18400] =	vst v63  }
0x9c: {  	_ =	swait.ge [sflag:s19], $0x4000  }
0x9d: {  	[sflag:s19] =	ssyncset.done $0x0  }
0x9e: {  	[sflag:s19] =	ssyncadd.s32 $0xFFFFC000  }
0x9f: {  	[spmem:s1] =	stream.indirect.scatter.add.f32 [tilespmem:s18], [sflag:$0x1], $0x80, s29, s21, $0xb8;
	[tilespmem:$0x18400] =	vst v63  }
0xa0: {  	_ =	swait.ge [sflag:s19], $0x4000  }
0xa1: {  	[sflag:s19] =	ssyncset.done $0x0  }
0xa2: {  	[sflag:s19] =	ssyncadd.s32 $0xFFFFC000  }
0xa3: {  	[bflag:$0x0] =	sbarrier.arrive $0xFFFF  }
0xa4: {  	[tilespmem:s18], [sflag:$0x1] =	stream.linear.gather [spmem:s6], $0x4000, $0x38;
	[tilespmem:$0x18400] =	vst v63  }
0xa5: {  	_ =	swait.ge [sflag:s19], $0x4000  }
0xa6: {  	[sflag:s19] =	ssyncset.done $0x0  }
0xa7: {  	[sflag:s19] =	ssyncadd.s32 $0xFFFFC000  }
0xa8: {  	[hbm4b:s11+s2] =	stream.linear.scatter [tilespmem:s18], [sflag:$0x1], $0x4000, $0x38;
	[tilespmem:$0x18400] =	vst v63  }
0xa9: {  	_ =	swait.ge [sflag:s19], $0x4000  }
0xaa: {  	[sflag:s19] =	ssyncset.done $0x0  }
0xab: {  	[sflag:s19] =	ssyncadd.s32 $0xFFFFC000  }
0xac: {  	[tilespmem:s18], [sflag:$0x1] =	stream.linear.gather [spmem:s7], $0x4000, $0x38;
	[tilespmem:$0x18400] =	vst v63  }
0xad: {  	_ =	swait.ge [sflag:s19], $0x4000  }
0xae: {  	[sflag:s19] =	ssyncset.done $0x0  }
0xaf: {  	[sflag:s19] =	ssyncadd.s32 $0xFFFFC000  }
0xb0: {  	[hbm4b:s12+s2] =	stream.linear.scatter [tilespmem:s18], [sflag:$0x1], $0x4000, $0x38;
	[tilespmem:$0x18400] =	vst v63  }
0xb1: {  	_ =	swait.ge [sflag:s19], $0x4000  }
0xb2: {  	[sflag:s19] =	ssyncset.done $0x0  }
0xb3: {  	[sflag:s19] =	ssyncadd.s32 $0xFFFFC000  }
0xb4: {  	[tilespmem:s18], [sflag:$0x1] =	stream.linear.gather [spmem:s8], $0x4000, $0x38;
	[tilespmem:$0x18400] =	vst v63  }
0xb5: {  	_ =	swait.ge [sflag:s19], $0x4000  }
0xb6: {  	[sflag:s19] =	ssyncset.done $0x0  }
0xb7: {  	[sflag:s19] =	ssyncadd.s32 $0xFFFFC000  }
0xb8: {  	[hbm4b:s13+s2] =	stream.linear.scatter [tilespmem:s18], [sflag:$0x1], $0x4000, $0x38;
	[tilespmem:$0x18400] =	vst v63  }
0xb9: {  	_ =	swait.ge [sflag:s19], $0x4000  }
0xba: {  	[sflag:s19] =	ssyncset.done $0x0  }
0xbb: {  	[sflag:s19] =	ssyncadd.s32 $0xFFFFC000  }
0xbc: {  	[tilespmem:s18], [sflag:$0x1] =	stream.linear.gather [spmem:s9], $0x4000, $0x38;
	[tilespmem:$0x18400] =	vst v63  }
0xbd: {  	_ =	swait.ge [sflag:s19], $0x4000  }
0xbe: {  	[sflag:s19] =	ssyncset.done $0x0  }
0xbf: {  	[sflag:s19] =	ssyncadd.s32 $0xFFFFC000  }
0xc0: {  	[hbm4b:s14+s2] =	stream.linear.scatter [tilespmem:s18], [sflag:$0x1], $0x4000, $0x38;
	[tilespmem:$0x18400] =	vst v63  }
0xc1: {  	_ =	swait.ge [sflag:s19], $0x4000  }
0xc2: {  	[sflag:s19] =	ssyncset.done $0x0  }
0xc3: {  	[sflag:s19] =	ssyncadd.s32 $0xFFFFC000  }
0xc4: {  	[tilespmem:s18], [sflag:$0x1] =	stream.linear.gather [spmem:s10], $0x4000, $0x38;
	[tilespmem:$0x18400] =	vst v63  }
0xc5: {  	s30 =	sadd.s32 $0x1, s30;
	_ =	swait.ge [sflag:s19], $0x4000  }
0xc6: {  	p0 =	sne.s32 s30, s16;
	[sflag:s19] =	ssyncset.done $0x0  }
.Ltmp1:
0xc7: {  	[sflag:s19] =	ssyncadd.s32 $0xFFFFC000;
	(pc) =	sbr.rel @p0 .LBB2_1-.Ltmp1, $4  }
0xc8: {  	[hbm4b:s15+s2] =	stream.linear.scatter [tilespmem:s18], [sflag:$0x1], $0x4000, $0x38;
	[tilespmem:$0x18400] =	vst v63  }
0xc9: {  	_ =	swait.ge [sflag:s19], $0x4000  }
0xca: {  	[sflag:s19] =	ssyncset.done $0x0  }
0xcb: {  	[sflag:s19] =	ssyncadd.s32 $0xFFFFC000  }
0xcc: {  	_ =	sfence.sel $0x180000  }
0xcd: {  	[bflag:$0x0] =	sbarrier.arrive $0xFFFF  }
0xce: {  	_ =	strace $0x9000004A  }
0xcf: {  	s0 =	stileid.u32;
	[bflag:$0x2] =	sbarrier.arrive $0xFFFF  }
0xd0: {  	p0 =	sne.s32 s0, $0x0;
	s0 =	rddreg [dreg:$0x2]  }
0xd1: {  	s0 =	sadd.s32 @!p0 $0x100000, s0  }
0xd2: {  	[sflag:s0] =	ssyncadd.tile.s32 @!p0 $0x1;
	_ =	shalt  }
.Lfunc_end2:
_tile_overlayer_lowered:
.L_overlay_start_2:
0xd3: {  	(tag) =	ssettag $0x2  }
0xd4: {  	s0 =	rddreg [dreg:$0x0];
	s2 =	stileid.u32  }
0xd5: {  	s1 =	rddreg [dreg:$0x1];
	p0 =	sne.s32 s2, $0x0  }
0xd6: {  	s3 =	rddreg [dreg:$0x2];
	[bflag:$0x3] =	sbarrier.arrive $0xFFFF;
	s2 =	simm.s32 @!p0 $0x1C01  }
0xd7: {  	[timem:s3], [sflag:s2] =	dma.local @!p0 [hbm:s0], s1  }
0xd8: {  	s0 =	simm.s32 @!p0 $0x1  }
0xd9: {  	_ =	swait.ge @!p0 [sflag:s0], s1  }
0xda: {  	s1 =	ssub.s32 @!p0 $0x0, s1;
	[sflag:s0] =	ssyncset.done @!p0 $0x0  }
0xdb: {  	[sflag:s0] =	ssyncadd.s32 @!p0 s1  }
0xdc: {  	[bflag:$0x3] =	sbarrier.arrive $0xFFFF  }
0xdd: {  	_ =	shalt  }

// kernel: kernel.18.cloned.1.call-start
scs
__scs_entry_jumppad:
0x0: {  	(pc) =	sbr.rel $0x88, $3  }
0x1: {  	(tag) =	ssettag $0x0;
	lr =	simm.s32 $0x1  }
0x2: {  	[smem:$0x3F8D] =	sst lr;
	_ =	strace $0xD0000000  }
0x3: {  	_ = 	snop  }
0x4: {  	_ = 	snop  }
0x5: {  	_ = 	snop  }
0x6: {  	_ = 	snop  }
0x7: {  	_ = 	snop  }
__scs_overlays_trampoline_lowered:
0x8: {  	[smem:$0x3F9C] =	sst s0  }
0x9: {  	[smem:$0x3F9D] =	sst s1  }
0xa: {  	[smem:$0x3F9E] =	sst s2  }
0xb: {  	[smem:$0x3F9F] =	sst s3  }
0xc: {  	[smem:$0x3FA0] =	sst s4  }
0xd: {  	[smem:$0x3FA1] =	sst s5  }
0xe: {  	[smem:$0x3FA2] =	sst s6  }
0xf: {  	[smem:$0x3FA3] =	sst s7  }
0x10: {  	[smem:$0x3FA4] =	sst s8  }
0x11: {  	[smem:$0x3FA5] =	sst s9;
	s0 =	simm.s32 @!p0 $0x0  }
0x12: {  	s1 =	sld [smem:$0x3F8B];
	s0 =	simm.s32 @p0 $0x1  }
0x13: {  	[smem:$0x3FA6] =	sst s0;
	s0 =	simm.s32 @!p1 $0x0  }
0x14: {  	s2 =	sld [smem:$0x3F8A];
	s0 =	simm.s32 @p1 $0x1  }
0x15: {  	[smem:$0x3FA7] =	sst s0;
	s0 =	simm.s32 @!p2 $0x0  }
0x16: {  	s3 =	sld [smem:$0x3FDB];
	s0 =	simm.s32 @p2 $0x1  }
0x17: {  	s4 =	simm.s32 $0x1BF5;
	[smem:$0x3FA9] =	sst s0  }
0x18: {  	s0 =	sld [smem:$0x3F8C];
	_ =	swait.ge [sflag:s4], $0x0  }
0x19: {  	s7 =	sld [smem:$0x3F8D]  }
0x1a: {  	s8 =	sadd.s32 $0xFFFFE003, lr  }
0x1b: {  	s9 =	sadd.s32 $0xFFFFFEF7, lr;
	s5 =	simm.s32 $0xFFFFFFFF;
	p2 =	slt.u32 s8, $0xFFFFF086  }
0x1c: {  	p1 =	slt.u32 s9, $0xF7A;
	s5 =	simm.s32 @!p2 $0x0  }
0x1d: {  	s5 =	simm.s32 @p1 $0x1;
	p0 =	seq.s32 s7, s2  }
0x1e: {  	s7 =	smul.u32 @!p0 $0xF7A, s2;
	p2 =	seq.s32 @!p0 s5, $0x0  }
0x1f: {  	s9 =	smul.u32 $0xF7A, s1;
	s8 =	simm.s32 @!p0 $0x1BF5;
	p2 =	por !p2, p0  }
0x20: {  	[sflag:s8] =	ssyncset.s32 @!p0 $0xFFFFF086;
	s6 =	sadd.s32 @!p0 s3, s7;
	s7 =	simm.s32 @!p0 $0x108  }
0x21: {  	s3 =	sadd.s32 s3, s9;
	s6 =	sadd.s32 @!p0 $0x88, s6;
	s7 =	simm.s32 @p2 $0x1082  }
0x22: {  	[simem:s7], [sflag:s8] =	dma.local @!p0 [hbm:s6], $0xF7A  }
0x23: {  	s9 =	sor.u32 $0xD0000000, s2;
	s6 =	simm.s32 $0x108;
	_ =	swait.ge @!p0 [sflag:s8], $0x0  }
0x24: {  	s3 =	sadd.s32 $0x88, s3;
	s6 =	simm.s32 @!p1 $0x1082;
	[sflag:s4] =	ssyncset.s32 $0xFFFFF086  }
0x25: {  	[simem:s6], [sflag:s4] =	dma.local [hbm:s3], $0xF7A  }
0x26: {  	[smem:$0x3F8D] =	sst s1;
	(tag) =	ssettag s2;
	_ =	strace s9  }
0x27: {  	s1 =	sld [smem:$0x3F9D]  }
0x28: {  	s2 =	sld [smem:$0x3F9E]  }
0x29: {  	s4 =	sld [smem:$0x3FA0]  }
0x2a: {  	p0 =	seq.s32 s5, $0x0;
	s5 =	sld [smem:$0x3FA1]  }
0x2b: {  	s6 =	sld [smem:$0x3FA2]  }
0x2c: {  	s7 =	sld [smem:$0x3FA3]  }
0x2d: {  	s3 =	simm.s32 $0x108;
	s8 =	sld [smem:$0x3FA4]  }
0x2e: {  	s3 =	simm.s32 @!p0 $0x1082;
	s9 =	sld [smem:$0x3FA5]  }
0x2f: {  	lr =	sadd.s32 s0, s3;
	s0 =	sld [smem:$0x3F9C]  }
0x30: {  	s3 =	sld [smem:$0x3F9F]  }
0x31: {  	[smem:$0x3FA8] =	sst s10  }
0x32: {  	s10 =	sld [smem:$0x3FA6];
	_ =	sdelay $0x3  }
0x33: {  	p0 =	seq.s32 s10, $0x1;
	s10 =	sld [smem:$0x3FA8];
	_ =	sdelay $0x3  }
0x34: {  	[smem:$0x3FA8] =	sst s10  }
0x35: {  	s10 =	sld [smem:$0x3FA7];
	_ =	sdelay $0x3  }
0x36: {  	p1 =	seq.s32 s10, $0x1;
	s10 =	sld [smem:$0x3FA8];
	_ =	sdelay $0x3  }
0x37: {  	[smem:$0x3FA8] =	sst s10  }
0x38: {  	s10 =	sld [smem:$0x3FA9]  }
0x39: {  	_ = 	snop;
	(pc) =	sbr.ind lr, $3  }
0x3a: {  	_ = 	snop  }
0x3b: {  	_ = 	snop  }
0x3c: {  	p2 =	seq.s32 s10, $0x1;
	s10 =	sld [smem:$0x3FA8]  }
0x3d: {  	_ =	shalt  }
0x3e: {  	_ =	shalt  }
0x3f: {  	_ =	shalt  }
0x40: {  	_ =	shalt  }
0x41: {  	_ =	shalt  }
0x42: {  	_ =	shalt  }
0x43: {  	_ =	shalt  }
0x44: {  	_ =	shalt  }
0x45: {  	_ =	shalt  }
0x46: {  	_ =	shalt  }
0x47: {  	_ =	shalt  }
0x48: {  	_ =	shalt  }
0x49: {  	_ =	shalt  }
0x4a: {  	_ =	shalt  }
0x4b: {  	_ =	shalt  }
0x4c: {  	_ =	shalt  }
0x4d: {  	_ =	shalt  }
0x4e: {  	_ =	shalt  }
0x4f: {  	_ =	shalt  }
0x50: {  	_ =	shalt  }
0x51: {  	_ =	shalt  }
0x52: {  	_ =	shalt  }
0x53: {  	_ =	shalt  }
0x54: {  	_ =	shalt  }
0x55: {  	_ =	shalt  }
0x56: {  	_ =	shalt  }
0x57: {  	_ =	shalt  }
0x58: {  	_ =	shalt  }
0x59: {  	_ =	shalt  }
0x5a: {  	_ =	shalt  }
0x5b: {  	_ =	shalt  }
0x5c: {  	_ =	shalt  }
0x5d: {  	_ =	shalt  }
0x5e: {  	_ =	shalt  }
0x5f: {  	_ =	shalt  }
0x60: {  	_ =	shalt  }
0x61: {  	_ =	shalt  }
0x62: {  	_ =	shalt  }
0x63: {  	_ =	shalt  }
0x64: {  	_ =	shalt  }
0x65: {  	_ =	shalt  }
0x66: {  	_ =	shalt  }
0x67: {  	_ =	shalt  }
0x68: {  	_ =	shalt  }
0x69: {  	_ =	shalt  }
0x6a: {  	_ =	shalt  }
0x6b: {  	_ =	shalt  }
0x6c: {  	_ =	shalt  }
0x6d: {  	_ =	shalt  }
0x6e: {  	_ =	shalt  }
0x6f: {  	_ =	shalt  }
0x70: {  	_ =	shalt  }
0x71: {  	_ =	shalt  }
0x72: {  	_ =	shalt  }
0x73: {  	_ =	shalt  }
0x74: {  	_ =	shalt  }
0x75: {  	_ =	shalt  }
0x76: {  	_ =	shalt  }
0x77: {  	_ =	shalt  }
0x78: {  	_ =	shalt  }
0x79: {  	_ =	shalt  }
0x7a: {  	_ =	shalt  }
0x7b: {  	_ =	shalt  }
0x7c: {  	_ =	shalt  }
0x7d: {  	_ =	shalt  }
0x7e: {  	_ =	shalt  }
0x7f: {  	_ =	shalt  }
0x80: {  	_ =	shalt  }
0x81: {  	_ =	shalt  }
0x82: {  	_ =	shalt  }
0x83: {  	_ =	shalt  }
0x84: {  	_ =	shalt  }
0x85: {  	_ =	shalt  }
0x86: {  	_ =	shalt  }
0x87: {  	_ =	shalt  }
.Lfunc_end0:
.L_simem_size_0:
called_computation.2_lowered:
.L_overlay_start_0:
0x88: {  	s2 =	sld [smem:$0x3FD9]  }
0x89: {  	s3 =	sld [smem:$0x3FFE];
	_ =	sdelay $0x1  }
0x8a: {  	s1 =	srdreg.scid  }
0x8b: {  	s0 =	sand.u32 $0x1, s1  }
0x8c: {  	s16 =	sshll.u32 s0, $0xA;
	s2 =	sadd.s32 s3, s2  }
0x8d: {  	s2 =	sadd.s32 s2, s16  }
0x8e: {  	[smem:$0x3FB4] =	sst s2  }
0x8f: {  	_ = 	snop  }
0x90: {  	(tm) =	ssettm $0x1  }
0x91: {  	s17 =	sld [smem:$0x3FFB];
	_ =	sdelay $0x3  }
0x92: {  	_ =	strace s17  }
0x93: {  	s2 =	sld [smem:$0x3FFC];
	_ =	sdelay $0x3  }
0x94: {  	_ =	strace s2  }
0x95: {  	s2 =	sld [smem:$0x3FFD];
	_ =	sdelay $0x3  }
0x96: {  	_ =	strace s2  }
0x97: {  	_ =	strace $0x8FFFFFFF  }
0x98: {  	s18 =	sld [smem:$0x3FDB];
	_ =	sdelay $0x1  }
0x99: {  	s19 =	simm.s32 $_scs_section_size  }
0x9a: {  	s4 =	simm.s32 $_size__tile_overlayer_lowered;
	s5 =	simm.s32 $_tile_overlayer_lowered  }
0x9b: {  	s22 =	simm.s32 $0x1BFF;
	s21 =	sshll.u32 s5, $0x1;
	s2 =	sadd.s32 s19, s18  }
0x9c: {  	s6 =	simm.s32 $0x0;
	s20 =	sshll.u32 s4, $0x1;
	s4 =	sadd.s32 s21, s2  }
0x9d: {  	[timem:s6], [sflag:s22] =	dma.local [hbm:s4], s20  }
0x9e: {  	_ =	swait.ge [sflag:s22], s20  }
0x9f: {  	s3 =	ssub.s32 $0x0, s20;
	[sflag:s22] =	ssyncset.done $0x0  }
0xa0: {  	[sflag:s22] =	ssyncadd.s32 s3;
	_ =	sdelay $0x1  }
0xa1: {  	s23 =	simm.s32 $0x1B8B  }
0xa2: {  	_ =	swait.ge [sflag:s23], $0x1  }
0xa3: {  	[sflag:s23] =	ssyncset.done $0x0  }
0xa4: {  	s25 =	simm.s32 $0x1B8E;
	s24 =	sld [smem:$0x3FFE];
	[sflag:s23] =	ssyncadd.s32 $0xFFFFFFFF  }
0xa5: {  	s26 =	simm.s32 $execute0_lowered;
	[smem:$0x3FD2] =	sst s25  }
0xa6: {  	s4 =	sshll.u32 s26, $0x1;
	_ =	strace $0x8000004C;
	[dreg:$0x1] =	wrdreg $0xFFFFFFFF  }
0xa7: {  	s28 =	simm.s32 $_size_execute0_lowered;
	s2 =	sadd.s32 s2, s4;
	[dreg:$0x0] =	wrdreg $0x0  }
0xa8: {  	s4 =	sshll.u32 s28, $0x1;
	[dreg:$0x2] =	wrdreg s2  }
0xa9: {  	[dreg:$0x3] =	wrdreg s4  }
0xaa: {  	[dreg:$0x4] =	wrdreg $0xC0  }
0xab: {  	_ =	task [dreg:s6], $0x5FFFF  }
0xac: {  	[dreg:$0x1] =	wrdreg $0xFFFFFFFF  }
0xad: {  	[dreg:$0x0] =	wrdreg $0x60  }
0xae: {  	[dreg:$0x2] =	wrdreg s24  }
0xaf: {  	[dreg:$0x3] =	wrdreg $0x0  }
0xb0: {  	[dreg:$0x4] =	wrdreg $0x9  }
0xb1: {  	_ =	task.clear_ibuf [dreg:s6], $0x5FFFF;
	_ =	strace $0x9000004C  }
0xb2: {  	s29 =	simm.s32 $0x9;
	_ =	strace $0x8000004E  }
0xb3: {  	_ =	swait.ge [sflag:s29], $0x1  }
0xb4: {  	[sflag:s29] =	ssyncadd.s32 $0xFFFFFFFF  }
0xb5: {  	_ =	strace $0x9000004E  }
0xb6: {  	_ =	sfence  }
0xb7: {  	s30 =	sld [smem:$0x0];
	_ =	sdelay $0x2  }
0xb8: {  	s31 =	sshll.u32 s1, $0xD;
	s1 =	sshrl.u32 s1, $0x2  }
0xb9: {  	s3 =	sand.u32 $0x4000, s31;
	s1 =	sadd.s32 s1, s30  }
0xba: {  	s0 =	sor.u32 s3, s0;
	s1 =	sshll.u32 s1, $0x11  }
0xbb: {  	s0 =	sor.u32 s1, s0  }
0xbc: {  	s0 =	sadd.s32 $0x8F2B, s0  }
0xbd: {  	[sflag:s0] =	ssyncadd.remote.s32 $0x1  }
0xbe: {  	_ =	sfence.sel $0xFFFF  }
0xbf: {  	[dreg:$0x0] =	wrdreg $0xFFFFFFFF;
	(pc) =	sbr.abs _section_cstart, $3  }
0xc0: {  	[dreg:$0x1] =	wrdreg $0xFFFFFFFF  }
0xc1: {  	_ =	task.clear_ibuf [dreg:s6], $0x2FFFF;
	_ =	strace $0x9FFFFFFF  }
0xc2: {  	(tm) =	ssettm $0x7FFFFFFF  }
0xc3: {  	_ =	shalt  }
tec
execute0_lowered:
.L_overlay_start_1:
0x0: {  	(tag) =	ssettag $0x1  }
0x1: {  	s0 =	rddreg [dreg:$0x0]  }
0x2: {  	s2 =	rddreg [dreg:$0x1]  }
0x3: {  	s3 =	simm.s32 $0x0;
	s12 =	stileid.u32;
	s6 =	srdreg.scid  }
0x4: {  	s28 =	simm.s32 $0x1;
	s30 =	simm.s32 $0x19000;
	s1 =	smul.u32 $0xA00, s12  }
0x5: {  	s29 =	simm.s32 $0x14500;
	s31 =	simm.s32 $0x14D00;
	s8 =	smul.u32 $0xA0, s12  }
0x6: {  	[smem:$0x7FF] =	sst s3;
	s4 =	sadd.s32 $0xF600, s0;
	s10 =	smul.u32 $0x50000, s12  }
0x7: {  	s5 =	sadd.s32 $0xAFE00, s0;
	s6 =	sand.u32 $0x1, s6;
	s12 =	smul.u32 $0x280, s12  }
0x8: {  	s9 =	sadd.s32 $0xEE00, s0;
	_ =	strace $0x8000004D;
	s19 =	smul.u32 $0xA00, s6  }
0x9: {  	[dreg:$0x3] =	wrdreg s9;
	s18 =	ssub.s32 $0x2, s6;
	s23 =	smul.u32 $0x2800, s6  }
0xa: {  	s6 =	smul.u32 $0xA000, s6;
	s7 =	sadd.s32 s1, s0;
	s0 =	sadd.s32 $0x5F600, s0  }
0xb: {  	s11 =	sshrl.u32 s18, $0x1;
	s10 =	sshrl.u32 s10, $0x2;
	s21 =	sadd.s32 $0x80, s12  }
0xc: {  	s13 =	sadd.s32 $0x100, s12;
	s16 =	sadd.s32 $0x180, s12;
	s9 =	ssub.s32 s18, s11  }
0xd: {  	s18 =	sadd.s32 s10, s2;
	s14 =	sshll.u32 s21, $0x7;
	s15 =	sshll.u32 s13, $0x7  }
0xe: {  	s22 =	sshll.u32 s16, $0x7;
	s8 =	sadd.s32 s8, s19;
	s25 =	sadd.s32 s12, s23  }
0xf: {  	s26 =	sadd.s32 $0x4E00, s7;
	s10 =	sadd.s32 s23, s21;
	s13 =	sadd.s32 s23, s13  }
0x10: {  	s11 =	simm.s32 $0x14E00;
	s20 =	sadd.s32 s14, s2;
	s17 =	sadd.s32 s15, s2  }
0x11: {  	s15 =	sadd.s32 $0x200, s12;
	s19 =	sadd.s32 s22, s2;
	s8 =	sshll.u32 s8, $0x4  }
0x12: {  	[dreg:$0x6] =	wrdreg s26;
	s12 =	sshll.u32 s10, $0x4;
	s21 =	sshll.u32 s13, $0x4  }
0x13: {  	s22 =	sadd.s32 s23, s16;
	s26 =	smax.u32 s9, $0x1;
	s13 =	simm.s32 $0x14E80  }
0x14: {  	s16 =	simm.s32 $0x14780;
	[dreg:$0x4] =	wrdreg s18;
	s24 =	sshll.u32 s15, $0x7  }
0x15: {  	s8 =	sadd.s32 s5, s8;
	s23 =	sadd.s32 s23, s15;
	s5 =	sadd.s32 s6, s5  }
0x16: {  	[dreg:$0xc] =	wrdreg s26;
	s26 =	simm.s32 $0x80;
	s15 =	simm.s32 $0x14F00  }
0x17: {  	s6 =	simm.s32 $0x0;
	s14 =	sadd.s32 s24, s2;
	[dreg:$0x5] =	wrdreg s8  }
0x18: {  	s8 =	sshll.u32 s25, $0x4;
	s10 =	sshll.u32 s23, $0x4;
	s25 =	sadd.s32 s1, s5  }
0x19: {  	s23 =	simm.s32 $0x2;
	s1 =	simm.s32 $0x14D80;
	s5 =	simm.s32 $0x14600  }
0x1a: {  	[dreg:$0xd] =	wrdreg s6;
	s8 =	sadd.s32 s0, s8;
	s9 =	smov.u32 s14  }
0x1b: {  	s14 =	simm.s32 $0x14700;
	[dreg:$0x7] =	wrdreg s8;
	s8 =	sadd.s32 s0, s12  }
0x1c: {  	s12 =	simm.s32 $0x14680;
	[dreg:$0x8] =	wrdreg s8;
	s8 =	sadd.s32 s0, s21  }
0x1d: {  	s21 =	simm.s32 $0x15000;
	[dreg:$0x9] =	wrdreg s8;
	s8 =	sshll.u32 s22, $0x4  }
.Ltmp0:
0x1e: {  	s22 =	simm.s32 $0x3;
	s24 =	sadd.s32 s0, s8;
	(pc) =	sbr.rel .LBB2_1-.Ltmp0, $4  }
0x1f: {  	s8 =	smov.u32 s19;
	s0 =	sadd.s32 s0, s10;
	s10 =	smov.u32 s20  }
0x20: {  	s19 =	sadd.s32 $0x4F00, s7;
	s7 =	smov.u32 s17;
	s20 =	sadd.s32 $0x100, s25  }
0x21: {  	s25 =	simm.s32 $0x14800;
	s17 =	simm.s32 $0x14F80;
	[dreg:$0xa] =	wrdreg s24  }
0x22: {  	[dreg:$0xb] =	wrdreg s0;
	s24 =	simm.s32 $0x14000;
	s0 =	simm.s32 $0x14580  }
.LBB2_4:
0x23: {  	[bflag:$0x0] =	sbarrier.arrive $0xFFFF  }
0x24: {  	s10 =	rddreg [dreg:$0x4]  }
0x25: {  	[tilespmem:s21], [sflag:$0x3] =	stream.linear.gather [spmem:s10], $0x4000, $0x38;
	[tilespmem:$0x1D000] =	vst v63  }
0x26: {  	_ =	swait.ge [sflag:s22], $0x4000  }
0x27: {  	[sflag:s22] =	ssyncset.done $0x0  }
0x28: {  	s18 =	rddreg [dreg:$0x7];
	[sflag:s22] =	ssyncadd.s32 $0xFFFFC000  }
0x29: {  	[hbm4b:s18+s3] =	stream.linear.scatter [tilespmem:s21], [sflag:$0x1], $0x4000, $0x38;
	[tilespmem:$0x1D000] =	vst v63  }
0x2a: {  	_ = 	snop  }
0x2b: {  	[tilespmem:s30], [sflag:$0x3] =	stream.linear.gather [spmem:s6], $0x4000, $0x38;
	[tilespmem:$0x1D000] =	vst v63  }
0x2c: {  	_ =	swait.ge [sflag:s22], $0x4000  }
0x2d: {  	[sflag:s22] =	ssyncset.done $0x0  }
0x2e: {  	s18 =	rddreg [dreg:$0x8];
	[sflag:s22] =	ssyncadd.s32 $0xFFFFC000  }
0x2f: {  	[hbm4b:s18+s3] =	stream.linear.scatter [tilespmem:s30], [sflag:$0x1], $0x4000, $0x38;
	[tilespmem:$0x1D000] =	vst v63  }
0x30: {  	_ =	swait.ge [sflag:s28], $0x4000  }
0x31: {  	[sflag:s28] =	ssyncset.done $0x0  }
0x32: {  	[sflag:s28] =	ssyncadd.s32 $0xFFFFC000  }
0x33: {  	[tilespmem:s21], [sflag:$0x3] =	stream.linear.gather [spmem:s7], $0x4000, $0x38;
	[tilespmem:$0x1D000] =	vst v63  }
0x34: {  	_ =	swait.ge [sflag:s22], $0x4000  }
0x35: {  	[sflag:s22] =	ssyncset.done $0x0  }
0x36: {  	s18 =	rddreg [dreg:$0x9];
	[sflag:s22] =	ssyncadd.s32 $0xFFFFC000  }
0x37: {  	[hbm4b:s18+s3] =	stream.linear.scatter [tilespmem:s21], [sflag:$0x1], $0x4000, $0x38;
	[tilespmem:$0x1D000] =	vst v63  }
0x38: {  	_ =	swait.ge [sflag:s28], $0x4000  }
0x39: {  	[sflag:s28] =	ssyncset.done $0x0  }
0x3a: {  	[sflag:s28] =	ssyncadd.s32 $0xFFFFC000  }
0x3b: {  	[tilespmem:s30], [sflag:$0x3] =	stream.linear.gather [spmem:s8], $0x4000, $0x38;
	[tilespmem:$0x1D000] =	vst v63  }
0x3c: {  	_ =	swait.ge [sflag:s22], $0x4000  }
0x3d: {  	[sflag:s22] =	ssyncset.done $0x0  }
0x3e: {  	s18 =	rddreg [dreg:$0xa];
	[sflag:s22] =	ssyncadd.s32 $0xFFFFC000  }
0x3f: {  	[hbm4b:s18+s3] =	stream.linear.scatter [tilespmem:s30], [sflag:$0x1], $0x4000, $0x38;
	[tilespmem:$0x1D000] =	vst v63  }
0x40: {  	_ =	swait.ge [sflag:s28], $0x4000  }
0x41: {  	[sflag:s28] =	ssyncset.done $0x0  }
0x42: {  	[sflag:s28] =	ssyncadd.s32 $0xFFFFC000  }
0x43: {  	[tilespmem:s21], [sflag:$0x3] =	stream.linear.gather [spmem:s9], $0x4000, $0x38;
	[tilespmem:$0x1D000] =	vst v63  }
0x44: {  	_ =	swait.ge [sflag:s22], $0x4000  }
0x45: {  	[sflag:s22] =	ssyncset.done $0x0  }
0x46: {  	s18 =	rddreg [dreg:$0xb];
	[sflag:s22] =	ssyncadd.s32 $0xFFFFC000  }
0x47: {  	[hbm4b:s18+s3] =	stream.linear.scatter [tilespmem:s21], [sflag:$0x1], $0x4000, $0x38;
	[tilespmem:$0x1D000] =	vst v63  }
0x48: {  	_ =	swait.ge [sflag:s28], $0x4000  }
0x49: {  	[sflag:s28] =	ssyncset.done $0x0  }
0x4a: {  	[sflag:s28] =	ssyncadd.s32 $0xFFFFC000  }
0x4b: {  	_ =	swait.ge [sflag:s28], $0x4000  }
0x4c: {  	s18 =	rddreg [dreg:$0xd]  }
0x4d: {  	s10 =	rddreg [dreg:$0xc];
	s18 =	sadd.s32 $0x1, s18  }
0x4e: {  	p0 =	sne.s32 s18, s10  }
.Ltmp1:
0x4f: {  	_ = 	snop;
	(pc) =	sbr.rel @!p0 .LBB2_5-.Ltmp1, $3  }
0x50: {  	_ =	sdelay $0x1  }
0x51: {  	[sflag:s28] =	ssyncset.done $0x0;
	[dreg:$0xd] =	wrdreg s18  }
0x52: {  	[sflag:s28] =	ssyncadd.s32 $0xFFFFC000;
	s18 =	rddreg [dreg:$0x4];
	s10 =	smov.u32 s6  }
.LBB2_1:
0x53: {  	s6 =	rddreg [dreg:$0x3]  }
0x54: {  	[tilespmem:s21], [sflag:$0x3] =	stream.linear.gather [hbm4b:s6+s3], $0x4000, $0x38;
	[tilespmem:$0x1D000] =	vst v63  }
0x55: {  	_ =	swait.ge [sflag:s22], $0x4000  }
0x56: {  	[sflag:s22] =	ssyncset.done $0x0  }
0x57: {  	[sflag:s22] =	ssyncadd.s32 $0xFFFFC000  }
0x58: {  	[spmem:s18] =	stream.linear.scatter [tilespmem:s21], [sflag:$0x2], $0x4000, $0x38;
	[tilespmem:$0x1D000] =	vst v63  }
0x59: {  	_ = 	snop  }
0x5a: {  	[spmem:s10] =	stream.linear.scatter [tilespmem:s21], [sflag:$0x2], $0x4000, $0x38;
	[tilespmem:$0x1D000] =	vst v63  }
0x5b: {  	_ = 	snop  }
0x5c: {  	[spmem:s7] =	stream.linear.scatter [tilespmem:s21], [sflag:$0x2], $0x4000, $0x38;
	[tilespmem:$0x1D000] =	vst v63  }
0x5d: {  	_ = 	snop  }
0x5e: {  	[spmem:s8] =	stream.linear.scatter [tilespmem:s21], [sflag:$0x2], $0x4000, $0x38;
	[tilespmem:$0x1D000] =	vst v63  }
0x5f: {  	_ = 	snop  }
0x60: {  	[spmem:s9] =	stream.linear.scatter [tilespmem:s21], [sflag:$0x2], $0x4000, $0x38;
	[tilespmem:$0x1D000] =	vst v63  }
0x61: {  	_ =	swait.ge [sflag:s23], $0x4000  }
0x62: {  	[sflag:s23] =	ssyncset.done $0x0  }
0x63: {  	[sflag:s23] =	ssyncadd.s32 $0xFFFFC000  }
0x64: {  	_ =	swait.ge [sflag:s23], $0x4000  }
0x65: {  	[sflag:s23] =	ssyncset.done $0x0  }
0x66: {  	[sflag:s23] =	ssyncadd.s32 $0xFFFFC000  }
0x67: {  	_ =	swait.ge [sflag:s23], $0x4000  }
0x68: {  	[sflag:s23] =	ssyncset.done $0x0  }
0x69: {  	[sflag:s23] =	ssyncadd.s32 $0xFFFFC000  }
0x6a: {  	_ =	swait.ge [sflag:s23], $0x4000  }
0x6b: {  	[sflag:s23] =	ssyncset.done $0x0  }
0x6c: {  	[sflag:s23] =	ssyncadd.s32 $0xFFFFC000  }
0x6d: {  	_ =	swait.ge [sflag:s23], $0x4000  }
0x6e: {  	[sflag:s23] =	ssyncset.done $0x0  }
0x6f: {  	s18 =	rddreg [dreg:$0x5];
	[sflag:s23] =	ssyncadd.s32 $0xFFFFC000  }
0x70: {  	[tilespmem:s24], [sflag:$0x3] =	stream.linear.gather [hbm4b:s18+s3], $0x800, $0x38;
	[tilespmem:$0x1D000] =	vst v63  }
0x71: {  	_ =	swait.ge [sflag:s22], $0x800  }
0x72: {  	[sflag:s22] =	ssyncset.done $0x0  }
0x73: {  	s18 =	rddreg [dreg:$0x6];
	[sflag:s22] =	ssyncadd.s32 $0xFFFFF800  }
0x74: {  	[tilespmem:s25], [sflag:$0x3] =	stream.linear.gather [hbm4b:s18+s3], $0x800, $0x38;
	[tilespmem:$0x1D000] =	vst v63  }
0x75: {  	_ =	swait.ge [sflag:s22], $0x800  }
0x76: {  	[sflag:s22] =	ssyncset.done $0x0  }
0x77: {  	[sflag:s22] =	ssyncadd.s32 $0xFFFFF800  }
0x78: {  	[tilespmem:s21], [sflag:$0x1] =	stream.indirect.gather [hbm4b:s4+s26], $0x80, s24, s26, $0xb8;
	[tilespmem:$0x1D000] =	vst v63  }
0x79: {  	s6 =	smov.u32 s10;
	s18 =	simm.s32 $0x0;
	[bflag:$0x0] =	sbarrier.arrive $0xFFFF  }
.LBB2_2:
0x7a: {  	_ =	swait.ge [sflag:s28], $0x4000  }
0x7b: {  	[sflag:s28] =	ssyncset.done $0x0  }
0x7c: {  	[sflag:s28] =	ssyncadd.s32 $0xFFFFC000  }
0x7d: {  	[spmem:s2] =	stream.indirect.scatter.add.f32 [tilespmem:s21], [sflag:$0x2], $0x80, s25, s26, $0xb8;
	[tilespmem:$0x1D000] =	vst v63  }
0x7e: {  	s10 =	simm.s32 $0x14080  }
0x7f: {  	[tilespmem:s30], [sflag:$0x1] =	stream.indirect.gather [hbm4b:s4+s26], $0x80, s10, s26, $0xb8;
	[tilespmem:$0x1D000] =	vst v63  }
0x80: {  	_ =	swait.ge [sflag:s28], $0x4000  }
0x81: {  	[sflag:s28] =	ssyncset.done $0x0  }
0x82: {  	s10 =	simm.s32 $0x14880;
	[sflag:s28] =	ssyncadd.s32 $0xFFFFC000  }
0x83: {  	[spmem:s2] =	stream.indirect.scatter.add.f32 [tilespmem:s30], [sflag:$0x2], $0x80, s10, s26, $0xb8;
	[tilespmem:$0x1D000] =	vst v63  }
0x84: {  	_ =	swait.ge [sflag:s23], $0x4000  }
0x85: {  	[sflag:s23] =	ssyncset.done $0x0  }
0x86: {  	s10 =	simm.s32 $0x14100;
	[sflag:s23] =	ssyncadd.s32 $0xFFFFC000  }
0x87: {  	[tilespmem:s21], [sflag:$0x1] =	stream.indirect.gather [hbm4b:s4+s26], $0x80, s10, s26, $0xb8;
	[tilespmem:$0x1D000] =	vst v63  }
0x88: {  	_ =	swait.ge [sflag:s28], $0x4000  }
0x89: {  	[sflag:s28] =	ssyncset.done $0x0  }
0x8a: {  	s10 =	simm.s32 $0x14900;
	[sflag:s28] =	ssyncadd.s32 $0xFFFFC000  }
0x8b: {  	[spmem:s2] =	stream.indirect.scatter.add.f32 [tilespmem:s21], [sflag:$0x2], $0x80, s10, s26, $0xb8;
	[tilespmem:$0x1D000] =	vst v63  }
0x8c: {  	_ =	swait.ge [sflag:s23], $0x4000  }
0x8d: {  	[sflag:s23] =	ssyncset.done $0x0  }
0x8e: {  	s10 =	simm.s32 $0x14180;
	[sflag:s23] =	ssyncadd.s32 $0xFFFFC000  }
0x8f: {  	[tilespmem:s30], [sflag:$0x1] =	stream.indirect.gather [hbm4b:s4+s26], $0x80, s10, s26, $0xb8;
	[tilespmem:$0x1D000] =	vst v63  }
0x90: {  	_ =	swait.ge [sflag:s28], $0x4000  }
0x91: {  	[sflag:s28] =	ssyncset.done $0x0  }
0x92: {  	s10 =	simm.s32 $0x14980;
	[sflag:s28] =	ssyncadd.s32 $0xFFFFC000  }
0x93: {  	[spmem:s2] =	stream.indirect.scatter.add.f32 [tilespmem:s30], [sflag:$0x2], $0x80, s10, s26, $0xb8;
	[tilespmem:$0x1D000] =	vst v63  }
0x94: {  	_ =	swait.ge [sflag:s23], $0x4000  }
0x95: {  	[sflag:s23] =	ssyncset.done $0x0  }
0x96: {  	s10 =	simm.s32 $0x14200;
	[sflag:s23] =	ssyncadd.s32 $0xFFFFC000  }
0x97: {  	[tilespmem:s21], [sflag:$0x1] =	stream.indirect.gather [hbm4b:s4+s26], $0x80, s10, s26, $0xb8;
	[tilespmem:$0x1D000] =	vst v63  }
0x98: {  	_ =	swait.ge [sflag:s28], $0x4000  }
0x99: {  	[sflag:s28] =	ssyncset.done $0x0  }
0x9a: {  	s10 =	simm.s32 $0x14A00;
	[sflag:s28] =	ssyncadd.s32 $0xFFFFC000  }
0x9b: {  	[spmem:s2] =	stream.indirect.scatter.add.f32 [tilespmem:s21], [sflag:$0x2], $0x80, s10, s26, $0xb8;
	[tilespmem:$0x1D000] =	vst v63  }
0x9c: {  	_ =	swait.ge [sflag:s23], $0x4000  }
0x9d: {  	[sflag:s23] =	ssyncset.done $0x0  }
0x9e: {  	s10 =	simm.s32 $0x14280;
	[sflag:s23] =	ssyncadd.s32 $0xFFFFC000  }
0x9f: {  	[tilespmem:s30], [sflag:$0x1] =	stream.indirect.gather [hbm4b:s4+s26], $0x80, s10, s26, $0xb8;
	[tilespmem:$0x1D000] =	vst v63  }
0xa0: {  	_ =	swait.ge [sflag:s28], $0x4000  }
0xa1: {  	[sflag:s28] =	ssyncset.done $0x0  }
0xa2: {  	s10 =	simm.s32 $0x14A80;
	[sflag:s28] =	ssyncadd.s32 $0xFFFFC000  }
0xa3: {  	[spmem:s2] =	stream.indirect.scatter.add.f32 [tilespmem:s30], [sflag:$0x2], $0x80, s10, s26, $0xb8;
	[tilespmem:$0x1D000] =	vst v63  }
0xa4: {  	_ =	swait.ge [sflag:s23], $0x4000  }
0xa5: {  	[sflag:s23] =	ssyncset.done $0x0  }
0xa6: {  	s10 =	simm.s32 $0x14300;
	[sflag:s23] =	ssyncadd.s32 $0xFFFFC000  }
0xa7: {  	[tilespmem:s21], [sflag:$0x1] =	stream.indirect.gather [hbm4b:s4+s26], $0x80, s10, s26, $0xb8;
	[tilespmem:$0x1D000] =	vst v63  }
0xa8: {  	_ =	swait.ge [sflag:s28], $0x4000  }
0xa9: {  	[sflag:s28] =	ssyncset.done $0x0  }
0xaa: {  	s10 =	simm.s32 $0x14B00;
	[sflag:s28] =	ssyncadd.s32 $0xFFFFC000  }
0xab: {  	[spmem:s2] =	stream.indirect.scatter.add.f32 [tilespmem:s21], [sflag:$0x2], $0x80, s10, s26, $0xb8;
	[tilespmem:$0x1D000] =	vst v63  }
0xac: {  	_ =	swait.ge [sflag:s23], $0x4000  }
0xad: {  	[sflag:s23] =	ssyncset.done $0x0  }
0xae: {  	s10 =	simm.s32 $0x14380;
	[sflag:s23] =	ssyncadd.s32 $0xFFFFC000  }
0xaf: {  	[tilespmem:s30], [sflag:$0x1] =	stream.indirect.gather [hbm4b:s4+s26], $0x80, s10, s26, $0xb8;
	[tilespmem:$0x1D000] =	vst v63  }
0xb0: {  	_ =	swait.ge [sflag:s28], $0x4000  }
0xb1: {  	[sflag:s28] =	ssyncset.done $0x0  }
0xb2: {  	s10 =	simm.s32 $0x14B80;
	[sflag:s28] =	ssyncadd.s32 $0xFFFFC000  }
0xb3: {  	[spmem:s2] =	stream.indirect.scatter.add.f32 [tilespmem:s30], [sflag:$0x2], $0x80, s10, s26, $0xb8;
	[tilespmem:$0x1D000] =	vst v63  }
0xb4: {  	_ =	swait.ge [sflag:s23], $0x4000  }
0xb5: {  	[sflag:s23] =	ssyncset.done $0x0  }
0xb6: {  	s10 =	simm.s32 $0x14400;
	[sflag:s23] =	ssyncadd.s32 $0xFFFFC000  }
0xb7: {  	[tilespmem:s21], [sflag:$0x1] =	stream.indirect.gather [hbm4b:s4+s26], $0x80, s10, s26, $0xb8;
	[tilespmem:$0x1D000] =	vst v63  }
0xb8: {  	_ =	swait.ge [sflag:s28], $0x4000  }
0xb9: {  	[sflag:s28] =	ssyncset.done $0x0  }
0xba: {  	s10 =	simm.s32 $0x14C00;
	[sflag:s28] =	ssyncadd.s32 $0xFFFFC000  }
0xbb: {  	[spmem:s2] =	stream.indirect.scatter.add.f32 [tilespmem:s21], [sflag:$0x2], $0x80, s10, s26, $0xb8;
	[tilespmem:$0x1D000] =	vst v63  }
0xbc: {  	_ =	swait.ge [sflag:s23], $0x4000  }
0xbd: {  	[sflag:s23] =	ssyncset.done $0x0  }
0xbe: {  	s10 =	simm.s32 $0x14480;
	[sflag:s23] =	ssyncadd.s32 $0xFFFFC000  }
0xbf: {  	[tilespmem:s30], [sflag:$0x1] =	stream.indirect.gather [hbm4b:s4+s26], $0x80, s10, s26, $0xb8;
	[tilespmem:$0x1D000] =	vst v63  }
0xc0: {  	_ =	swait.ge [sflag:s28], $0x4000  }
0xc1: {  	[sflag:s28] =	ssyncset.done $0x0  }
0xc2: {  	s10 =	simm.s32 $0x14C80;
	[sflag:s28] =	ssyncadd.s32 $0xFFFFC000  }
0xc3: {  	[spmem:s2] =	stream.indirect.scatter.add.f32 [tilespmem:s30], [sflag:$0x2], $0x80, s10, s26, $0xb8;
	[tilespmem:$0x1D000] =	vst v63  }
0xc4: {  	_ =	swait.ge [sflag:s23], $0x4000  }
0xc5: {  	[sflag:s23] =	ssyncset.done $0x0  }
0xc6: {  	[sflag:s23] =	ssyncadd.s32 $0xFFFFC000  }
0xc7: {  	[tilespmem:s21], [sflag:$0x1] =	stream.indirect.gather [hbm4b:s4+s26], $0x80, s29, s26, $0xb8;
	[tilespmem:$0x1D000] =	vst v63  }
0xc8: {  	_ =	swait.ge [sflag:s28], $0x4000  }
0xc9: {  	[sflag:s28] =	ssyncset.done $0x0  }
0xca: {  	[sflag:s28] =	ssyncadd.s32 $0xFFFFC000  }
0xcb: {  	[spmem:s2] =	stream.indirect.scatter.add.f32 [tilespmem:s21], [sflag:$0x2], $0x80, s31, s26, $0xb8;
	[tilespmem:$0x1D000] =	vst v63  }
0xcc: {  	_ =	swait.ge [sflag:s23], $0x4000  }
0xcd: {  	[sflag:s23] =	ssyncset.done $0x0  }
0xce: {  	[sflag:s23] =	ssyncadd.s32 $0xFFFFC000  }
0xcf: {  	[tilespmem:s30], [sflag:$0x1] =	stream.indirect.gather [hbm4b:s4+s26], $0x80, s0, s26, $0xb8;
	[tilespmem:$0x1D000] =	vst v63  }
0xd0: {  	_ =	swait.ge [sflag:s28], $0x4000  }
0xd1: {  	[sflag:s28] =	ssyncset.done $0x0  }
0xd2: {  	[sflag:s28] =	ssyncadd.s32 $0xFFFFC000  }
0xd3: {  	[spmem:s2] =	stream.indirect.scatter.add.f32 [tilespmem:s30], [sflag:$0x2], $0x80, s1, s26, $0xb8;
	[tilespmem:$0x1D000] =	vst v63  }
0xd4: {  	_ =	swait.ge [sflag:s23], $0x4000  }
0xd5: {  	[sflag:s23] =	ssyncset.done $0x0  }
0xd6: {  	[sflag:s23] =	ssyncadd.s32 $0xFFFFC000  }
0xd7: {  	[tilespmem:s21], [sflag:$0x1] =	stream.indirect.gather [hbm4b:s4+s26], $0x80, s5, s26, $0xb8;
	[tilespmem:$0x1D000] =	vst v63  }
0xd8: {  	_ =	swait.ge [sflag:s28], $0x4000  }
0xd9: {  	[sflag:s28] =	ssyncset.done $0x0  }
0xda: {  	[sflag:s28] =	ssyncadd.s32 $0xFFFFC000  }
0xdb: {  	[spmem:s2] =	stream.indirect.scatter.add.f32 [tilespmem:s21], [sflag:$0x2], $0x80, s11, s26, $0xb8;
	[tilespmem:$0x1D000] =	vst v63  }
0xdc: {  	_ =	swait.ge [sflag:s23], $0x4000  }
0xdd: {  	[sflag:s23] =	ssyncset.done $0x0  }
0xde: {  	[sflag:s23] =	ssyncadd.s32 $0xFFFFC000  }
0xdf: {  	[tilespmem:s30], [sflag:$0x1] =	stream.indirect.gather [hbm4b:s4+s26], $0x80, s12, s26, $0xb8;
	[tilespmem:$0x1D000] =	vst v63  }
0xe0: {  	_ =	swait.ge [sflag:s28], $0x4000  }
0xe1: {  	[sflag:s28] =	ssyncset.done $0x0  }
0xe2: {  	[sflag:s28] =	ssyncadd.s32 $0xFFFFC000  }
0xe3: {  	[spmem:s2] =	stream.indirect.scatter.add.f32 [tilespmem:s30], [sflag:$0x2], $0x80, s13, s26, $0xb8;
	[tilespmem:$0x1D000] =	vst v63  }
0xe4: {  	_ =	swait.ge [sflag:s23], $0x4000  }
0xe5: {  	[sflag:s23] =	ssyncset.done $0x0  }
0xe6: {  	[sflag:s23] =	ssyncadd.s32 $0xFFFFC000  }
0xe7: {  	[tilespmem:s21], [sflag:$0x1] =	stream.indirect.gather [hbm4b:s4+s26], $0x80, s14, s26, $0xb8;
	[tilespmem:$0x1D000] =	vst v63  }
0xe8: {  	_ =	swait.ge [sflag:s28], $0x4000  }
0xe9: {  	[sflag:s28] =	ssyncset.done $0x0  }
0xea: {  	[sflag:s28] =	ssyncadd.s32 $0xFFFFC000  }
0xeb: {  	[spmem:s2] =	stream.indirect.scatter.add.f32 [tilespmem:s21], [sflag:$0x2], $0x80, s15, s26, $0xb8;
	[tilespmem:$0x1D000] =	vst v63  }
0xec: {  	_ =	swait.ge [sflag:s23], $0x4000  }
0xed: {  	[sflag:s23] =	ssyncset.done $0x0  }
0xee: {  	[sflag:s23] =	ssyncadd.s32 $0xFFFFC000  }
0xef: {  	[tilespmem:s30], [sflag:$0x1] =	stream.indirect.gather [hbm4b:s4+s26], $0x80, s16, s26, $0xb8;
	[tilespmem:$0x1D000] =	vst v63  }
0xf0: {  	_ =	swait.ge [sflag:s28], $0x4000  }
0xf1: {  	[sflag:s28] =	ssyncset.done $0x0  }
0xf2: {  	[sflag:s28] =	ssyncadd.s32 $0xFFFFC000  }
0xf3: {  	[spmem:s2] =	stream.indirect.scatter.add.f32 [tilespmem:s30], [sflag:$0x2], $0x80, s17, s26, $0xb8;
	[tilespmem:$0x1D000] =	vst v63  }
0xf4: {  	p0 =	seq.s32 s18, $0x900;
	_ =	swait.ge [sflag:s23], $0x4000  }
.Ltmp2:
0xf5: {  	[sflag:s23] =	ssyncset.done $0x0;
	(pc) =	sbr.rel @p0 .LBB2_4-.Ltmp2, $4  }
0xf6: {  	[sflag:s23] =	ssyncadd.s32 $0xFFFFC000  }
0xf7: {  	_ =	swait.ge [sflag:s23], $0x4000  }
0xf8: {  	[sflag:s23] =	ssyncset.done $0x0  }
0xf9: {  	[sflag:s23] =	ssyncadd.s32 $0xFFFFC000  }
0xfa: {  	s10 =	smov.u32 s9;
	s9 =	smov.u32 s8  }
0xfb: {  	s8 =	smov.u32 s7;
	s7 =	smov.u32 s6;
	s6 =	sadd.s32 s18, s20  }
0xfc: {  	[tilespmem:s24], [sflag:$0x3] =	stream.linear.gather [hbm4b:s6+s3], $0x800, $0x38;
	[tilespmem:$0x1D000] =	vst v63  }
0xfd: {  	_ =	swait.ge [sflag:s22], $0x800  }
0xfe: {  	[sflag:s22] =	ssyncset.done $0x0  }
0xff: {  	s6 =	sadd.s32 s18, s19;
	[sflag:s22] =	ssyncadd.s32 $0xFFFFF800  }
0x100: {  	[tilespmem:s25], [sflag:$0x3] =	stream.linear.gather [hbm4b:s6+s3], $0x800, $0x38;
	[tilespmem:$0x1D000] =	vst v63  }
.Ltmp3:
0x101: {  	_ = 	snop;
	(pc) =	sbr.rel .LBB2_2-.Ltmp3, $4  }
0x102: {  	s18 =	sadd.s32 $0x100, s18;
	_ =	swait.ge [sflag:s22], $0x800  }
0x103: {  	s6 =	smov.u32 s7;
	s7 =	smov.u32 s8;
	[sflag:s22] =	ssyncset.done $0x0  }
0x104: {  	s8 =	smov.u32 s9;
	s9 =	smov.u32 s10;
	[sflag:s22] =	ssyncadd.s32 $0xFFFFF800  }
0x105: {  	[tilespmem:s21], [sflag:$0x1] =	stream.indirect.gather [hbm4b:s4+s26], $0x80, s24, s26, $0xb8;
	[tilespmem:$0x1D000] =	vst v63  }
.LBB2_5:
0x106: {  	_ =	sfence.sel $0x180000  }
0x107: {  	[bflag:$0x0] =	sbarrier.arrive $0xFFFF  }
0x108: {  	_ =	strace $0x9000004D  }
0x109: {  	s0 =	stileid.u32;
	[bflag:$0x2] =	sbarrier.arrive $0xFFFF  }
0x10a: {  	p0 =	sne.s32 s0, $0x0;
	s0 =	rddreg [dreg:$0x2]  }
0x10b: {  	s0 =	sadd.s32 @!p0 $0x100000, s0  }
0x10c: {  	[sflag:s0] =	ssyncadd.tile.s32 @!p0 $0x1;
	_ =	shalt  }
.Lfunc_end2:
_tile_overlayer_lowered:
.L_overlay_start_2:
0x10d: {  	(tag) =	ssettag $0x2  }
0x10e: {  	s0 =	rddreg [dreg:$0x0];
	s2 =	stileid.u32  }
0x10f: {  	s1 =	rddreg [dreg:$0x1];
	p0 =	sne.s32 s2, $0x0  }
0x110: {  	s3 =	rddreg [dreg:$0x2];
	[bflag:$0x3] =	sbarrier.arrive $0xFFFF;
	s2 =	simm.s32 @!p0 $0x1C03  }
0x111: {  	[timem:s3], [sflag:s2] =	dma.local @!p0 [hbm:s0], s1  }
0x112: {  	s0 =	simm.s32 @!p0 $0x3  }
0x113: {  	_ =	swait.ge @!p0 [sflag:s0], s1  }
0x114: {  	s1 =	ssub.s32 @!p0 $0x0, s1;
	[sflag:s0] =	ssyncset.done @!p0 $0x0  }
0x115: {  	[sflag:s0] =	ssyncadd.s32 @!p0 s1  }
0x116: {  	[bflag:$0x3] =	sbarrier.arrive $0xFFFF  }
0x117: {  	_ =	shalt  }

// kernel: kernel.21.cloned.1.call-start
scs
__scs_entry_jumppad:
0x0: {  	(pc) =	sbr.rel $0x88, $3  }
0x1: {  	(tag) =	ssettag $0x0;
	lr =	simm.s32 $0x1  }
0x2: {  	[smem:$0x3F8D] =	sst lr;
	_ =	strace $0xD0000000  }
0x3: {  	_ = 	snop  }
0x4: {  	_ = 	snop  }
0x5: {  	_ = 	snop  }
0x6: {  	_ = 	snop  }
0x7: {  	_ = 	snop  }
__scs_overlays_trampoline_lowered:
0x8: {  	[smem:$0x3F9C] =	sst s0  }
0x9: {  	[smem:$0x3F9D] =	sst s1  }
0xa: {  	[smem:$0x3F9E] =	sst s2  }
0xb: {  	[smem:$0x3F9F] =	sst s3  }
0xc: {  	[smem:$0x3FA0] =	sst s4  }
0xd: {  	[smem:$0x3FA1] =	sst s5  }
0xe: {  	[smem:$0x3FA2] =	sst s6  }
0xf: {  	[smem:$0x3FA3] =	sst s7  }
0x10: {  	[smem:$0x3FA4] =	sst s8  }
0x11: {  	[smem:$0x3FA5] =	sst s9;
	s0 =	simm.s32 @!p0 $0x0  }
0x12: {  	s1 =	sld [smem:$0x3F8B];
	s0 =	simm.s32 @p0 $0x1  }
0x13: {  	[smem:$0x3FA6] =	sst s0;
	s0 =	simm.s32 @!p1 $0x0  }
0x14: {  	s2 =	sld [smem:$0x3F8A];
	s0 =	simm.s32 @p1 $0x1  }
0x15: {  	[smem:$0x3FA7] =	sst s0;
	s0 =	simm.s32 @!p2 $0x0  }
0x16: {  	s3 =	sld [smem:$0x3FDB];
	s0 =	simm.s32 @p2 $0x1  }
0x17: {  	s4 =	simm.s32 $0x1BF5;
	[smem:$0x3FA9] =	sst s0  }
0x18: {  	s0 =	sld [smem:$0x3F8C];
	_ =	swait.ge [sflag:s4], $0x0  }
0x19: {  	s7 =	sld [smem:$0x3F8D]  }
0x1a: {  	s8 =	sadd.s32 $0xFFFFE003, lr  }
0x1b: {  	s9 =	sadd.s32 $0xFFFFFEF7, lr;
	s5 =	simm.s32 $0xFFFFFFFF;
	p2 =	slt.u32 s8, $0xFFFFF086  }
0x1c: {  	p1 =	slt.u32 s9, $0xF7A;
	s5 =	simm.s32 @!p2 $0x0  }
0x1d: {  	s5 =	simm.s32 @p1 $0x1;
	p0 =	seq.s32 s7, s2  }
0x1e: {  	s7 =	smul.u32 @!p0 $0xF7A, s2;
	p2 =	seq.s32 @!p0 s5, $0x0  }
0x1f: {  	s9 =	smul.u32 $0xF7A, s1;
	s8 =	simm.s32 @!p0 $0x1BF5;
	p2 =	por !p2, p0  }
0x20: {  	[sflag:s8] =	ssyncset.s32 @!p0 $0xFFFFF086;
	s6 =	sadd.s32 @!p0 s3, s7;
	s7 =	simm.s32 @!p0 $0x108  }
0x21: {  	s3 =	sadd.s32 s3, s9;
	s6 =	sadd.s32 @!p0 $0x88, s6;
	s7 =	simm.s32 @p2 $0x1082  }
0x22: {  	[simem:s7], [sflag:s8] =	dma.local @!p0 [hbm:s6], $0xF7A  }
0x23: {  	s9 =	sor.u32 $0xD0000000, s2;
	s6 =	simm.s32 $0x108;
	_ =	swait.ge @!p0 [sflag:s8], $0x0  }
0x24: {  	s3 =	sadd.s32 $0x88, s3;
	s6 =	simm.s32 @!p1 $0x1082;
	[sflag:s4] =	ssyncset.s32 $0xFFFFF086  }
0x25: {  	[simem:s6], [sflag:s4] =	dma.local [hbm:s3], $0xF7A  }
0x26: {  	[smem:$0x3F8D] =	sst s1;
	(tag) =	ssettag s2;
	_ =	strace s9  }
0x27: {  	s1 =	sld [smem:$0x3F9D]  }
0x28: {  	s2 =	sld [smem:$0x3F9E]  }
0x29: {  	s4 =	sld [smem:$0x3FA0]  }
0x2a: {  	p0 =	seq.s32 s5, $0x0;
	s5 =	sld [smem:$0x3FA1]  }
0x2b: {  	s6 =	sld [smem:$0x3FA2]  }
0x2c: {  	s7 =	sld [smem:$0x3FA3]  }
0x2d: {  	s3 =	simm.s32 $0x108;
	s8 =	sld [smem:$0x3FA4]  }
0x2e: {  	s3 =	simm.s32 @!p0 $0x1082;
	s9 =	sld [smem:$0x3FA5]  }
0x2f: {  	lr =	sadd.s32 s0, s3;
	s0 =	sld [smem:$0x3F9C]  }
0x30: {  	s3 =	sld [smem:$0x3F9F]  }
0x31: {  	[smem:$0x3FA8] =	sst s10  }
0x32: {  	s10 =	sld [smem:$0x3FA6];
	_ =	sdelay $0x3  }
0x33: {  	p0 =	seq.s32 s10, $0x1;
	s10 =	sld [smem:$0x3FA8];
	_ =	sdelay $0x3  }
0x34: {  	[smem:$0x3FA8] =	sst s10  }
0x35: {  	s10 =	sld [smem:$0x3FA7];
	_ =	sdelay $0x3  }
0x36: {  	p1 =	seq.s32 s10, $0x1;
	s10 =	sld [smem:$0x3FA8];
	_ =	sdelay $0x3  }
0x37: {  	[smem:$0x3FA8] =	sst s10  }
0x38: {  	s10 =	sld [smem:$0x3FA9]  }
0x39: {  	_ = 	snop;
	(pc) =	sbr.ind lr, $3  }
0x3a: {  	_ = 	snop  }
0x3b: {  	_ = 	snop  }
0x3c: {  	p2 =	seq.s32 s10, $0x1;
	s10 =	sld [smem:$0x3FA8]  }
0x3d: {  	_ =	shalt  }
0x3e: {  	_ =	shalt  }
0x3f: {  	_ =	shalt  }
0x40: {  	_ =	shalt  }
0x41: {  	_ =	shalt  }
0x42: {  	_ =	shalt  }
0x43: {  	_ =	shalt  }
0x44: {  	_ =	shalt  }
0x45: {  	_ =	shalt  }
0x46: {  	_ =	shalt  }
0x47: {  	_ =	shalt  }
0x48: {  	_ =	shalt  }
0x49: {  	_ =	shalt  }
0x4a: {  	_ =	shalt  }
0x4b: {  	_ =	shalt  }
0x4c: {  	_ =	shalt  }
0x4d: {  	_ =	shalt  }
0x4e: {  	_ =	shalt  }
0x4f: {  	_ =	shalt  }
0x50: {  	_ =	shalt  }
0x51: {  	_ =	shalt  }
0x52: {  	_ =	shalt  }
0x53: {  	_ =	shalt  }
0x54: {  	_ =	shalt  }
0x55: {  	_ =	shalt  }
0x56: {  	_ =	shalt  }
0x57: {  	_ =	shalt  }
0x58: {  	_ =	shalt  }
0x59: {  	_ =	shalt  }
0x5a: {  	_ =	shalt  }
0x5b: {  	_ =	shalt  }
0x5c: {  	_ =	shalt  }
0x5d: {  	_ =	shalt  }
0x5e: {  	_ =	shalt  }
0x5f: {  	_ =	shalt  }
0x60: {  	_ =	shalt  }
0x61: {  	_ =	shalt  }
0x62: {  	_ =	shalt  }
0x63: {  	_ =	shalt  }
0x64: {  	_ =	shalt  }
0x65: {  	_ =	shalt  }
0x66: {  	_ =	shalt  }
0x67: {  	_ =	shalt  }
0x68: {  	_ =	shalt  }
0x69: {  	_ =	shalt  }
0x6a: {  	_ =	shalt  }
0x6b: {  	_ =	shalt  }
0x6c: {  	_ =	shalt  }
0x6d: {  	_ =	shalt  }
0x6e: {  	_ =	shalt  }
0x6f: {  	_ =	shalt  }
0x70: {  	_ =	shalt  }
0x71: {  	_ =	shalt  }
0x72: {  	_ =	shalt  }
0x73: {  	_ =	shalt  }
0x74: {  	_ =	shalt  }
0x75: {  	_ =	shalt  }
0x76: {  	_ =	shalt  }
0x77: {  	_ =	shalt  }
0x78: {  	_ =	shalt  }
0x79: {  	_ =	shalt  }
0x7a: {  	_ =	shalt  }
0x7b: {  	_ =	shalt  }
0x7c: {  	_ =	shalt  }
0x7d: {  	_ =	shalt  }
0x7e: {  	_ =	shalt  }
0x7f: {  	_ =	shalt  }
0x80: {  	_ =	shalt  }
0x81: {  	_ =	shalt  }
0x82: {  	_ =	shalt  }
0x83: {  	_ =	shalt  }
0x84: {  	_ =	shalt  }
0x85: {  	_ =	shalt  }
0x86: {  	_ =	shalt  }
0x87: {  	_ =	shalt  }
.Lfunc_end0:
.L_simem_size_0:
called_computation.3_lowered:
.L_overlay_start_0:
0x88: {  	s2 =	sld [smem:$0x3FD9]  }
0x89: {  	s3 =	sld [smem:$0x3FFE];
	_ =	sdelay $0x1  }
0x8a: {  	s1 =	srdreg.scid  }
0x8b: {  	s0 =	sand.u32 $0x1, s1  }
0x8c: {  	s16 =	sshll.u32 s0, $0xA;
	s2 =	sadd.s32 s3, s2  }
0x8d: {  	s2 =	sadd.s32 s2, s16  }
0x8e: {  	[smem:$0x3FB4] =	sst s2  }
0x8f: {  	_ = 	snop  }
0x90: {  	(tm) =	ssettm $0x1  }
0x91: {  	s17 =	sld [smem:$0x3FFB];
	_ =	sdelay $0x3  }
0x92: {  	_ =	strace s17  }
0x93: {  	s2 =	sld [smem:$0x3FFC];
	_ =	sdelay $0x3  }
0x94: {  	_ =	strace s2  }
0x95: {  	s2 =	sld [smem:$0x3FFD];
	_ =	sdelay $0x3  }
0x96: {  	_ =	strace s2  }
0x97: {  	_ =	strace $0x8FFFFFFF  }
0x98: {  	s18 =	sld [smem:$0x3FDB];
	_ =	sdelay $0x1  }
0x99: {  	s19 =	simm.s32 $_scs_section_size  }
0x9a: {  	s4 =	simm.s32 $_size__tile_overlayer_lowered;
	s5 =	simm.s32 $_tile_overlayer_lowered  }
0x9b: {  	s22 =	simm.s32 $0x1BFF;
	s21 =	sshll.u32 s5, $0x1;
	s2 =	sadd.s32 s19, s18  }
0x9c: {  	s6 =	simm.s32 $0x0;
	s20 =	sshll.u32 s4, $0x1;
	s4 =	sadd.s32 s21, s2  }
0x9d: {  	[timem:s6], [sflag:s22] =	dma.local [hbm:s4], s20  }
0x9e: {  	_ =	swait.ge [sflag:s22], s20  }
0x9f: {  	s3 =	ssub.s32 $0x0, s20;
	[sflag:s22] =	ssyncset.done $0x0  }
0xa0: {  	[sflag:s22] =	ssyncadd.s32 s3;
	_ =	sdelay $0x1  }
0xa1: {  	s23 =	simm.s32 $0x1B8B  }
0xa2: {  	_ =	swait.ge [sflag:s23], $0x1  }
0xa3: {  	[sflag:s23] =	ssyncset.done $0x0  }
0xa4: {  	s25 =	simm.s32 $0x1B8E;
	s24 =	sld [smem:$0x3FFE];
	[sflag:s23] =	ssyncadd.s32 $0xFFFFFFFF  }
0xa5: {  	s26 =	simm.s32 $execute0_lowered;
	[smem:$0x3FD2] =	sst s25  }
0xa6: {  	s4 =	sshll.u32 s26, $0x1;
	_ =	strace $0x8000004F;
	[dreg:$0x1] =	wrdreg $0xFFFFFFFF  }
0xa7: {  	s28 =	simm.s32 $_size_execute0_lowered;
	s2 =	sadd.s32 s2, s4;
	[dreg:$0x0] =	wrdreg $0x0  }
0xa8: {  	s4 =	sshll.u32 s28, $0x1;
	[dreg:$0x2] =	wrdreg s2  }
0xa9: {  	[dreg:$0x3] =	wrdreg s4  }
0xaa: {  	[dreg:$0x4] =	wrdreg $0xC0  }
0xab: {  	_ =	task [dreg:s6], $0x5FFFF  }
0xac: {  	[dreg:$0x1] =	wrdreg $0xFFFFFFFF  }
0xad: {  	[dreg:$0x0] =	wrdreg $0x60  }
0xae: {  	[dreg:$0x2] =	wrdreg s24  }
0xaf: {  	[dreg:$0x3] =	wrdreg $0x0  }
0xb0: {  	[dreg:$0x4] =	wrdreg $0x9  }
0xb1: {  	_ =	task.clear_ibuf [dreg:s6], $0x5FFFF;
	_ =	strace $0x9000004F  }
0xb2: {  	s29 =	simm.s32 $0x9;
	_ =	strace $0x80000051  }
0xb3: {  	_ =	swait.ge [sflag:s29], $0x1  }
0xb4: {  	[sflag:s29] =	ssyncadd.s32 $0xFFFFFFFF  }
0xb5: {  	_ =	strace $0x90000051  }
0xb6: {  	_ =	sfence  }
0xb7: {  	s30 =	sld [smem:$0x0];
	_ =	sdelay $0x2  }
0xb8: {  	s31 =	sshll.u32 s1, $0xD;
	s1 =	sshrl.u32 s1, $0x2  }
0xb9: {  	s3 =	sand.u32 $0x4000, s31;
	s1 =	sadd.s32 s1, s30  }
0xba: {  	s0 =	sor.u32 s3, s0;
	s1 =	sshll.u32 s1, $0x11  }
0xbb: {  	s0 =	sor.u32 s1, s0  }
0xbc: {  	s0 =	sadd.s32 $0x8F2B, s0  }
0xbd: {  	[sflag:s0] =	ssyncadd.remote.s32 $0x1  }
0xbe: {  	_ =	sfence.sel $0xFFFF  }
0xbf: {  	[dreg:$0x0] =	wrdreg $0xFFFFFFFF;
	(pc) =	sbr.abs _section_cstart, $3  }
0xc0: {  	[dreg:$0x1] =	wrdreg $0xFFFFFFFF  }
0xc1: {  	_ =	task.clear_ibuf [dreg:s6], $0x2FFFF;
	_ =	strace $0x9FFFFFFF  }
0xc2: {  	(tm) =	ssettm $0x7FFFFFFF  }
0xc3: {  	_ =	shalt  }
tec
execute0_lowered:
.L_overlay_start_1:
0x0: {  	(tag) =	ssettag $0x1  }
0x1: {  	s0 =	rddreg [dreg:$0x0]  }
0x2: {  	s2 =	rddreg [dreg:$0x1]  }
0x3: {  	s3 =	simm.s32 $0x0;
	s12 =	stileid.u32;
	s6 =	srdreg.scid  }
0x4: {  	s28 =	simm.s32 $0x1;
	s30 =	simm.s32 $0x19000;
	s1 =	smul.u32 $0xA00, s12  }
0x5: {  	s29 =	simm.s32 $0x14500;
	s31 =	simm.s32 $0x14D00;
	s8 =	smul.u32 $0xA0, s12  }
0x6: {  	[smem:$0x7FF] =	sst s3;
	s4 =	sadd.s32 $0xF600, s0;
	s10 =	smul.u32 $0x50000, s12  }
0x7: {  	s5 =	sadd.s32 $0xAFE00, s0;
	s6 =	sand.u32 $0x1, s6;
	s12 =	smul.u32 $0x280, s12  }
0x8: {  	s9 =	sadd.s32 $0xEE00, s0;
	_ =	strace $0x80000050;
	s19 =	smul.u32 $0xA00, s6  }
0x9: {  	[dreg:$0x3] =	wrdreg s9;
	s18 =	ssub.s32 $0x2, s6;
	s23 =	smul.u32 $0x2800, s6  }
0xa: {  	s6 =	smul.u32 $0xA000, s6;
	s7 =	sadd.s32 s1, s0;
	s0 =	sadd.s32 $0x5F600, s0  }
0xb: {  	s11 =	sshrl.u32 s18, $0x1;
	s10 =	sshrl.u32 s10, $0x2;
	s21 =	sadd.s32 $0x80, s12  }
0xc: {  	s13 =	sadd.s32 $0x100, s12;
	s16 =	sadd.s32 $0x180, s12;
	s9 =	ssub.s32 s18, s11  }
0xd: {  	s18 =	sadd.s32 s10, s2;
	s14 =	sshll.u32 s21, $0x7;
	s15 =	sshll.u32 s13, $0x7  }
0xe: {  	s22 =	sshll.u32 s16, $0x7;
	s8 =	sadd.s32 s8, s19;
	s25 =	sadd.s32 s12, s23  }
0xf: {  	s26 =	sadd.s32 $0x4E00, s7;
	s10 =	sadd.s32 s23, s21;
	s13 =	sadd.s32 s23, s13  }
0x10: {  	s11 =	simm.s32 $0x14E00;
	s20 =	sadd.s32 s14, s2;
	s17 =	sadd.s32 s15, s2  }
0x11: {  	s15 =	sadd.s32 $0x200, s12;
	s19 =	sadd.s32 s22, s2;
	s8 =	sshll.u32 s8, $0x4  }
0x12: {  	[dreg:$0x6] =	wrdreg s26;
	s12 =	sshll.u32 s10, $0x4;
	s21 =	sshll.u32 s13, $0x4  }
0x13: {  	s22 =	sadd.s32 s23, s16;
	s26 =	smax.u32 s9, $0x1;
	s13 =	simm.s32 $0x14E80  }
0x14: {  	s16 =	simm.s32 $0x14780;
	[dreg:$0x4] =	wrdreg s18;
	s24 =	sshll.u32 s15, $0x7  }
0x15: {  	s8 =	sadd.s32 s5, s8;
	s23 =	sadd.s32 s23, s15;
	s5 =	sadd.s32 s6, s5  }
0x16: {  	[dreg:$0xc] =	wrdreg s26;
	s26 =	simm.s32 $0x80;
	s15 =	simm.s32 $0x14F00  }
0x17: {  	s6 =	simm.s32 $0x0;
	s14 =	sadd.s32 s24, s2;
	[dreg:$0x5] =	wrdreg s8  }
0x18: {  	s8 =	sshll.u32 s25, $0x4;
	s10 =	sshll.u32 s23, $0x4;
	s25 =	sadd.s32 s1, s5  }
0x19: {  	s23 =	simm.s32 $0x2;
	s1 =	simm.s32 $0x14D80;
	s5 =	simm.s32 $0x14600  }
0x1a: {  	[dreg:$0xd] =	wrdreg s6;
	s8 =	sadd.s32 s0, s8;
	s9 =	smov.u32 s14  }
0x1b: {  	s14 =	simm.s32 $0x14700;
	[dreg:$0x7] =	wrdreg s8;
	s8 =	sadd.s32 s0, s12  }
0x1c: {  	s12 =	simm.s32 $0x14680;
	[dreg:$0x8] =	wrdreg s8;
	s8 =	sadd.s32 s0, s21  }
0x1d: {  	s21 =	simm.s32 $0x15000;
	[dreg:$0x9] =	wrdreg s8;
	s8 =	sshll.u32 s22, $0x4  }
.Ltmp0:
0x1e: {  	s22 =	simm.s32 $0x3;
	s24 =	sadd.s32 s0, s8;
	(pc) =	sbr.rel .LBB2_1-.Ltmp0, $4  }
0x1f: {  	s8 =	smov.u32 s19;
	s0 =	sadd.s32 s0, s10;
	s10 =	smov.u32 s20  }
0x20: {  	s19 =	sadd.s32 $0x4F00, s7;
	s7 =	smov.u32 s17;
	s20 =	sadd.s32 $0x100, s25  }
0x21: {  	s25 =	simm.s32 $0x14800;
	s17 =	simm.s32 $0x14F80;
	[dreg:$0xa] =	wrdreg s24  }
0x22: {  	[dreg:$0xb] =	wrdreg s0;
	s24 =	simm.s32 $0x14000;
	s0 =	simm.s32 $0x14580  }
.LBB2_4:
0x23: {  	[bflag:$0x0] =	sbarrier.arrive $0xFFFF  }
0x24: {  	s10 =	rddreg [dreg:$0x4]  }
0x25: {  	[tilespmem:s21], [sflag:$0x3] =	stream.linear.gather [spmem:s10], $0x4000, $0x38;
	[tilespmem:$0x1D000] =	vst v63  }
0x26: {  	_ =	swait.ge [sflag:s22], $0x4000  }
0x27: {  	[sflag:s22] =	ssyncset.done $0x0  }
0x28: {  	s18 =	rddreg [dreg:$0x7];
	[sflag:s22] =	ssyncadd.s32 $0xFFFFC000  }
0x29: {  	[hbm4b:s18+s3] =	stream.linear.scatter [tilespmem:s21], [sflag:$0x1], $0x4000, $0x38;
	[tilespmem:$0x1D000] =	vst v63  }
0x2a: {  	_ = 	snop  }
0x2b: {  	[tilespmem:s30], [sflag:$0x3] =	stream.linear.gather [spmem:s6], $0x4000, $0x38;
	[tilespmem:$0x1D000] =	vst v63  }
0x2c: {  	_ =	swait.ge [sflag:s22], $0x4000  }
0x2d: {  	[sflag:s22] =	ssyncset.done $0x0  }
0x2e: {  	s18 =	rddreg [dreg:$0x8];
	[sflag:s22] =	ssyncadd.s32 $0xFFFFC000  }
0x2f: {  	[hbm4b:s18+s3] =	stream.linear.scatter [tilespmem:s30], [sflag:$0x1], $0x4000, $0x38;
	[tilespmem:$0x1D000] =	vst v63  }
0x30: {  	_ =	swait.ge [sflag:s28], $0x4000  }
0x31: {  	[sflag:s28] =	ssyncset.done $0x0  }
0x32: {  	[sflag:s28] =	ssyncadd.s32 $0xFFFFC000  }
0x33: {  	[tilespmem:s21], [sflag:$0x3] =	stream.linear.gather [spmem:s7], $0x4000, $0x38;
	[tilespmem:$0x1D000] =	vst v63  }
0x34: {  	_ =	swait.ge [sflag:s22], $0x4000  }
0x35: {  	[sflag:s22] =	ssyncset.done $0x0  }
0x36: {  	s18 =	rddreg [dreg:$0x9];
	[sflag:s22] =	ssyncadd.s32 $0xFFFFC000  }
0x37: {  	[hbm4b:s18+s3] =	stream.linear.scatter [tilespmem:s21], [sflag:$0x1], $0x4000, $0x38;
	[tilespmem:$0x1D000] =	vst v63  }
0x38: {  	_ =	swait.ge [sflag:s28], $0x4000  }
0x39: {  	[sflag:s28] =	ssyncset.done $0x0  }
0x3a: {  	[sflag:s28] =	ssyncadd.s32 $0xFFFFC000  }
0x3b: {  	[tilespmem:s30], [sflag:$0x3] =	stream.linear.gather [spmem:s8], $0x4000, $0x38;
	[tilespmem:$0x1D000] =	vst v63  }
0x3c: {  	_ =	swait.ge [sflag:s22], $0x4000  }
0x3d: {  	[sflag:s22] =	ssyncset.done $0x0  }
0x3e: {  	s18 =	rddreg [dreg:$0xa];
	[sflag:s22] =	ssyncadd.s32 $0xFFFFC000  }
0x3f: {  	[hbm4b:s18+s3] =	stream.linear.scatter [tilespmem:s30], [sflag:$0x1], $0x4000, $0x38;
	[tilespmem:$0x1D000] =	vst v63  }
0x40: {  	_ =	swait.ge [sflag:s28], $0x4000  }
0x41: {  	[sflag:s28] =	ssyncset.done $0x0  }
0x42: {  	[sflag:s28] =	ssyncadd.s32 $0xFFFFC000  }
0x43: {  	[tilespmem:s21], [sflag:$0x3] =	stream.linear.gather [spmem:s9], $0x4000, $0x38;
	[tilespmem:$0x1D000] =	vst v63  }
0x44: {  	_ =	swait.ge [sflag:s22], $0x4000  }
0x45: {  	[sflag:s22] =	ssyncset.done $0x0  }
0x46: {  	s18 =	rddreg [dreg:$0xb];
	[sflag:s22] =	ssyncadd.s32 $0xFFFFC000  }
0x47: {  	[hbm4b:s18+s3] =	stream.linear.scatter [tilespmem:s21], [sflag:$0x1], $0x4000, $0x38;
	[tilespmem:$0x1D000] =	vst v63  }
0x48: {  	_ =	swait.ge [sflag:s28], $0x4000  }
0x49: {  	[sflag:s28] =	ssyncset.done $0x0  }
0x4a: {  	[sflag:s28] =	ssyncadd.s32 $0xFFFFC000  }
0x4b: {  	_ =	swait.ge [sflag:s28], $0x4000  }
0x4c: {  	s18 =	rddreg [dreg:$0xd]  }
0x4d: {  	s10 =	rddreg [dreg:$0xc];
	s18 =	sadd.s32 $0x1, s18  }
0x4e: {  	p0 =	sne.s32 s18, s10  }
.Ltmp1:
0x4f: {  	_ = 	snop;
	(pc) =	sbr.rel @!p0 .LBB2_5-.Ltmp1, $3  }
0x50: {  	_ =	sdelay $0x1  }
0x51: {  	[sflag:s28] =	ssyncset.done $0x0;
	[dreg:$0xd] =	wrdreg s18  }
0x52: {  	[sflag:s28] =	ssyncadd.s32 $0xFFFFC000;
	s18 =	rddreg [dreg:$0x4];
	s10 =	smov.u32 s6  }
.LBB2_1:
0x53: {  	s6 =	rddreg [dreg:$0x3]  }
0x54: {  	[tilespmem:s21], [sflag:$0x3] =	stream.linear.gather [hbm4b:s6+s3], $0x4000, $0x38;
	[tilespmem:$0x1D000] =	vst v63  }
0x55: {  	_ =	swait.ge [sflag:s22], $0x4000  }
0x56: {  	[sflag:s22] =	ssyncset.done $0x0  }
0x57: {  	[sflag:s22] =	ssyncadd.s32 $0xFFFFC000  }
0x58: {  	[spmem:s18] =	stream.linear.scatter [tilespmem:s21], [sflag:$0x2], $0x4000, $0x38;
	[tilespmem:$0x1D000] =	vst v63  }
0x59: {  	_ = 	snop  }
0x5a: {  	[spmem:s10] =	stream.linear.scatter [tilespmem:s21], [sflag:$0x2], $0x4000, $0x38;
	[tilespmem:$0x1D000] =	vst v63  }
0x5b: {  	_ = 	snop  }
0x5c: {  	[spmem:s7] =	stream.linear.scatter [tilespmem:s21], [sflag:$0x2], $0x4000, $0x38;
	[tilespmem:$0x1D000] =	vst v63  }
0x5d: {  	_ = 	snop  }
0x5e: {  	[spmem:s8] =	stream.linear.scatter [tilespmem:s21], [sflag:$0x2], $0x4000, $0x38;
	[tilespmem:$0x1D000] =	vst v63  }
0x5f: {  	_ = 	snop  }
0x60: {  	[spmem:s9] =	stream.linear.scatter [tilespmem:s21], [sflag:$0x2], $0x4000, $0x38;
	[tilespmem:$0x1D000] =	vst v63  }
0x61: {  	_ =	swait.ge [sflag:s23], $0x4000  }
0x62: {  	[sflag:s23] =	ssyncset.done $0x0  }
0x63: {  	[sflag:s23] =	ssyncadd.s32 $0xFFFFC000  }
0x64: {  	_ =	swait.ge [sflag:s23], $0x4000  }
0x65: {  	[sflag:s23] =	ssyncset.done $0x0  }
0x66: {  	[sflag:s23] =	ssyncadd.s32 $0xFFFFC000  }
0x67: {  	_ =	swait.ge [sflag:s23], $0x4000  }
0x68: {  	[sflag:s23] =	ssyncset.done $0x0  }
0x69: {  	[sflag:s23] =	ssyncadd.s32 $0xFFFFC000  }
0x6a: {  	_ =	swait.ge [sflag:s23], $0x4000  }
0x6b: {  	[sflag:s23] =	ssyncset.done $0x0  }
0x6c: {  	[sflag:s23] =	ssyncadd.s32 $0xFFFFC000  }
0x6d: {  	_ =	swait.ge [sflag:s23], $0x4000  }
0x6e: {  	[sflag:s23] =	ssyncset.done $0x0  }
0x6f: {  	s18 =	rddreg [dreg:$0x5];
	[sflag:s23] =	ssyncadd.s32 $0xFFFFC000  }
0x70: {  	[tilespmem:s24], [sflag:$0x3] =	stream.linear.gather [hbm4b:s18+s3], $0x800, $0x38;
	[tilespmem:$0x1D000] =	vst v63  }
0x71: {  	_ =	swait.ge [sflag:s22], $0x800  }
0x72: {  	[sflag:s22] =	ssyncset.done $0x0  }
0x73: {  	s18 =	rddreg [dreg:$0x6];
	[sflag:s22] =	ssyncadd.s32 $0xFFFFF800  }
0x74: {  	[tilespmem:s25], [sflag:$0x3] =	stream.linear.gather [hbm4b:s18+s3], $0x800, $0x38;
	[tilespmem:$0x1D000] =	vst v63  }
0x75: {  	_ =	swait.ge [sflag:s22], $0x800  }
0x76: {  	[sflag:s22] =	ssyncset.done $0x0  }
0x77: {  	[sflag:s22] =	ssyncadd.s32 $0xFFFFF800  }
0x78: {  	[tilespmem:s21], [sflag:$0x1] =	stream.indirect.gather [hbm4b:s4+s26], $0x80, s24, s26, $0xb8;
	[tilespmem:$0x1D000] =	vst v63  }
0x79: {  	s6 =	smov.u32 s10;
	s18 =	simm.s32 $0x0;
	[bflag:$0x0] =	sbarrier.arrive $0xFFFF  }
.LBB2_2:
0x7a: {  	_ =	swait.ge [sflag:s28], $0x4000  }
0x7b: {  	[sflag:s28] =	ssyncset.done $0x0  }
0x7c: {  	[sflag:s28] =	ssyncadd.s32 $0xFFFFC000  }
0x7d: {  	[spmem:s2] =	stream.indirect.scatter.add.f32 [tilespmem:s21], [sflag:$0x2], $0x80, s25, s26, $0xb8;
	[tilespmem:$0x1D000] =	vst v63  }
0x7e: {  	s10 =	simm.s32 $0x14080  }
0x7f: {  	[tilespmem:s30], [sflag:$0x1] =	stream.indirect.gather [hbm4b:s4+s26], $0x80, s10, s26, $0xb8;
	[tilespmem:$0x1D000] =	vst v63  }
0x80: {  	_ =	swait.ge [sflag:s28], $0x4000  }
0x81: {  	[sflag:s28] =	ssyncset.done $0x0  }
0x82: {  	s10 =	simm.s32 $0x14880;
	[sflag:s28] =	ssyncadd.s32 $0xFFFFC000  }
0x83: {  	[spmem:s2] =	stream.indirect.scatter.add.f32 [tilespmem:s30], [sflag:$0x2], $0x80, s10, s26, $0xb8;
	[tilespmem:$0x1D000] =	vst v63  }
0x84: {  	_ =	swait.ge [sflag:s23], $0x4000  }
0x85: {  	[sflag:s23] =	ssyncset.done $0x0  }
0x86: {  	s10 =	simm.s32 $0x14100;
	[sflag:s23] =	ssyncadd.s32 $0xFFFFC000  }
0x87: {  	[tilespmem:s21], [sflag:$0x1] =	stream.indirect.gather [hbm4b:s4+s26], $0x80, s10, s26, $0xb8;
	[tilespmem:$0x1D000] =	vst v63  }
0x88: {  	_ =	swait.ge [sflag:s28], $0x4000  }
0x89: {  	[sflag:s28] =	ssyncset.done $0x0  }
0x8a: {  	s10 =	simm.s32 $0x14900;
	[sflag:s28] =	ssyncadd.s32 $0xFFFFC000  }
0x8b: {  	[spmem:s2] =	stream.indirect.scatter.add.f32 [tilespmem:s21], [sflag:$0x2], $0x80, s10, s26, $0xb8;
	[tilespmem:$0x1D000] =	vst v63  }
0x8c: {  	_ =	swait.ge [sflag:s23], $0x4000  }
0x8d: {  	[sflag:s23] =	ssyncset.done $0x0  }
0x8e: {  	s10 =	simm.s32 $0x14180;
	[sflag:s23] =	ssyncadd.s32 $0xFFFFC000  }
0x8f: {  	[tilespmem:s30], [sflag:$0x1] =	stream.indirect.gather [hbm4b:s4+s26], $0x80, s10, s26, $0xb8;
	[tilespmem:$0x1D000] =	vst v63  }
0x90: {  	_ =	swait.ge [sflag:s28], $0x4000  }
0x91: {  	[sflag:s28] =	ssyncset.done $0x0  }
0x92: {  	s10 =	simm.s32 $0x14980;
	[sflag:s28] =	ssyncadd.s32 $0xFFFFC000  }
0x93: {  	[spmem:s2] =	stream.indirect.scatter.add.f32 [tilespmem:s30], [sflag:$0x2], $0x80, s10, s26, $0xb8;
	[tilespmem:$0x1D000] =	vst v63  }
0x94: {  	_ =	swait.ge [sflag:s23], $0x4000  }
0x95: {  	[sflag:s23] =	ssyncset.done $0x0  }
0x96: {  	s10 =	simm.s32 $0x14200;
	[sflag:s23] =	ssyncadd.s32 $0xFFFFC000  }
0x97: {  	[tilespmem:s21], [sflag:$0x1] =	stream.indirect.gather [hbm4b:s4+s26], $0x80, s10, s26, $0xb8;
	[tilespmem:$0x1D000] =	vst v63  }
0x98: {  	_ =	swait.ge [sflag:s28], $0x4000  }
0x99: {  	[sflag:s28] =	ssyncset.done $0x0  }
0x9a: {  	s10 =	simm.s32 $0x14A00;
	[sflag:s28] =	ssyncadd.s32 $0xFFFFC000  }
0x9b: {  	[spmem:s2] =	stream.indirect.scatter.add.f32 [tilespmem:s21], [sflag:$0x2], $0x80, s10, s26, $0xb8;
	[tilespmem:$0x1D000] =	vst v63  }
0x9c: {  	_ =	swait.ge [sflag:s23], $0x4000  }
0x9d: {  	[sflag:s23] =	ssyncset.done $0x0  }
0x9e: {  	s10 =	simm.s32 $0x14280;
	[sflag:s23] =	ssyncadd.s32 $0xFFFFC000  }
0x9f: {  	[tilespmem:s30], [sflag:$0x1] =	stream.indirect.gather [hbm4b:s4+s26], $0x80, s10, s26, $0xb8;
	[tilespmem:$0x1D000] =	vst v63  }
0xa0: {  	_ =	swait.ge [sflag:s28], $0x4000  }
0xa1: {  	[sflag:s28] =	ssyncset.done $0x0  }
0xa2: {  	s10 =	simm.s32 $0x14A80;
	[sflag:s28] =	ssyncadd.s32 $0xFFFFC000  }
0xa3: {  	[spmem:s2] =	stream.indirect.scatter.add.f32 [tilespmem:s30], [sflag:$0x2], $0x80, s10, s26, $0xb8;
	[tilespmem:$0x1D000] =	vst v63  }
0xa4: {  	_ =	swait.ge [sflag:s23], $0x4000  }
0xa5: {  	[sflag:s23] =	ssyncset.done $0x0  }
0xa6: {  	s10 =	simm.s32 $0x14300;
	[sflag:s23] =	ssyncadd.s32 $0xFFFFC000  }
0xa7: {  	[tilespmem:s21], [sflag:$0x1] =	stream.indirect.gather [hbm4b:s4+s26], $0x80, s10, s26, $0xb8;
	[tilespmem:$0x1D000] =	vst v63  }
0xa8: {  	_ =	swait.ge [sflag:s28], $0x4000  }
0xa9: {  	[sflag:s28] =	ssyncset.done $0x0  }
0xaa: {  	s10 =	simm.s32 $0x14B00;
	[sflag:s28] =	ssyncadd.s32 $0xFFFFC000  }
0xab: {  	[spmem:s2] =	stream.indirect.scatter.add.f32 [tilespmem:s21], [sflag:$0x2], $0x80, s10, s26, $0xb8;
	[tilespmem:$0x1D000] =	vst v63  }
0xac: {  	_ =	swait.ge [sflag:s23], $0x4000  }
0xad: {  	[sflag:s23] =	ssyncset.done $0x0  }
0xae: {  	s10 =	simm.s32 $0x14380;
	[sflag:s23] =	ssyncadd.s32 $0xFFFFC000  }
0xaf: {  	[tilespmem:s30], [sflag:$0x1] =	stream.indirect.gather [hbm4b:s4+s26], $0x80, s10, s26, $0xb8;
	[tilespmem:$0x1D000] =	vst v63  }
0xb0: {  	_ =	swait.ge [sflag:s28], $0x4000  }
0xb1: {  	[sflag:s28] =	ssyncset.done $0x0  }
0xb2: {  	s10 =	simm.s32 $0x14B80;
	[sflag:s28] =	ssyncadd.s32 $0xFFFFC000  }
0xb3: {  	[spmem:s2] =	stream.indirect.scatter.add.f32 [tilespmem:s30], [sflag:$0x2], $0x80, s10, s26, $0xb8;
	[tilespmem:$0x1D000] =	vst v63  }
0xb4: {  	_ =	swait.ge [sflag:s23], $0x4000  }
0xb5: {  	[sflag:s23] =	ssyncset.done $0x0  }
0xb6: {  	s10 =	simm.s32 $0x14400;
	[sflag:s23] =	ssyncadd.s32 $0xFFFFC000  }
0xb7: {  	[tilespmem:s21], [sflag:$0x1] =	stream.indirect.gather [hbm4b:s4+s26], $0x80, s10, s26, $0xb8;
	[tilespmem:$0x1D000] =	vst v63  }
0xb8: {  	_ =	swait.ge [sflag:s28], $0x4000  }
0xb9: {  	[sflag:s28] =	ssyncset.done $0x0  }
0xba: {  	s10 =	simm.s32 $0x14C00;
	[sflag:s28] =	ssyncadd.s32 $0xFFFFC000  }
0xbb: {  	[spmem:s2] =	stream.indirect.scatter.add.f32 [tilespmem:s21], [sflag:$0x2], $0x80, s10, s26, $0xb8;
	[tilespmem:$0x1D000] =	vst v63  }
0xbc: {  	_ =	swait.ge [sflag:s23], $0x4000  }
0xbd: {  	[sflag:s23] =	ssyncset.done $0x0  }
0xbe: {  	s10 =	simm.s32 $0x14480;
	[sflag:s23] =	ssyncadd.s32 $0xFFFFC000  }
0xbf: {  	[tilespmem:s30], [sflag:$0x1] =	stream.indirect.gather [hbm4b:s4+s26], $0x80, s10, s26, $0xb8;
	[tilespmem:$0x1D000] =	vst v63  }
0xc0: {  	_ =	swait.ge [sflag:s28], $0x4000  }
0xc1: {  	[sflag:s28] =	ssyncset.done $0x0  }
0xc2: {  	s10 =	simm.s32 $0x14C80;
	[sflag:s28] =	ssyncadd.s32 $0xFFFFC000  }
0xc3: {  	[spmem:s2] =	stream.indirect.scatter.add.f32 [tilespmem:s30], [sflag:$0x2], $0x80, s10, s26, $0xb8;
	[tilespmem:$0x1D000] =	vst v63  }
0xc4: {  	_ =	swait.ge [sflag:s23], $0x4000  }
0xc5: {  	[sflag:s23] =	ssyncset.done $0x0  }
0xc6: {  	[sflag:s23] =	ssyncadd.s32 $0xFFFFC000  }
0xc7: {  	[tilespmem:s21], [sflag:$0x1] =	stream.indirect.gather [hbm4b:s4+s26], $0x80, s29, s26, $0xb8;
	[tilespmem:$0x1D000] =	vst v63  }
0xc8: {  	_ =	swait.ge [sflag:s28], $0x4000  }
0xc9: {  	[sflag:s28] =	ssyncset.done $0x0  }
0xca: {  	[sflag:s28] =	ssyncadd.s32 $0xFFFFC000  }
0xcb: {  	[spmem:s2] =	stream.indirect.scatter.add.f32 [tilespmem:s21], [sflag:$0x2], $0x80, s31, s26, $0xb8;
	[tilespmem:$0x1D000] =	vst v63  }
0xcc: {  	_ =	swait.ge [sflag:s23], $0x4000  }
0xcd: {  	[sflag:s23] =	ssyncset.done $0x0  }
0xce: {  	[sflag:s23] =	ssyncadd.s32 $0xFFFFC000  }
0xcf: {  	[tilespmem:s30], [sflag:$0x1] =	stream.indirect.gather [hbm4b:s4+s26], $0x80, s0, s26, $0xb8;
	[tilespmem:$0x1D000] =	vst v63  }
0xd0: {  	_ =	swait.ge [sflag:s28], $0x4000  }
0xd1: {  	[sflag:s28] =	ssyncset.done $0x0  }
0xd2: {  	[sflag:s28] =	ssyncadd.s32 $0xFFFFC000  }
0xd3: {  	[spmem:s2] =	stream.indirect.scatter.add.f32 [tilespmem:s30], [sflag:$0x2], $0x80, s1, s26, $0xb8;
	[tilespmem:$0x1D000] =	vst v63  }
0xd4: {  	_ =	swait.ge [sflag:s23], $0x4000  }
0xd5: {  	[sflag:s23] =	ssyncset.done $0x0  }
0xd6: {  	[sflag:s23] =	ssyncadd.s32 $0xFFFFC000  }
0xd7: {  	[tilespmem:s21], [sflag:$0x1] =	stream.indirect.gather [hbm4b:s4+s26], $0x80, s5, s26, $0xb8;
	[tilespmem:$0x1D000] =	vst v63  }
0xd8: {  	_ =	swait.ge [sflag:s28], $0x4000  }
0xd9: {  	[sflag:s28] =	ssyncset.done $0x0  }
0xda: {  	[sflag:s28] =	ssyncadd.s32 $0xFFFFC000  }
0xdb: {  	[spmem:s2] =	stream.indirect.scatter.add.f32 [tilespmem:s21], [sflag:$0x2], $0x80, s11, s26, $0xb8;
	[tilespmem:$0x1D000] =	vst v63  }
0xdc: {  	_ =	swait.ge [sflag:s23], $0x4000  }
0xdd: {  	[sflag:s23] =	ssyncset.done $0x0  }
0xde: {  	[sflag:s23] =	ssyncadd.s32 $0xFFFFC000  }
0xdf: {  	[tilespmem:s30], [sflag:$0x1] =	stream.indirect.gather [hbm4b:s4+s26], $0x80, s12, s26, $0xb8;
	[tilespmem:$0x1D000] =	vst v63  }
0xe0: {  	_ =	swait.ge [sflag:s28], $0x4000  }
0xe1: {  	[sflag:s28] =	ssyncset.done $0x0  }
0xe2: {  	[sflag:s28] =	ssyncadd.s32 $0xFFFFC000  }
0xe3: {  	[spmem:s2] =	stream.indirect.scatter.add.f32 [tilespmem:s30], [sflag:$0x2], $0x80, s13, s26, $0xb8;
	[tilespmem:$0x1D000] =	vst v63  }
0xe4: {  	_ =	swait.ge [sflag:s23], $0x4000  }
0xe5: {  	[sflag:s23] =	ssyncset.done $0x0  }
0xe6: {  	[sflag:s23] =	ssyncadd.s32 $0xFFFFC000  }
0xe7: {  	[tilespmem:s21], [sflag:$0x1] =	stream.indirect.gather [hbm4b:s4+s26], $0x80, s14, s26, $0xb8;
	[tilespmem:$0x1D000] =	vst v63  }
0xe8: {  	_ =	swait.ge [sflag:s28], $0x4000  }
0xe9: {  	[sflag:s28] =	ssyncset.done $0x0  }
0xea: {  	[sflag:s28] =	ssyncadd.s32 $0xFFFFC000  }
0xeb: {  	[spmem:s2] =	stream.indirect.scatter.add.f32 [tilespmem:s21], [sflag:$0x2], $0x80, s15, s26, $0xb8;
	[tilespmem:$0x1D000] =	vst v63  }
0xec: {  	_ =	swait.ge [sflag:s23], $0x4000  }
0xed: {  	[sflag:s23] =	ssyncset.done $0x0  }
0xee: {  	[sflag:s23] =	ssyncadd.s32 $0xFFFFC000  }
0xef: {  	[tilespmem:s30], [sflag:$0x1] =	stream.indirect.gather [hbm4b:s4+s26], $0x80, s16, s26, $0xb8;
	[tilespmem:$0x1D000] =	vst v63  }
0xf0: {  	_ =	swait.ge [sflag:s28], $0x4000  }
0xf1: {  	[sflag:s28] =	ssyncset.done $0x0  }
0xf2: {  	[sflag:s28] =	ssyncadd.s32 $0xFFFFC000  }
0xf3: {  	[spmem:s2] =	stream.indirect.scatter.add.f32 [tilespmem:s30], [sflag:$0x2], $0x80, s17, s26, $0xb8;
	[tilespmem:$0x1D000] =	vst v63  }
0xf4: {  	p0 =	seq.s32 s18, $0x900;
	_ =	swait.ge [sflag:s23], $0x4000  }
.Ltmp2:
0xf5: {  	[sflag:s23] =	ssyncset.done $0x0;
	(pc) =	sbr.rel @p0 .LBB2_4-.Ltmp2, $4  }
0xf6: {  	[sflag:s23] =	ssyncadd.s32 $0xFFFFC000  }
0xf7: {  	_ =	swait.ge [sflag:s23], $0x4000  }
0xf8: {  	[sflag:s23] =	ssyncset.done $0x0  }
0xf9: {  	[sflag:s23] =	ssyncadd.s32 $0xFFFFC000  }
0xfa: {  	s10 =	smov.u32 s9;
	s9 =	smov.u32 s8  }
0xfb: {  	s8 =	smov.u32 s7;
	s7 =	smov.u32 s6;
	s6 =	sadd.s32 s18, s20  }
0xfc: {  	[tilespmem:s24], [sflag:$0x3] =	stream.linear.gather [hbm4b:s6+s3], $0x800, $0x38;
	[tilespmem:$0x1D000] =	vst v63  }
0xfd: {  	_ =	swait.ge [sflag:s22], $0x800  }
0xfe: {  	[sflag:s22] =	ssyncset.done $0x0  }
0xff: {  	s6 =	sadd.s32 s18, s19;
	[sflag:s22] =	ssyncadd.s32 $0xFFFFF800  }
0x100: {  	[tilespmem:s25], [sflag:$0x3] =	stream.linear.gather [hbm4b:s6+s3], $0x800, $0x38;
	[tilespmem:$0x1D000] =	vst v63  }
.Ltmp3:
0x101: {  	_ = 	snop;
	(pc) =	sbr.rel .LBB2_2-.Ltmp3, $4  }
0x102: {  	s18 =	sadd.s32 $0x100, s18;
	_ =	swait.ge [sflag:s22], $0x800  }
0x103: {  	s6 =	smov.u32 s7;
	s7 =	smov.u32 s8;
	[sflag:s22] =	ssyncset.done $0x0  }
0x104: {  	s8 =	smov.u32 s9;
	s9 =	smov.u32 s10;
	[sflag:s22] =	ssyncadd.s32 $0xFFFFF800  }
0x105: {  	[tilespmem:s21], [sflag:$0x1] =	stream.indirect.gather [hbm4b:s4+s26], $0x80, s24, s26, $0xb8;
	[tilespmem:$0x1D000] =	vst v63  }
.LBB2_5:
0x106: {  	_ =	sfence.sel $0x180000  }
0x107: {  	[bflag:$0x0] =	sbarrier.arrive $0xFFFF  }
0x108: {  	_ =	strace $0x90000050  }
0x109: {  	s0 =	stileid.u32;
	[bflag:$0x2] =	sbarrier.arrive $0xFFFF  }
0x10a: {  	p0 =	sne.s32 s0, $0x0;
	s0 =	rddreg [dreg:$0x2]  }
0x10b: {  	s0 =	sadd.s32 @!p0 $0x100000, s0  }
0x10c: {  	[sflag:s0] =	ssyncadd.tile.s32 @!p0 $0x1;
	_ =	shalt  }
.Lfunc_end2:
_tile_overlayer_lowered:
.L_overlay_start_2:
0x10d: {  	(tag) =	ssettag $0x2  }
0x10e: {  	s0 =	rddreg [dreg:$0x0];
	s2 =	stileid.u32  }
0x10f: {  	s1 =	rddreg [dreg:$0x1];
	p0 =	sne.s32 s2, $0x0  }
0x110: {  	s3 =	rddreg [dreg:$0x2];
	[bflag:$0x3] =	sbarrier.arrive $0xFFFF;
	s2 =	simm.s32 @!p0 $0x1C03  }
0x111: {  	[timem:s3], [sflag:s2] =	dma.local @!p0 [hbm:s0], s1  }
0x112: {  	s0 =	simm.s32 @!p0 $0x3  }
0x113: {  	_ =	swait.ge @!p0 [sflag:s0], s1  }
0x114: {  	s1 =	ssub.s32 @!p0 $0x0, s1;
	[sflag:s0] =	ssyncset.done @!p0 $0x0  }
0x115: {  	[sflag:s0] =	ssyncadd.s32 @!p0 s1  }
0x116: {  	[bflag:$0x3] =	sbarrier.arrive $0xFFFF  }
0x117: {  	_ =	shalt  }

</sc_bundles>
